<compile_context>
chip_gen: v7x
topology: tpu7x:2x2x1
jax: 0.10.2.dev20260603
libtpu: 0.0.44.dev20260713+nightly
codegen_flags: <defaults>
</compile_context>

<pallas_src>
import functools

import jax
import jax.numpy as jnp
from jax import lax
from jax.experimental import pallas as pl
from jax.experimental.pallas import tpu as pltpu
from jax.experimental.pallas import tpu_sc as plsc

N = 10000
E = 320000
D = 128
DH = 64
H = 4
C = 32

NC = 2
NS = 16
EPW = E // (NC * NS)
K = 80
NCHUNK = EPW // K
NPS = 632
NPAD = NPS * NS
DP = 16


def _iota16():
    return lax.iota(jnp.int32, 16)


def _full16(v):
    return jnp.full((16,), v, jnp.int32)


def _pass1_body(xll_hbm, xlh_hbm, xr_hbm, src_hbm, dst_hbm, att_hbm, zden_hbm,
                ex_hbm, den_hbm,
                att_v, srcv, dstv, xlv_lo, xlv_hi, xrv, exrow, exout, zbuf,
                den_sp, sem1, sem2, sem3):
    c = lax.axis_index("c")
    s = lax.axis_index("s")
    base_w = (c * NS + s) * EPW

    pltpu.sync_copy(zden_hbm.at[pl.ds(s * NPS, NPS)], zbuf)
    pltpu.sync_copy(zbuf, den_sp.at[pl.ds(s * NPS, NPS)])
    pltpu.sync_copy(att_hbm, att_v)

    zero16 = jnp.zeros((16,), jnp.float32)
    for g in range(K // 16):
        eidx0 = _iota16() + g * 16
        for j in range(H, DP):
            plsc.store_scatter(exrow, [eidx0, _full16(j)], zero16)

    plsc.subcore_barrier()

    def chunk_body(i, carry):
        base = base_w + i * K
        pltpu.sync_copy(src_hbm.at[pl.ds(base, K)], srcv)
        pltpu.sync_copy(dst_hbm.at[pl.ds(base, K)], dstv)
        cp1 = pltpu.async_copy(xll_hbm.at[srcv], xlv_lo, sem1)
        cp2 = pltpu.async_copy(xlh_hbm.at[srcv], xlv_hi, sem2)
        cp3 = pltpu.async_copy(xr_hbm.at[dstv], xrv, sem3)
        cp1.wait()
        cp2.wait()
        cp3.wait()

        att_vecs = [att_v[pl.ds(j * 16, 16)] for j in range(D // 16)]

        def group_body(g, carry2):
            eidx = _iota16() + g * 16
            accs = [jnp.zeros((16,), jnp.float32) for _ in range(H)]
            for ch in range(D):
                if ch < DH:
                    a = plsc.load_gather(xlv_lo, [eidx, _full16(ch)])
                else:
                    a = plsc.load_gather(xlv_hi, [eidx, _full16(ch - DH)])
                b = plsc.load_gather(xrv, [eidx, _full16(ch)])
                z = a + b
                z = jnp.maximum(z, 0.2 * z)
                accs[ch >> 5] = accs[ch >> 5] + z * att_vecs[ch >> 4][ch & 15]
            for h in range(H):
                exv = jnp.exp(accs[h])
                plsc.store_scatter(exrow, [eidx, _full16(h)], exv)
                plsc.store_scatter(exout, [eidx, _full16(h)], exv)
            return carry2

        lax.fori_loop(0, K // 16, group_body, 0)
        pltpu.sync_copy(exout, ex_hbm.at[pl.ds(base, K)])
        pltpu.sync_copy(exrow, den_sp.at[dstv], add=True)
        return carry

    lax.fori_loop(0, NCHUNK, chunk_body, 0)
    plsc.subcore_barrier()
    pltpu.sync_copy(den_sp.at[pl.ds(s * NPS, NPS)], zbuf)
    pltpu.sync_copy(zbuf, den_hbm.at[c, pl.ds(s * NPS, NPS)])


@functools.cache
def _get_pass1():
    return pl.kernel(
        _pass1_body,
        out_type=(
            jax.ShapeDtypeStruct((E, H), jnp.float32),
            jax.ShapeDtypeStruct((NC, NPAD, DP), jnp.float32),
        ),
        mesh=plsc.VectorSubcoreMesh(core_axis_name="c", subcore_axis_name="s",
                                    num_cores=NC, num_subcores=NS),
        compiler_params=pltpu.CompilerParams(needs_layout_passes=False,
                                             use_tc_tiling_on_sc=False),
        scratch_types=(
            pltpu.VMEM((D,), jnp.float32),
            pltpu.VMEM((K,), jnp.int32),
            pltpu.VMEM((K,), jnp.int32),
            pltpu.VMEM((K, DH), jnp.float32),
            pltpu.VMEM((K, DH), jnp.float32),
            pltpu.VMEM((K, D), jnp.float32),
            pltpu.VMEM((K, DP), jnp.float32),
            pltpu.VMEM((K, H), jnp.float32),
            pltpu.VMEM((NPS, DP), jnp.float32),
            pltpu.VMEM_SHARED((NPAD, DP), jnp.float32),
            pltpu.SemaphoreType.DMA,
            pltpu.SemaphoreType.DMA,
            pltpu.SemaphoreType.DMA,
        ),
    )


def _make_pass2_body(h0):
    def _pass2_body(xl_hbm, src_hbm, dst_hbm, w_hbm, ex_hbm, den0_hbm,
                    den1_hbm, zout_hbm,
                    out_hbm,
                    srcv, dstv, wv, exr, den0r, den1r, xlv, msgv, zbuf,
                    out_sp, sem1, sem2, sem3):
        c = lax.axis_index("c")
        s = lax.axis_index("s")
        base_w = (c * NS + s) * EPW

        pltpu.sync_copy(zout_hbm.at[pl.ds(s * NPS, NPS)], zbuf)
        pltpu.sync_copy(zbuf, out_sp.at[pl.ds(s * NPS, NPS)])
        plsc.subcore_barrier()

        def chunk_body(i, carry):
            base = base_w + i * K
            pltpu.sync_copy(src_hbm.at[pl.ds(base, K)], srcv)
            pltpu.sync_copy(dst_hbm.at[pl.ds(base, K)], dstv)
            pltpu.sync_copy(w_hbm.at[pl.ds(base, K)], wv)
            pltpu.sync_copy(ex_hbm.at[pl.ds(base, K)], exr)
            cp1 = pltpu.async_copy(xl_hbm.at[srcv], xlv, sem1)
            cp2 = pltpu.async_copy(den0_hbm.at[dstv], den0r, sem2)
            cp3 = pltpu.async_copy(den1_hbm.at[dstv], den1r, sem3)
            cp1.wait()
            cp2.wait()
            cp3.wait()

            def group_body(g, carry2):
                eidx = _iota16() + g * 16
                wvg = wv[pl.ds(g * 16, 16)]
                alphas = []
                for h in range(2):
                    hh = _full16(h0 + h)
                    e_h = plsc.load_gather(exr, [eidx, hh])
                    d_h = (plsc.load_gather(den0r, [eidx, hh])
                           + plsc.load_gather(den1r, [eidx, hh]))
                    alphas.append(e_h * wvg / (d_h + 1e-16))
                for ch in range(DH):
                    cc = _full16(ch)
                    col = plsc.load_gather(xlv, [eidx, cc])
                    plsc.store_scatter(msgv, [eidx, cc],
                                       col * alphas[ch >> 5])
                return carry2

            lax.fori_loop(0, K // 16, group_body, 0)
            pltpu.sync_copy(msgv, out_sp.at[dstv], add=True)
            return carry

        lax.fori_loop(0, NCHUNK, chunk_body, 0)
        plsc.subcore_barrier()
        pltpu.sync_copy(out_sp.at[pl.ds(s * NPS, NPS)], zbuf)
        pltpu.sync_copy(zbuf, out_hbm.at[c, pl.ds(s * NPS, NPS)])

    return _pass2_body


@functools.cache
def _get_pass2(h0):
    return pl.kernel(
        _make_pass2_body(h0),
        out_type=jax.ShapeDtypeStruct((NC, NPAD, DH), jnp.float32),
        mesh=plsc.VectorSubcoreMesh(core_axis_name="c", subcore_axis_name="s",
                                    num_cores=NC, num_subcores=NS),
        compiler_params=pltpu.CompilerParams(needs_layout_passes=False,
                                             use_tc_tiling_on_sc=False),
        scratch_types=(
            pltpu.VMEM((K,), jnp.int32),
            pltpu.VMEM((K,), jnp.int32),
            pltpu.VMEM((K,), jnp.float32),
            pltpu.VMEM((K, H), jnp.float32),
            pltpu.VMEM((K, DP), jnp.float32),
            pltpu.VMEM((K, DP), jnp.float32),
            pltpu.VMEM((K, DH), jnp.float32),
            pltpu.VMEM((K, DH), jnp.float32),
            pltpu.VMEM((NPS, DH), jnp.float32),
            pltpu.VMEM_SHARED((NPAD, DH), jnp.float32),
            pltpu.SemaphoreType.DMA,
            pltpu.SemaphoreType.DMA,
            pltpu.SemaphoreType.DMA,
        ),
    )


def _norm_proj(h, g, be, al, wl, wr):
    mean = jnp.mean(h, axis=0, keepdims=True)
    xc = h - al * mean
    var = jnp.mean(xc * xc, axis=0, keepdims=True)
    hn = g * xc / jnp.sqrt(var + 1e-5) + be
    ha = jnp.maximum(hn, 0.01 * hn)
    xl = jnp.dot(ha, wl, preferred_element_type=jnp.float32)
    xr = jnp.dot(ha, wr, preferred_element_type=jnp.float32)
    return xl, xr


def _tc1_body(h_ref, g_ref, be_ref, al_ref, wl_ref, wr_ref,
              xll_ref, xlh_ref, xr_ref):
    xl, xr = _norm_proj(h_ref[:, :], g_ref[:], be_ref[:], al_ref[:],
                        wl_ref[:, :], wr_ref[:, :])
    xll_ref[:, :] = xl[:, :DH]
    xlh_ref[:, :] = xl[:, DH:]
    xr_ref[:, :] = xr


_tc1 = pl.pallas_call(
    _tc1_body,
    out_shape=(
        jax.ShapeDtypeStruct((N, DH), jnp.float32),
        jax.ShapeDtypeStruct((N, DH), jnp.float32),
        jax.ShapeDtypeStruct((N, D), jnp.float32),
    ),
)


def _combine(plo_ref, phi_ref, b_ref, res_ref):
    lo = plo_ref[0] + plo_ref[1]
    hi = phi_ref[0] + phi_ref[1]
    p = jnp.concatenate([lo, hi], axis=1)[:N]
    return p + b_ref[:] + res_ref[:, :]


def _tc2_body(plo_ref, phi_ref, b_ref, res_ref, g_ref, be_ref, al_ref,
              wl_ref, wr_ref, h1_ref, xll_ref, xlh_ref, xr_ref):
    h1 = _combine(plo_ref, phi_ref, b_ref, res_ref)
    h1_ref[:, :] = h1
    xl, xr = _norm_proj(h1, g_ref[:], be_ref[:], al_ref[:],
                        wl_ref[:, :], wr_ref[:, :])
    xll_ref[:, :] = xl[:, :DH]
    xlh_ref[:, :] = xl[:, DH:]
    xr_ref[:, :] = xr


_tc2 = pl.pallas_call(
    _tc2_body,
    out_shape=(
        jax.ShapeDtypeStruct((N, D), jnp.float32),
        jax.ShapeDtypeStruct((N, DH), jnp.float32),
        jax.ShapeDtypeStruct((N, DH), jnp.float32),
        jax.ShapeDtypeStruct((N, D), jnp.float32),
    ),
)


def _tc3_body(plo_ref, phi_ref, b_ref, res_ref, out_ref):
    out_ref[:, :] = _combine(plo_ref, phi_ref, b_ref, res_ref)


_tc3 = pl.pallas_call(
    _tc3_body,
    out_shape=jax.ShapeDtypeStruct((N, D), jnp.float32),
)


@jax.jit
def _stage1(x, src, dst, edge_weight, Wl0, Wr0, att0f, g0, be0, al0,
            zden, zout):
    xll0, xlh0, xr0 = _tc1(x, g0, be0, al0, Wl0, Wr0)
    ex0, den0 = _get_pass1()(xll0, xlh0, xr0, src, dst, att0f, zden)
    p_lo0 = _get_pass2(0)(xll0, src, dst, edge_weight, ex0, den0[0], den0[1],
                          zout)
    return xlh0, ex0, den0, p_lo0


@jax.jit
def _stage2(xlh0, src, dst, edge_weight, ex0, den0, zout):
    return _get_pass2(2)(xlh0, src, dst, edge_weight, ex0, den0[0], den0[1],
                         zout)


@jax.jit
def _stage3(p_lo0, p_hi0, x, src, dst, edge_weight, Wl1, Wr1, att1f, b0,
            g1, be1, al1, zden, zout):
    h1, xll1, xlh1, xr1 = _tc2(p_lo0, p_hi0, b0, x, g1, be1, al1, Wl1, Wr1)
    ex1, den1 = _get_pass1()(xll1, xlh1, xr1, src, dst, att1f, zden)
    p_lo1 = _get_pass2(0)(xll1, src, dst, edge_weight, ex1, den1[0], den1[1],
                          zout)
    return h1, xlh1, ex1, den1, p_lo1


@jax.jit
def _stage4(p_lo1, h1, xlh1, src, dst, edge_weight, ex1, den1, b1, zout):
    p_hi1 = _get_pass2(2)(xlh1, src, dst, edge_weight, ex1, den1[0], den1[1],
                          zout)
    return _tc3(p_lo1, p_hi1, b1, h1)


def kernel(x, edge_index, edge_weight, Wl0, Wr0, att0, b0, g0, be0, al0,
           Wl1, Wr1, att1, b1, g1, be1, al1):
    src = edge_index[0]
    dst = edge_index[1]
    zden = jnp.zeros((NPAD, DP), jnp.float32)
    zout = jnp.zeros((NPAD, DH), jnp.float32)
    xlh0, ex0, den0, p_lo0 = _stage1(x, src, dst, edge_weight, Wl0, Wr0,
                                     att0.reshape(-1), g0, be0, al0,
                                     zden, zout)
    p_hi0 = _stage2(xlh0, src, dst, edge_weight, ex0, den0, zout)
    h1, xlh1, ex1, den1, p_lo1 = _stage3(p_lo0, p_hi0, x, src, dst,
                                         edge_weight, Wl1, Wr1,
                                         att1.reshape(-1), b0, g1, be1, al1,
                                         zden, zout)
    return _stage4(p_lo1, h1, xlh1, src, dst, edge_weight, ex1, den1, b1,
                   zout)

# --- scband reference (transcript-rebuilt; emitter-appended) ---
"""Pipeline reference for scband-res-gatn-72756745994561 (READ-ONLY COPY).

The authoritative reference and input builder live on the scoring server;
editing this copy changes nothing except your own understanding.
"""

import jax, jax.numpy as jnp
import numpy as np

N = 10000
E = 320000
D = 128
H = 4
C = 32
NB = 2


def graph_norm(x, gamma, beta, alpha):
    mean = jnp.mean(x, axis=0, keepdims=True)
    xc = x - alpha * mean
    var = jnp.mean(xc * xc, axis=0, keepdims=True)
    return gamma * xc / jnp.sqrt(var + 1e-5) + beta


def gatv2_conv(x, src, dst, edge_weight, Wl, Wr, att, bias):
    xl = (x @ Wl).reshape(N, H, C)
    xr = (x @ Wr).reshape(N, H, C)
    e = jax.nn.leaky_relu(xl[src] + xr[dst], negative_slope=0.2)
    logits = jnp.sum(e * att[None, :, :], axis=-1)
    m = jax.ops.segment_max(logits, dst, num_segments=N)
    m = jnp.where(jnp.isfinite(m), m, 0.0)
    ex = jnp.exp(logits - m[dst])
    denom = jax.ops.segment_sum(ex, dst, num_segments=N)
    alpha = ex / (denom[dst] + 1e-16)
    alpha = alpha * edge_weight[:, None]
    msg = xl[src] * alpha[:, :, None]
    out = jax.ops.segment_sum(msg, dst, num_segments=N)
    return out.reshape(N, H * C) + bias


def setup_inputs(seed: int = 0):
    key = jax.random.key(seed)
    ks = jax.random.split(key, 3 + 7 * NB)
    inp = {}
    inp['x'] = jax.random.normal(ks[0], (N, D), dtype=jnp.float32)
    inp['edge_index'] = jax.random.randint(ks[1], (2, E), 0, N, dtype=jnp.int32)
    inp['edge_weight'] = jax.random.uniform(ks[2], (E,), dtype=jnp.float32)
    s = 1.0 / np.sqrt(D)
    for b in range(NB):
        o = 3 + 7 * b
        inp['Wl%d' % b] = jax.random.normal(ks[o], (D, H * C), dtype=jnp.float32) * s
        inp['Wr%d' % b] = jax.random.normal(ks[o + 1], (D, H * C), dtype=jnp.float32) * s
        inp['att%d' % b] = jax.random.normal(ks[o + 2], (H, C), dtype=jnp.float32) * s
        inp['b%d' % b] = jnp.zeros((H * C,), dtype=jnp.float32)
        inp['g%d' % b] = jnp.ones((D,), dtype=jnp.float32)
        inp['be%d' % b] = jnp.zeros((D,), dtype=jnp.float32)
        inp['al%d' % b] = jnp.ones((D,), dtype=jnp.float32)
    return inp


def reference(x, edge_index, edge_weight, Wl0, Wr0, att0, b0, g0, be0, al0, Wl1, Wr1, att1, b1, g1, be1, al1):
    src = edge_index[0]
    dst = edge_index[1]
    params = [(Wl0, Wr0, att0, b0, g0, be0, al0), (Wl1, Wr1, att1, b1, g1, be1, al1)]
    h = x
    for (Wl, Wr, att, bb, g, be, al) in params:
        res = h
        hn = graph_norm(h, g, be, al)
        ha = jax.nn.leaky_relu(hn, negative_slope=0.01)
        hc = gatv2_conv(ha, src, dst, edge_weight, Wl, Wr, att, bb)
        h = hc + res
    return h

if __name__ == "__main__":
    import jax
    _d = setup_inputs()
    print(jax.jit(kernel)(*tuple(_d.values())))

</pallas_src>

<mosaic_0001>
#map = affine_map<(d0, d1) -> (0, 0)>
#map1 = affine_map<(d0, d1) -> (0)>
#map2 = affine_map<(d0, d1) -> (0, 0, 0)>
module attributes {stable_mosaic.version = 14 : i64} {
  func.func @_pass2_body(%arg0: i32, %arg1: i32, %arg2: memref<10000x64xf32, #tpu.memory_space<hbm>>, %arg3: memref<320000xi32, #tpu.memory_space<hbm>>, %arg4: memref<320000xi32, #tpu.memory_space<hbm>>, %arg5: memref<320000xf32, #tpu.memory_space<hbm>>, %arg6: memref<320000x4xf32, #tpu.memory_space<hbm>>, %arg7: memref<10112x16xf32, #tpu.memory_space<hbm>>, %arg8: memref<10112x16xf32, #tpu.memory_space<hbm>>, %arg9: memref<10112x64xf32, #tpu.memory_space<hbm>>, %arg10: memref<2x10112x64xf32, #tpu.memory_space<hbm>>, %arg11: memref<80xi32, #tpu.memory_space<vmem>>, %arg12: memref<80xi32, #tpu.memory_space<vmem>>, %arg13: memref<80xf32, #tpu.memory_space<vmem>>, %arg14: memref<80x4xf32, #tpu.memory_space<vmem>>, %arg15: memref<80x16xf32, #tpu.memory_space<vmem>>, %arg16: memref<80x16xf32, #tpu.memory_space<vmem>>, %arg17: memref<80x64xf32, #tpu.memory_space<vmem>>, %arg18: memref<80x64xf32, #tpu.memory_space<vmem>>, %arg19: memref<632x64xf32, #tpu.memory_space<vmem>>, %arg20: memref<10112x64xf32, #tpu.memory_space<vmem_shared>>, %arg21: memref<!tpu.dma_semaphore, #tpu.memory_space<semaphore_mem>>, %arg22: memref<!tpu.dma_semaphore, #tpu.memory_space<semaphore_mem>>, %arg23: memref<!tpu.dma_semaphore, #tpu.memory_space<semaphore_mem>>) attributes {dimension_semantics = [#tpu.dimension_semantics<core_parallel>, #tpu.dimension_semantics<subcore_parallel>], iteration_bounds = array<i64: 2, 16>, scalar_prefetch = 0 : i64, scratch_operands = 13 : i64, tpu.core_type = #tpu.core_type<sc_vector_subcore>, window_params = [{transform_indices = #map}, {transform_indices = #map1}, {transform_indices = #map1}, {transform_indices = #map1}, {transform_indices = #map}, {transform_indices = #map}, {transform_indices = #map}, {transform_indices = #map}, {transform_indices = #map2}]} {
    %mul3A = arith.constant 16 : i32
    %mul3A_0 = arith.muli %arg0, %mul3A : i32
    %add3A = arith.addi %mul3A_0, %arg1 : i32
    %mul3A_1 = arith.constant 10000 : i32
    %mul3A_2 = arith.muli %add3A, %mul3A_1 : i32
    %mul3A_3 = arith.constant 632 : i32
    %mul3A_4 = arith.muli %arg1, %mul3A_3 : i32
    "tpu.region"() ({
      %run_scoped3A = tpu.sem_alloc : memref<!tpu.dma_semaphore, #tpu.memory_space<semaphore_mem>>
      %dma_start3A = arith.constant 0 : i32
      %dma_start3A_17 = tpu.memref_slice %arg9[%mul3A_4, %dma_start3A] : memref<10112x64xf32, #tpu.memory_space<hbm>> -> memref<632x64xf32, #tpu.memory_space<hbm>>
      %dma_start3A_18 = arith.constant 0 : i32
      %dma_start3A_19 = tpu.memref_slice %arg9[%mul3A_4, %dma_start3A_18] : memref<10112x64xf32, #tpu.memory_space<hbm>> -> memref<632x64xf32, #tpu.memory_space<hbm>>
      tpu.enqueue_dma source(%dma_start3A_19 : memref<632x64xf32, #tpu.memory_space<hbm>>) target(%arg19 : memref<632x64xf32, #tpu.memory_space<vmem>>) target_semaphore(%run_scoped3A : memref<!tpu.dma_semaphore, #tpu.memory_space<semaphore_mem>>)
      %dma_wait3A = arith.constant 0 : i32
      %dma_wait3A_20 = tpu.memref_slice %arg9[%mul3A_4, %dma_wait3A] : memref<10112x64xf32, #tpu.memory_space<hbm>> -> memref<632x64xf32, #tpu.memory_space<hbm>>
      %dma_wait3A_21 = arith.constant 0 : i32
      %dma_wait3A_22 = tpu.memref_slice %arg9[%mul3A_4, %dma_wait3A_21] : memref<10112x64xf32, #tpu.memory_space<hbm>> -> memref<632x64xf32, #tpu.memory_space<hbm>>
      tpu.wait_dma2 semaphore(%run_scoped3A : memref<!tpu.dma_semaphore, #tpu.memory_space<semaphore_mem>>) src(%dma_wait3A_22 : memref<632x64xf32, #tpu.memory_space<hbm>>) dst(%arg19 : memref<632x64xf32, #tpu.memory_space<vmem>>)
      tpu.yield
    }) : () -> ()
    %mul3A_5 = arith.constant 632 : i32
    %mul3A_6 = arith.muli %arg1, %mul3A_5 : i32
    "tpu.region"() ({
      %run_scoped3A = tpu.sem_alloc : memref<!tpu.dma_semaphore, #tpu.memory_space<semaphore_mem>>
      %dma_start3A = arith.constant 0 : i32
      %dma_start3A_17 = tpu.memref_slice %arg20[%mul3A_6, %dma_start3A] : memref<10112x64xf32, #tpu.memory_space<vmem_shared>> -> memref<632x64xf32, #tpu.memory_space<vmem_shared>>
      %dma_start3A_18 = arith.constant 0 : i32
      %dma_start3A_19 = tpu.memref_slice %arg20[%mul3A_6, %dma_start3A_18] : memref<10112x64xf32, #tpu.memory_space<vmem_shared>> -> memref<632x64xf32, #tpu.memory_space<vmem_shared>>
      tpu.enqueue_dma source(%arg19 : memref<632x64xf32, #tpu.memory_space<vmem>>) target(%dma_start3A_19 : memref<632x64xf32, #tpu.memory_space<vmem_shared>>) target_semaphore(%run_scoped3A : memref<!tpu.dma_semaphore, #tpu.memory_space<semaphore_mem>>)
      %dma_wait3A = arith.constant 0 : i32
      %dma_wait3A_20 = tpu.memref_slice %arg20[%mul3A_6, %dma_wait3A] : memref<10112x64xf32, #tpu.memory_space<vmem_shared>> -> memref<632x64xf32, #tpu.memory_space<vmem_shared>>
      %dma_wait3A_21 = arith.constant 0 : i32
      %dma_wait3A_22 = tpu.memref_slice %arg20[%mul3A_6, %dma_wait3A_21] : memref<10112x64xf32, #tpu.memory_space<vmem_shared>> -> memref<632x64xf32, #tpu.memory_space<vmem_shared>>
      tpu.wait_dma2 semaphore(%run_scoped3A : memref<!tpu.dma_semaphore, #tpu.memory_space<semaphore_mem>>) src(%arg19 : memref<632x64xf32, #tpu.memory_space<vmem>>) dst(%dma_wait3A_22 : memref<632x64xf32, #tpu.memory_space<vmem_shared>>)
      tpu.yield
    }) : () -> ()
    %barrier3A = arith.constant 0 : index
    tpu.barrier barrier_id(%barrier3A)
    %scan3A = arith.constant 0 : i32
    %scan3A_7 = arith.constant 0 : i32
    %scan3A_8 = arith.constant 125 : i32
    %scan3A_9 = arith.addi %scan3A_7, %scan3A_8 : i32
    %scan3A_10 = arith.constant 1 : i32
    scf.for %scan3A_17 = %scan3A_7 to %scan3A_9 step %scan3A_10  : i32 {
      %mul3A_18 = arith.constant 80 : i32
      %mul3A_19 = arith.muli %scan3A_17, %mul3A_18 : i32
      %add3A_20 = arith.addi %mul3A_2, %mul3A_19 : i32
      "tpu.region"() ({
        %run_scoped3A = tpu.sem_alloc : memref<!tpu.dma_semaphore, #tpu.memory_space<semaphore_mem>>
        %dma_start3A_43 = tpu.memref_slice %arg3[%add3A_20] : memref<320000xi32, #tpu.memory_space<hbm>> -> memref<80xi32, #tpu.memory_space<hbm>>
        %dma_start3A_44 = tpu.memref_slice %arg3[%add3A_20] : memref<320000xi32, #tpu.memory_space<hbm>> -> memref<80xi32, #tpu.memory_space<hbm>>
        tpu.enqueue_dma source(%dma_start3A_44 : memref<80xi32, #tpu.memory_space<hbm>>) target(%arg11 : memref<80xi32, #tpu.memory_space<vmem>>) target_semaphore(%run_scoped3A : memref<!tpu.dma_semaphore, #tpu.memory_space<semaphore_mem>>)
        %dma_wait3A_45 = tpu.memref_slice %arg3[%add3A_20] : memref<320000xi32, #tpu.memory_space<hbm>> -> memref<80xi32, #tpu.memory_space<hbm>>
        %dma_wait3A_46 = tpu.memref_slice %arg3[%add3A_20] : memref<320000xi32, #tpu.memory_space<hbm>> -> memref<80xi32, #tpu.memory_space<hbm>>
        tpu.wait_dma2 semaphore(%run_scoped3A : memref<!tpu.dma_semaphore, #tpu.memory_space<semaphore_mem>>) src(%dma_wait3A_46 : memref<80xi32, #tpu.memory_space<hbm>>) dst(%arg11 : memref<80xi32, #tpu.memory_space<vmem>>)
        tpu.yield
      }) : () -> ()
      "tpu.region"() ({
        %run_scoped3A = tpu.sem_alloc : memref<!tpu.dma_semaphore, #tpu.memory_space<semaphore_mem>>
        %dma_start3A_43 = tpu.memref_slice %arg4[%add3A_20] : memref<320000xi32, #tpu.memory_space<hbm>> -> memref<80xi32, #tpu.memory_space<hbm>>
        %dma_start3A_44 = tpu.memref_slice %arg4[%add3A_20] : memref<320000xi32, #tpu.memory_space<hbm>> -> memref<80xi32, #tpu.memory_space<hbm>>
        tpu.enqueue_dma source(%dma_start3A_44 : memref<80xi32, #tpu.memory_space<hbm>>) target(%arg12 : memref<80xi32, #tpu.memory_space<vmem>>) target_semaphore(%run_scoped3A : memref<!tpu.dma_semaphore, #tpu.memory_space<semaphore_mem>>)
        %dma_wait3A_45 = tpu.memref_slice %arg4[%add3A_20] : memref<320000xi32, #tpu.memory_space<hbm>> -> memref<80xi32, #tpu.memory_space<hbm>>
        %dma_wait3A_46 = tpu.memref_slice %arg4[%add3A_20] : memref<320000xi32, #tpu.memory_space<hbm>> -> memref<80xi32, #tpu.memory_space<hbm>>
        tpu.wait_dma2 semaphore(%run_scoped3A : memref<!tpu.dma_semaphore, #tpu.memory_space<semaphore_mem>>) src(%dma_wait3A_46 : memref<80xi32, #tpu.memory_space<hbm>>) dst(%arg12 : memref<80xi32, #tpu.memory_space<vmem>>)
        tpu.yield
      }) : () -> ()
      "tpu.region"() ({
        %run_scoped3A = tpu.sem_alloc : memref<!tpu.dma_semaphore, #tpu.memory_space<semaphore_mem>>
        %dma_start3A_43 = tpu.memref_slice %arg5[%add3A_20] : memref<320000xf32, #tpu.memory_space<hbm>> -> memref<80xf32, #tpu.memory_space<hbm>>
        %dma_start3A_44 = tpu.memref_slice %arg5[%add3A_20] : memref<320000xf32, #tpu.memory_space<hbm>> -> memref<80xf32, #tpu.memory_space<hbm>>
        tpu.enqueue_dma source(%dma_start3A_44 : memref<80xf32, #tpu.memory_space<hbm>>) target(%arg13 : memref<80xf32, #tpu.memory_space<vmem>>) target_semaphore(%run_scoped3A : memref<!tpu.dma_semaphore, #tpu.memory_space<semaphore_mem>>)
        %dma_wait3A_45 = tpu.memref_slice %arg5[%add3A_20] : memref<320000xf32, #tpu.memory_space<hbm>> -> memref<80xf32, #tpu.memory_space<hbm>>
        %dma_wait3A_46 = tpu.memref_slice %arg5[%add3A_20] : memref<320000xf32, #tpu.memory_space<hbm>> -> memref<80xf32, #tpu.memory_space<hbm>>
        tpu.wait_dma2 semaphore(%run_scoped3A : memref<!tpu.dma_semaphore, #tpu.memory_space<semaphore_mem>>) src(%dma_wait3A_46 : memref<80xf32, #tpu.memory_space<hbm>>) dst(%arg13 : memref<80xf32, #tpu.memory_space<vmem>>)
        tpu.yield
      }) : () -> ()
      "tpu.region"() ({
        %run_scoped3A = tpu.sem_alloc : memref<!tpu.dma_semaphore, #tpu.memory_space<semaphore_mem>>
        %dma_start3A_43 = arith.constant 0 : i32
        %dma_start3A_44 = tpu.memref_slice %arg6[%add3A_20, %dma_start3A_43] : memref<320000x4xf32, #tpu.memory_space<hbm>> -> memref<80x4xf32, #tpu.memory_space<hbm>>
        %dma_start3A_45 = arith.constant 0 : i32
        %dma_start3A_46 = tpu.memref_slice %arg6[%add3A_20, %dma_start3A_45] : memref<320000x4xf32, #tpu.memory_space<hbm>> -> memref<80x4xf32, #tpu.memory_space<hbm>>
        tpu.enqueue_dma source(%dma_start3A_46 : memref<80x4xf32, #tpu.memory_space<hbm>>) target(%arg14 : memref<80x4xf32, #tpu.memory_space<vmem>>) target_semaphore(%run_scoped3A : memref<!tpu.dma_semaphore, #tpu.memory_space<semaphore_mem>>)
        %dma_wait3A_47 = arith.constant 0 : i32
        %dma_wait3A_48 = tpu.memref_slice %arg6[%add3A_20, %dma_wait3A_47] : memref<320000x4xf32, #tpu.memory_space<hbm>> -> memref<80x4xf32, #tpu.memory_space<hbm>>
        %dma_wait3A_49 = arith.constant 0 : i32
        %dma_wait3A_50 = tpu.memref_slice %arg6[%add3A_20, %dma_wait3A_49] : memref<320000x4xf32, #tpu.memory_space<hbm>> -> memref<80x4xf32, #tpu.memory_space<hbm>>
        tpu.wait_dma2 semaphore(%run_scoped3A : memref<!tpu.dma_semaphore, #tpu.memory_space<semaphore_mem>>) src(%dma_wait3A_50 : memref<80x4xf32, #tpu.memory_space<hbm>>) dst(%arg14 : memref<80x4xf32, #tpu.memory_space<vmem>>)
        tpu.yield
      }) : () -> ()
      %dma_start3A = arith.constant 0 : i32
      %dma_start3A_21 = arith.constant 0 : i32
      %dma_start3A_22 = tpu.memref_slice %arg2[%dma_start3A, %dma_start3A_21] : memref<10000x64xf32, #tpu.memory_space<hbm>> -> memref<10000x64xf32, #tpu.memory_space<hbm>>
      tpu.enqueue_indirect_dma source(%dma_start3A_22 : memref<10000x64xf32, #tpu.memory_space<hbm>>) target(%arg17 : memref<80x64xf32, #tpu.memory_space<vmem>>) offsets(%arg11 : memref<80xi32, #tpu.memory_space<vmem>>) semaphore(%arg21 : memref<!tpu.dma_semaphore, #tpu.memory_space<semaphore_mem>>)
      %dma_start3A_23 = arith.constant 0 : i32
      %dma_start3A_24 = arith.constant 0 : i32
      %dma_start3A_25 = tpu.memref_slice %arg7[%dma_start3A_23, %dma_start3A_24] : memref<10112x16xf32, #tpu.memory_space<hbm>> -> memref<10112x16xf32, #tpu.memory_space<hbm>>
      tpu.enqueue_indirect_dma source(%dma_start3A_25 : memref<10112x16xf32, #tpu.memory_space<hbm>>) target(%arg15 : memref<80x16xf32, #tpu.memory_space<vmem>>) offsets(%arg12 : memref<80xi32, #tpu.memory_space<vmem>>) semaphore(%arg22 : memref<!tpu.dma_semaphore, #tpu.memory_space<semaphore_mem>>)
      %dma_start3A_26 = arith.constant 0 : i32
      %dma_start3A_27 = arith.constant 0 : i32
      %dma_start3A_28 = tpu.memref_slice %arg8[%dma_start3A_26, %dma_start3A_27] : memref<10112x16xf32, #tpu.memory_space<hbm>> -> memref<10112x16xf32, #tpu.memory_space<hbm>>
      tpu.enqueue_indirect_dma source(%dma_start3A_28 : memref<10112x16xf32, #tpu.memory_space<hbm>>) target(%arg16 : memref<80x16xf32, #tpu.memory_space<vmem>>) offsets(%arg12 : memref<80xi32, #tpu.memory_space<vmem>>) semaphore(%arg23 : memref<!tpu.dma_semaphore, #tpu.memory_space<semaphore_mem>>)
      %dma_wait3A = arith.constant 0 : i32
      %dma_wait3A_29 = arith.constant 0 : i32
      %dma_wait3A_30 = tpu.memref_slice %arg2[%dma_wait3A, %dma_wait3A_29] : memref<10000x64xf32, #tpu.memory_space<hbm>> -> memref<10000x64xf32, #tpu.memory_space<hbm>>
      tpu.wait_indirect_dma semaphore(%arg21 : memref<!tpu.dma_semaphore, #tpu.memory_space<semaphore_mem>>) src(%dma_wait3A_30 : memref<10000x64xf32, #tpu.memory_space<hbm>>) dst(%arg17 : memref<80x64xf32, #tpu.memory_space<vmem>>)
      %dma_wait3A_31 = arith.constant 0 : i32
      %dma_wait3A_32 = arith.constant 0 : i32
      %dma_wait3A_33 = tpu.memref_slice %arg7[%dma_wait3A_31, %dma_wait3A_32] : memref<10112x16xf32, #tpu.memory_space<hbm>> -> memref<10112x16xf32, #tpu.memory_space<hbm>>
      tpu.wait_indirect_dma semaphore(%arg22 : memref<!tpu.dma_semaphore, #tpu.memory_space<semaphore_mem>>) src(%dma_wait3A_33 : memref<10112x16xf32, #tpu.memory_space<hbm>>) dst(%arg15 : memref<80x16xf32, #tpu.memory_space<vmem>>)
      %dma_wait3A_34 = arith.constant 0 : i32
      %dma_wait3A_35 = arith.constant 0 : i32
      %dma_wait3A_36 = tpu.memref_slice %arg8[%dma_wait3A_34, %dma_wait3A_35] : memref<10112x16xf32, #tpu.memory_space<hbm>> -> memref<10112x16xf32, #tpu.memory_space<hbm>>
      tpu.wait_indirect_dma semaphore(%arg23 : memref<!tpu.dma_semaphore, #tpu.memory_space<semaphore_mem>>) src(%dma_wait3A_36 : memref<10112x16xf32, #tpu.memory_space<hbm>>) dst(%arg16 : memref<80x16xf32, #tpu.memory_space<vmem>>)
      %scan3A_37 = arith.constant 0 : i32
      %scan3A_38 = arith.constant 0 : i32
      %scan3A_39 = arith.constant 5 : i32
      %scan3A_40 = arith.addi %scan3A_38, %scan3A_39 : i32
      %scan3A_41 = arith.constant 1 : i32
      scf.for %scan3A_43 = %scan3A_38 to %scan3A_40 step %scan3A_41  : i32 {
        %iota3A = tpu.iota {dimensions = array<i32: 0>} : vector<16xi32>
        %mul3A_44 = arith.constant 16 : i32
        %mul3A_45 = arith.muli %scan3A_43, %mul3A_44 : i32
        %add3A_46 = vector.broadcast %mul3A_45 : i32 to vector<16xi32>
        %add3A_47 = arith.addi %iota3A, %add3A_46 : vector<16xi32>
        %mul3A_48 = arith.constant 16 : i32
        %mul3A_49 = arith.muli %scan3A_43, %mul3A_48 : i32
        %get3A = arith.index_cast %mul3A_49 : i32 to index
        %get3A_50 = tpu.vector_load %arg13[%get3A] {strides = array<i32>} : memref<80xf32, #tpu.memory_space<vmem>>, vector<16xf32>,
        %broadcast_in_dim3A = arith.constant 0 : i32
        %broadcast_in_dim3A_51 = vector.broadcast %broadcast_in_dim3A : i32 to vector<16xi32>
        %gather3A = tpu.vector_load_idx %arg14[%add3A_47, %broadcast_in_dim3A_51] : memref<80x4xf32, #tpu.memory_space<vmem>>[vector<16xi32>, vector<16xi32>], vector<16xf32>,
        %gather3A_52 = tpu.vector_load_idx %arg15[%add3A_47, %broadcast_in_dim3A_51] : memref<80x16xf32, #tpu.memory_space<vmem>>[vector<16xi32>, vector<16xi32>], vector<16xf32>,
        %gather3A_53 = tpu.vector_load_idx %arg16[%add3A_47, %broadcast_in_dim3A_51] : memref<80x16xf32, #tpu.memory_space<vmem>>[vector<16xi32>, vector<16xi32>], vector<16xf32>,
        %add3A_54 = arith.addf %gather3A_52, %gather3A_53 : vector<16xf32>
        %mul3A_55 = arith.mulf %gather3A, %get3A_50 : vector<16xf32>
        %add3A_56 = arith.constant 1.000000e-16 : f32
        %add3A_57 = vector.broadcast %add3A_56 : f32 to vector<16xf32>
        %add3A_58 = arith.addf %add3A_54, %add3A_57 : vector<16xf32>
        %div3A = arith.divf %mul3A_55, %add3A_58 : vector<16xf32>
        %broadcast_in_dim3A_59 = arith.constant 1 : i32
        %broadcast_in_dim3A_60 = vector.broadcast %broadcast_in_dim3A_59 : i32 to vector<16xi32>
        %gather3A_61 = tpu.vector_load_idx %arg14[%add3A_47, %broadcast_in_dim3A_60] : memref<80x4xf32, #tpu.memory_space<vmem>>[vector<16xi32>, vector<16xi32>], vector<16xf32>,
        %gather3A_62 = tpu.vector_load_idx %arg15[%add3A_47, %broadcast_in_dim3A_60] : memref<80x16xf32, #tpu.memory_space<vmem>>[vector<16xi32>, vector<16xi32>], vector<16xf32>,
        %gather3A_63 = tpu.vector_load_idx %arg16[%add3A_47, %broadcast_in_dim3A_60] : memref<80x16xf32, #tpu.memory_space<vmem>>[vector<16xi32>, vector<16xi32>], vector<16xf32>,
        %add3A_64 = arith.addf %gather3A_62, %gather3A_63 : vector<16xf32>
        %mul3A_65 = arith.mulf %gather3A_61, %get3A_50 : vector<16xf32>
        %add3A_66 = arith.constant 1.000000e-16 : f32
        %add3A_67 = vector.broadcast %add3A_66 : f32 to vector<16xf32>
        %add3A_68 = arith.addf %add3A_64, %add3A_67 : vector<16xf32>
        %div3A_69 = arith.divf %mul3A_65, %add3A_68 : vector<16xf32>
        %broadcast_in_dim3A_70 = arith.constant 0 : i32
        %broadcast_in_dim3A_71 = vector.broadcast %broadcast_in_dim3A_70 : i32 to vector<16xi32>
        %gather3A_72 = tpu.vector_load_idx %arg17[%add3A_47, %broadcast_in_dim3A_71] : memref<80x64xf32, #tpu.memory_space<vmem>>[vector<16xi32>, vector<16xi32>], vector<16xf32>,
        %mul3A_73 = arith.mulf %gather3A_72, %div3A : vector<16xf32>
        tpu.vector_store_idx %arg18[%add3A_47, %broadcast_in_dim3A_71], %mul3A_73 : memref<80x64xf32, #tpu.memory_space<vmem>>[vector<16xi32>, vector<16xi32>], vector<16xf32>,
        %broadcast_in_dim3A_74 = arith.constant 1 : i32
        %broadcast_in_dim3A_75 = vector.broadcast %broadcast_in_dim3A_74 : i32 to vector<16xi32>
        %gather3A_76 = tpu.vector_load_idx %arg17[%add3A_47, %broadcast_in_dim3A_75] : memref<80x64xf32, #tpu.memory_space<vmem>>[vector<16xi32>, vector<16xi32>], vector<16xf32>,
        %mul3A_77 = arith.mulf %gather3A_76, %div3A : vector<16xf32>
        tpu.vector_store_idx %arg18[%add3A_47, %broadcast_in_dim3A_75], %mul3A_77 : memref<80x64xf32, #tpu.memory_space<vmem>>[vector<16xi32>, vector<16xi32>], vector<16xf32>,
        %broadcast_in_dim3A_78 = arith.constant 2 : i32
        %broadcast_in_dim3A_79 = vector.broadcast %broadcast_in_dim3A_78 : i32 to vector<16xi32>
        %gather3A_80 = tpu.vector_load_idx %arg17[%add3A_47, %broadcast_in_dim3A_79] : memref<80x64xf32, #tpu.memory_space<vmem>>[vector<16xi32>, vector<16xi32>], vector<16xf32>,
        %mul3A_81 = arith.mulf %gather3A_80, %div3A : vector<16xf32>
        tpu.vector_store_idx %arg18[%add3A_47, %broadcast_in_dim3A_79], %mul3A_81 : memref<80x64xf32, #tpu.memory_space<vmem>>[vector<16xi32>, vector<16xi32>], vector<16xf32>,
        %broadcast_in_dim3A_82 = arith.constant 3 : i32
        %broadcast_in_dim3A_83 = vector.broadcast %broadcast_in_dim3A_82 : i32 to vector<16xi32>
        %gather3A_84 = tpu.vector_load_idx %arg17[%add3A_47, %broadcast_in_dim3A_83] : memref<80x64xf32, #tpu.memory_space<vmem>>[vector<16xi32>, vector<16xi32>], vector<16xf32>,
        %mul3A_85 = arith.mulf %gather3A_84, %div3A : vector<16xf32>
        tpu.vector_store_idx %arg18[%add3A_47, %broadcast_in_dim3A_83], %mul3A_85 : memref<80x64xf32, #tpu.memory_space<vmem>>[vector<16xi32>, vector<16xi32>], vector<16xf32>,
        %broadcast_in_dim3A_86 = arith.constant 4 : i32
        %broadcast_in_dim3A_87 = vector.broadcast %broadcast_in_dim3A_86 : i32 to vector<16xi32>
        %gather3A_88 = tpu.vector_load_idx %arg17[%add3A_47, %broadcast_in_dim3A_87] : memref<80x64xf32, #tpu.memory_space<vmem>>[vector<16xi32>, vector<16xi32>], vector<16xf32>,
        %mul3A_89 = arith.mulf %gather3A_88, %div3A : vector<16xf32>
        tpu.vector_store_idx %arg18[%add3A_47, %broadcast_in_dim3A_87], %mul3A_89 : memref<80x64xf32, #tpu.memory_space<vmem>>[vector<16xi32>, vector<16xi32>], vector<16xf32>,
        %broadcast_in_dim3A_90 = arith.constant 5 : i32
        %broadcast_in_dim3A_91 = vector.broadcast %broadcast_in_dim3A_90 : i32 to vector<16xi32>
        %gather3A_92 = tpu.vector_load_idx %arg17[%add3A_47, %broadcast_in_dim3A_91] : memref<80x64xf32, #tpu.memory_space<vmem>>[vector<16xi32>, vector<16xi32>], vector<16xf32>,
        %mul3A_93 = arith.mulf %gather3A_92, %div3A : vector<16xf32>
        tpu.vector_store_idx %arg18[%add3A_47, %broadcast_in_dim3A_91], %mul3A_93 : memref<80x64xf32, #tpu.memory_space<vmem>>[vector<16xi32>, vector<16xi32>], vector<16xf32>,
        %broadcast_in_dim3A_94 = arith.constant 6 : i32
        %broadcast_in_dim3A_95 = vector.broadcast %broadcast_in_dim3A_94 : i32 to vector<16xi32>
        %gather3A_96 = tpu.vector_load_idx %arg17[%add3A_47, %broadcast_in_dim3A_95] : memref<80x64xf32, #tpu.memory_space<vmem>>[vector<16xi32>, vector<16xi32>], vector<16xf32>,
        %mul3A_97 = arith.mulf %gather3A_96, %div3A : vector<16xf32>
        tpu.vector_store_idx %arg18[%add3A_47, %broadcast_in_dim3A_95], %mul3A_97 : memref<80x64xf32, #tpu.memory_space<vmem>>[vector<16xi32>, vector<16xi32>], vector<16xf32>,
        %broadcast_in_dim3A_98 = arith.constant 7 : i32
        %broadcast_in_dim3A_99 = vector.broadcast %broadcast_in_dim3A_98 : i32 to vector<16xi32>
        %gather3A_100 = tpu.vector_load_idx %arg17[%add3A_47, %broadcast_in_dim3A_99] : memref<80x64xf32, #tpu.memory_space<vmem>>[vector<16xi32>, vector<16xi32>], vector<16xf32>,
        %mul3A_101 = arith.mulf %gather3A_100, %div3A : vector<16xf32>
        tpu.vector_store_idx %arg18[%add3A_47, %broadcast_in_dim3A_99], %mul3A_101 : memref<80x64xf32, #tpu.memory_space<vmem>>[vector<16xi32>, vector<16xi32>], vector<16xf32>,
        %broadcast_in_dim3A_102 = arith.constant 8 : i32
        %broadcast_in_dim3A_103 = vector.broadcast %broadcast_in_dim3A_102 : i32 to vector<16xi32>
        %gather3A_104 = tpu.vector_load_idx %arg17[%add3A_47, %broadcast_in_dim3A_103] : memref<80x64xf32, #tpu.memory_space<vmem>>[vector<16xi32>, vector<16xi32>], vector<16xf32>,
        %mul3A_105 = arith.mulf %gather3A_104, %div3A : vector<16xf32>
        tpu.vector_store_idx %arg18[%add3A_47, %broadcast_in_dim3A_103], %mul3A_105 : memref<80x64xf32, #tpu.memory_space<vmem>>[vector<16xi32>, vector<16xi32>], vector<16xf32>,
        %broadcast_in_dim3A_106 = arith.constant 9 : i32
        %broadcast_in_dim3A_107 = vector.broadcast %broadcast_in_dim3A_106 : i32 to vector<16xi32>
        %gather3A_108 = tpu.vector_load_idx %arg17[%add3A_47, %broadcast_in_dim3A_107] : memref<80x64xf32, #tpu.memory_space<vmem>>[vector<16xi32>, vector<16xi32>], vector<16xf32>,
        %mul3A_109 = arith.mulf %gather3A_108, %div3A : vector<16xf32>
        tpu.vector_store_idx %arg18[%add3A_47, %broadcast_in_dim3A_107], %mul3A_109 : memref<80x64xf32, #tpu.memory_space<vmem>>[vector<16xi32>, vector<16xi32>], vector<16xf32>,
        %broadcast_in_dim3A_110 = arith.constant 10 : i32
        %broadcast_in_dim3A_111 = vector.broadcast %broadcast_in_dim3A_110 : i32 to vector<16xi32>
        %gather3A_112 = tpu.vector_load_idx %arg17[%add3A_47, %broadcast_in_dim3A_111] : memref<80x64xf32, #tpu.memory_space<vmem>>[vector<16xi32>, vector<16xi32>], vector<16xf32>,
        %mul3A_113 = arith.mulf %gather3A_112, %div3A : vector<16xf32>
        tpu.vector_store_idx %arg18[%add3A_47, %broadcast_in_dim3A_111], %mul3A_113 : memref<80x64xf32, #tpu.memory_space<vmem>>[vector<16xi32>, vector<16xi32>], vector<16xf32>,
        %broadcast_in_dim3A_114 = arith.constant 11 : i32
        %broadcast_in_dim3A_115 = vector.broadcast %broadcast_in_dim3A_114 : i32 to vector<16xi32>
        %gather3A_116 = tpu.vector_load_idx %arg17[%add3A_47, %broadcast_in_dim3A_115] : memref<80x64xf32, #tpu.memory_space<vmem>>[vector<16xi32>, vector<16xi32>], vector<16xf32>,
        %mul3A_117 = arith.mulf %gather3A_116, %div3A : vector<16xf32>
        tpu.vector_store_idx %arg18[%add3A_47, %broadcast_in_dim3A_115], %mul3A_117 : memref<80x64xf32, #tpu.memory_space<vmem>>[vector<16xi32>, vector<16xi32>], vector<16xf32>,
        %broadcast_in_dim3A_118 = arith.constant 12 : i32
        %broadcast_in_dim3A_119 = vector.broadcast %broadcast_in_dim3A_118 : i32 to vector<16xi32>
        %gather3A_120 = tpu.vector_load_idx %arg17[%add3A_47, %broadcast_in_dim3A_119] : memref<80x64xf32, #tpu.memory_space<vmem>>[vector<16xi32>, vector<16xi32>], vector<16xf32>,
        %mul3A_121 = arith.mulf %gather3A_120, %div3A : vector<16xf32>
        tpu.vector_store_idx %arg18[%add3A_47, %broadcast_in_dim3A_119], %mul3A_121 : memref<80x64xf32, #tpu.memory_space<vmem>>[vector<16xi32>, vector<16xi32>], vector<16xf32>,
        %broadcast_in_dim3A_122 = arith.constant 13 : i32
        %broadcast_in_dim3A_123 = vector.broadcast %broadcast_in_dim3A_122 : i32 to vector<16xi32>
        %gather3A_124 = tpu.vector_load_idx %arg17[%add3A_47, %broadcast_in_dim3A_123] : memref<80x64xf32, #tpu.memory_space<vmem>>[vector<16xi32>, vector<16xi32>], vector<16xf32>,
        %mul3A_125 = arith.mulf %gather3A_124, %div3A : vector<16xf32>
        tpu.vector_store_idx %arg18[%add3A_47, %broadcast_in_dim3A_123], %mul3A_125 : memref<80x64xf32, #tpu.memory_space<vmem>>[vector<16xi32>, vector<16xi32>], vector<16xf32>,
        %broadcast_in_dim3A_126 = arith.constant 14 : i32
        %broadcast_in_dim3A_127 = vector.broadcast %broadcast_in_dim3A_126 : i32 to vector<16xi32>
        %gather3A_128 = tpu.vector_load_idx %arg17[%add3A_47, %broadcast_in_dim3A_127] : memref<80x64xf32, #tpu.memory_space<vmem>>[vector<16xi32>, vector<16xi32>], vector<16xf32>,
        %mul3A_129 = arith.mulf %gather3A_128, %div3A : vector<16xf32>
        tpu.vector_store_idx %arg18[%add3A_47, %broadcast_in_dim3A_127], %mul3A_129 : memref<80x64xf32, #tpu.memory_space<vmem>>[vector<16xi32>, vector<16xi32>], vector<16xf32>,
        %broadcast_in_dim3A_130 = arith.constant 15 : i32
        %broadcast_in_dim3A_131 = vector.broadcast %broadcast_in_dim3A_130 : i32 to vector<16xi32>
        %gather3A_132 = tpu.vector_load_idx %arg17[%add3A_47, %broadcast_in_dim3A_131] : memref<80x64xf32, #tpu.memory_space<vmem>>[vector<16xi32>, vector<16xi32>], vector<16xf32>,
        %mul3A_133 = arith.mulf %gather3A_132, %div3A : vector<16xf32>
        tpu.vector_store_idx %arg18[%add3A_47, %broadcast_in_dim3A_131], %mul3A_133 : memref<80x64xf32, #tpu.memory_space<vmem>>[vector<16xi32>, vector<16xi32>], vector<16xf32>,
        %broadcast_in_dim3A_134 = arith.constant 16 : i32
        %broadcast_in_dim3A_135 = vector.broadcast %broadcast_in_dim3A_134 : i32 to vector<16xi32>
        %gather3A_136 = tpu.vector_load_idx %arg17[%add3A_47, %broadcast_in_dim3A_135] : memref<80x64xf32, #tpu.memory_space<vmem>>[vector<16xi32>, vector<16xi32>], vector<16xf32>,
        %mul3A_137 = arith.mulf %gather3A_136, %div3A : vector<16xf32>
        tpu.vector_store_idx %arg18[%add3A_47, %broadcast_in_dim3A_135], %mul3A_137 : memref<80x64xf32, #tpu.memory_space<vmem>>[vector<16xi32>, vector<16xi32>], vector<16xf32>,
        %broadcast_in_dim3A_138 = arith.constant 17 : i32
        %broadcast_in_dim3A_139 = vector.broadcast %broadcast_in_dim3A_138 : i32 to vector<16xi32>
        %gather3A_140 = tpu.vector_load_idx %arg17[%add3A_47, %broadcast_in_dim3A_139] : memref<80x64xf32, #tpu.memory_space<vmem>>[vector<16xi32>, vector<16xi32>], vector<16xf32>,
        %mul3A_141 = arith.mulf %gather3A_140, %div3A : vector<16xf32>
        tpu.vector_store_idx %arg18[%add3A_47, %broadcast_in_dim3A_139], %mul3A_141 : memref<80x64xf32, #tpu.memory_space<vmem>>[vector<16xi32>, vector<16xi32>], vector<16xf32>,
        %broadcast_in_dim3A_142 = arith.constant 18 : i32
        %broadcast_in_dim3A_143 = vector.broadcast %broadcast_in_dim3A_142 : i32 to vector<16xi32>
        %gather3A_144 = tpu.vector_load_idx %arg17[%add3A_47, %broadcast_in_dim3A_143] : memref<80x64xf32, #tpu.memory_space<vmem>>[vector<16xi32>, vector<16xi32>], vector<16xf32>,
        %mul3A_145 = arith.mulf %gather3A_144, %div3A : vector<16xf32>
        tpu.vector_store_idx %arg18[%add3A_47, %broadcast_in_dim3A_143], %mul3A_145 : memref<80x64xf32, #tpu.memory_space<vmem>>[vector<16xi32>, vector<16xi32>], vector<16xf32>,
        %broadcast_in_dim3A_146 = arith.constant 19 : i32
        %broadcast_in_dim3A_147 = vector.broadcast %broadcast_in_dim3A_146 : i32 to vector<16xi32>
        %gather3A_148 = tpu.vector_load_idx %arg17[%add3A_47, %broadcast_in_dim3A_147] : memref<80x64xf32, #tpu.memory_space<vmem>>[vector<16xi32>, vector<16xi32>], vector<16xf32>,
        %mul3A_149 = arith.mulf %gather3A_148, %div3A : vector<16xf32>
        tpu.vector_store_idx %arg18[%add3A_47, %broadcast_in_dim3A_147], %mul3A_149 : memref<80x64xf32, #tpu.memory_space<vmem>>[vector<16xi32>, vector<16xi32>], vector<16xf32>,
        %broadcast_in_dim3A_150 = arith.constant 20 : i32
        %broadcast_in_dim3A_151 = vector.broadcast %broadcast_in_dim3A_150 : i32 to vector<16xi32>
        %gather3A_152 = tpu.vector_load_idx %arg17[%add3A_47, %broadcast_in_dim3A_151] : memref<80x64xf32, #tpu.memory_space<vmem>>[vector<16xi32>, vector<16xi32>], vector<16xf32>,
        %mul3A_153 = arith.mulf %gather3A_152, %div3A : vector<16xf32>
        tpu.vector_store_idx %arg18[%add3A_47, %broadcast_in_dim3A_151], %mul3A_153 : memref<80x64xf32, #tpu.memory_space<vmem>>[vector<16xi32>, vector<16xi32>], vector<16xf32>,
        %broadcast_in_dim3A_154 = arith.constant 21 : i32
        %broadcast_in_dim3A_155 = vector.broadcast %broadcast_in_dim3A_154 : i32 to vector<16xi32>
        %gather3A_156 = tpu.vector_load_idx %arg17[%add3A_47, %broadcast_in_dim3A_155] : memref<80x64xf32, #tpu.memory_space<vmem>>[vector<16xi32>, vector<16xi32>], vector<16xf32>,
        %mul3A_157 = arith.mulf %gather3A_156, %div3A : vector<16xf32>
        tpu.vector_store_idx %arg18[%add3A_47, %broadcast_in_dim3A_155], %mul3A_157 : memref<80x64xf32, #tpu.memory_space<vmem>>[vector<16xi32>, vector<16xi32>], vector<16xf32>,
        %broadcast_in_dim3A_158 = arith.constant 22 : i32
        %broadcast_in_dim3A_159 = vector.broadcast %broadcast_in_dim3A_158 : i32 to vector<16xi32>
        %gather3A_160 = tpu.vector_load_idx %arg17[%add3A_47, %broadcast_in_dim3A_159] : memref<80x64xf32, #tpu.memory_space<vmem>>[vector<16xi32>, vector<16xi32>], vector<16xf32>,
        %mul3A_161 = arith.mulf %gather3A_160, %div3A : vector<16xf32>
        tpu.vector_store_idx %arg18[%add3A_47, %broadcast_in_dim3A_159], %mul3A_161 : memref<80x64xf32, #tpu.memory_space<vmem>>[vector<16xi32>, vector<16xi32>], vector<16xf32>,
        %broadcast_in_dim3A_162 = arith.constant 23 : i32
        %broadcast_in_dim3A_163 = vector.broadcast %broadcast_in_dim3A_162 : i32 to vector<16xi32>
        %gather3A_164 = tpu.vector_load_idx %arg17[%add3A_47, %broadcast_in_dim3A_163] : memref<80x64xf32, #tpu.memory_space<vmem>>[vector<16xi32>, vector<16xi32>], vector<16xf32>,
        %mul3A_165 = arith.mulf %gather3A_164, %div3A : vector<16xf32>
        tpu.vector_store_idx %arg18[%add3A_47, %broadcast_in_dim3A_163], %mul3A_165 : memref<80x64xf32, #tpu.memory_space<vmem>>[vector<16xi32>, vector<16xi32>], vector<16xf32>,
        %broadcast_in_dim3A_166 = arith.constant 24 : i32
        %broadcast_in_dim3A_167 = vector.broadcast %broadcast_in_dim3A_166 : i32 to vector<16xi32>
        %gather3A_168 = tpu.vector_load_idx %arg17[%add3A_47, %broadcast_in_dim3A_167] : memref<80x64xf32, #tpu.memory_space<vmem>>[vector<16xi32>, vector<16xi32>], vector<16xf32>,
        %mul3A_169 = arith.mulf %gather3A_168, %div3A : vector<16xf32>
        tpu.vector_store_idx %arg18[%add3A_47, %broadcast_in_dim3A_167], %mul3A_169 : memref<80x64xf32, #tpu.memory_space<vmem>>[vector<16xi32>, vector<16xi32>], vector<16xf32>,
        %broadcast_in_dim3A_170 = arith.constant 25 : i32
        %broadcast_in_dim3A_171 = vector.broadcast %broadcast_in_dim3A_170 : i32 to vector<16xi32>
        %gather3A_172 = tpu.vector_load_idx %arg17[%add3A_47, %broadcast_in_dim3A_171] : memref<80x64xf32, #tpu.memory_space<vmem>>[vector<16xi32>, vector<16xi32>], vector<16xf32>,
        %mul3A_173 = arith.mulf %gather3A_172, %div3A : vector<16xf32>
        tpu.vector_store_idx %arg18[%add3A_47, %broadcast_in_dim3A_171], %mul3A_173 : memref<80x64xf32, #tpu.memory_space<vmem>>[vector<16xi32>, vector<16xi32>], vector<16xf32>,
        %broadcast_in_dim3A_174 = arith.constant 26 : i32
        %broadcast_in_dim3A_175 = vector.broadcast %broadcast_in_dim3A_174 : i32 to vector<16xi32>
        %gather3A_176 = tpu.vector_load_idx %arg17[%add3A_47, %broadcast_in_dim3A_175] : memref<80x64xf32, #tpu.memory_space<vmem>>[vector<16xi32>, vector<16xi32>], vector<16xf32>,
        %mul3A_177 = arith.mulf %gather3A_176, %div3A : vector<16xf32>
        tpu.vector_store_idx %arg18[%add3A_47, %broadcast_in_dim3A_175], %mul3A_177 : memref<80x64xf32, #tpu.memory_space<vmem>>[vector<16xi32>, vector<16xi32>], vector<16xf32>,
        %broadcast_in_dim3A_178 = arith.constant 27 : i32
        %broadcast_in_dim3A_179 = vector.broadcast %broadcast_in_dim3A_178 : i32 to vector<16xi32>
        %gather3A_180 = tpu.vector_load_idx %arg17[%add3A_47, %broadcast_in_dim3A_179] : memref<80x64xf32, #tpu.memory_space<vmem>>[vector<16xi32>, vector<16xi32>], vector<16xf32>,
        %mul3A_181 = arith.mulf %gather3A_180, %div3A : vector<16xf32>
        tpu.vector_store_idx %arg18[%add3A_47, %broadcast_in_dim3A_179], %mul3A_181 : memref<80x64xf32, #tpu.memory_space<vmem>>[vector<16xi32>, vector<16xi32>], vector<16xf32>,
        %broadcast_in_dim3A_182 = arith.constant 28 : i32
        %broadcast_in_dim3A_183 = vector.broadcast %broadcast_in_dim3A_182 : i32 to vector<16xi32>
        %gather3A_184 = tpu.vector_load_idx %arg17[%add3A_47, %broadcast_in_dim3A_183] : memref<80x64xf32, #tpu.memory_space<vmem>>[vector<16xi32>, vector<16xi32>], vector<16xf32>,
        %mul3A_185 = arith.mulf %gather3A_184, %div3A : vector<16xf32>
        tpu.vector_store_idx %arg18[%add3A_47, %broadcast_in_dim3A_183], %mul3A_185 : memref<80x64xf32, #tpu.memory_space<vmem>>[vector<16xi32>, vector<16xi32>], vector<16xf32>,
        %broadcast_in_dim3A_186 = arith.constant 29 : i32
        %broadcast_in_dim3A_187 = vector.broadcast %broadcast_in_dim3A_186 : i32 to vector<16xi32>
        %gather3A_188 = tpu.vector_load_idx %arg17[%add3A_47, %broadcast_in_dim3A_187] : memref<80x64xf32, #tpu.memory_space<vmem>>[vector<16xi32>, vector<16xi32>], vector<16xf32>,
        %mul3A_189 = arith.mulf %gather3A_188, %div3A : vector<16xf32>
        tpu.vector_store_idx %arg18[%add3A_47, %broadcast_in_dim3A_187], %mul3A_189 : memref<80x64xf32, #tpu.memory_space<vmem>>[vector<16xi32>, vector<16xi32>], vector<16xf32>,
        %broadcast_in_dim3A_190 = arith.constant 30 : i32
        %broadcast_in_dim3A_191 = vector.broadcast %broadcast_in_dim3A_190 : i32 to vector<16xi32>
        %gather3A_192 = tpu.vector_load_idx %arg17[%add3A_47, %broadcast_in_dim3A_191] : memref<80x64xf32, #tpu.memory_space<vmem>>[vector<16xi32>, vector<16xi32>], vector<16xf32>,
        %mul3A_193 = arith.mulf %gather3A_192, %div3A : vector<16xf32>
        tpu.vector_store_idx %arg18[%add3A_47, %broadcast_in_dim3A_191], %mul3A_193 : memref<80x64xf32, #tpu.memory_space<vmem>>[vector<16xi32>, vector<16xi32>], vector<16xf32>,
        %broadcast_in_dim3A_194 = arith.constant 31 : i32
        %broadcast_in_dim3A_195 = vector.broadcast %broadcast_in_dim3A_194 : i32 to vector<16xi32>
        %gather3A_196 = tpu.vector_load_idx %arg17[%add3A_47, %broadcast_in_dim3A_195] : memref<80x64xf32, #tpu.memory_space<vmem>>[vector<16xi32>, vector<16xi32>], vector<16xf32>,
        %mul3A_197 = arith.mulf %gather3A_196, %div3A : vector<16xf32>
        tpu.vector_store_idx %arg18[%add3A_47, %broadcast_in_dim3A_195], %mul3A_197 : memref<80x64xf32, #tpu.memory_space<vmem>>[vector<16xi32>, vector<16xi32>], vector<16xf32>,
        %broadcast_in_dim3A_198 = arith.constant 32 : i32
        %broadcast_in_dim3A_199 = vector.broadcast %broadcast_in_dim3A_198 : i32 to vector<16xi32>
        %gather3A_200 = tpu.vector_load_idx %arg17[%add3A_47, %broadcast_in_dim3A_199] : memref<80x64xf32, #tpu.memory_space<vmem>>[vector<16xi32>, vector<16xi32>], vector<16xf32>,
        %mul3A_201 = arith.mulf %gather3A_200, %div3A_69 : vector<16xf32>
        tpu.vector_store_idx %arg18[%add3A_47, %broadcast_in_dim3A_199], %mul3A_201 : memref<80x64xf32, #tpu.memory_space<vmem>>[vector<16xi32>, vector<16xi32>], vector<16xf32>,
        %broadcast_in_dim3A_202 = arith.constant 33 : i32
        %broadcast_in_dim3A_203 = vector.broadcast %broadcast_in_dim3A_202 : i32 to vector<16xi32>
        %gather3A_204 = tpu.vector_load_idx %arg17[%add3A_47, %broadcast_in_dim3A_203] : memref<80x64xf32, #tpu.memory_space<vmem>>[vector<16xi32>, vector<16xi32>], vector<16xf32>,
        %mul3A_205 = arith.mulf %gather3A_204, %div3A_69 : vector<16xf32>
        tpu.vector_store_idx %arg18[%add3A_47, %broadcast_in_dim3A_203], %mul3A_205 : memref<80x64xf32, #tpu.memory_space<vmem>>[vector<16xi32>, vector<16xi32>], vector<16xf32>,
        %broadcast_in_dim3A_206 = arith.constant 34 : i32
        %broadcast_in_dim3A_207 = vector.broadcast %broadcast_in_dim3A_206 : i32 to vector<16xi32>
        %gather3A_208 = tpu.vector_load_idx %arg17[%add3A_47, %broadcast_in_dim3A_207] : memref<80x64xf32, #tpu.memory_space<vmem>>[vector<16xi32>, vector<16xi32>], vector<16xf32>,
        %mul3A_209 = arith.mulf %gather3A_208, %div3A_69 : vector<16xf32>
        tpu.vector_store_idx %arg18[%add3A_47, %broadcast_in_dim3A_207], %mul3A_209 : memref<80x64xf32, #tpu.memory_space<vmem>>[vector<16xi32>, vector<16xi32>], vector<16xf32>,
        %broadcast_in_dim3A_210 = arith.constant 35 : i32
        %broadcast_in_dim3A_211 = vector.broadcast %broadcast_in_dim3A_210 : i32 to vector<16xi32>
        %gather3A_212 = tpu.vector_load_idx %arg17[%add3A_47, %broadcast_in_dim3A_211] : memref<80x64xf32, #tpu.memory_space<vmem>>[vector<16xi32>, vector<16xi32>], vector<16xf32>,
        %mul3A_213 = arith.mulf %gather3A_212, %div3A_69 : vector<16xf32>
        tpu.vector_store_idx %arg18[%add3A_47, %broadcast_in_dim3A_211], %mul3A_213 : memref<80x64xf32, #tpu.memory_space<vmem>>[vector<16xi32>, vector<16xi32>], vector<16xf32>,
        %broadcast_in_dim3A_214 = arith.constant 36 : i32
        %broadcast_in_dim3A_215 = vector.broadcast %broadcast_in_dim3A_214 : i32 to vector<16xi32>
        %gather3A_216 = tpu.vector_load_idx %arg17[%add3A_47, %broadcast_in_dim3A_215] : memref<80x64xf32, #tpu.memory_space<vmem>>[vector<16xi32>, vector<16xi32>], vector<16xf32>,
        %mul3A_217 = arith.mulf %gather3A_216, %div3A_69 : vector<16xf32>
        tpu.vector_store_idx %arg18[%add3A_47, %broadcast_in_dim3A_215], %mul3A_217 : memref<80x64xf32, #tpu.memory_space<vmem>>[vector<16xi32>, vector<16xi32>], vector<16xf32>,
        %broadcast_in_dim3A_218 = arith.constant 37 : i32
        %broadcast_in_dim3A_219 = vector.broadcast %broadcast_in_dim3A_218 : i32 to vector<16xi32>
        %gather3A_220 = tpu.vector_load_idx %arg17[%add3A_47, %broadcast_in_dim3A_219] : memref<80x64xf32, #tpu.memory_space<vmem>>[vector<16xi32>, vector<16xi32>], vector<16xf32>,
        %mul3A_221 = arith.mulf %gather3A_220, %div3A_69 : vector<16xf32>
        tpu.vector_store_idx %arg18[%add3A_47, %broadcast_in_dim3A_219], %mul3A_221 : memref<80x64xf32, #tpu.memory_space<vmem>>[vector<16xi32>, vector<16xi32>], vector<16xf32>,
        %broadcast_in_dim3A_222 = arith.constant 38 : i32
        %broadcast_in_dim3A_223 = vector.broadcast %broadcast_in_dim3A_222 : i32 to vector<16xi32>
        %gather3A_224 = tpu.vector_load_idx %arg17[%add3A_47, %broadcast_in_dim3A_223] : memref<80x64xf32, #tpu.memory_space<vmem>>[vector<16xi32>, vector<16xi32>], vector<16xf32>,
        %mul3A_225 = arith.mulf %gather3A_224, %div3A_69 : vector<16xf32>
        tpu.vector_store_idx %arg18[%add3A_47, %broadcast_in_dim3A_223], %mul3A_225 : memref<80x64xf32, #tpu.memory_space<vmem>>[vector<16xi32>, vector<16xi32>], vector<16xf32>,
        %broadcast_in_dim3A_226 = arith.constant 39 : i32
        %broadcast_in_dim3A_227 = vector.broadcast %broadcast_in_dim3A_226 : i32 to vector<16xi32>
        %gather3A_228 = tpu.vector_load_idx %arg17[%add3A_47, %broadcast_in_dim3A_227] : memref<80x64xf32, #tpu.memory_space<vmem>>[vector<16xi32>, vector<16xi32>], vector<16xf32>,
        %mul3A_229 = arith.mulf %gather3A_228, %div3A_69 : vector<16xf32>
        tpu.vector_store_idx %arg18[%add3A_47, %broadcast_in_dim3A_227], %mul3A_229 : memref<80x64xf32, #tpu.memory_space<vmem>>[vector<16xi32>, vector<16xi32>], vector<16xf32>,
        %broadcast_in_dim3A_230 = arith.constant 40 : i32
        %broadcast_in_dim3A_231 = vector.broadcast %broadcast_in_dim3A_230 : i32 to vector<16xi32>
        %gather3A_232 = tpu.vector_load_idx %arg17[%add3A_47, %broadcast_in_dim3A_231] : memref<80x64xf32, #tpu.memory_space<vmem>>[vector<16xi32>, vector<16xi32>], vector<16xf32>,
        %mul3A_233 = arith.mulf %gather3A_232, %div3A_69 : vector<16xf32>
        tpu.vector_store_idx %arg18[%add3A_47, %broadcast_in_dim3A_231], %mul3A_233 : memref<80x64xf32, #tpu.memory_space<vmem>>[vector<16xi32>, vector<16xi32>], vector<16xf32>,
        %broadcast_in_dim3A_234 = arith.constant 41 : i32
        %broadcast_in_dim3A_235 = vector.broadcast %broadcast_in_dim3A_234 : i32 to vector<16xi32>
        %gather3A_236 = tpu.vector_load_idx %arg17[%add3A_47, %broadcast_in_dim3A_235] : memref<80x64xf32, #tpu.memory_space<vmem>>[vector<16xi32>, vector<16xi32>], vector<16xf32>,
        %mul3A_237 = arith.mulf %gather3A_236, %div3A_69 : vector<16xf32>
        tpu.vector_store_idx %arg18[%add3A_47, %broadcast_in_dim3A_235], %mul3A_237 : memref<80x64xf32, #tpu.memory_space<vmem>>[vector<16xi32>, vector<16xi32>], vector<16xf32>,
        %broadcast_in_dim3A_238 = arith.constant 42 : i32
        %broadcast_in_dim3A_239 = vector.broadcast %broadcast_in_dim3A_238 : i32 to vector<16xi32>
        %gather3A_240 = tpu.vector_load_idx %arg17[%add3A_47, %broadcast_in_dim3A_239] : memref<80x64xf32, #tpu.memory_space<vmem>>[vector<16xi32>, vector<16xi32>], vector<16xf32>,
        %mul3A_241 = arith.mulf %gather3A_240, %div3A_69 : vector<16xf32>
        tpu.vector_store_idx %arg18[%add3A_47, %broadcast_in_dim3A_239], %mul3A_241 : memref<80x64xf32, #tpu.memory_space<vmem>>[vector<16xi32>, vector<16xi32>], vector<16xf32>,
        %broadcast_in_dim3A_242 = arith.constant 43 : i32
        %broadcast_in_dim3A_243 = vector.broadcast %broadcast_in_dim3A_242 : i32 to vector<16xi32>
        %gather3A_244 = tpu.vector_load_idx %arg17[%add3A_47, %broadcast_in_dim3A_243] : memref<80x64xf32, #tpu.memory_space<vmem>>[vector<16xi32>, vector<16xi32>], vector<16xf32>,
        %mul3A_245 = arith.mulf %gather3A_244, %div3A_69 : vector<16xf32>
        tpu.vector_store_idx %arg18[%add3A_47, %broadcast_in_dim3A_243], %mul3A_245 : memref<80x64xf32, #tpu.memory_space<vmem>>[vector<16xi32>, vector<16xi32>], vector<16xf32>,
        %broadcast_in_dim3A_246 = arith.constant 44 : i32
        %broadcast_in_dim3A_247 = vector.broadcast %broadcast_in_dim3A_246 : i32 to vector<16xi32>
        %gather3A_248 = tpu.vector_load_idx %arg17[%add3A_47, %broadcast_in_dim3A_247] : memref<80x64xf32, #tpu.memory_space<vmem>>[vector<16xi32>, vector<16xi32>], vector<16xf32>,
        %mul3A_249 = arith.mulf %gather3A_248, %div3A_69 : vector<16xf32>
        tpu.vector_store_idx %arg18[%add3A_47, %broadcast_in_dim3A_247], %mul3A_249 : memref<80x64xf32, #tpu.memory_space<vmem>>[vector<16xi32>, vector<16xi32>], vector<16xf32>,
        %broadcast_in_dim3A_250 = arith.constant 45 : i32
        %broadcast_in_dim3A_251 = vector.broadcast %broadcast_in_dim3A_250 : i32 to vector<16xi32>
        %gather3A_252 = tpu.vector_load_idx %arg17[%add3A_47, %broadcast_in_dim3A_251] : memref<80x64xf32, #tpu.memory_space<vmem>>[vector<16xi32>, vector<16xi32>], vector<16xf32>,
        %mul3A_253 = arith.mulf %gather3A_252, %div3A_69 : vector<16xf32>
        tpu.vector_store_idx %arg18[%add3A_47, %broadcast_in_dim3A_251], %mul3A_253 : memref<80x64xf32, #tpu.memory_space<vmem>>[vector<16xi32>, vector<16xi32>], vector<16xf32>,
        %broadcast_in_dim3A_254 = arith.constant 46 : i32
        %broadcast_in_dim3A_255 = vector.broadcast %broadcast_in_dim3A_254 : i32 to vector<16xi32>
        %gather3A_256 = tpu.vector_load_idx %arg17[%add3A_47, %broadcast_in_dim3A_255] : memref<80x64xf32, #tpu.memory_space<vmem>>[vector<16xi32>, vector<16xi32>], vector<16xf32>,
        %mul3A_257 = arith.mulf %gather3A_256, %div3A_69 : vector<16xf32>
        tpu.vector_store_idx %arg18[%add3A_47, %broadcast_in_dim3A_255], %mul3A_257 : memref<80x64xf32, #tpu.memory_space<vmem>>[vector<16xi32>, vector<16xi32>], vector<16xf32>,
        %broadcast_in_dim3A_258 = arith.constant 47 : i32
        %broadcast_in_dim3A_259 = vector.broadcast %broadcast_in_dim3A_258 : i32 to vector<16xi32>
        %gather3A_260 = tpu.vector_load_idx %arg17[%add3A_47, %broadcast_in_dim3A_259] : memref<80x64xf32, #tpu.memory_space<vmem>>[vector<16xi32>, vector<16xi32>], vector<16xf32>,
        %mul3A_261 = arith.mulf %gather3A_260, %div3A_69 : vector<16xf32>
        tpu.vector_store_idx %arg18[%add3A_47, %broadcast_in_dim3A_259], %mul3A_261 : memref<80x64xf32, #tpu.memory_space<vmem>>[vector<16xi32>, vector<16xi32>], vector<16xf32>,
        %broadcast_in_dim3A_262 = arith.constant 48 : i32
        %broadcast_in_dim3A_263 = vector.broadcast %broadcast_in_dim3A_262 : i32 to vector<16xi32>
        %gather3A_264 = tpu.vector_load_idx %arg17[%add3A_47, %broadcast_in_dim3A_263] : memref<80x64xf32, #tpu.memory_space<vmem>>[vector<16xi32>, vector<16xi32>], vector<16xf32>,
        %mul3A_265 = arith.mulf %gather3A_264, %div3A_69 : vector<16xf32>
        tpu.vector_store_idx %arg18[%add3A_47, %broadcast_in_dim3A_263], %mul3A_265 : memref<80x64xf32, #tpu.memory_space<vmem>>[vector<16xi32>, vector<16xi32>], vector<16xf32>,
        %broadcast_in_dim3A_266 = arith.constant 49 : i32
        %broadcast_in_dim3A_267 = vector.broadcast %broadcast_in_dim3A_266 : i32 to vector<16xi32>
        %gather3A_268 = tpu.vector_load_idx %arg17[%add3A_47, %broadcast_in_dim3A_267] : memref<80x64xf32, #tpu.memory_space<vmem>>[vector<16xi32>, vector<16xi32>], vector<16xf32>,
        %mul3A_269 = arith.mulf %gather3A_268, %div3A_69 : vector<16xf32>
        tpu.vector_store_idx %arg18[%add3A_47, %broadcast_in_dim3A_267], %mul3A_269 : memref<80x64xf32, #tpu.memory_space<vmem>>[vector<16xi32>, vector<16xi32>], vector<16xf32>,
        %broadcast_in_dim3A_270 = arith.constant 50 : i32
        %broadcast_in_dim3A_271 = vector.broadcast %broadcast_in_dim3A_270 : i32 to vector<16xi32>
        %gather3A_272 = tpu.vector_load_idx %arg17[%add3A_47, %broadcast_in_dim3A_271] : memref<80x64xf32, #tpu.memory_space<vmem>>[vector<16xi32>, vector<16xi32>], vector<16xf32>,
        %mul3A_273 = arith.mulf %gather3A_272, %div3A_69 : vector<16xf32>
        tpu.vector_store_idx %arg18[%add3A_47, %broadcast_in_dim3A_271], %mul3A_273 : memref<80x64xf32, #tpu.memory_space<vmem>>[vector<16xi32>, vector<16xi32>], vector<16xf32>,
        %broadcast_in_dim3A_274 = arith.constant 51 : i32
        %broadcast_in_dim3A_275 = vector.broadcast %broadcast_in_dim3A_274 : i32 to vector<16xi32>
        %gather3A_276 = tpu.vector_load_idx %arg17[%add3A_47, %broadcast_in_dim3A_275] : memref<80x64xf32, #tpu.memory_space<vmem>>[vector<16xi32>, vector<16xi32>], vector<16xf32>,
        %mul3A_277 = arith.mulf %gather3A_276, %div3A_69 : vector<16xf32>
        tpu.vector_store_idx %arg18[%add3A_47, %broadcast_in_dim3A_275], %mul3A_277 : memref<80x64xf32, #tpu.memory_space<vmem>>[vector<16xi32>, vector<16xi32>], vector<16xf32>,
        %broadcast_in_dim3A_278 = arith.constant 52 : i32
        %broadcast_in_dim3A_279 = vector.broadcast %broadcast_in_dim3A_278 : i32 to vector<16xi32>
        %gather3A_280 = tpu.vector_load_idx %arg17[%add3A_47, %broadcast_in_dim3A_279] : memref<80x64xf32, #tpu.memory_space<vmem>>[vector<16xi32>, vector<16xi32>], vector<16xf32>,
        %mul3A_281 = arith.mulf %gather3A_280, %div3A_69 : vector<16xf32>
        tpu.vector_store_idx %arg18[%add3A_47, %broadcast_in_dim3A_279], %mul3A_281 : memref<80x64xf32, #tpu.memory_space<vmem>>[vector<16xi32>, vector<16xi32>], vector<16xf32>,
        %broadcast_in_dim3A_282 = arith.constant 53 : i32
        %broadcast_in_dim3A_283 = vector.broadcast %broadcast_in_dim3A_282 : i32 to vector<16xi32>
        %gather3A_284 = tpu.vector_load_idx %arg17[%add3A_47, %broadcast_in_dim3A_283] : memref<80x64xf32, #tpu.memory_space<vmem>>[vector<16xi32>, vector<16xi32>], vector<16xf32>,
        %mul3A_285 = arith.mulf %gather3A_284, %div3A_69 : vector<16xf32>
        tpu.vector_store_idx %arg18[%add3A_47, %broadcast_in_dim3A_283], %mul3A_285 : memref<80x64xf32, #tpu.memory_space<vmem>>[vector<16xi32>, vector<16xi32>], vector<16xf32>,
        %broadcast_in_dim3A_286 = arith.constant 54 : i32
        %broadcast_in_dim3A_287 = vector.broadcast %broadcast_in_dim3A_286 : i32 to vector<16xi32>
        %gather3A_288 = tpu.vector_load_idx %arg17[%add3A_47, %broadcast_in_dim3A_287] : memref<80x64xf32, #tpu.memory_space<vmem>>[vector<16xi32>, vector<16xi32>], vector<16xf32>,
        %mul3A_289 = arith.mulf %gather3A_288, %div3A_69 : vector<16xf32>
        tpu.vector_store_idx %arg18[%add3A_47, %broadcast_in_dim3A_287], %mul3A_289 : memref<80x64xf32, #tpu.memory_space<vmem>>[vector<16xi32>, vector<16xi32>], vector<16xf32>,
        %broadcast_in_dim3A_290 = arith.constant 55 : i32
        %broadcast_in_dim3A_291 = vector.broadcast %broadcast_in_dim3A_290 : i32 to vector<16xi32>
        %gather3A_292 = tpu.vector_load_idx %arg17[%add3A_47, %broadcast_in_dim3A_291] : memref<80x64xf32, #tpu.memory_space<vmem>>[vector<16xi32>, vector<16xi32>], vector<16xf32>,
        %mul3A_293 = arith.mulf %gather3A_292, %div3A_69 : vector<16xf32>
        tpu.vector_store_idx %arg18[%add3A_47, %broadcast_in_dim3A_291], %mul3A_293 : memref<80x64xf32, #tpu.memory_space<vmem>>[vector<16xi32>, vector<16xi32>], vector<16xf32>,
        %broadcast_in_dim3A_294 = arith.constant 56 : i32
        %broadcast_in_dim3A_295 = vector.broadcast %broadcast_in_dim3A_294 : i32 to vector<16xi32>
        %gather3A_296 = tpu.vector_load_idx %arg17[%add3A_47, %broadcast_in_dim3A_295] : memref<80x64xf32, #tpu.memory_space<vmem>>[vector<16xi32>, vector<16xi32>], vector<16xf32>,
        %mul3A_297 = arith.mulf %gather3A_296, %div3A_69 : vector<16xf32>
        tpu.vector_store_idx %arg18[%add3A_47, %broadcast_in_dim3A_295], %mul3A_297 : memref<80x64xf32, #tpu.memory_space<vmem>>[vector<16xi32>, vector<16xi32>], vector<16xf32>,
        %broadcast_in_dim3A_298 = arith.constant 57 : i32
        %broadcast_in_dim3A_299 = vector.broadcast %broadcast_in_dim3A_298 : i32 to vector<16xi32>
        %gather3A_300 = tpu.vector_load_idx %arg17[%add3A_47, %broadcast_in_dim3A_299] : memref<80x64xf32, #tpu.memory_space<vmem>>[vector<16xi32>, vector<16xi32>], vector<16xf32>,
        %mul3A_301 = arith.mulf %gather3A_300, %div3A_69 : vector<16xf32>
        tpu.vector_store_idx %arg18[%add3A_47, %broadcast_in_dim3A_299], %mul3A_301 : memref<80x64xf32, #tpu.memory_space<vmem>>[vector<16xi32>, vector<16xi32>], vector<16xf32>,
        %broadcast_in_dim3A_302 = arith.constant 58 : i32
        %broadcast_in_dim3A_303 = vector.broadcast %broadcast_in_dim3A_302 : i32 to vector<16xi32>
        %gather3A_304 = tpu.vector_load_idx %arg17[%add3A_47, %broadcast_in_dim3A_303] : memref<80x64xf32, #tpu.memory_space<vmem>>[vector<16xi32>, vector<16xi32>], vector<16xf32>,
        %mul3A_305 = arith.mulf %gather3A_304, %div3A_69 : vector<16xf32>
        tpu.vector_store_idx %arg18[%add3A_47, %broadcast_in_dim3A_303], %mul3A_305 : memref<80x64xf32, #tpu.memory_space<vmem>>[vector<16xi32>, vector<16xi32>], vector<16xf32>,
        %broadcast_in_dim3A_306 = arith.constant 59 : i32
        %broadcast_in_dim3A_307 = vector.broadcast %broadcast_in_dim3A_306 : i32 to vector<16xi32>
        %gather3A_308 = tpu.vector_load_idx %arg17[%add3A_47, %broadcast_in_dim3A_307] : memref<80x64xf32, #tpu.memory_space<vmem>>[vector<16xi32>, vector<16xi32>], vector<16xf32>,
        %mul3A_309 = arith.mulf %gather3A_308, %div3A_69 : vector<16xf32>
        tpu.vector_store_idx %arg18[%add3A_47, %broadcast_in_dim3A_307], %mul3A_309 : memref<80x64xf32, #tpu.memory_space<vmem>>[vector<16xi32>, vector<16xi32>], vector<16xf32>,
        %broadcast_in_dim3A_310 = arith.constant 60 : i32
        %broadcast_in_dim3A_311 = vector.broadcast %broadcast_in_dim3A_310 : i32 to vector<16xi32>
        %gather3A_312 = tpu.vector_load_idx %arg17[%add3A_47, %broadcast_in_dim3A_311] : memref<80x64xf32, #tpu.memory_space<vmem>>[vector<16xi32>, vector<16xi32>], vector<16xf32>,
        %mul3A_313 = arith.mulf %gather3A_312, %div3A_69 : vector<16xf32>
        tpu.vector_store_idx %arg18[%add3A_47, %broadcast_in_dim3A_311], %mul3A_313 : memref<80x64xf32, #tpu.memory_space<vmem>>[vector<16xi32>, vector<16xi32>], vector<16xf32>,
        %broadcast_in_dim3A_314 = arith.constant 61 : i32
        %broadcast_in_dim3A_315 = vector.broadcast %broadcast_in_dim3A_314 : i32 to vector<16xi32>
        %gather3A_316 = tpu.vector_load_idx %arg17[%add3A_47, %broadcast_in_dim3A_315] : memref<80x64xf32, #tpu.memory_space<vmem>>[vector<16xi32>, vector<16xi32>], vector<16xf32>,
        %mul3A_317 = arith.mulf %gather3A_316, %div3A_69 : vector<16xf32>
        tpu.vector_store_idx %arg18[%add3A_47, %broadcast_in_dim3A_315], %mul3A_317 : memref<80x64xf32, #tpu.memory_space<vmem>>[vector<16xi32>, vector<16xi32>], vector<16xf32>,
        %broadcast_in_dim3A_318 = arith.constant 62 : i32
        %broadcast_in_dim3A_319 = vector.broadcast %broadcast_in_dim3A_318 : i32 to vector<16xi32>
        %gather3A_320 = tpu.vector_load_idx %arg17[%add3A_47, %broadcast_in_dim3A_319] : memref<80x64xf32, #tpu.memory_space<vmem>>[vector<16xi32>, vector<16xi32>], vector<16xf32>,
        %mul3A_321 = arith.mulf %gather3A_320, %div3A_69 : vector<16xf32>
        tpu.vector_store_idx %arg18[%add3A_47, %broadcast_in_dim3A_319], %mul3A_321 : memref<80x64xf32, #tpu.memory_space<vmem>>[vector<16xi32>, vector<16xi32>], vector<16xf32>,
        %broadcast_in_dim3A_322 = arith.constant 63 : i32
        %broadcast_in_dim3A_323 = vector.broadcast %broadcast_in_dim3A_322 : i32 to vector<16xi32>
        %gather3A_324 = tpu.vector_load_idx %arg17[%add3A_47, %broadcast_in_dim3A_323] : memref<80x64xf32, #tpu.memory_space<vmem>>[vector<16xi32>, vector<16xi32>], vector<16xf32>,
        %mul3A_325 = arith.mulf %gather3A_324, %div3A_69 : vector<16xf32>
        tpu.vector_store_idx %arg18[%add3A_47, %broadcast_in_dim3A_323], %mul3A_325 : memref<80x64xf32, #tpu.memory_space<vmem>>[vector<16xi32>, vector<16xi32>], vector<16xf32>,
      }
      %scan3A_42 = arith.constant 5 : i32
      "tpu.region"() ({
        %run_scoped3A = tpu.sem_alloc : memref<!tpu.dma_semaphore, #tpu.memory_space<semaphore_mem>>
        %dma_start3A_43 = arith.constant 0 : i32
        %dma_start3A_44 = arith.constant 0 : i32
        %dma_start3A_45 = tpu.memref_slice %arg20[%dma_start3A_43, %dma_start3A_44] : memref<10112x64xf32, #tpu.memory_space<vmem_shared>> -> memref<10112x64xf32, #tpu.memory_space<vmem_shared>>
        tpu.enqueue_indirect_dma source(%arg18 : memref<80x64xf32, #tpu.memory_space<vmem>>) target(%dma_start3A_45 : memref<10112x64xf32, #tpu.memory_space<vmem_shared>>) offsets(%arg12 : memref<80xi32, #tpu.memory_space<vmem>>) semaphore(%run_scoped3A : memref<!tpu.dma_semaphore, #tpu.memory_space<semaphore_mem>>) {add = true}
        %dma_wait3A_46 = arith.constant 0 : i32
        %dma_wait3A_47 = arith.constant 0 : i32
        %dma_wait3A_48 = tpu.memref_slice %arg20[%dma_wait3A_46, %dma_wait3A_47] : memref<10112x64xf32, #tpu.memory_space<vmem_shared>> -> memref<10112x64xf32, #tpu.memory_space<vmem_shared>>
        tpu.wait_indirect_dma semaphore(%run_scoped3A : memref<!tpu.dma_semaphore, #tpu.memory_space<semaphore_mem>>) src(%arg18 : memref<80x64xf32, #tpu.memory_space<vmem>>) dst(%dma_wait3A_48 : memref<10112x64xf32, #tpu.memory_space<vmem_shared>>)
        tpu.yield
      }) : () -> ()
    }
    %scan3A_11 = arith.constant 125 : i32
    %barrier3A_12 = arith.constant 0 : index
    tpu.barrier barrier_id(%barrier3A_12)
    %mul3A_13 = arith.constant 632 : i32
    %mul3A_14 = arith.muli %arg1, %mul3A_13 : i32
    "tpu.region"() ({
      %run_scoped3A = tpu.sem_alloc : memref<!tpu.dma_semaphore, #tpu.memory_space<semaphore_mem>>
      %dma_start3A = arith.constant 0 : i32
      %dma_start3A_17 = tpu.memref_slice %arg20[%mul3A_14, %dma_start3A] : memref<10112x64xf32, #tpu.memory_space<vmem_shared>> -> memref<632x64xf32, #tpu.memory_space<vmem_shared>>
      %dma_start3A_18 = arith.constant 0 : i32
      %dma_start3A_19 = tpu.memref_slice %arg20[%mul3A_14, %dma_start3A_18] : memref<10112x64xf32, #tpu.memory_space<vmem_shared>> -> memref<632x64xf32, #tpu.memory_space<vmem_shared>>
      tpu.enqueue_dma source(%dma_start3A_19 : memref<632x64xf32, #tpu.memory_space<vmem_shared>>) target(%arg19 : memref<632x64xf32, #tpu.memory_space<vmem>>) target_semaphore(%run_scoped3A : memref<!tpu.dma_semaphore, #tpu.memory_space<semaphore_mem>>)
      %dma_wait3A = arith.constant 0 : i32
      %dma_wait3A_20 = tpu.memref_slice %arg20[%mul3A_14, %dma_wait3A] : memref<10112x64xf32, #tpu.memory_space<vmem_shared>> -> memref<632x64xf32, #tpu.memory_space<vmem_shared>>
      %dma_wait3A_21 = arith.constant 0 : i32
      %dma_wait3A_22 = tpu.memref_slice %arg20[%mul3A_14, %dma_wait3A_21] : memref<10112x64xf32, #tpu.memory_space<vmem_shared>> -> memref<632x64xf32, #tpu.memory_space<vmem_shared>>
      tpu.wait_dma2 semaphore(%run_scoped3A : memref<!tpu.dma_semaphore, #tpu.memory_space<semaphore_mem>>) src(%dma_wait3A_22 : memref<632x64xf32, #tpu.memory_space<vmem_shared>>) dst(%arg19 : memref<632x64xf32, #tpu.memory_space<vmem>>)
      tpu.yield
    }) : () -> ()
    %mul3A_15 = arith.constant 632 : i32
    %mul3A_16 = arith.muli %arg1, %mul3A_15 : i32
    "tpu.region"() ({
      %run_scoped3A = tpu.sem_alloc : memref<!tpu.dma_semaphore, #tpu.memory_space<semaphore_mem>>
      %dma_start3A = arith.constant 0 : i32
      %dma_start3A_17 = tpu.memref_slice %arg10[%arg0, %mul3A_16, %dma_start3A] : memref<2x10112x64xf32, #tpu.memory_space<hbm>> -> memref<1x632x64xf32, #tpu.memory_space<hbm>>
      %dma_start3A_18 = tpu.memref_squeeze %dma_start3A_17 : memref<1x632x64xf32, #tpu.memory_space<hbm>> -> memref<632x64xf32, #tpu.memory_space<hbm>>
      %dma_start3A_19 = arith.constant 0 : i32
      %dma_start3A_20 = tpu.memref_slice %arg10[%arg0, %mul3A_16, %dma_start3A_19] : memref<2x10112x64xf32, #tpu.memory_space<hbm>> -> memref<1x632x64xf32, #tpu.memory_space<hbm>>
      %dma_start3A_21 = tpu.memref_squeeze %dma_start3A_20 : memref<1x632x64xf32, #tpu.memory_space<hbm>> -> memref<632x64xf32, #tpu.memory_space<hbm>>
      tpu.enqueue_dma source(%arg19 : memref<632x64xf32, #tpu.memory_space<vmem>>) target(%dma_start3A_21 : memref<632x64xf32, #tpu.memory_space<hbm>>) target_semaphore(%run_scoped3A : memref<!tpu.dma_semaphore, #tpu.memory_space<semaphore_mem>>)
      %dma_wait3A = arith.constant 0 : i32
      %dma_wait3A_22 = tpu.memref_slice %arg10[%arg0, %mul3A_16, %dma_wait3A] : memref<2x10112x64xf32, #tpu.memory_space<hbm>> -> memref<1x632x64xf32, #tpu.memory_space<hbm>>
      %dma_wait3A_23 = tpu.memref_squeeze %dma_wait3A_22 : memref<1x632x64xf32, #tpu.memory_space<hbm>> -> memref<632x64xf32, #tpu.memory_space<hbm>>
      %dma_wait3A_24 = arith.constant 0 : i32
      %dma_wait3A_25 = tpu.memref_slice %arg10[%arg0, %mul3A_16, %dma_wait3A_24] : memref<2x10112x64xf32, #tpu.memory_space<hbm>> -> memref<1x632x64xf32, #tpu.memory_space<hbm>>
      %dma_wait3A_26 = tpu.memref_squeeze %dma_wait3A_25 : memref<1x632x64xf32, #tpu.memory_space<hbm>> -> memref<632x64xf32, #tpu.memory_space<hbm>>
      tpu.wait_dma2 semaphore(%run_scoped3A : memref<!tpu.dma_semaphore, #tpu.memory_space<semaphore_mem>>) src(%arg19 : memref<632x64xf32, #tpu.memory_space<vmem>>) dst(%dma_wait3A_26 : memref<632x64xf32, #tpu.memory_space<hbm>>)
      tpu.yield
    }) : () -> ()
    return
  }
}

#map = affine_map<(d0, d1) -> (0, 0)>
#map1 = affine_map<(d0, d1) -> (0)>
#map2 = affine_map<(d0, d1) -> (0, 0, 0)>
module attributes {stable_mosaic.version = 14 : i64} {
  func.func @_pass1_body(%arg0: i32, %arg1: i32, %arg2: memref<10000x64xf32, #tpu.memory_space<hbm>>, %arg3: memref<10000x64xf32, #tpu.memory_space<hbm>>, %arg4: memref<10000x128xf32, #tpu.memory_space<hbm>>, %arg5: memref<320000xi32, #tpu.memory_space<hbm>>, %arg6: memref<320000xi32, #tpu.memory_space<hbm>>, %arg7: memref<128xf32, #tpu.memory_space<hbm>>, %arg8: memref<10112x16xf32, #tpu.memory_space<hbm>>, %arg9: memref<320000x4xf32, #tpu.memory_space<hbm>>, %arg10: memref<2x10112x16xf32, #tpu.memory_space<hbm>>, %arg11: memref<128xf32, #tpu.memory_space<vmem>>, %arg12: memref<80xi32, #tpu.memory_space<vmem>>, %arg13: memref<80xi32, #tpu.memory_space<vmem>>, %arg14: memref<80x64xf32, #tpu.memory_space<vmem>>, %arg15: memref<80x64xf32, #tpu.memory_space<vmem>>, %arg16: memref<80x128xf32, #tpu.memory_space<vmem>>, %arg17: memref<80x16xf32, #tpu.memory_space<vmem>>, %arg18: memref<80x4xf32, #tpu.memory_space<vmem>>, %arg19: memref<632x16xf32, #tpu.memory_space<vmem>>, %arg20: memref<10112x16xf32, #tpu.memory_space<vmem_shared>>, %arg21: memref<!tpu.dma_semaphore, #tpu.memory_space<semaphore_mem>>, %arg22: memref<!tpu.dma_semaphore, #tpu.memory_space<semaphore_mem>>, %arg23: memref<!tpu.dma_semaphore, #tpu.memory_space<semaphore_mem>>) attributes {dimension_semantics = [#tpu.dimension_semantics<core_parallel>, #tpu.dimension_semantics<subcore_parallel>], iteration_bounds = array<i64: 2, 16>, scalar_prefetch = 0 : i64, scratch_operands = 13 : i64, tpu.core_type = #tpu.core_type<sc_vector_subcore>, window_params = [{transform_indices = #map}, {transform_indices = #map}, {transform_indices = #map}, {transform_indices = #map1}, {transform_indices = #map1}, {transform_indices = #map1}, {transform_indices = #map}, {transform_indices = #map}, {transform_indices = #map2}]} {
    %mul3A = arith.constant 16 : i32
    %mul3A_0 = arith.muli %arg0, %mul3A : i32
    %add3A = arith.addi %mul3A_0, %arg1 : i32
    %mul3A_1 = arith.constant 10000 : i32
    %mul3A_2 = arith.muli %add3A, %mul3A_1 : i32
    %mul3A_3 = arith.constant 632 : i32
    %mul3A_4 = arith.muli %arg1, %mul3A_3 : i32
    "tpu.region"() ({
      %run_scoped3A = tpu.sem_alloc : memref<!tpu.dma_semaphore, #tpu.memory_space<semaphore_mem>>
      %dma_start3A = arith.constant 0 : i32
      %dma_start3A_157 = tpu.memref_slice %arg8[%mul3A_4, %dma_start3A] : memref<10112x16xf32, #tpu.memory_space<hbm>> -> memref<632x16xf32, #tpu.memory_space<hbm>>
      %dma_start3A_158 = arith.constant 0 : i32
      %dma_start3A_159 = tpu.memref_slice %arg8[%mul3A_4, %dma_start3A_158] : memref<10112x16xf32, #tpu.memory_space<hbm>> -> memref<632x16xf32, #tpu.memory_space<hbm>>
      tpu.enqueue_dma source(%dma_start3A_159 : memref<632x16xf32, #tpu.memory_space<hbm>>) target(%arg19 : memref<632x16xf32, #tpu.memory_space<vmem>>) target_semaphore(%run_scoped3A : memref<!tpu.dma_semaphore, #tpu.memory_space<semaphore_mem>>)
      %dma_wait3A = arith.constant 0 : i32
      %dma_wait3A_160 = tpu.memref_slice %arg8[%mul3A_4, %dma_wait3A] : memref<10112x16xf32, #tpu.memory_space<hbm>> -> memref<632x16xf32, #tpu.memory_space<hbm>>
      %dma_wait3A_161 = arith.constant 0 : i32
      %dma_wait3A_162 = tpu.memref_slice %arg8[%mul3A_4, %dma_wait3A_161] : memref<10112x16xf32, #tpu.memory_space<hbm>> -> memref<632x16xf32, #tpu.memory_space<hbm>>
      tpu.wait_dma2 semaphore(%run_scoped3A : memref<!tpu.dma_semaphore, #tpu.memory_space<semaphore_mem>>) src(%dma_wait3A_162 : memref<632x16xf32, #tpu.memory_space<hbm>>) dst(%arg19 : memref<632x16xf32, #tpu.memory_space<vmem>>)
      tpu.yield
    }) : () -> ()
    %mul3A_5 = arith.constant 632 : i32
    %mul3A_6 = arith.muli %arg1, %mul3A_5 : i32
    "tpu.region"() ({
      %run_scoped3A = tpu.sem_alloc : memref<!tpu.dma_semaphore, #tpu.memory_space<semaphore_mem>>
      %dma_start3A = arith.constant 0 : i32
      %dma_start3A_157 = tpu.memref_slice %arg20[%mul3A_6, %dma_start3A] : memref<10112x16xf32, #tpu.memory_space<vmem_shared>> -> memref<632x16xf32, #tpu.memory_space<vmem_shared>>
      %dma_start3A_158 = arith.constant 0 : i32
      %dma_start3A_159 = tpu.memref_slice %arg20[%mul3A_6, %dma_start3A_158] : memref<10112x16xf32, #tpu.memory_space<vmem_shared>> -> memref<632x16xf32, #tpu.memory_space<vmem_shared>>
      tpu.enqueue_dma source(%arg19 : memref<632x16xf32, #tpu.memory_space<vmem>>) target(%dma_start3A_159 : memref<632x16xf32, #tpu.memory_space<vmem_shared>>) target_semaphore(%run_scoped3A : memref<!tpu.dma_semaphore, #tpu.memory_space<semaphore_mem>>)
      %dma_wait3A = arith.constant 0 : i32
      %dma_wait3A_160 = tpu.memref_slice %arg20[%mul3A_6, %dma_wait3A] : memref<10112x16xf32, #tpu.memory_space<vmem_shared>> -> memref<632x16xf32, #tpu.memory_space<vmem_shared>>
      %dma_wait3A_161 = arith.constant 0 : i32
      %dma_wait3A_162 = tpu.memref_slice %arg20[%mul3A_6, %dma_wait3A_161] : memref<10112x16xf32, #tpu.memory_space<vmem_shared>> -> memref<632x16xf32, #tpu.memory_space<vmem_shared>>
      tpu.wait_dma2 semaphore(%run_scoped3A : memref<!tpu.dma_semaphore, #tpu.memory_space<semaphore_mem>>) src(%arg19 : memref<632x16xf32, #tpu.memory_space<vmem>>) dst(%dma_wait3A_162 : memref<632x16xf32, #tpu.memory_space<vmem_shared>>)
      tpu.yield
    }) : () -> ()
    "tpu.region"() ({
      %run_scoped3A = tpu.sem_alloc : memref<!tpu.dma_semaphore, #tpu.memory_space<semaphore_mem>>
      tpu.enqueue_dma source(%arg7 : memref<128xf32, #tpu.memory_space<hbm>>) target(%arg11 : memref<128xf32, #tpu.memory_space<vmem>>) target_semaphore(%run_scoped3A : memref<!tpu.dma_semaphore, #tpu.memory_space<semaphore_mem>>)
      tpu.wait_dma2 semaphore(%run_scoped3A : memref<!tpu.dma_semaphore, #tpu.memory_space<semaphore_mem>>) src(%arg7 : memref<128xf32, #tpu.memory_space<hbm>>) dst(%arg11 : memref<128xf32, #tpu.memory_space<vmem>>)
      tpu.yield
    }) : () -> ()
    %broadcast_in_dim3A = arith.constant 0.000000e+00 : f32
    %broadcast_in_dim3A_7 = vector.broadcast %broadcast_in_dim3A : f32 to vector<16xf32>
    %iota3A = tpu.iota {dimensions = array<i32: 0>} : vector<16xi32>
    %add3A_8 = arith.constant 0 : i32
    %add3A_9 = vector.broadcast %add3A_8 : i32 to vector<16xi32>
    %add3A_10 = arith.addi %iota3A, %add3A_9 : vector<16xi32>
    %broadcast_in_dim3A_11 = arith.constant 4 : i32
    %broadcast_in_dim3A_12 = vector.broadcast %broadcast_in_dim3A_11 : i32 to vector<16xi32>
    tpu.vector_store_idx %arg17[%add3A_10, %broadcast_in_dim3A_12], %broadcast_in_dim3A_7 : memref<80x16xf32, #tpu.memory_space<vmem>>[vector<16xi32>, vector<16xi32>], vector<16xf32>,
    %broadcast_in_dim3A_13 = arith.constant 5 : i32
    %broadcast_in_dim3A_14 = vector.broadcast %broadcast_in_dim3A_13 : i32 to vector<16xi32>
    tpu.vector_store_idx %arg17[%add3A_10, %broadcast_in_dim3A_14], %broadcast_in_dim3A_7 : memref<80x16xf32, #tpu.memory_space<vmem>>[vector<16xi32>, vector<16xi32>], vector<16xf32>,
    %broadcast_in_dim3A_15 = arith.constant 6 : i32
    %broadcast_in_dim3A_16 = vector.broadcast %broadcast_in_dim3A_15 : i32 to vector<16xi32>
    tpu.vector_store_idx %arg17[%add3A_10, %broadcast_in_dim3A_16], %broadcast_in_dim3A_7 : memref<80x16xf32, #tpu.memory_space<vmem>>[vector<16xi32>, vector<16xi32>], vector<16xf32>,
    %broadcast_in_dim3A_17 = arith.constant 7 : i32
    %broadcast_in_dim3A_18 = vector.broadcast %broadcast_in_dim3A_17 : i32 to vector<16xi32>
    tpu.vector_store_idx %arg17[%add3A_10, %broadcast_in_dim3A_18], %broadcast_in_dim3A_7 : memref<80x16xf32, #tpu.memory_space<vmem>>[vector<16xi32>, vector<16xi32>], vector<16xf32>,
    %broadcast_in_dim3A_19 = arith.constant 8 : i32
    %broadcast_in_dim3A_20 = vector.broadcast %broadcast_in_dim3A_19 : i32 to vector<16xi32>
    tpu.vector_store_idx %arg17[%add3A_10, %broadcast_in_dim3A_20], %broadcast_in_dim3A_7 : memref<80x16xf32, #tpu.memory_space<vmem>>[vector<16xi32>, vector<16xi32>], vector<16xf32>,
    %broadcast_in_dim3A_21 = arith.constant 9 : i32
    %broadcast_in_dim3A_22 = vector.broadcast %broadcast_in_dim3A_21 : i32 to vector<16xi32>
    tpu.vector_store_idx %arg17[%add3A_10, %broadcast_in_dim3A_22], %broadcast_in_dim3A_7 : memref<80x16xf32, #tpu.memory_space<vmem>>[vector<16xi32>, vector<16xi32>], vector<16xf32>,
    %broadcast_in_dim3A_23 = arith.constant 10 : i32
    %broadcast_in_dim3A_24 = vector.broadcast %broadcast_in_dim3A_23 : i32 to vector<16xi32>
    tpu.vector_store_idx %arg17[%add3A_10, %broadcast_in_dim3A_24], %broadcast_in_dim3A_7 : memref<80x16xf32, #tpu.memory_space<vmem>>[vector<16xi32>, vector<16xi32>], vector<16xf32>,
    %broadcast_in_dim3A_25 = arith.constant 11 : i32
    %broadcast_in_dim3A_26 = vector.broadcast %broadcast_in_dim3A_25 : i32 to vector<16xi32>
    tpu.vector_store_idx %arg17[%add3A_10, %broadcast_in_dim3A_26], %broadcast_in_dim3A_7 : memref<80x16xf32, #tpu.memory_space<vmem>>[vector<16xi32>, vector<16xi32>], vector<16xf32>,
    %broadcast_in_dim3A_27 = arith.constant 12 : i32
    %broadcast_in_dim3A_28 = vector.broadcast %broadcast_in_dim3A_27 : i32 to vector<16xi32>
    tpu.vector_store_idx %arg17[%add3A_10, %broadcast_in_dim3A_28], %broadcast_in_dim3A_7 : memref<80x16xf32, #tpu.memory_space<vmem>>[vector<16xi32>, vector<16xi32>], vector<16xf32>,
    %broadcast_in_dim3A_29 = arith.constant 13 : i32
    %broadcast_in_dim3A_30 = vector.broadcast %broadcast_in_dim3A_29 : i32 to vector<16xi32>
    tpu.vector_store_idx %arg17[%add3A_10, %broadcast_in_dim3A_30], %broadcast_in_dim3A_7 : memref<80x16xf32, #tpu.memory_space<vmem>>[vector<16xi32>, vector<16xi32>], vector<16xf32>,
    %broadcast_in_dim3A_31 = arith.constant 14 : i32
    %broadcast_in_dim3A_32 = vector.broadcast %broadcast_in_dim3A_31 : i32 to vector<16xi32>
    tpu.vector_store_idx %arg17[%add3A_10, %broadcast_in_dim3A_32], %broadcast_in_dim3A_7 : memref<80x16xf32, #tpu.memory_space<vmem>>[vector<16xi32>, vector<16xi32>], vector<16xf32>,
    %broadcast_in_dim3A_33 = arith.constant 15 : i32
    %broadcast_in_dim3A_34 = vector.broadcast %broadcast_in_dim3A_33 : i32 to vector<16xi32>
    tpu.vector_store_idx %arg17[%add3A_10, %broadcast_in_dim3A_34], %broadcast_in_dim3A_7 : memref<80x16xf32, #tpu.memory_space<vmem>>[vector<16xi32>, vector<16xi32>], vector<16xf32>,
    %iota3A_35 = tpu.iota {dimensions = array<i32: 0>} : vector<16xi32>
    %add3A_36 = arith.constant 16 : i32
    %add3A_37 = vector.broadcast %add3A_36 : i32 to vector<16xi32>
    %add3A_38 = arith.addi %iota3A_35, %add3A_37 : vector<16xi32>
    %broadcast_in_dim3A_39 = arith.constant 4 : i32
    %broadcast_in_dim3A_40 = vector.broadcast %broadcast_in_dim3A_39 : i32 to vector<16xi32>
    tpu.vector_store_idx %arg17[%add3A_38, %broadcast_in_dim3A_40], %broadcast_in_dim3A_7 : memref<80x16xf32, #tpu.memory_space<vmem>>[vector<16xi32>, vector<16xi32>], vector<16xf32>,
    %broadcast_in_dim3A_41 = arith.constant 5 : i32
    %broadcast_in_dim3A_42 = vector.broadcast %broadcast_in_dim3A_41 : i32 to vector<16xi32>
    tpu.vector_store_idx %arg17[%add3A_38, %broadcast_in_dim3A_42], %broadcast_in_dim3A_7 : memref<80x16xf32, #tpu.memory_space<vmem>>[vector<16xi32>, vector<16xi32>], vector<16xf32>,
    %broadcast_in_dim3A_43 = arith.constant 6 : i32
    %broadcast_in_dim3A_44 = vector.broadcast %broadcast_in_dim3A_43 : i32 to vector<16xi32>
    tpu.vector_store_idx %arg17[%add3A_38, %broadcast_in_dim3A_44], %broadcast_in_dim3A_7 : memref<80x16xf32, #tpu.memory_space<vmem>>[vector<16xi32>, vector<16xi32>], vector<16xf32>,
    %broadcast_in_dim3A_45 = arith.constant 7 : i32
    %broadcast_in_dim3A_46 = vector.broadcast %broadcast_in_dim3A_45 : i32 to vector<16xi32>
    tpu.vector_store_idx %arg17[%add3A_38, %broadcast_in_dim3A_46], %broadcast_in_dim3A_7 : memref<80x16xf32, #tpu.memory_space<vmem>>[vector<16xi32>, vector<16xi32>], vector<16xf32>,
    %broadcast_in_dim3A_47 = arith.constant 8 : i32
    %broadcast_in_dim3A_48 = vector.broadcast %broadcast_in_dim3A_47 : i32 to vector<16xi32>
    tpu.vector_store_idx %arg17[%add3A_38, %broadcast_in_dim3A_48], %broadcast_in_dim3A_7 : memref<80x16xf32, #tpu.memory_space<vmem>>[vector<16xi32>, vector<16xi32>], vector<16xf32>,
    %broadcast_in_dim3A_49 = arith.constant 9 : i32
    %broadcast_in_dim3A_50 = vector.broadcast %broadcast_in_dim3A_49 : i32 to vector<16xi32>
    tpu.vector_store_idx %arg17[%add3A_38, %broadcast_in_dim3A_50], %broadcast_in_dim3A_7 : memref<80x16xf32, #tpu.memory_space<vmem>>[vector<16xi32>, vector<16xi32>], vector<16xf32>,
    %broadcast_in_dim3A_51 = arith.constant 10 : i32
    %broadcast_in_dim3A_52 = vector.broadcast %broadcast_in_dim3A_51 : i32 to vector<16xi32>
    tpu.vector_store_idx %arg17[%add3A_38, %broadcast_in_dim3A_52], %broadcast_in_dim3A_7 : memref<80x16xf32, #tpu.memory_space<vmem>>[vector<16xi32>, vector<16xi32>], vector<16xf32>,
    %broadcast_in_dim3A_53 = arith.constant 11 : i32
    %broadcast_in_dim3A_54 = vector.broadcast %broadcast_in_dim3A_53 : i32 to vector<16xi32>
    tpu.vector_store_idx %arg17[%add3A_38, %broadcast_in_dim3A_54], %broadcast_in_dim3A_7 : memref<80x16xf32, #tpu.memory_space<vmem>>[vector<16xi32>, vector<16xi32>], vector<16xf32>,
    %broadcast_in_dim3A_55 = arith.constant 12 : i32
    %broadcast_in_dim3A_56 = vector.broadcast %broadcast_in_dim3A_55 : i32 to vector<16xi32>
    tpu.vector_store_idx %arg17[%add3A_38, %broadcast_in_dim3A_56], %broadcast_in_dim3A_7 : memref<80x16xf32, #tpu.memory_space<vmem>>[vector<16xi32>, vector<16xi32>], vector<16xf32>,
    %broadcast_in_dim3A_57 = arith.constant 13 : i32
    %broadcast_in_dim3A_58 = vector.broadcast %broadcast_in_dim3A_57 : i32 to vector<16xi32>
    tpu.vector_store_idx %arg17[%add3A_38, %broadcast_in_dim3A_58], %broadcast_in_dim3A_7 : memref<80x16xf32, #tpu.memory_space<vmem>>[vector<16xi32>, vector<16xi32>], vector<16xf32>,
    %broadcast_in_dim3A_59 = arith.constant 14 : i32
    %broadcast_in_dim3A_60 = vector.broadcast %broadcast_in_dim3A_59 : i32 to vector<16xi32>
    tpu.vector_store_idx %arg17[%add3A_38, %broadcast_in_dim3A_60], %broadcast_in_dim3A_7 : memref<80x16xf32, #tpu.memory_space<vmem>>[vector<16xi32>, vector<16xi32>], vector<16xf32>,
    %broadcast_in_dim3A_61 = arith.constant 15 : i32
    %broadcast_in_dim3A_62 = vector.broadcast %broadcast_in_dim3A_61 : i32 to vector<16xi32>
    tpu.vector_store_idx %arg17[%add3A_38, %broadcast_in_dim3A_62], %broadcast_in_dim3A_7 : memref<80x16xf32, #tpu.memory_space<vmem>>[vector<16xi32>, vector<16xi32>], vector<16xf32>,
    %iota3A_63 = tpu.iota {dimensions = array<i32: 0>} : vector<16xi32>
    %add3A_64 = arith.constant 32 : i32
    %add3A_65 = vector.broadcast %add3A_64 : i32 to vector<16xi32>
    %add3A_66 = arith.addi %iota3A_63, %add3A_65 : vector<16xi32>
    %broadcast_in_dim3A_67 = arith.constant 4 : i32
    %broadcast_in_dim3A_68 = vector.broadcast %broadcast_in_dim3A_67 : i32 to vector<16xi32>
    tpu.vector_store_idx %arg17[%add3A_66, %broadcast_in_dim3A_68], %broadcast_in_dim3A_7 : memref<80x16xf32, #tpu.memory_space<vmem>>[vector<16xi32>, vector<16xi32>], vector<16xf32>,
    %broadcast_in_dim3A_69 = arith.constant 5 : i32
    %broadcast_in_dim3A_70 = vector.broadcast %broadcast_in_dim3A_69 : i32 to vector<16xi32>
    tpu.vector_store_idx %arg17[%add3A_66, %broadcast_in_dim3A_70], %broadcast_in_dim3A_7 : memref<80x16xf32, #tpu.memory_space<vmem>>[vector<16xi32>, vector<16xi32>], vector<16xf32>,
    %broadcast_in_dim3A_71 = arith.constant 6 : i32
    %broadcast_in_dim3A_72 = vector.broadcast %broadcast_in_dim3A_71 : i32 to vector<16xi32>
    tpu.vector_store_idx %arg17[%add3A_66, %broadcast_in_dim3A_72], %broadcast_in_dim3A_7 : memref<80x16xf32, #tpu.memory_space<vmem>>[vector<16xi32>, vector<16xi32>], vector<16xf32>,
    %broadcast_in_dim3A_73 = arith.constant 7 : i32
    %broadcast_in_dim3A_74 = vector.broadcast %broadcast_in_dim3A_73 : i32 to vector<16xi32>
    tpu.vector_store_idx %arg17[%add3A_66, %broadcast_in_dim3A_74], %broadcast_in_dim3A_7 : memref<80x16xf32, #tpu.memory_space<vmem>>[vector<16xi32>, vector<16xi32>], vector<16xf32>,
    %broadcast_in_dim3A_75 = arith.constant 8 : i32
    %broadcast_in_dim3A_76 = vector.broadcast %broadcast_in_dim3A_75 : i32 to vector<16xi32>
    tpu.vector_store_idx %arg17[%add3A_66, %broadcast_in_dim3A_76], %broadcast_in_dim3A_7 : memref<80x16xf32, #tpu.memory_space<vmem>>[vector<16xi32>, vector<16xi32>], vector<16xf32>,
    %broadcast_in_dim3A_77 = arith.constant 9 : i32
    %broadcast_in_dim3A_78 = vector.broadcast %broadcast_in_dim3A_77 : i32 to vector<16xi32>
    tpu.vector_store_idx %arg17[%add3A_66, %broadcast_in_dim3A_78], %broadcast_in_dim3A_7 : memref<80x16xf32, #tpu.memory_space<vmem>>[vector<16xi32>, vector<16xi32>], vector<16xf32>,
    %broadcast_in_dim3A_79 = arith.constant 10 : i32
    %broadcast_in_dim3A_80 = vector.broadcast %broadcast_in_dim3A_79 : i32 to vector<16xi32>
    tpu.vector_store_idx %arg17[%add3A_66, %broadcast_in_dim3A_80], %broadcast_in_dim3A_7 : memref<80x16xf32, #tpu.memory_space<vmem>>[vector<16xi32>, vector<16xi32>], vector<16xf32>,
    %broadcast_in_dim3A_81 = arith.constant 11 : i32
    %broadcast_in_dim3A_82 = vector.broadcast %broadcast_in_dim3A_81 : i32 to vector<16xi32>
    tpu.vector_store_idx %arg17[%add3A_66, %broadcast_in_dim3A_82], %broadcast_in_dim3A_7 : memref<80x16xf32, #tpu.memory_space<vmem>>[vector<16xi32>, vector<16xi32>], vector<16xf32>,
    %broadcast_in_dim3A_83 = arith.constant 12 : i32
    %broadcast_in_dim3A_84 = vector.broadcast %broadcast_in_dim3A_83 : i32 to vector<16xi32>
    tpu.vector_store_idx %arg17[%add3A_66, %broadcast_in_dim3A_84], %broadcast_in_dim3A_7 : memref<80x16xf32, #tpu.memory_space<vmem>>[vector<16xi32>, vector<16xi32>], vector<16xf32>,
    %broadcast_in_dim3A_85 = arith.constant 13 : i32
    %broadcast_in_dim3A_86 = vector.broadcast %broadcast_in_dim3A_85 : i32 to vector<16xi32>
    tpu.vector_store_idx %arg17[%add3A_66, %broadcast_in_dim3A_86], %broadcast_in_dim3A_7 : memref<80x16xf32, #tpu.memory_space<vmem>>[vector<16xi32>, vector<16xi32>], vector<16xf32>,
    %broadcast_in_dim3A_87 = arith.constant 14 : i32
    %broadcast_in_dim3A_88 = vector.broadcast %broadcast_in_dim3A_87 : i32 to vector<16xi32>
    tpu.vector_store_idx %arg17[%add3A_66, %broadcast_in_dim3A_88], %broadcast_in_dim3A_7 : memref<80x16xf32, #tpu.memory_space<vmem>>[vector<16xi32>, vector<16xi32>], vector<16xf32>,
    %broadcast_in_dim3A_89 = arith.constant 15 : i32
    %broadcast_in_dim3A_90 = vector.broadcast %broadcast_in_dim3A_89 : i32 to vector<16xi32>
    tpu.vector_store_idx %arg17[%add3A_66, %broadcast_in_dim3A_90], %broadcast_in_dim3A_7 : memref<80x16xf32, #tpu.memory_space<vmem>>[vector<16xi32>, vector<16xi32>], vector<16xf32>,
    %iota3A_91 = tpu.iota {dimensions = array<i32: 0>} : vector<16xi32>
    %add3A_92 = arith.constant 48 : i32
    %add3A_93 = vector.broadcast %add3A_92 : i32 to vector<16xi32>
    %add3A_94 = arith.addi %iota3A_91, %add3A_93 : vector<16xi32>
    %broadcast_in_dim3A_95 = arith.constant 4 : i32
    %broadcast_in_dim3A_96 = vector.broadcast %broadcast_in_dim3A_95 : i32 to vector<16xi32>
    tpu.vector_store_idx %arg17[%add3A_94, %broadcast_in_dim3A_96], %broadcast_in_dim3A_7 : memref<80x16xf32, #tpu.memory_space<vmem>>[vector<16xi32>, vector<16xi32>], vector<16xf32>,
    %broadcast_in_dim3A_97 = arith.constant 5 : i32
    %broadcast_in_dim3A_98 = vector.broadcast %broadcast_in_dim3A_97 : i32 to vector<16xi32>
    tpu.vector_store_idx %arg17[%add3A_94, %broadcast_in_dim3A_98], %broadcast_in_dim3A_7 : memref<80x16xf32, #tpu.memory_space<vmem>>[vector<16xi32>, vector<16xi32>], vector<16xf32>,
    %broadcast_in_dim3A_99 = arith.constant 6 : i32
    %broadcast_in_dim3A_100 = vector.broadcast %broadcast_in_dim3A_99 : i32 to vector<16xi32>
    tpu.vector_store_idx %arg17[%add3A_94, %broadcast_in_dim3A_100], %broadcast_in_dim3A_7 : memref<80x16xf32, #tpu.memory_space<vmem>>[vector<16xi32>, vector<16xi32>], vector<16xf32>,
    %broadcast_in_dim3A_101 = arith.constant 7 : i32
    %broadcast_in_dim3A_102 = vector.broadcast %broadcast_in_dim3A_101 : i32 to vector<16xi32>
    tpu.vector_store_idx %arg17[%add3A_94, %broadcast_in_dim3A_102], %broadcast_in_dim3A_7 : memref<80x16xf32, #tpu.memory_space<vmem>>[vector<16xi32>, vector<16xi32>], vector<16xf32>,
    %broadcast_in_dim3A_103 = arith.constant 8 : i32
    %broadcast_in_dim3A_104 = vector.broadcast %broadcast_in_dim3A_103 : i32 to vector<16xi32>
    tpu.vector_store_idx %arg17[%add3A_94, %broadcast_in_dim3A_104], %broadcast_in_dim3A_7 : memref<80x16xf32, #tpu.memory_space<vmem>>[vector<16xi32>, vector<16xi32>], vector<16xf32>,
    %broadcast_in_dim3A_105 = arith.constant 9 : i32
    %broadcast_in_dim3A_106 = vector.broadcast %broadcast_in_dim3A_105 : i32 to vector<16xi32>
    tpu.vector_store_idx %arg17[%add3A_94, %broadcast_in_dim3A_106], %broadcast_in_dim3A_7 : memref<80x16xf32, #tpu.memory_space<vmem>>[vector<16xi32>, vector<16xi32>], vector<16xf32>,
    %broadcast_in_dim3A_107 = arith.constant 10 : i32
    %broadcast_in_dim3A_108 = vector.broadcast %broadcast_in_dim3A_107 : i32 to vector<16xi32>
    tpu.vector_store_idx %arg17[%add3A_94, %broadcast_in_dim3A_108], %broadcast_in_dim3A_7 : memref<80x16xf32, #tpu.memory_space<vmem>>[vector<16xi32>, vector<16xi32>], vector<16xf32>,
    %broadcast_in_dim3A_109 = arith.constant 11 : i32
    %broadcast_in_dim3A_110 = vector.broadcast %broadcast_in_dim3A_109 : i32 to vector<16xi32>
    tpu.vector_store_idx %arg17[%add3A_94, %broadcast_in_dim3A_110], %broadcast_in_dim3A_7 : memref<80x16xf32, #tpu.memory_space<vmem>>[vector<16xi32>, vector<16xi32>], vector<16xf32>,
    %broadcast_in_dim3A_111 = arith.constant 12 : i32
    %broadcast_in_dim3A_112 = vector.broadcast %broadcast_in_dim3A_111 : i32 to vector<16xi32>
    tpu.vector_store_idx %arg17[%add3A_94, %broadcast_in_dim3A_112], %broadcast_in_dim3A_7 : memref<80x16xf32, #tpu.memory_space<vmem>>[vector<16xi32>, vector<16xi32>], vector<16xf32>,
    %broadcast_in_dim3A_113 = arith.constant 13 : i32
    %broadcast_in_dim3A_114 = vector.broadcast %broadcast_in_dim3A_113 : i32 to vector<16xi32>
    tpu.vector_store_idx %arg17[%add3A_94, %broadcast_in_dim3A_114], %broadcast_in_dim3A_7 : memref<80x16xf32, #tpu.memory_space<vmem>>[vector<16xi32>, vector<16xi32>], vector<16xf32>,
    %broadcast_in_dim3A_115 = arith.constant 14 : i32
    %broadcast_in_dim3A_116 = vector.broadcast %broadcast_in_dim3A_115 : i32 to vector<16xi32>
    tpu.vector_store_idx %arg17[%add3A_94, %broadcast_in_dim3A_116], %broadcast_in_dim3A_7 : memref<80x16xf32, #tpu.memory_space<vmem>>[vector<16xi32>, vector<16xi32>], vector<16xf32>,
    %broadcast_in_dim3A_117 = arith.constant 15 : i32
    %broadcast_in_dim3A_118 = vector.broadcast %broadcast_in_dim3A_117 : i32 to vector<16xi32>
    tpu.vector_store_idx %arg17[%add3A_94, %broadcast_in_dim3A_118], %broadcast_in_dim3A_7 : memref<80x16xf32, #tpu.memory_space<vmem>>[vector<16xi32>, vector<16xi32>], vector<16xf32>,
    %iota3A_119 = tpu.iota {dimensions = array<i32: 0>} : vector<16xi32>
    %add3A_120 = arith.constant 64 : i32
    %add3A_121 = vector.broadcast %add3A_120 : i32 to vector<16xi32>
    %add3A_122 = arith.addi %iota3A_119, %add3A_121 : vector<16xi32>
    %broadcast_in_dim3A_123 = arith.constant 4 : i32
    %broadcast_in_dim3A_124 = vector.broadcast %broadcast_in_dim3A_123 : i32 to vector<16xi32>
    tpu.vector_store_idx %arg17[%add3A_122, %broadcast_in_dim3A_124], %broadcast_in_dim3A_7 : memref<80x16xf32, #tpu.memory_space<vmem>>[vector<16xi32>, vector<16xi32>], vector<16xf32>,
    %broadcast_in_dim3A_125 = arith.constant 5 : i32
    %broadcast_in_dim3A_126 = vector.broadcast %broadcast_in_dim3A_125 : i32 to vector<16xi32>
    tpu.vector_store_idx %arg17[%add3A_122, %broadcast_in_dim3A_126], %broadcast_in_dim3A_7 : memref<80x16xf32, #tpu.memory_space<vmem>>[vector<16xi32>, vector<16xi32>], vector<16xf32>,
    %broadcast_in_dim3A_127 = arith.constant 6 : i32
    %broadcast_in_dim3A_128 = vector.broadcast %broadcast_in_dim3A_127 : i32 to vector<16xi32>
    tpu.vector_store_idx %arg17[%add3A_122, %broadcast_in_dim3A_128], %broadcast_in_dim3A_7 : memref<80x16xf32, #tpu.memory_space<vmem>>[vector<16xi32>, vector<16xi32>], vector<16xf32>,
    %broadcast_in_dim3A_129 = arith.constant 7 : i32
    %broadcast_in_dim3A_130 = vector.broadcast %broadcast_in_dim3A_129 : i32 to vector<16xi32>
    tpu.vector_store_idx %arg17[%add3A_122, %broadcast_in_dim3A_130], %broadcast_in_dim3A_7 : memref<80x16xf32, #tpu.memory_space<vmem>>[vector<16xi32>, vector<16xi32>], vector<16xf32>,
    %broadcast_in_dim3A_131 = arith.constant 8 : i32
    %broadcast_in_dim3A_132 = vector.broadcast %broadcast_in_dim3A_131 : i32 to vector<16xi32>
    tpu.vector_store_idx %arg17[%add3A_122, %broadcast_in_dim3A_132], %broadcast_in_dim3A_7 : memref<80x16xf32, #tpu.memory_space<vmem>>[vector<16xi32>, vector<16xi32>], vector<16xf32>,
    %broadcast_in_dim3A_133 = arith.constant 9 : i32
    %broadcast_in_dim3A_134 = vector.broadcast %broadcast_in_dim3A_133 : i32 to vector<16xi32>
    tpu.vector_store_idx %arg17[%add3A_122, %broadcast_in_dim3A_134], %broadcast_in_dim3A_7 : memref<80x16xf32, #tpu.memory_space<vmem>>[vector<16xi32>, vector<16xi32>], vector<16xf32>,
    %broadcast_in_dim3A_135 = arith.constant 10 : i32
    %broadcast_in_dim3A_136 = vector.broadcast %broadcast_in_dim3A_135 : i32 to vector<16xi32>
    tpu.vector_store_idx %arg17[%add3A_122, %broadcast_in_dim3A_136], %broadcast_in_dim3A_7 : memref<80x16xf32, #tpu.memory_space<vmem>>[vector<16xi32>, vector<16xi32>], vector<16xf32>,
    %broadcast_in_dim3A_137 = arith.constant 11 : i32
    %broadcast_in_dim3A_138 = vector.broadcast %broadcast_in_dim3A_137 : i32 to vector<16xi32>
    tpu.vector_store_idx %arg17[%add3A_122, %broadcast_in_dim3A_138], %broadcast_in_dim3A_7 : memref<80x16xf32, #tpu.memory_space<vmem>>[vector<16xi32>, vector<16xi32>], vector<16xf32>,
    %broadcast_in_dim3A_139 = arith.constant 12 : i32
    %broadcast_in_dim3A_140 = vector.broadcast %broadcast_in_dim3A_139 : i32 to vector<16xi32>
    tpu.vector_store_idx %arg17[%add3A_122, %broadcast_in_dim3A_140], %broadcast_in_dim3A_7 : memref<80x16xf32, #tpu.memory_space<vmem>>[vector<16xi32>, vector<16xi32>], vector<16xf32>,
    %broadcast_in_dim3A_141 = arith.constant 13 : i32
    %broadcast_in_dim3A_142 = vector.broadcast %broadcast_in_dim3A_141 : i32 to vector<16xi32>
    tpu.vector_store_idx %arg17[%add3A_122, %broadcast_in_dim3A_142], %broadcast_in_dim3A_7 : memref<80x16xf32, #tpu.memory_space<vmem>>[vector<16xi32>, vector<16xi32>], vector<16xf32>,
    %broadcast_in_dim3A_143 = arith.constant 14 : i32
    %broadcast_in_dim3A_144 = vector.broadcast %broadcast_in_dim3A_143 : i32 to vector<16xi32>
    tpu.vector_store_idx %arg17[%add3A_122, %broadcast_in_dim3A_144], %broadcast_in_dim3A_7 : memref<80x16xf32, #tpu.memory_space<vmem>>[vector<16xi32>, vector<16xi32>], vector<16xf32>,
    %broadcast_in_dim3A_145 = arith.constant 15 : i32
    %broadcast_in_dim3A_146 = vector.broadcast %broadcast_in_dim3A_145 : i32 to vector<16xi32>
    tpu.vector_store_idx %arg17[%add3A_122, %broadcast_in_dim3A_146], %broadcast_in_dim3A_7 : memref<80x16xf32, #tpu.memory_space<vmem>>[vector<16xi32>, vector<16xi32>], vector<16xf32>,
    %barrier3A = arith.constant 0 : index
    tpu.barrier barrier_id(%barrier3A)
    %scan3A = arith.constant 0 : i32
    %scan3A_147 = arith.constant 0 : i32
    %scan3A_148 = arith.constant 125 : i32
    %scan3A_149 = arith.addi %scan3A_147, %scan3A_148 : i32
    %scan3A_150 = arith.constant 1 : i32
    scf.for %scan3A_157 = %scan3A_147 to %scan3A_149 step %scan3A_150  : i32 {
      %mul3A_158 = arith.constant 80 : i32
      %mul3A_159 = arith.muli %scan3A_157, %mul3A_158 : i32
      %add3A_160 = arith.addi %mul3A_2, %mul3A_159 : i32
      "tpu.region"() ({
        %run_scoped3A = tpu.sem_alloc : memref<!tpu.dma_semaphore, #tpu.memory_space<semaphore_mem>>
        %dma_start3A_198 = tpu.memref_slice %arg5[%add3A_160] : memref<320000xi32, #tpu.memory_space<hbm>> -> memref<80xi32, #tpu.memory_space<hbm>>
        %dma_start3A_199 = tpu.memref_slice %arg5[%add3A_160] : memref<320000xi32, #tpu.memory_space<hbm>> -> memref<80xi32, #tpu.memory_space<hbm>>
        tpu.enqueue_dma source(%dma_start3A_199 : memref<80xi32, #tpu.memory_space<hbm>>) target(%arg12 : memref<80xi32, #tpu.memory_space<vmem>>) target_semaphore(%run_scoped3A : memref<!tpu.dma_semaphore, #tpu.memory_space<semaphore_mem>>)
        %dma_wait3A_200 = tpu.memref_slice %arg5[%add3A_160] : memref<320000xi32, #tpu.memory_space<hbm>> -> memref<80xi32, #tpu.memory_space<hbm>>
        %dma_wait3A_201 = tpu.memref_slice %arg5[%add3A_160] : memref<320000xi32, #tpu.memory_space<hbm>> -> memref<80xi32, #tpu.memory_space<hbm>>
        tpu.wait_dma2 semaphore(%run_scoped3A : memref<!tpu.dma_semaphore, #tpu.memory_space<semaphore_mem>>) src(%dma_wait3A_201 : memref<80xi32, #tpu.memory_space<hbm>>) dst(%arg12 : memref<80xi32, #tpu.memory_space<vmem>>)
        tpu.yield
      }) : () -> ()
      "tpu.region"() ({
        %run_scoped3A = tpu.sem_alloc : memref<!tpu.dma_semaphore, #tpu.memory_space<semaphore_mem>>
        %dma_start3A_198 = tpu.memref_slice %arg6[%add3A_160] : memref<320000xi32, #tpu.memory_space<hbm>> -> memref<80xi32, #tpu.memory_space<hbm>>
        %dma_start3A_199 = tpu.memref_slice %arg6[%add3A_160] : memref<320000xi32, #tpu.memory_space<hbm>> -> memref<80xi32, #tpu.memory_space<hbm>>
        tpu.enqueue_dma source(%dma_start3A_199 : memref<80xi32, #tpu.memory_space<hbm>>) target(%arg13 : memref<80xi32, #tpu.memory_space<vmem>>) target_semaphore(%run_scoped3A : memref<!tpu.dma_semaphore, #tpu.memory_space<semaphore_mem>>)
        %dma_wait3A_200 = tpu.memref_slice %arg6[%add3A_160] : memref<320000xi32, #tpu.memory_space<hbm>> -> memref<80xi32, #tpu.memory_space<hbm>>
        %dma_wait3A_201 = tpu.memref_slice %arg6[%add3A_160] : memref<320000xi32, #tpu.memory_space<hbm>> -> memref<80xi32, #tpu.memory_space<hbm>>
        tpu.wait_dma2 semaphore(%run_scoped3A : memref<!tpu.dma_semaphore, #tpu.memory_space<semaphore_mem>>) src(%dma_wait3A_201 : memref<80xi32, #tpu.memory_space<hbm>>) dst(%arg13 : memref<80xi32, #tpu.memory_space<vmem>>)
        tpu.yield
      }) : () -> ()
      %dma_start3A = arith.constant 0 : i32
      %dma_start3A_161 = arith.constant 0 : i32
      %dma_start3A_162 = tpu.memref_slice %arg2[%dma_start3A, %dma_start3A_161] : memref<10000x64xf32, #tpu.memory_space<hbm>> -> memref<10000x64xf32, #tpu.memory_space<hbm>>
      tpu.enqueue_indirect_dma source(%dma_start3A_162 : memref<10000x64xf32, #tpu.memory_space<hbm>>) target(%arg14 : memref<80x64xf32, #tpu.memory_space<vmem>>) offsets(%arg12 : memref<80xi32, #tpu.memory_space<vmem>>) semaphore(%arg21 : memref<!tpu.dma_semaphore, #tpu.memory_space<semaphore_mem>>)
      %dma_start3A_163 = arith.constant 0 : i32
      %dma_start3A_164 = arith.constant 0 : i32
      %dma_start3A_165 = tpu.memref_slice %arg3[%dma_start3A_163, %dma_start3A_164] : memref<10000x64xf32, #tpu.memory_space<hbm>> -> memref<10000x64xf32, #tpu.memory_space<hbm>>
      tpu.enqueue_indirect_dma source(%dma_start3A_165 : memref<10000x64xf32, #tpu.memory_space<hbm>>) target(%arg15 : memref<80x64xf32, #tpu.memory_space<vmem>>) offsets(%arg12 : memref<80xi32, #tpu.memory_space<vmem>>) semaphore(%arg22 : memref<!tpu.dma_semaphore, #tpu.memory_space<semaphore_mem>>)
      %dma_start3A_166 = arith.constant 0 : i32
      %dma_start3A_167 = arith.constant 0 : i32
      %dma_start3A_168 = tpu.memref_slice %arg4[%dma_start3A_166, %dma_start3A_167] : memref<10000x128xf32, #tpu.memory_space<hbm>> -> memref<10000x128xf32, #tpu.memory_space<hbm>>
      tpu.enqueue_indirect_dma source(%dma_start3A_168 : memref<10000x128xf32, #tpu.memory_space<hbm>>) target(%arg16 : memref<80x128xf32, #tpu.memory_space<vmem>>) offsets(%arg13 : memref<80xi32, #tpu.memory_space<vmem>>) semaphore(%arg23 : memref<!tpu.dma_semaphore, #tpu.memory_space<semaphore_mem>>)
      %dma_wait3A = arith.constant 0 : i32
      %dma_wait3A_169 = arith.constant 0 : i32
      %dma_wait3A_170 = tpu.memref_slice %arg2[%dma_wait3A, %dma_wait3A_169] : memref<10000x64xf32, #tpu.memory_space<hbm>> -> memref<10000x64xf32, #tpu.memory_space<hbm>>
      tpu.wait_indirect_dma semaphore(%arg21 : memref<!tpu.dma_semaphore, #tpu.memory_space<semaphore_mem>>) src(%dma_wait3A_170 : memref<10000x64xf32, #tpu.memory_space<hbm>>) dst(%arg14 : memref<80x64xf32, #tpu.memory_space<vmem>>)
      %dma_wait3A_171 = arith.constant 0 : i32
      %dma_wait3A_172 = arith.constant 0 : i32
      %dma_wait3A_173 = tpu.memref_slice %arg3[%dma_wait3A_171, %dma_wait3A_172] : memref<10000x64xf32, #tpu.memory_space<hbm>> -> memref<10000x64xf32, #tpu.memory_space<hbm>>
      tpu.wait_indirect_dma semaphore(%arg22 : memref<!tpu.dma_semaphore, #tpu.memory_space<semaphore_mem>>) src(%dma_wait3A_173 : memref<10000x64xf32, #tpu.memory_space<hbm>>) dst(%arg15 : memref<80x64xf32, #tpu.memory_space<vmem>>)
      %dma_wait3A_174 = arith.constant 0 : i32
      %dma_wait3A_175 = arith.constant 0 : i32
      %dma_wait3A_176 = tpu.memref_slice %arg4[%dma_wait3A_174, %dma_wait3A_175] : memref<10000x128xf32, #tpu.memory_space<hbm>> -> memref<10000x128xf32, #tpu.memory_space<hbm>>
      tpu.wait_indirect_dma semaphore(%arg23 : memref<!tpu.dma_semaphore, #tpu.memory_space<semaphore_mem>>) src(%dma_wait3A_176 : memref<10000x128xf32, #tpu.memory_space<hbm>>) dst(%arg16 : memref<80x128xf32, #tpu.memory_space<vmem>>)
      %get3A = arith.constant 0 : index
      %get3A_177 = tpu.vector_load %arg11[%get3A] {strides = array<i32>} : memref<128xf32, #tpu.memory_space<vmem>>, vector<16xf32>,
      %get3A_178 = arith.constant 16 : index
      %get3A_179 = tpu.vector_load %arg11[%get3A_178] {strides = array<i32>} : memref<128xf32, #tpu.memory_space<vmem>>, vector<16xf32>,
      %get3A_180 = arith.constant 32 : index
      %get3A_181 = tpu.vector_load %arg11[%get3A_180] {strides = array<i32>} : memref<128xf32, #tpu.memory_space<vmem>>, vector<16xf32>,
      %get3A_182 = arith.constant 48 : index
      %get3A_183 = tpu.vector_load %arg11[%get3A_182] {strides = array<i32>} : memref<128xf32, #tpu.memory_space<vmem>>, vector<16xf32>,
      %get3A_184 = arith.constant 64 : index
      %get3A_185 = tpu.vector_load %arg11[%get3A_184] {strides = array<i32>} : memref<128xf32, #tpu.memory_space<vmem>>, vector<16xf32>,
      %get3A_186 = arith.constant 80 : index
      %get3A_187 = tpu.vector_load %arg11[%get3A_186] {strides = array<i32>} : memref<128xf32, #tpu.memory_space<vmem>>, vector<16xf32>,
      %get3A_188 = arith.constant 96 : index
      %get3A_189 = tpu.vector_load %arg11[%get3A_188] {strides = array<i32>} : memref<128xf32, #tpu.memory_space<vmem>>, vector<16xf32>,
      %get3A_190 = arith.constant 112 : index
      %get3A_191 = tpu.vector_load %arg11[%get3A_190] {strides = array<i32>} : memref<128xf32, #tpu.memory_space<vmem>>, vector<16xf32>,
      %scan3A_192 = arith.constant 0 : i32
      %scan3A_193 = arith.constant 0 : i32
      %scan3A_194 = arith.constant 5 : i32
      %scan3A_195 = arith.addi %scan3A_193, %scan3A_194 : i32
      %scan3A_196 = arith.constant 1 : i32
      scf.for %scan3A_198 = %scan3A_193 to %scan3A_195 step %scan3A_196  : i32 {
        %iota3A_199 = tpu.iota {dimensions = array<i32: 0>} : vector<16xi32>
        %mul3A_200 = arith.constant 16 : i32
        %mul3A_201 = arith.muli %scan3A_198, %mul3A_200 : i32
        %add3A_202 = vector.broadcast %mul3A_201 : i32 to vector<16xi32>
        %add3A_203 = arith.addi %iota3A_199, %add3A_202 : vector<16xi32>
        %broadcast_in_dim3A_204 = arith.constant 0.000000e+00 : f32
        %broadcast_in_dim3A_205 = vector.broadcast %broadcast_in_dim3A_204 : f32 to vector<16xf32>
        %broadcast_in_dim3A_206 = arith.constant 0.000000e+00 : f32
        %broadcast_in_dim3A_207 = vector.broadcast %broadcast_in_dim3A_206 : f32 to vector<16xf32>
        %broadcast_in_dim3A_208 = arith.constant 0.000000e+00 : f32
        %broadcast_in_dim3A_209 = vector.broadcast %broadcast_in_dim3A_208 : f32 to vector<16xf32>
        %broadcast_in_dim3A_210 = arith.constant 0.000000e+00 : f32
        %broadcast_in_dim3A_211 = vector.broadcast %broadcast_in_dim3A_210 : f32 to vector<16xf32>
        %broadcast_in_dim3A_212 = arith.constant 0 : i32
        %broadcast_in_dim3A_213 = vector.broadcast %broadcast_in_dim3A_212 : i32 to vector<16xi32>
        %gather3A = tpu.vector_load_idx %arg14[%add3A_203, %broadcast_in_dim3A_213] : memref<80x64xf32, #tpu.memory_space<vmem>>[vector<16xi32>, vector<16xi32>], vector<16xf32>,
        %broadcast_in_dim3A_214 = arith.constant 0 : i32
        %broadcast_in_dim3A_215 = vector.broadcast %broadcast_in_dim3A_214 : i32 to vector<16xi32>
        %gather3A_216 = tpu.vector_load_idx %arg16[%add3A_203, %broadcast_in_dim3A_215] : memref<80x128xf32, #tpu.memory_space<vmem>>[vector<16xi32>, vector<16xi32>], vector<16xf32>,
        %add3A_217 = arith.addf %gather3A, %gather3A_216 : vector<16xf32>
        %mul3A_218 = arith.constant 2.000000e-01 : f32
        %mul3A_219 = vector.broadcast %mul3A_218 : f32 to vector<16xf32>
        %mul3A_220 = arith.mulf %mul3A_219, %add3A_217 : vector<16xf32>
        %max3A = arith.maximumf %add3A_217, %mul3A_220 : vector<16xf32>
        %slice3A = vector.extract_strided_slice %get3A_177 {offsets = [0], sizes = [1], strides = [1]} : vector<16xf32> to vector<1xf32>
        %squeeze3A = vector.extract %slice3A[0] : f32 from vector<1xf32>
        %mul3A_221 = vector.broadcast %squeeze3A : f32 to vector<16xf32>
        %mul3A_222 = arith.mulf %max3A, %mul3A_221 : vector<16xf32>
        %add3A_223 = arith.addf %broadcast_in_dim3A_205, %mul3A_222 : vector<16xf32>
        %broadcast_in_dim3A_224 = arith.constant 1 : i32
        %broadcast_in_dim3A_225 = vector.broadcast %broadcast_in_dim3A_224 : i32 to vector<16xi32>
        %gather3A_226 = tpu.vector_load_idx %arg14[%add3A_203, %broadcast_in_dim3A_225] : memref<80x64xf32, #tpu.memory_space<vmem>>[vector<16xi32>, vector<16xi32>], vector<16xf32>,
        %broadcast_in_dim3A_227 = arith.constant 1 : i32
        %broadcast_in_dim3A_228 = vector.broadcast %broadcast_in_dim3A_227 : i32 to vector<16xi32>
        %gather3A_229 = tpu.vector_load_idx %arg16[%add3A_203, %broadcast_in_dim3A_228] : memref<80x128xf32, #tpu.memory_space<vmem>>[vector<16xi32>, vector<16xi32>], vector<16xf32>,
        %add3A_230 = arith.addf %gather3A_226, %gather3A_229 : vector<16xf32>
        %mul3A_231 = arith.constant 2.000000e-01 : f32
        %mul3A_232 = vector.broadcast %mul3A_231 : f32 to vector<16xf32>
        %mul3A_233 = arith.mulf %mul3A_232, %add3A_230 : vector<16xf32>
        %max3A_234 = arith.maximumf %add3A_230, %mul3A_233 : vector<16xf32>
        %slice3A_235 = vector.extract_strided_slice %get3A_177 {offsets = [1], sizes = [1], strides = [1]} : vector<16xf32> to vector<1xf32>
        %squeeze3A_236 = vector.extract %slice3A_235[0] : f32 from vector<1xf32>
        %mul3A_237 = vector.broadcast %squeeze3A_236 : f32 to vector<16xf32>
        %mul3A_238 = arith.mulf %max3A_234, %mul3A_237 : vector<16xf32>
        %add3A_239 = arith.addf %add3A_223, %mul3A_238 : vector<16xf32>
        %broadcast_in_dim3A_240 = arith.constant 2 : i32
        %broadcast_in_dim3A_241 = vector.broadcast %broadcast_in_dim3A_240 : i32 to vector<16xi32>
        %gather3A_242 = tpu.vector_load_idx %arg14[%add3A_203, %broadcast_in_dim3A_241] : memref<80x64xf32, #tpu.memory_space<vmem>>[vector<16xi32>, vector<16xi32>], vector<16xf32>,
        %broadcast_in_dim3A_243 = arith.constant 2 : i32
        %broadcast_in_dim3A_244 = vector.broadcast %broadcast_in_dim3A_243 : i32 to vector<16xi32>
        %gather3A_245 = tpu.vector_load_idx %arg16[%add3A_203, %broadcast_in_dim3A_244] : memref<80x128xf32, #tpu.memory_space<vmem>>[vector<16xi32>, vector<16xi32>], vector<16xf32>,
        %add3A_246 = arith.addf %gather3A_242, %gather3A_245 : vector<16xf32>
        %mul3A_247 = arith.constant 2.000000e-01 : f32
        %mul3A_248 = vector.broadcast %mul3A_247 : f32 to vector<16xf32>
        %mul3A_249 = arith.mulf %mul3A_248, %add3A_246 : vector<16xf32>
        %max3A_250 = arith.maximumf %add3A_246, %mul3A_249 : vector<16xf32>
        %slice3A_251 = vector.extract_strided_slice %get3A_177 {offsets = [2], sizes = [1], strides = [1]} : vector<16xf32> to vector<1xf32>
        %squeeze3A_252 = vector.extract %slice3A_251[0] : f32 from vector<1xf32>
        %mul3A_253 = vector.broadcast %squeeze3A_252 : f32 to vector<16xf32>
        %mul3A_254 = arith.mulf %max3A_250, %mul3A_253 : vector<16xf32>
        %add3A_255 = arith.addf %add3A_239, %mul3A_254 : vector<16xf32>
        %broadcast_in_dim3A_256 = arith.constant 3 : i32
        %broadcast_in_dim3A_257 = vector.broadcast %broadcast_in_dim3A_256 : i32 to vector<16xi32>
        %gather3A_258 = tpu.vector_load_idx %arg14[%add3A_203, %broadcast_in_dim3A_257] : memref<80x64xf32, #tpu.memory_space<vmem>>[vector<16xi32>, vector<16xi32>], vector<16xf32>,
        %broadcast_in_dim3A_259 = arith.constant 3 : i32
        %broadcast_in_dim3A_260 = vector.broadcast %broadcast_in_dim3A_259 : i32 to vector<16xi32>
        %gather3A_261 = tpu.vector_load_idx %arg16[%add3A_203, %broadcast_in_dim3A_260] : memref<80x128xf32, #tpu.memory_space<vmem>>[vector<16xi32>, vector<16xi32>], vector<16xf32>,
        %add3A_262 = arith.addf %gather3A_258, %gather3A_261 : vector<16xf32>
        %mul3A_263 = arith.constant 2.000000e-01 : f32
        %mul3A_264 = vector.broadcast %mul3A_263 : f32 to vector<16xf32>
        %mul3A_265 = arith.mulf %mul3A_264, %add3A_262 : vector<16xf32>
        %max3A_266 = arith.maximumf %add3A_262, %mul3A_265 : vector<16xf32>
        %slice3A_267 = vector.extract_strided_slice %get3A_177 {offsets = [3], sizes = [1], strides = [1]} : vector<16xf32> to vector<1xf32>
        %squeeze3A_268 = vector.extract %slice3A_267[0] : f32 from vector<1xf32>
        %mul3A_269 = vector.broadcast %squeeze3A_268 : f32 to vector<16xf32>
        %mul3A_270 = arith.mulf %max3A_266, %mul3A_269 : vector<16xf32>
        %add3A_271 = arith.addf %add3A_255, %mul3A_270 : vector<16xf32>
        %broadcast_in_dim3A_272 = arith.constant 4 : i32
        %broadcast_in_dim3A_273 = vector.broadcast %broadcast_in_dim3A_272 : i32 to vector<16xi32>
        %gather3A_274 = tpu.vector_load_idx %arg14[%add3A_203, %broadcast_in_dim3A_273] : memref<80x64xf32, #tpu.memory_space<vmem>>[vector<16xi32>, vector<16xi32>], vector<16xf32>,
        %broadcast_in_dim3A_275 = arith.constant 4 : i32
        %broadcast_in_dim3A_276 = vector.broadcast %broadcast_in_dim3A_275 : i32 to vector<16xi32>
        %gather3A_277 = tpu.vector_load_idx %arg16[%add3A_203, %broadcast_in_dim3A_276] : memref<80x128xf32, #tpu.memory_space<vmem>>[vector<16xi32>, vector<16xi32>], vector<16xf32>,
        %add3A_278 = arith.addf %gather3A_274, %gather3A_277 : vector<16xf32>
        %mul3A_279 = arith.constant 2.000000e-01 : f32
        %mul3A_280 = vector.broadcast %mul3A_279 : f32 to vector<16xf32>
        %mul3A_281 = arith.mulf %mul3A_280, %add3A_278 : vector<16xf32>
        %max3A_282 = arith.maximumf %add3A_278, %mul3A_281 : vector<16xf32>
        %slice3A_283 = vector.extract_strided_slice %get3A_177 {offsets = [4], sizes = [1], strides = [1]} : vector<16xf32> to vector<1xf32>
        %squeeze3A_284 = vector.extract %slice3A_283[0] : f32 from vector<1xf32>
        %mul3A_285 = vector.broadcast %squeeze3A_284 : f32 to vector<16xf32>
        %mul3A_286 = arith.mulf %max3A_282, %mul3A_285 : vector<16xf32>
        %add3A_287 = arith.addf %add3A_271, %mul3A_286 : vector<16xf32>
        %broadcast_in_dim3A_288 = arith.constant 5 : i32
        %broadcast_in_dim3A_289 = vector.broadcast %broadcast_in_dim3A_288 : i32 to vector<16xi32>
        %gather3A_290 = tpu.vector_load_idx %arg14[%add3A_203, %broadcast_in_dim3A_289] : memref<80x64xf32, #tpu.memory_space<vmem>>[vector<16xi32>, vector<16xi32>], vector<16xf32>,
        %broadcast_in_dim3A_291 = arith.constant 5 : i32
        %broadcast_in_dim3A_292 = vector.broadcast %broadcast_in_dim3A_291 : i32 to vector<16xi32>
        %gather3A_293 = tpu.vector_load_idx %arg16[%add3A_203, %broadcast_in_dim3A_292] : memref<80x128xf32, #tpu.memory_space<vmem>>[vector<16xi32>, vector<16xi32>], vector<16xf32>,
        %add3A_294 = arith.addf %gather3A_290, %gather3A_293 : vector<16xf32>
        %mul3A_295 = arith.constant 2.000000e-01 : f32
        %mul3A_296 = vector.broadcast %mul3A_295 : f32 to vector<16xf32>
        %mul3A_297 = arith.mulf %mul3A_296, %add3A_294 : vector<16xf32>
        %max3A_298 = arith.maximumf %add3A_294, %mul3A_297 : vector<16xf32>
        %slice3A_299 = vector.extract_strided_slice %get3A_177 {offsets = [5], sizes = [1], strides = [1]} : vector<16xf32> to vector<1xf32>
        %squeeze3A_300 = vector.extract %slice3A_299[0] : f32 from vector<1xf32>
        %mul3A_301 = vector.broadcast %squeeze3A_300 : f32 to vector<16xf32>
        %mul3A_302 = arith.mulf %max3A_298, %mul3A_301 : vector<16xf32>
        %add3A_303 = arith.addf %add3A_287, %mul3A_302 : vector<16xf32>
        %broadcast_in_dim3A_304 = arith.constant 6 : i32
        %broadcast_in_dim3A_305 = vector.broadcast %broadcast_in_dim3A_304 : i32 to vector<16xi32>
        %gather3A_306 = tpu.vector_load_idx %arg14[%add3A_203, %broadcast_in_dim3A_305] : memref<80x64xf32, #tpu.memory_space<vmem>>[vector<16xi32>, vector<16xi32>], vector<16xf32>,
        %broadcast_in_dim3A_307 = arith.constant 6 : i32
        %broadcast_in_dim3A_308 = vector.broadcast %broadcast_in_dim3A_307 : i32 to vector<16xi32>
        %gather3A_309 = tpu.vector_load_idx %arg16[%add3A_203, %broadcast_in_dim3A_308] : memref<80x128xf32, #tpu.memory_space<vmem>>[vector<16xi32>, vector<16xi32>], vector<16xf32>,
        %add3A_310 = arith.addf %gather3A_306, %gather3A_309 : vector<16xf32>
        %mul3A_311 = arith.constant 2.000000e-01 : f32
        %mul3A_312 = vector.broadcast %mul3A_311 : f32 to vector<16xf32>
        %mul3A_313 = arith.mulf %mul3A_312, %add3A_310 : vector<16xf32>
        %max3A_314 = arith.maximumf %add3A_310, %mul3A_313 : vector<16xf32>
        %slice3A_315 = vector.extract_strided_slice %get3A_177 {offsets = [6], sizes = [1], strides = [1]} : vector<16xf32> to vector<1xf32>
        %squeeze3A_316 = vector.extract %slice3A_315[0] : f32 from vector<1xf32>
        %mul3A_317 = vector.broadcast %squeeze3A_316 : f32 to vector<16xf32>
        %mul3A_318 = arith.mulf %max3A_314, %mul3A_317 : vector<16xf32>
        %add3A_319 = arith.addf %add3A_303, %mul3A_318 : vector<16xf32>
        %broadcast_in_dim3A_320 = arith.constant 7 : i32
        %broadcast_in_dim3A_321 = vector.broadcast %broadcast_in_dim3A_320 : i32 to vector<16xi32>
        %gather3A_322 = tpu.vector_load_idx %arg14[%add3A_203, %broadcast_in_dim3A_321] : memref<80x64xf32, #tpu.memory_space<vmem>>[vector<16xi32>, vector<16xi32>], vector<16xf32>,
        %broadcast_in_dim3A_323 = arith.constant 7 : i32
        %broadcast_in_dim3A_324 = vector.broadcast %broadcast_in_dim3A_323 : i32 to vector<16xi32>
        %gather3A_325 = tpu.vector_load_idx %arg16[%add3A_203, %broadcast_in_dim3A_324] : memref<80x128xf32, #tpu.memory_space<vmem>>[vector<16xi32>, vector<16xi32>], vector<16xf32>,
        %add3A_326 = arith.addf %gather3A_322, %gather3A_325 : vector<16xf32>
        %mul3A_327 = arith.constant 2.000000e-01 : f32
        %mul3A_328 = vector.broadcast %mul3A_327 : f32 to vector<16xf32>
        %mul3A_329 = arith.mulf %mul3A_328, %add3A_326 : vector<16xf32>
        %max3A_330 = arith.maximumf %add3A_326, %mul3A_329 : vector<16xf32>
        %slice3A_331 = vector.extract_strided_slice %get3A_177 {offsets = [7], sizes = [1], strides = [1]} : vector<16xf32> to vector<1xf32>
        %squeeze3A_332 = vector.extract %slice3A_331[0] : f32 from vector<1xf32>
        %mul3A_333 = vector.broadcast %squeeze3A_332 : f32 to vector<16xf32>
        %mul3A_334 = arith.mulf %max3A_330, %mul3A_333 : vector<16xf32>
        %add3A_335 = arith.addf %add3A_319, %mul3A_334 : vector<16xf32>
        %broadcast_in_dim3A_336 = arith.constant 8 : i32
        %broadcast_in_dim3A_337 = vector.broadcast %broadcast_in_dim3A_336 : i32 to vector<16xi32>
        %gather3A_338 = tpu.vector_load_idx %arg14[%add3A_203, %broadcast_in_dim3A_337] : memref<80x64xf32, #tpu.memory_space<vmem>>[vector<16xi32>, vector<16xi32>], vector<16xf32>,
        %broadcast_in_dim3A_339 = arith.constant 8 : i32
        %broadcast_in_dim3A_340 = vector.broadcast %broadcast_in_dim3A_339 : i32 to vector<16xi32>
        %gather3A_341 = tpu.vector_load_idx %arg16[%add3A_203, %broadcast_in_dim3A_340] : memref<80x128xf32, #tpu.memory_space<vmem>>[vector<16xi32>, vector<16xi32>], vector<16xf32>,
        %add3A_342 = arith.addf %gather3A_338, %gather3A_341 : vector<16xf32>
        %mul3A_343 = arith.constant 2.000000e-01 : f32
        %mul3A_344 = vector.broadcast %mul3A_343 : f32 to vector<16xf32>
        %mul3A_345 = arith.mulf %mul3A_344, %add3A_342 : vector<16xf32>
        %max3A_346 = arith.maximumf %add3A_342, %mul3A_345 : vector<16xf32>
        %slice3A_347 = vector.extract_strided_slice %get3A_177 {offsets = [8], sizes = [1], strides = [1]} : vector<16xf32> to vector<1xf32>
        %squeeze3A_348 = vector.extract %slice3A_347[0] : f32 from vector<1xf32>
        %mul3A_349 = vector.broadcast %squeeze3A_348 : f32 to vector<16xf32>
        %mul3A_350 = arith.mulf %max3A_346, %mul3A_349 : vector<16xf32>
        %add3A_351 = arith.addf %add3A_335, %mul3A_350 : vector<16xf32>
        %broadcast_in_dim3A_352 = arith.constant 9 : i32
        %broadcast_in_dim3A_353 = vector.broadcast %broadcast_in_dim3A_352 : i32 to vector<16xi32>
        %gather3A_354 = tpu.vector_load_idx %arg14[%add3A_203, %broadcast_in_dim3A_353] : memref<80x64xf32, #tpu.memory_space<vmem>>[vector<16xi32>, vector<16xi32>], vector<16xf32>,
        %broadcast_in_dim3A_355 = arith.constant 9 : i32
        %broadcast_in_dim3A_356 = vector.broadcast %broadcast_in_dim3A_355 : i32 to vector<16xi32>
        %gather3A_357 = tpu.vector_load_idx %arg16[%add3A_203, %broadcast_in_dim3A_356] : memref<80x128xf32, #tpu.memory_space<vmem>>[vector<16xi32>, vector<16xi32>], vector<16xf32>,
        %add3A_358 = arith.addf %gather3A_354, %gather3A_357 : vector<16xf32>
        %mul3A_359 = arith.constant 2.000000e-01 : f32
        %mul3A_360 = vector.broadcast %mul3A_359 : f32 to vector<16xf32>
        %mul3A_361 = arith.mulf %mul3A_360, %add3A_358 : vector<16xf32>
        %max3A_362 = arith.maximumf %add3A_358, %mul3A_361 : vector<16xf32>
        %slice3A_363 = vector.extract_strided_slice %get3A_177 {offsets = [9], sizes = [1], strides = [1]} : vector<16xf32> to vector<1xf32>
        %squeeze3A_364 = vector.extract %slice3A_363[0] : f32 from vector<1xf32>
        %mul3A_365 = vector.broadcast %squeeze3A_364 : f32 to vector<16xf32>
        %mul3A_366 = arith.mulf %max3A_362, %mul3A_365 : vector<16xf32>
        %add3A_367 = arith.addf %add3A_351, %mul3A_366 : vector<16xf32>
        %broadcast_in_dim3A_368 = arith.constant 10 : i32
        %broadcast_in_dim3A_369 = vector.broadcast %broadcast_in_dim3A_368 : i32 to vector<16xi32>
        %gather3A_370 = tpu.vector_load_idx %arg14[%add3A_203, %broadcast_in_dim3A_369] : memref<80x64xf32, #tpu.memory_space<vmem>>[vector<16xi32>, vector<16xi32>], vector<16xf32>,
        %broadcast_in_dim3A_371 = arith.constant 10 : i32
        %broadcast_in_dim3A_372 = vector.broadcast %broadcast_in_dim3A_371 : i32 to vector<16xi32>
        %gather3A_373 = tpu.vector_load_idx %arg16[%add3A_203, %broadcast_in_dim3A_372] : memref<80x128xf32, #tpu.memory_space<vmem>>[vector<16xi32>, vector<16xi32>], vector<16xf32>,
        %add3A_374 = arith.addf %gather3A_370, %gather3A_373 : vector<16xf32>
        %mul3A_375 = arith.constant 2.000000e-01 : f32
        %mul3A_376 = vector.broadcast %mul3A_375 : f32 to vector<16xf32>
        %mul3A_377 = arith.mulf %mul3A_376, %add3A_374 : vector<16xf32>
        %max3A_378 = arith.maximumf %add3A_374, %mul3A_377 : vector<16xf32>
        %slice3A_379 = vector.extract_strided_slice %get3A_177 {offsets = [10], sizes = [1], strides = [1]} : vector<16xf32> to vector<1xf32>
        %squeeze3A_380 = vector.extract %slice3A_379[0] : f32 from vector<1xf32>
        %mul3A_381 = vector.broadcast %squeeze3A_380 : f32 to vector<16xf32>
        %mul3A_382 = arith.mulf %max3A_378, %mul3A_381 : vector<16xf32>
        %add3A_383 = arith.addf %add3A_367, %mul3A_382 : vector<16xf32>
        %broadcast_in_dim3A_384 = arith.constant 11 : i32
        %broadcast_in_dim3A_385 = vector.broadcast %broadcast_in_dim3A_384 : i32 to vector<16xi32>
        %gather3A_386 = tpu.vector_load_idx %arg14[%add3A_203, %broadcast_in_dim3A_385] : memref<80x64xf32, #tpu.memory_space<vmem>>[vector<16xi32>, vector<16xi32>], vector<16xf32>,
        %broadcast_in_dim3A_387 = arith.constant 11 : i32
        %broadcast_in_dim3A_388 = vector.broadcast %broadcast_in_dim3A_387 : i32 to vector<16xi32>
        %gather3A_389 = tpu.vector_load_idx %arg16[%add3A_203, %broadcast_in_dim3A_388] : memref<80x128xf32, #tpu.memory_space<vmem>>[vector<16xi32>, vector<16xi32>], vector<16xf32>,
        %add3A_390 = arith.addf %gather3A_386, %gather3A_389 : vector<16xf32>
        %mul3A_391 = arith.constant 2.000000e-01 : f32
        %mul3A_392 = vector.broadcast %mul3A_391 : f32 to vector<16xf32>
        %mul3A_393 = arith.mulf %mul3A_392, %add3A_390 : vector<16xf32>
        %max3A_394 = arith.maximumf %add3A_390, %mul3A_393 : vector<16xf32>
        %slice3A_395 = vector.extract_strided_slice %get3A_177 {offsets = [11], sizes = [1], strides = [1]} : vector<16xf32> to vector<1xf32>
        %squeeze3A_396 = vector.extract %slice3A_395[0] : f32 from vector<1xf32>
        %mul3A_397 = vector.broadcast %squeeze3A_396 : f32 to vector<16xf32>
        %mul3A_398 = arith.mulf %max3A_394, %mul3A_397 : vector<16xf32>
        %add3A_399 = arith.addf %add3A_383, %mul3A_398 : vector<16xf32>
        %broadcast_in_dim3A_400 = arith.constant 12 : i32
        %broadcast_in_dim3A_401 = vector.broadcast %broadcast_in_dim3A_400 : i32 to vector<16xi32>
        %gather3A_402 = tpu.vector_load_idx %arg14[%add3A_203, %broadcast_in_dim3A_401] : memref<80x64xf32, #tpu.memory_space<vmem>>[vector<16xi32>, vector<16xi32>], vector<16xf32>,
        %broadcast_in_dim3A_403 = arith.constant 12 : i32
        %broadcast_in_dim3A_404 = vector.broadcast %broadcast_in_dim3A_403 : i32 to vector<16xi32>
        %gather3A_405 = tpu.vector_load_idx %arg16[%add3A_203, %broadcast_in_dim3A_404] : memref<80x128xf32, #tpu.memory_space<vmem>>[vector<16xi32>, vector<16xi32>], vector<16xf32>,
        %add3A_406 = arith.addf %gather3A_402, %gather3A_405 : vector<16xf32>
        %mul3A_407 = arith.constant 2.000000e-01 : f32
        %mul3A_408 = vector.broadcast %mul3A_407 : f32 to vector<16xf32>
        %mul3A_409 = arith.mulf %mul3A_408, %add3A_406 : vector<16xf32>
        %max3A_410 = arith.maximumf %add3A_406, %mul3A_409 : vector<16xf32>
        %slice3A_411 = vector.extract_strided_slice %get3A_177 {offsets = [12], sizes = [1], strides = [1]} : vector<16xf32> to vector<1xf32>
        %squeeze3A_412 = vector.extract %slice3A_411[0] : f32 from vector<1xf32>
        %mul3A_413 = vector.broadcast %squeeze3A_412 : f32 to vector<16xf32>
        %mul3A_414 = arith.mulf %max3A_410, %mul3A_413 : vector<16xf32>
        %add3A_415 = arith.addf %add3A_399, %mul3A_414 : vector<16xf32>
        %broadcast_in_dim3A_416 = arith.constant 13 : i32
        %broadcast_in_dim3A_417 = vector.broadcast %broadcast_in_dim3A_416 : i32 to vector<16xi32>
        %gather3A_418 = tpu.vector_load_idx %arg14[%add3A_203, %broadcast_in_dim3A_417] : memref<80x64xf32, #tpu.memory_space<vmem>>[vector<16xi32>, vector<16xi32>], vector<16xf32>,
        %broadcast_in_dim3A_419 = arith.constant 13 : i32
        %broadcast_in_dim3A_420 = vector.broadcast %broadcast_in_dim3A_419 : i32 to vector<16xi32>
        %gather3A_421 = tpu.vector_load_idx %arg16[%add3A_203, %broadcast_in_dim3A_420] : memref<80x128xf32, #tpu.memory_space<vmem>>[vector<16xi32>, vector<16xi32>], vector<16xf32>,
        %add3A_422 = arith.addf %gather3A_418, %gather3A_421 : vector<16xf32>
        %mul3A_423 = arith.constant 2.000000e-01 : f32
        %mul3A_424 = vector.broadcast %mul3A_423 : f32 to vector<16xf32>
        %mul3A_425 = arith.mulf %mul3A_424, %add3A_422 : vector<16xf32>
        %max3A_426 = arith.maximumf %add3A_422, %mul3A_425 : vector<16xf32>
        %slice3A_427 = vector.extract_strided_slice %get3A_177 {offsets = [13], sizes = [1], strides = [1]} : vector<16xf32> to vector<1xf32>
        %squeeze3A_428 = vector.extract %slice3A_427[0] : f32 from vector<1xf32>
        %mul3A_429 = vector.broadcast %squeeze3A_428 : f32 to vector<16xf32>
        %mul3A_430 = arith.mulf %max3A_426, %mul3A_429 : vector<16xf32>
        %add3A_431 = arith.addf %add3A_415, %mul3A_430 : vector<16xf32>
        %broadcast_in_dim3A_432 = arith.constant 14 : i32
        %broadcast_in_dim3A_433 = vector.broadcast %broadcast_in_dim3A_432 : i32 to vector<16xi32>
        %gather3A_434 = tpu.vector_load_idx %arg14[%add3A_203, %broadcast_in_dim3A_433] : memref<80x64xf32, #tpu.memory_space<vmem>>[vector<16xi32>, vector<16xi32>], vector<16xf32>,
        %broadcast_in_dim3A_435 = arith.constant 14 : i32
        %broadcast_in_dim3A_436 = vector.broadcast %broadcast_in_dim3A_435 : i32 to vector<16xi32>
        %gather3A_437 = tpu.vector_load_idx %arg16[%add3A_203, %broadcast_in_dim3A_436] : memref<80x128xf32, #tpu.memory_space<vmem>>[vector<16xi32>, vector<16xi32>], vector<16xf32>,
        %add3A_438 = arith.addf %gather3A_434, %gather3A_437 : vector<16xf32>
        %mul3A_439 = arith.constant 2.000000e-01 : f32
        %mul3A_440 = vector.broadcast %mul3A_439 : f32 to vector<16xf32>
        %mul3A_441 = arith.mulf %mul3A_440, %add3A_438 : vector<16xf32>
        %max3A_442 = arith.maximumf %add3A_438, %mul3A_441 : vector<16xf32>
        %slice3A_443 = vector.extract_strided_slice %get3A_177 {offsets = [14], sizes = [1], strides = [1]} : vector<16xf32> to vector<1xf32>
        %squeeze3A_444 = vector.extract %slice3A_443[0] : f32 from vector<1xf32>
        %mul3A_445 = vector.broadcast %squeeze3A_444 : f32 to vector<16xf32>
        %mul3A_446 = arith.mulf %max3A_442, %mul3A_445 : vector<16xf32>
        %add3A_447 = arith.addf %add3A_431, %mul3A_446 : vector<16xf32>
        %broadcast_in_dim3A_448 = arith.constant 15 : i32
        %broadcast_in_dim3A_449 = vector.broadcast %broadcast_in_dim3A_448 : i32 to vector<16xi32>
        %gather3A_450 = tpu.vector_load_idx %arg14[%add3A_203, %broadcast_in_dim3A_449] : memref<80x64xf32, #tpu.memory_space<vmem>>[vector<16xi32>, vector<16xi32>], vector<16xf32>,
        %broadcast_in_dim3A_451 = arith.constant 15 : i32
        %broadcast_in_dim3A_452 = vector.broadcast %broadcast_in_dim3A_451 : i32 to vector<16xi32>
        %gather3A_453 = tpu.vector_load_idx %arg16[%add3A_203, %broadcast_in_dim3A_452] : memref<80x128xf32, #tpu.memory_space<vmem>>[vector<16xi32>, vector<16xi32>], vector<16xf32>,
        %add3A_454 = arith.addf %gather3A_450, %gather3A_453 : vector<16xf32>
        %mul3A_455 = arith.constant 2.000000e-01 : f32
        %mul3A_456 = vector.broadcast %mul3A_455 : f32 to vector<16xf32>
        %mul3A_457 = arith.mulf %mul3A_456, %add3A_454 : vector<16xf32>
        %max3A_458 = arith.maximumf %add3A_454, %mul3A_457 : vector<16xf32>
        %slice3A_459 = vector.extract_strided_slice %get3A_177 {offsets = [15], sizes = [1], strides = [1]} : vector<16xf32> to vector<1xf32>
        %squeeze3A_460 = vector.extract %slice3A_459[0] : f32 from vector<1xf32>
        %mul3A_461 = vector.broadcast %squeeze3A_460 : f32 to vector<16xf32>
        %mul3A_462 = arith.mulf %max3A_458, %mul3A_461 : vector<16xf32>
        %add3A_463 = arith.addf %add3A_447, %mul3A_462 : vector<16xf32>
        %broadcast_in_dim3A_464 = arith.constant 16 : i32
        %broadcast_in_dim3A_465 = vector.broadcast %broadcast_in_dim3A_464 : i32 to vector<16xi32>
        %gather3A_466 = tpu.vector_load_idx %arg14[%add3A_203, %broadcast_in_dim3A_465] : memref<80x64xf32, #tpu.memory_space<vmem>>[vector<16xi32>, vector<16xi32>], vector<16xf32>,
        %broadcast_in_dim3A_467 = arith.constant 16 : i32
        %broadcast_in_dim3A_468 = vector.broadcast %broadcast_in_dim3A_467 : i32 to vector<16xi32>
        %gather3A_469 = tpu.vector_load_idx %arg16[%add3A_203, %broadcast_in_dim3A_468] : memref<80x128xf32, #tpu.memory_space<vmem>>[vector<16xi32>, vector<16xi32>], vector<16xf32>,
        %add3A_470 = arith.addf %gather3A_466, %gather3A_469 : vector<16xf32>
        %mul3A_471 = arith.constant 2.000000e-01 : f32
        %mul3A_472 = vector.broadcast %mul3A_471 : f32 to vector<16xf32>
        %mul3A_473 = arith.mulf %mul3A_472, %add3A_470 : vector<16xf32>
        %max3A_474 = arith.maximumf %add3A_470, %mul3A_473 : vector<16xf32>
        %slice3A_475 = vector.extract_strided_slice %get3A_179 {offsets = [0], sizes = [1], strides = [1]} : vector<16xf32> to vector<1xf32>
        %squeeze3A_476 = vector.extract %slice3A_475[0] : f32 from vector<1xf32>
        %mul3A_477 = vector.broadcast %squeeze3A_476 : f32 to vector<16xf32>
        %mul3A_478 = arith.mulf %max3A_474, %mul3A_477 : vector<16xf32>
        %add3A_479 = arith.addf %add3A_463, %mul3A_478 : vector<16xf32>
        %broadcast_in_dim3A_480 = arith.constant 17 : i32
        %broadcast_in_dim3A_481 = vector.broadcast %broadcast_in_dim3A_480 : i32 to vector<16xi32>
        %gather3A_482 = tpu.vector_load_idx %arg14[%add3A_203, %broadcast_in_dim3A_481] : memref<80x64xf32, #tpu.memory_space<vmem>>[vector<16xi32>, vector<16xi32>], vector<16xf32>,
        %broadcast_in_dim3A_483 = arith.constant 17 : i32
        %broadcast_in_dim3A_484 = vector.broadcast %broadcast_in_dim3A_483 : i32 to vector<16xi32>
        %gather3A_485 = tpu.vector_load_idx %arg16[%add3A_203, %broadcast_in_dim3A_484] : memref<80x128xf32, #tpu.memory_space<vmem>>[vector<16xi32>, vector<16xi32>], vector<16xf32>,
        %add3A_486 = arith.addf %gather3A_482, %gather3A_485 : vector<16xf32>
        %mul3A_487 = arith.constant 2.000000e-01 : f32
        %mul3A_488 = vector.broadcast %mul3A_487 : f32 to vector<16xf32>
        %mul3A_489 = arith.mulf %mul3A_488, %add3A_486 : vector<16xf32>
        %max3A_490 = arith.maximumf %add3A_486, %mul3A_489 : vector<16xf32>
        %slice3A_491 = vector.extract_strided_slice %get3A_179 {offsets = [1], sizes = [1], strides = [1]} : vector<16xf32> to vector<1xf32>
        %squeeze3A_492 = vector.extract %slice3A_491[0] : f32 from vector<1xf32>
        %mul3A_493 = vector.broadcast %squeeze3A_492 : f32 to vector<16xf32>
        %mul3A_494 = arith.mulf %max3A_490, %mul3A_493 : vector<16xf32>
        %add3A_495 = arith.addf %add3A_479, %mul3A_494 : vector<16xf32>
        %broadcast_in_dim3A_496 = arith.constant 18 : i32
        %broadcast_in_dim3A_497 = vector.broadcast %broadcast_in_dim3A_496 : i32 to vector<16xi32>
        %gather3A_498 = tpu.vector_load_idx %arg14[%add3A_203, %broadcast_in_dim3A_497] : memref<80x64xf32, #tpu.memory_space<vmem>>[vector<16xi32>, vector<16xi32>], vector<16xf32>,
        %broadcast_in_dim3A_499 = arith.constant 18 : i32
        %broadcast_in_dim3A_500 = vector.broadcast %broadcast_in_dim3A_499 : i32 to vector<16xi32>
        %gather3A_501 = tpu.vector_load_idx %arg16[%add3A_203, %broadcast_in_dim3A_500] : memref<80x128xf32, #tpu.memory_space<vmem>>[vector<16xi32>, vector<16xi32>], vector<16xf32>,
        %add3A_502 = arith.addf %gather3A_498, %gather3A_501 : vector<16xf32>
        %mul3A_503 = arith.constant 2.000000e-01 : f32
        %mul3A_504 = vector.broadcast %mul3A_503 : f32 to vector<16xf32>
        %mul3A_505 = arith.mulf %mul3A_504, %add3A_502 : vector<16xf32>
        %max3A_506 = arith.maximumf %add3A_502, %mul3A_505 : vector<16xf32>
        %slice3A_507 = vector.extract_strided_slice %get3A_179 {offsets = [2], sizes = [1], strides = [1]} : vector<16xf32> to vector<1xf32>
        %squeeze3A_508 = vector.extract %slice3A_507[0] : f32 from vector<1xf32>
        %mul3A_509 = vector.broadcast %squeeze3A_508 : f32 to vector<16xf32>
        %mul3A_510 = arith.mulf %max3A_506, %mul3A_509 : vector<16xf32>
        %add3A_511 = arith.addf %add3A_495, %mul3A_510 : vector<16xf32>
        %broadcast_in_dim3A_512 = arith.constant 19 : i32
        %broadcast_in_dim3A_513 = vector.broadcast %broadcast_in_dim3A_512 : i32 to vector<16xi32>
        %gather3A_514 = tpu.vector_load_idx %arg14[%add3A_203, %broadcast_in_dim3A_513] : memref<80x64xf32, #tpu.memory_space<vmem>>[vector<16xi32>, vector<16xi32>], vector<16xf32>,
        %broadcast_in_dim3A_515 = arith.constant 19 : i32
        %broadcast_in_dim3A_516 = vector.broadcast %broadcast_in_dim3A_515 : i32 to vector<16xi32>
        %gather3A_517 = tpu.vector_load_idx %arg16[%add3A_203, %broadcast_in_dim3A_516] : memref<80x128xf32, #tpu.memory_space<vmem>>[vector<16xi32>, vector<16xi32>], vector<16xf32>,
        %add3A_518 = arith.addf %gather3A_514, %gather3A_517 : vector<16xf32>
        %mul3A_519 = arith.constant 2.000000e-01 : f32
        %mul3A_520 = vector.broadcast %mul3A_519 : f32 to vector<16xf32>
        %mul3A_521 = arith.mulf %mul3A_520, %add3A_518 : vector<16xf32>
        %max3A_522 = arith.maximumf %add3A_518, %mul3A_521 : vector<16xf32>
        %slice3A_523 = vector.extract_strided_slice %get3A_179 {offsets = [3], sizes = [1], strides = [1]} : vector<16xf32> to vector<1xf32>
        %squeeze3A_524 = vector.extract %slice3A_523[0] : f32 from vector<1xf32>
        %mul3A_525 = vector.broadcast %squeeze3A_524 : f32 to vector<16xf32>
        %mul3A_526 = arith.mulf %max3A_522, %mul3A_525 : vector<16xf32>
        %add3A_527 = arith.addf %add3A_511, %mul3A_526 : vector<16xf32>
        %broadcast_in_dim3A_528 = arith.constant 20 : i32
        %broadcast_in_dim3A_529 = vector.broadcast %broadcast_in_dim3A_528 : i32 to vector<16xi32>
        %gather3A_530 = tpu.vector_load_idx %arg14[%add3A_203, %broadcast_in_dim3A_529] : memref<80x64xf32, #tpu.memory_space<vmem>>[vector<16xi32>, vector<16xi32>], vector<16xf32>,
        %broadcast_in_dim3A_531 = arith.constant 20 : i32
        %broadcast_in_dim3A_532 = vector.broadcast %broadcast_in_dim3A_531 : i32 to vector<16xi32>
        %gather3A_533 = tpu.vector_load_idx %arg16[%add3A_203, %broadcast_in_dim3A_532] : memref<80x128xf32, #tpu.memory_space<vmem>>[vector<16xi32>, vector<16xi32>], vector<16xf32>,
        %add3A_534 = arith.addf %gather3A_530, %gather3A_533 : vector<16xf32>
        %mul3A_535 = arith.constant 2.000000e-01 : f32
        %mul3A_536 = vector.broadcast %mul3A_535 : f32 to vector<16xf32>
        %mul3A_537 = arith.mulf %mul3A_536, %add3A_534 : vector<16xf32>
        %max3A_538 = arith.maximumf %add3A_534, %mul3A_537 : vector<16xf32>
        %slice3A_539 = vector.extract_strided_slice %get3A_179 {offsets = [4], sizes = [1], strides = [1]} : vector<16xf32> to vector<1xf32>
        %squeeze3A_540 = vector.extract %slice3A_539[0] : f32 from vector<1xf32>
        %mul3A_541 = vector.broadcast %squeeze3A_540 : f32 to vector<16xf32>
        %mul3A_542 = arith.mulf %max3A_538, %mul3A_541 : vector<16xf32>
        %add3A_543 = arith.addf %add3A_527, %mul3A_542 : vector<16xf32>
        %broadcast_in_dim3A_544 = arith.constant 21 : i32
        %broadcast_in_dim3A_545 = vector.broadcast %broadcast_in_dim3A_544 : i32 to vector<16xi32>
        %gather3A_546 = tpu.vector_load_idx %arg14[%add3A_203, %broadcast_in_dim3A_545] : memref<80x64xf32, #tpu.memory_space<vmem>>[vector<16xi32>, vector<16xi32>], vector<16xf32>,
        %broadcast_in_dim3A_547 = arith.constant 21 : i32
        %broadcast_in_dim3A_548 = vector.broadcast %broadcast_in_dim3A_547 : i32 to vector<16xi32>
        %gather3A_549 = tpu.vector_load_idx %arg16[%add3A_203, %broadcast_in_dim3A_548] : memref<80x128xf32, #tpu.memory_space<vmem>>[vector<16xi32>, vector<16xi32>], vector<16xf32>,
        %add3A_550 = arith.addf %gather3A_546, %gather3A_549 : vector<16xf32>
        %mul3A_551 = arith.constant 2.000000e-01 : f32
        %mul3A_552 = vector.broadcast %mul3A_551 : f32 to vector<16xf32>
        %mul3A_553 = arith.mulf %mul3A_552, %add3A_550 : vector<16xf32>
        %max3A_554 = arith.maximumf %add3A_550, %mul3A_553 : vector<16xf32>
        %slice3A_555 = vector.extract_strided_slice %get3A_179 {offsets = [5], sizes = [1], strides = [1]} : vector<16xf32> to vector<1xf32>
        %squeeze3A_556 = vector.extract %slice3A_555[0] : f32 from vector<1xf32>
        %mul3A_557 = vector.broadcast %squeeze3A_556 : f32 to vector<16xf32>
        %mul3A_558 = arith.mulf %max3A_554, %mul3A_557 : vector<16xf32>
        %add3A_559 = arith.addf %add3A_543, %mul3A_558 : vector<16xf32>
        %broadcast_in_dim3A_560 = arith.constant 22 : i32
        %broadcast_in_dim3A_561 = vector.broadcast %broadcast_in_dim3A_560 : i32 to vector<16xi32>
        %gather3A_562 = tpu.vector_load_idx %arg14[%add3A_203, %broadcast_in_dim3A_561] : memref<80x64xf32, #tpu.memory_space<vmem>>[vector<16xi32>, vector<16xi32>], vector<16xf32>,
        %broadcast_in_dim3A_563 = arith.constant 22 : i32
        %broadcast_in_dim3A_564 = vector.broadcast %broadcast_in_dim3A_563 : i32 to vector<16xi32>
        %gather3A_565 = tpu.vector_load_idx %arg16[%add3A_203, %broadcast_in_dim3A_564] : memref<80x128xf32, #tpu.memory_space<vmem>>[vector<16xi32>, vector<16xi32>], vector<16xf32>,
        %add3A_566 = arith.addf %gather3A_562, %gather3A_565 : vector<16xf32>
        %mul3A_567 = arith.constant 2.000000e-01 : f32
        %mul3A_568 = vector.broadcast %mul3A_567 : f32 to vector<16xf32>
        %mul3A_569 = arith.mulf %mul3A_568, %add3A_566 : vector<16xf32>
        %max3A_570 = arith.maximumf %add3A_566, %mul3A_569 : vector<16xf32>
        %slice3A_571 = vector.extract_strided_slice %get3A_179 {offsets = [6], sizes = [1], strides = [1]} : vector<16xf32> to vector<1xf32>
        %squeeze3A_572 = vector.extract %slice3A_571[0] : f32 from vector<1xf32>
        %mul3A_573 = vector.broadcast %squeeze3A_572 : f32 to vector<16xf32>
        %mul3A_574 = arith.mulf %max3A_570, %mul3A_573 : vector<16xf32>
        %add3A_575 = arith.addf %add3A_559, %mul3A_574 : vector<16xf32>
        %broadcast_in_dim3A_576 = arith.constant 23 : i32
        %broadcast_in_dim3A_577 = vector.broadcast %broadcast_in_dim3A_576 : i32 to vector<16xi32>
        %gather3A_578 = tpu.vector_load_idx %arg14[%add3A_203, %broadcast_in_dim3A_577] : memref<80x64xf32, #tpu.memory_space<vmem>>[vector<16xi32>, vector<16xi32>], vector<16xf32>,
        %broadcast_in_dim3A_579 = arith.constant 23 : i32
        %broadcast_in_dim3A_580 = vector.broadcast %broadcast_in_dim3A_579 : i32 to vector<16xi32>
        %gather3A_581 = tpu.vector_load_idx %arg16[%add3A_203, %broadcast_in_dim3A_580] : memref<80x128xf32, #tpu.memory_space<vmem>>[vector<16xi32>, vector<16xi32>], vector<16xf32>,
        %add3A_582 = arith.addf %gather3A_578, %gather3A_581 : vector<16xf32>
        %mul3A_583 = arith.constant 2.000000e-01 : f32
        %mul3A_584 = vector.broadcast %mul3A_583 : f32 to vector<16xf32>
        %mul3A_585 = arith.mulf %mul3A_584, %add3A_582 : vector<16xf32>
        %max3A_586 = arith.maximumf %add3A_582, %mul3A_585 : vector<16xf32>
        %slice3A_587 = vector.extract_strided_slice %get3A_179 {offsets = [7], sizes = [1], strides = [1]} : vector<16xf32> to vector<1xf32>
        %squeeze3A_588 = vector.extract %slice3A_587[0] : f32 from vector<1xf32>
        %mul3A_589 = vector.broadcast %squeeze3A_588 : f32 to vector<16xf32>
        %mul3A_590 = arith.mulf %max3A_586, %mul3A_589 : vector<16xf32>
        %add3A_591 = arith.addf %add3A_575, %mul3A_590 : vector<16xf32>
        %broadcast_in_dim3A_592 = arith.constant 24 : i32
        %broadcast_in_dim3A_593 = vector.broadcast %broadcast_in_dim3A_592 : i32 to vector<16xi32>
        %gather3A_594 = tpu.vector_load_idx %arg14[%add3A_203, %broadcast_in_dim3A_593] : memref<80x64xf32, #tpu.memory_space<vmem>>[vector<16xi32>, vector<16xi32>], vector<16xf32>,
        %broadcast_in_dim3A_595 = arith.constant 24 : i32
        %broadcast_in_dim3A_596 = vector.broadcast %broadcast_in_dim3A_595 : i32 to vector<16xi32>
        %gather3A_597 = tpu.vector_load_idx %arg16[%add3A_203, %broadcast_in_dim3A_596] : memref<80x128xf32, #tpu.memory_space<vmem>>[vector<16xi32>, vector<16xi32>], vector<16xf32>,
        %add3A_598 = arith.addf %gather3A_594, %gather3A_597 : vector<16xf32>
        %mul3A_599 = arith.constant 2.000000e-01 : f32
        %mul3A_600 = vector.broadcast %mul3A_599 : f32 to vector<16xf32>
        %mul3A_601 = arith.mulf %mul3A_600, %add3A_598 : vector<16xf32>
        %max3A_602 = arith.maximumf %add3A_598, %mul3A_601 : vector<16xf32>
        %slice3A_603 = vector.extract_strided_slice %get3A_179 {offsets = [8], sizes = [1], strides = [1]} : vector<16xf32> to vector<1xf32>
        %squeeze3A_604 = vector.extract %slice3A_603[0] : f32 from vector<1xf32>
        %mul3A_605 = vector.broadcast %squeeze3A_604 : f32 to vector<16xf32>
        %mul3A_606 = arith.mulf %max3A_602, %mul3A_605 : vector<16xf32>
        %add3A_607 = arith.addf %add3A_591, %mul3A_606 : vector<16xf32>
        %broadcast_in_dim3A_608 = arith.constant 25 : i32
        %broadcast_in_dim3A_609 = vector.broadcast %broadcast_in_dim3A_608 : i32 to vector<16xi32>
        %gather3A_610 = tpu.vector_load_idx %arg14[%add3A_203, %broadcast_in_dim3A_609] : memref<80x64xf32, #tpu.memory_space<vmem>>[vector<16xi32>, vector<16xi32>], vector<16xf32>,
        %broadcast_in_dim3A_611 = arith.constant 25 : i32
        %broadcast_in_dim3A_612 = vector.broadcast %broadcast_in_dim3A_611 : i32 to vector<16xi32>
        %gather3A_613 = tpu.vector_load_idx %arg16[%add3A_203, %broadcast_in_dim3A_612] : memref<80x128xf32, #tpu.memory_space<vmem>>[vector<16xi32>, vector<16xi32>], vector<16xf32>,
        %add3A_614 = arith.addf %gather3A_610, %gather3A_613 : vector<16xf32>
        %mul3A_615 = arith.constant 2.000000e-01 : f32
        %mul3A_616 = vector.broadcast %mul3A_615 : f32 to vector<16xf32>
        %mul3A_617 = arith.mulf %mul3A_616, %add3A_614 : vector<16xf32>
        %max3A_618 = arith.maximumf %add3A_614, %mul3A_617 : vector<16xf32>
        %slice3A_619 = vector.extract_strided_slice %get3A_179 {offsets = [9], sizes = [1], strides = [1]} : vector<16xf32> to vector<1xf32>
        %squeeze3A_620 = vector.extract %slice3A_619[0] : f32 from vector<1xf32>
        %mul3A_621 = vector.broadcast %squeeze3A_620 : f32 to vector<16xf32>
        %mul3A_622 = arith.mulf %max3A_618, %mul3A_621 : vector<16xf32>
        %add3A_623 = arith.addf %add3A_607, %mul3A_622 : vector<16xf32>
        %broadcast_in_dim3A_624 = arith.constant 26 : i32
        %broadcast_in_dim3A_625 = vector.broadcast %broadcast_in_dim3A_624 : i32 to vector<16xi32>
        %gather3A_626 = tpu.vector_load_idx %arg14[%add3A_203, %broadcast_in_dim3A_625] : memref<80x64xf32, #tpu.memory_space<vmem>>[vector<16xi32>, vector<16xi32>], vector<16xf32>,
        %broadcast_in_dim3A_627 = arith.constant 26 : i32
        %broadcast_in_dim3A_628 = vector.broadcast %broadcast_in_dim3A_627 : i32 to vector<16xi32>
        %gather3A_629 = tpu.vector_load_idx %arg16[%add3A_203, %broadcast_in_dim3A_628] : memref<80x128xf32, #tpu.memory_space<vmem>>[vector<16xi32>, vector<16xi32>], vector<16xf32>,
        %add3A_630 = arith.addf %gather3A_626, %gather3A_629 : vector<16xf32>
        %mul3A_631 = arith.constant 2.000000e-01 : f32
        %mul3A_632 = vector.broadcast %mul3A_631 : f32 to vector<16xf32>
        %mul3A_633 = arith.mulf %mul3A_632, %add3A_630 : vector<16xf32>
        %max3A_634 = arith.maximumf %add3A_630, %mul3A_633 : vector<16xf32>
        %slice3A_635 = vector.extract_strided_slice %get3A_179 {offsets = [10], sizes = [1], strides = [1]} : vector<16xf32> to vector<1xf32>
        %squeeze3A_636 = vector.extract %slice3A_635[0] : f32 from vector<1xf32>
        %mul3A_637 = vector.broadcast %squeeze3A_636 : f32 to vector<16xf32>
        %mul3A_638 = arith.mulf %max3A_634, %mul3A_637 : vector<16xf32>
        %add3A_639 = arith.addf %add3A_623, %mul3A_638 : vector<16xf32>
        %broadcast_in_dim3A_640 = arith.constant 27 : i32
        %broadcast_in_dim3A_641 = vector.broadcast %broadcast_in_dim3A_640 : i32 to vector<16xi32>
        %gather3A_642 = tpu.vector_load_idx %arg14[%add3A_203, %broadcast_in_dim3A_641] : memref<80x64xf32, #tpu.memory_space<vmem>>[vector<16xi32>, vector<16xi32>], vector<16xf32>,
        %broadcast_in_dim3A_643 = arith.constant 27 : i32
        %broadcast_in_dim3A_644 = vector.broadcast %broadcast_in_dim3A_643 : i32 to vector<16xi32>
        %gather3A_645 = tpu.vector_load_idx %arg16[%add3A_203, %broadcast_in_dim3A_644] : memref<80x128xf32, #tpu.memory_space<vmem>>[vector<16xi32>, vector<16xi32>], vector<16xf32>,
        %add3A_646 = arith.addf %gather3A_642, %gather3A_645 : vector<16xf32>
        %mul3A_647 = arith.constant 2.000000e-01 : f32
        %mul3A_648 = vector.broadcast %mul3A_647 : f32 to vector<16xf32>
        %mul3A_649 = arith.mulf %mul3A_648, %add3A_646 : vector<16xf32>
        %max3A_650 = arith.maximumf %add3A_646, %mul3A_649 : vector<16xf32>
        %slice3A_651 = vector.extract_strided_slice %get3A_179 {offsets = [11], sizes = [1], strides = [1]} : vector<16xf32> to vector<1xf32>
        %squeeze3A_652 = vector.extract %slice3A_651[0] : f32 from vector<1xf32>
        %mul3A_653 = vector.broadcast %squeeze3A_652 : f32 to vector<16xf32>
        %mul3A_654 = arith.mulf %max3A_650, %mul3A_653 : vector<16xf32>
        %add3A_655 = arith.addf %add3A_639, %mul3A_654 : vector<16xf32>
        %broadcast_in_dim3A_656 = arith.constant 28 : i32
        %broadcast_in_dim3A_657 = vector.broadcast %broadcast_in_dim3A_656 : i32 to vector<16xi32>
        %gather3A_658 = tpu.vector_load_idx %arg14[%add3A_203, %broadcast_in_dim3A_657] : memref<80x64xf32, #tpu.memory_space<vmem>>[vector<16xi32>, vector<16xi32>], vector<16xf32>,
        %broadcast_in_dim3A_659 = arith.constant 28 : i32
        %broadcast_in_dim3A_660 = vector.broadcast %broadcast_in_dim3A_659 : i32 to vector<16xi32>
        %gather3A_661 = tpu.vector_load_idx %arg16[%add3A_203, %broadcast_in_dim3A_660] : memref<80x128xf32, #tpu.memory_space<vmem>>[vector<16xi32>, vector<16xi32>], vector<16xf32>,
        %add3A_662 = arith.addf %gather3A_658, %gather3A_661 : vector<16xf32>
        %mul3A_663 = arith.constant 2.000000e-01 : f32
        %mul3A_664 = vector.broadcast %mul3A_663 : f32 to vector<16xf32>
        %mul3A_665 = arith.mulf %mul3A_664, %add3A_662 : vector<16xf32>
        %max3A_666 = arith.maximumf %add3A_662, %mul3A_665 : vector<16xf32>
        %slice3A_667 = vector.extract_strided_slice %get3A_179 {offsets = [12], sizes = [1], strides = [1]} : vector<16xf32> to vector<1xf32>
        %squeeze3A_668 = vector.extract %slice3A_667[0] : f32 from vector<1xf32>
        %mul3A_669 = vector.broadcast %squeeze3A_668 : f32 to vector<16xf32>
        %mul3A_670 = arith.mulf %max3A_666, %mul3A_669 : vector<16xf32>
        %add3A_671 = arith.addf %add3A_655, %mul3A_670 : vector<16xf32>
        %broadcast_in_dim3A_672 = arith.constant 29 : i32
        %broadcast_in_dim3A_673 = vector.broadcast %broadcast_in_dim3A_672 : i32 to vector<16xi32>
        %gather3A_674 = tpu.vector_load_idx %arg14[%add3A_203, %broadcast_in_dim3A_673] : memref<80x64xf32, #tpu.memory_space<vmem>>[vector<16xi32>, vector<16xi32>], vector<16xf32>,
        %broadcast_in_dim3A_675 = arith.constant 29 : i32
        %broadcast_in_dim3A_676 = vector.broadcast %broadcast_in_dim3A_675 : i32 to vector<16xi32>
        %gather3A_677 = tpu.vector_load_idx %arg16[%add3A_203, %broadcast_in_dim3A_676] : memref<80x128xf32, #tpu.memory_space<vmem>>[vector<16xi32>, vector<16xi32>], vector<16xf32>,
        %add3A_678 = arith.addf %gather3A_674, %gather3A_677 : vector<16xf32>
        %mul3A_679 = arith.constant 2.000000e-01 : f32
        %mul3A_680 = vector.broadcast %mul3A_679 : f32 to vector<16xf32>
        %mul3A_681 = arith.mulf %mul3A_680, %add3A_678 : vector<16xf32>
        %max3A_682 = arith.maximumf %add3A_678, %mul3A_681 : vector<16xf32>
        %slice3A_683 = vector.extract_strided_slice %get3A_179 {offsets = [13], sizes = [1], strides = [1]} : vector<16xf32> to vector<1xf32>
        %squeeze3A_684 = vector.extract %slice3A_683[0] : f32 from vector<1xf32>
        %mul3A_685 = vector.broadcast %squeeze3A_684 : f32 to vector<16xf32>
        %mul3A_686 = arith.mulf %max3A_682, %mul3A_685 : vector<16xf32>
        %add3A_687 = arith.addf %add3A_671, %mul3A_686 : vector<16xf32>
        %broadcast_in_dim3A_688 = arith.constant 30 : i32
        %broadcast_in_dim3A_689 = vector.broadcast %broadcast_in_dim3A_688 : i32 to vector<16xi32>
        %gather3A_690 = tpu.vector_load_idx %arg14[%add3A_203, %broadcast_in_dim3A_689] : memref<80x64xf32, #tpu.memory_space<vmem>>[vector<16xi32>, vector<16xi32>], vector<16xf32>,
        %broadcast_in_dim3A_691 = arith.constant 30 : i32
        %broadcast_in_dim3A_692 = vector.broadcast %broadcast_in_dim3A_691 : i32 to vector<16xi32>
        %gather3A_693 = tpu.vector_load_idx %arg16[%add3A_203, %broadcast_in_dim3A_692] : memref<80x128xf32, #tpu.memory_space<vmem>>[vector<16xi32>, vector<16xi32>], vector<16xf32>,
        %add3A_694 = arith.addf %gather3A_690, %gather3A_693 : vector<16xf32>
        %mul3A_695 = arith.constant 2.000000e-01 : f32
        %mul3A_696 = vector.broadcast %mul3A_695 : f32 to vector<16xf32>
        %mul3A_697 = arith.mulf %mul3A_696, %add3A_694 : vector<16xf32>
        %max3A_698 = arith.maximumf %add3A_694, %mul3A_697 : vector<16xf32>
        %slice3A_699 = vector.extract_strided_slice %get3A_179 {offsets = [14], sizes = [1], strides = [1]} : vector<16xf32> to vector<1xf32>
        %squeeze3A_700 = vector.extract %slice3A_699[0] : f32 from vector<1xf32>
        %mul3A_701 = vector.broadcast %squeeze3A_700 : f32 to vector<16xf32>
        %mul3A_702 = arith.mulf %max3A_698, %mul3A_701 : vector<16xf32>
        %add3A_703 = arith.addf %add3A_687, %mul3A_702 : vector<16xf32>
        %broadcast_in_dim3A_704 = arith.constant 31 : i32
        %broadcast_in_dim3A_705 = vector.broadcast %broadcast_in_dim3A_704 : i32 to vector<16xi32>
        %gather3A_706 = tpu.vector_load_idx %arg14[%add3A_203, %broadcast_in_dim3A_705] : memref<80x64xf32, #tpu.memory_space<vmem>>[vector<16xi32>, vector<16xi32>], vector<16xf32>,
        %broadcast_in_dim3A_707 = arith.constant 31 : i32
        %broadcast_in_dim3A_708 = vector.broadcast %broadcast_in_dim3A_707 : i32 to vector<16xi32>
        %gather3A_709 = tpu.vector_load_idx %arg16[%add3A_203, %broadcast_in_dim3A_708] : memref<80x128xf32, #tpu.memory_space<vmem>>[vector<16xi32>, vector<16xi32>], vector<16xf32>,
        %add3A_710 = arith.addf %gather3A_706, %gather3A_709 : vector<16xf32>
        %mul3A_711 = arith.constant 2.000000e-01 : f32
        %mul3A_712 = vector.broadcast %mul3A_711 : f32 to vector<16xf32>
        %mul3A_713 = arith.mulf %mul3A_712, %add3A_710 : vector<16xf32>
        %max3A_714 = arith.maximumf %add3A_710, %mul3A_713 : vector<16xf32>
        %slice3A_715 = vector.extract_strided_slice %get3A_179 {offsets = [15], sizes = [1], strides = [1]} : vector<16xf32> to vector<1xf32>
        %squeeze3A_716 = vector.extract %slice3A_715[0] : f32 from vector<1xf32>
        %mul3A_717 = vector.broadcast %squeeze3A_716 : f32 to vector<16xf32>
        %mul3A_718 = arith.mulf %max3A_714, %mul3A_717 : vector<16xf32>
        %add3A_719 = arith.addf %add3A_703, %mul3A_718 : vector<16xf32>
        %broadcast_in_dim3A_720 = arith.constant 32 : i32
        %broadcast_in_dim3A_721 = vector.broadcast %broadcast_in_dim3A_720 : i32 to vector<16xi32>
        %gather3A_722 = tpu.vector_load_idx %arg14[%add3A_203, %broadcast_in_dim3A_721] : memref<80x64xf32, #tpu.memory_space<vmem>>[vector<16xi32>, vector<16xi32>], vector<16xf32>,
        %broadcast_in_dim3A_723 = arith.constant 32 : i32
        %broadcast_in_dim3A_724 = vector.broadcast %broadcast_in_dim3A_723 : i32 to vector<16xi32>
        %gather3A_725 = tpu.vector_load_idx %arg16[%add3A_203, %broadcast_in_dim3A_724] : memref<80x128xf32, #tpu.memory_space<vmem>>[vector<16xi32>, vector<16xi32>], vector<16xf32>,
        %add3A_726 = arith.addf %gather3A_722, %gather3A_725 : vector<16xf32>
        %mul3A_727 = arith.constant 2.000000e-01 : f32
        %mul3A_728 = vector.broadcast %mul3A_727 : f32 to vector<16xf32>
        %mul3A_729 = arith.mulf %mul3A_728, %add3A_726 : vector<16xf32>
        %max3A_730 = arith.maximumf %add3A_726, %mul3A_729 : vector<16xf32>
        %slice3A_731 = vector.extract_strided_slice %get3A_181 {offsets = [0], sizes = [1], strides = [1]} : vector<16xf32> to vector<1xf32>
        %squeeze3A_732 = vector.extract %slice3A_731[0] : f32 from vector<1xf32>
        %mul3A_733 = vector.broadcast %squeeze3A_732 : f32 to vector<16xf32>
        %mul3A_734 = arith.mulf %max3A_730, %mul3A_733 : vector<16xf32>
        %add3A_735 = arith.addf %broadcast_in_dim3A_207, %mul3A_734 : vector<16xf32>
        %broadcast_in_dim3A_736 = arith.constant 33 : i32
        %broadcast_in_dim3A_737 = vector.broadcast %broadcast_in_dim3A_736 : i32 to vector<16xi32>
        %gather3A_738 = tpu.vector_load_idx %arg14[%add3A_203, %broadcast_in_dim3A_737] : memref<80x64xf32, #tpu.memory_space<vmem>>[vector<16xi32>, vector<16xi32>], vector<16xf32>,
        %broadcast_in_dim3A_739 = arith.constant 33 : i32
        %broadcast_in_dim3A_740 = vector.broadcast %broadcast_in_dim3A_739 : i32 to vector<16xi32>
        %gather3A_741 = tpu.vector_load_idx %arg16[%add3A_203, %broadcast_in_dim3A_740] : memref<80x128xf32, #tpu.memory_space<vmem>>[vector<16xi32>, vector<16xi32>], vector<16xf32>,
        %add3A_742 = arith.addf %gather3A_738, %gather3A_741 : vector<16xf32>
        %mul3A_743 = arith.constant 2.000000e-01 : f32
        %mul3A_744 = vector.broadcast %mul3A_743 : f32 to vector<16xf32>
        %mul3A_745 = arith.mulf %mul3A_744, %add3A_742 : vector<16xf32>
        %max3A_746 = arith.maximumf %add3A_742, %mul3A_745 : vector<16xf32>
        %slice3A_747 = vector.extract_strided_slice %get3A_181 {offsets = [1], sizes = [1], strides = [1]} : vector<16xf32> to vector<1xf32>
        %squeeze3A_748 = vector.extract %slice3A_747[0] : f32 from vector<1xf32>
        %mul3A_749 = vector.broadcast %squeeze3A_748 : f32 to vector<16xf32>
        %mul3A_750 = arith.mulf %max3A_746, %mul3A_749 : vector<16xf32>
        %add3A_751 = arith.addf %add3A_735, %mul3A_750 : vector<16xf32>
        %broadcast_in_dim3A_752 = arith.constant 34 : i32
        %broadcast_in_dim3A_753 = vector.broadcast %broadcast_in_dim3A_752 : i32 to vector<16xi32>
        %gather3A_754 = tpu.vector_load_idx %arg14[%add3A_203, %broadcast_in_dim3A_753] : memref<80x64xf32, #tpu.memory_space<vmem>>[vector<16xi32>, vector<16xi32>], vector<16xf32>,
        %broadcast_in_dim3A_755 = arith.constant 34 : i32
        %broadcast_in_dim3A_756 = vector.broadcast %broadcast_in_dim3A_755 : i32 to vector<16xi32>
        %gather3A_757 = tpu.vector_load_idx %arg16[%add3A_203, %broadcast_in_dim3A_756] : memref<80x128xf32, #tpu.memory_space<vmem>>[vector<16xi32>, vector<16xi32>], vector<16xf32>,
        %add3A_758 = arith.addf %gather3A_754, %gather3A_757 : vector<16xf32>
        %mul3A_759 = arith.constant 2.000000e-01 : f32
        %mul3A_760 = vector.broadcast %mul3A_759 : f32 to vector<16xf32>
        %mul3A_761 = arith.mulf %mul3A_760, %add3A_758 : vector<16xf32>
        %max3A_762 = arith.maximumf %add3A_758, %mul3A_761 : vector<16xf32>
        %slice3A_763 = vector.extract_strided_slice %get3A_181 {offsets = [2], sizes = [1], strides = [1]} : vector<16xf32> to vector<1xf32>
        %squeeze3A_764 = vector.extract %slice3A_763[0] : f32 from vector<1xf32>
        %mul3A_765 = vector.broadcast %squeeze3A_764 : f32 to vector<16xf32>
        %mul3A_766 = arith.mulf %max3A_762, %mul3A_765 : vector<16xf32>
        %add3A_767 = arith.addf %add3A_751, %mul3A_766 : vector<16xf32>
        %broadcast_in_dim3A_768 = arith.constant 35 : i32
        %broadcast_in_dim3A_769 = vector.broadcast %broadcast_in_dim3A_768 : i32 to vector<16xi32>
        %gather3A_770 = tpu.vector_load_idx %arg14[%add3A_203, %broadcast_in_dim3A_769] : memref<80x64xf32, #tpu.memory_space<vmem>>[vector<16xi32>, vector<16xi32>], vector<16xf32>,
        %broadcast_in_dim3A_771 = arith.constant 35 : i32
        %broadcast_in_dim3A_772 = vector.broadcast %broadcast_in_dim3A_771 : i32 to vector<16xi32>
        %gather3A_773 = tpu.vector_load_idx %arg16[%add3A_203, %broadcast_in_dim3A_772] : memref<80x128xf32, #tpu.memory_space<vmem>>[vector<16xi32>, vector<16xi32>], vector<16xf32>,
        %add3A_774 = arith.addf %gather3A_770, %gather3A_773 : vector<16xf32>
        %mul3A_775 = arith.constant 2.000000e-01 : f32
        %mul3A_776 = vector.broadcast %mul3A_775 : f32 to vector<16xf32>
        %mul3A_777 = arith.mulf %mul3A_776, %add3A_774 : vector<16xf32>
        %max3A_778 = arith.maximumf %add3A_774, %mul3A_777 : vector<16xf32>
        %slice3A_779 = vector.extract_strided_slice %get3A_181 {offsets = [3], sizes = [1], strides = [1]} : vector<16xf32> to vector<1xf32>
        %squeeze3A_780 = vector.extract %slice3A_779[0] : f32 from vector<1xf32>
        %mul3A_781 = vector.broadcast %squeeze3A_780 : f32 to vector<16xf32>
        %mul3A_782 = arith.mulf %max3A_778, %mul3A_781 : vector<16xf32>
        %add3A_783 = arith.addf %add3A_767, %mul3A_782 : vector<16xf32>
        %broadcast_in_dim3A_784 = arith.constant 36 : i32
        %broadcast_in_dim3A_785 = vector.broadcast %broadcast_in_dim3A_784 : i32 to vector<16xi32>
        %gather3A_786 = tpu.vector_load_idx %arg14[%add3A_203, %broadcast_in_dim3A_785] : memref<80x64xf32, #tpu.memory_space<vmem>>[vector<16xi32>, vector<16xi32>], vector<16xf32>,
        %broadcast_in_dim3A_787 = arith.constant 36 : i32
        %broadcast_in_dim3A_788 = vector.broadcast %broadcast_in_dim3A_787 : i32 to vector<16xi32>
        %gather3A_789 = tpu.vector_load_idx %arg16[%add3A_203, %broadcast_in_dim3A_788] : memref<80x128xf32, #tpu.memory_space<vmem>>[vector<16xi32>, vector<16xi32>], vector<16xf32>,
        %add3A_790 = arith.addf %gather3A_786, %gather3A_789 : vector<16xf32>
        %mul3A_791 = arith.constant 2.000000e-01 : f32
        %mul3A_792 = vector.broadcast %mul3A_791 : f32 to vector<16xf32>
        %mul3A_793 = arith.mulf %mul3A_792, %add3A_790 : vector<16xf32>
        %max3A_794 = arith.maximumf %add3A_790, %mul3A_793 : vector<16xf32>
        %slice3A_795 = vector.extract_strided_slice %get3A_181 {offsets = [4], sizes = [1], strides = [1]} : vector<16xf32> to vector<1xf32>
        %squeeze3A_796 = vector.extract %slice3A_795[0] : f32 from vector<1xf32>
        %mul3A_797 = vector.broadcast %squeeze3A_796 : f32 to vector<16xf32>
        %mul3A_798 = arith.mulf %max3A_794, %mul3A_797 : vector<16xf32>
        %add3A_799 = arith.addf %add3A_783, %mul3A_798 : vector<16xf32>
        %broadcast_in_dim3A_800 = arith.constant 37 : i32
        %broadcast_in_dim3A_801 = vector.broadcast %broadcast_in_dim3A_800 : i32 to vector<16xi32>
        %gather3A_802 = tpu.vector_load_idx %arg14[%add3A_203, %broadcast_in_dim3A_801] : memref<80x64xf32, #tpu.memory_space<vmem>>[vector<16xi32>, vector<16xi32>], vector<16xf32>,
        %broadcast_in_dim3A_803 = arith.constant 37 : i32
        %broadcast_in_dim3A_804 = vector.broadcast %broadcast_in_dim3A_803 : i32 to vector<16xi32>
        %gather3A_805 = tpu.vector_load_idx %arg16[%add3A_203, %broadcast_in_dim3A_804] : memref<80x128xf32, #tpu.memory_space<vmem>>[vector<16xi32>, vector<16xi32>], vector<16xf32>,
        %add3A_806 = arith.addf %gather3A_802, %gather3A_805 : vector<16xf32>
        %mul3A_807 = arith.constant 2.000000e-01 : f32
        %mul3A_808 = vector.broadcast %mul3A_807 : f32 to vector<16xf32>
        %mul3A_809 = arith.mulf %mul3A_808, %add3A_806 : vector<16xf32>
        %max3A_810 = arith.maximumf %add3A_806, %mul3A_809 : vector<16xf32>
        %slice3A_811 = vector.extract_strided_slice %get3A_181 {offsets = [5], sizes = [1], strides = [1]} : vector<16xf32> to vector<1xf32>
        %squeeze3A_812 = vector.extract %slice3A_811[0] : f32 from vector<1xf32>
        %mul3A_813 = vector.broadcast %squeeze3A_812 : f32 to vector<16xf32>
        %mul3A_814 = arith.mulf %max3A_810, %mul3A_813 : vector<16xf32>
        %add3A_815 = arith.addf %add3A_799, %mul3A_814 : vector<16xf32>
        %broadcast_in_dim3A_816 = arith.constant 38 : i32
        %broadcast_in_dim3A_817 = vector.broadcast %broadcast_in_dim3A_816 : i32 to vector<16xi32>
        %gather3A_818 = tpu.vector_load_idx %arg14[%add3A_203, %broadcast_in_dim3A_817] : memref<80x64xf32, #tpu.memory_space<vmem>>[vector<16xi32>, vector<16xi32>], vector<16xf32>,
        %broadcast_in_dim3A_819 = arith.constant 38 : i32
        %broadcast_in_dim3A_820 = vector.broadcast %broadcast_in_dim3A_819 : i32 to vector<16xi32>
        %gather3A_821 = tpu.vector_load_idx %arg16[%add3A_203, %broadcast_in_dim3A_820] : memref<80x128xf32, #tpu.memory_space<vmem>>[vector<16xi32>, vector<16xi32>], vector<16xf32>,
        %add3A_822 = arith.addf %gather3A_818, %gather3A_821 : vector<16xf32>
        %mul3A_823 = arith.constant 2.000000e-01 : f32
        %mul3A_824 = vector.broadcast %mul3A_823 : f32 to vector<16xf32>
        %mul3A_825 = arith.mulf %mul3A_824, %add3A_822 : vector<16xf32>
        %max3A_826 = arith.maximumf %add3A_822, %mul3A_825 : vector<16xf32>
        %slice3A_827 = vector.extract_strided_slice %get3A_181 {offsets = [6], sizes = [1], strides = [1]} : vector<16xf32> to vector<1xf32>
        %squeeze3A_828 = vector.extract %slice3A_827[0] : f32 from vector<1xf32>
        %mul3A_829 = vector.broadcast %squeeze3A_828 : f32 to vector<16xf32>
        %mul3A_830 = arith.mulf %max3A_826, %mul3A_829 : vector<16xf32>
        %add3A_831 = arith.addf %add3A_815, %mul3A_830 : vector<16xf32>
        %broadcast_in_dim3A_832 = arith.constant 39 : i32
        %broadcast_in_dim3A_833 = vector.broadcast %broadcast_in_dim3A_832 : i32 to vector<16xi32>
        %gather3A_834 = tpu.vector_load_idx %arg14[%add3A_203, %broadcast_in_dim3A_833] : memref<80x64xf32, #tpu.memory_space<vmem>>[vector<16xi32>, vector<16xi32>], vector<16xf32>,
        %broadcast_in_dim3A_835 = arith.constant 39 : i32
        %broadcast_in_dim3A_836 = vector.broadcast %broadcast_in_dim3A_835 : i32 to vector<16xi32>
        %gather3A_837 = tpu.vector_load_idx %arg16[%add3A_203, %broadcast_in_dim3A_836] : memref<80x128xf32, #tpu.memory_space<vmem>>[vector<16xi32>, vector<16xi32>], vector<16xf32>,
        %add3A_838 = arith.addf %gather3A_834, %gather3A_837 : vector<16xf32>
        %mul3A_839 = arith.constant 2.000000e-01 : f32
        %mul3A_840 = vector.broadcast %mul3A_839 : f32 to vector<16xf32>
        %mul3A_841 = arith.mulf %mul3A_840, %add3A_838 : vector<16xf32>
        %max3A_842 = arith.maximumf %add3A_838, %mul3A_841 : vector<16xf32>
        %slice3A_843 = vector.extract_strided_slice %get3A_181 {offsets = [7], sizes = [1], strides = [1]} : vector<16xf32> to vector<1xf32>
        %squeeze3A_844 = vector.extract %slice3A_843[0] : f32 from vector<1xf32>
        %mul3A_845 = vector.broadcast %squeeze3A_844 : f32 to vector<16xf32>
        %mul3A_846 = arith.mulf %max3A_842, %mul3A_845 : vector<16xf32>
        %add3A_847 = arith.addf %add3A_831, %mul3A_846 : vector<16xf32>
        %broadcast_in_dim3A_848 = arith.constant 40 : i32
        %broadcast_in_dim3A_849 = vector.broadcast %broadcast_in_dim3A_848 : i32 to vector<16xi32>
        %gather3A_850 = tpu.vector_load_idx %arg14[%add3A_203, %broadcast_in_dim3A_849] : memref<80x64xf32, #tpu.memory_space<vmem>>[vector<16xi32>, vector<16xi32>], vector<16xf32>,
        %broadcast_in_dim3A_851 = arith.constant 40 : i32
        %broadcast_in_dim3A_852 = vector.broadcast %broadcast_in_dim3A_851 : i32 to vector<16xi32>
        %gather3A_853 = tpu.vector_load_idx %arg16[%add3A_203, %broadcast_in_dim3A_852] : memref<80x128xf32, #tpu.memory_space<vmem>>[vector<16xi32>, vector<16xi32>], vector<16xf32>,
        %add3A_854 = arith.addf %gather3A_850, %gather3A_853 : vector<16xf32>
        %mul3A_855 = arith.constant 2.000000e-01 : f32
        %mul3A_856 = vector.broadcast %mul3A_855 : f32 to vector<16xf32>
        %mul3A_857 = arith.mulf %mul3A_856, %add3A_854 : vector<16xf32>
        %max3A_858 = arith.maximumf %add3A_854, %mul3A_857 : vector<16xf32>
        %slice3A_859 = vector.extract_strided_slice %get3A_181 {offsets = [8], sizes = [1], strides = [1]} : vector<16xf32> to vector<1xf32>
        %squeeze3A_860 = vector.extract %slice3A_859[0] : f32 from vector<1xf32>
        %mul3A_861 = vector.broadcast %squeeze3A_860 : f32 to vector<16xf32>
        %mul3A_862 = arith.mulf %max3A_858, %mul3A_861 : vector<16xf32>
        %add3A_863 = arith.addf %add3A_847, %mul3A_862 : vector<16xf32>
        %broadcast_in_dim3A_864 = arith.constant 41 : i32
        %broadcast_in_dim3A_865 = vector.broadcast %broadcast_in_dim3A_864 : i32 to vector<16xi32>
        %gather3A_866 = tpu.vector_load_idx %arg14[%add3A_203, %broadcast_in_dim3A_865] : memref<80x64xf32, #tpu.memory_space<vmem>>[vector<16xi32>, vector<16xi32>], vector<16xf32>,
        %broadcast_in_dim3A_867 = arith.constant 41 : i32
        %broadcast_in_dim3A_868 = vector.broadcast %broadcast_in_dim3A_867 : i32 to vector<16xi32>
        %gather3A_869 = tpu.vector_load_idx %arg16[%add3A_203, %broadcast_in_dim3A_868] : memref<80x128xf32, #tpu.memory_space<vmem>>[vector<16xi32>, vector<16xi32>], vector<16xf32>,
        %add3A_870 = arith.addf %gather3A_866, %gather3A_869 : vector<16xf32>
        %mul3A_871 = arith.constant 2.000000e-01 : f32
        %mul3A_872 = vector.broadcast %mul3A_871 : f32 to vector<16xf32>
        %mul3A_873 = arith.mulf %mul3A_872, %add3A_870 : vector<16xf32>
        %max3A_874 = arith.maximumf %add3A_870, %mul3A_873 : vector<16xf32>
        %slice3A_875 = vector.extract_strided_slice %get3A_181 {offsets = [9], sizes = [1], strides = [1]} : vector<16xf32> to vector<1xf32>
        %squeeze3A_876 = vector.extract %slice3A_875[0] : f32 from vector<1xf32>
        %mul3A_877 = vector.broadcast %squeeze3A_876 : f32 to vector<16xf32>
        %mul3A_878 = arith.mulf %max3A_874, %mul3A_877 : vector<16xf32>
        %add3A_879 = arith.addf %add3A_863, %mul3A_878 : vector<16xf32>
        %broadcast_in_dim3A_880 = arith.constant 42 : i32
        %broadcast_in_dim3A_881 = vector.broadcast %broadcast_in_dim3A_880 : i32 to vector<16xi32>
        %gather3A_882 = tpu.vector_load_idx %arg14[%add3A_203, %broadcast_in_dim3A_881] : memref<80x64xf32, #tpu.memory_space<vmem>>[vector<16xi32>, vector<16xi32>], vector<16xf32>,
        %broadcast_in_dim3A_883 = arith.constant 42 : i32
        %broadcast_in_dim3A_884 = vector.broadcast %broadcast_in_dim3A_883 : i32 to vector<16xi32>
        %gather3A_885 = tpu.vector_load_idx %arg16[%add3A_203, %broadcast_in_dim3A_884] : memref<80x128xf32, #tpu.memory_space<vmem>>[vector<16xi32>, vector<16xi32>], vector<16xf32>,
        %add3A_886 = arith.addf %gather3A_882, %gather3A_885 : vector<16xf32>
        %mul3A_887 = arith.constant 2.000000e-01 : f32
        %mul3A_888 = vector.broadcast %mul3A_887 : f32 to vector<16xf32>
        %mul3A_889 = arith.mulf %mul3A_888, %add3A_886 : vector<16xf32>
        %max3A_890 = arith.maximumf %add3A_886, %mul3A_889 : vector<16xf32>
        %slice3A_891 = vector.extract_strided_slice %get3A_181 {offsets = [10], sizes = [1], strides = [1]} : vector<16xf32> to vector<1xf32>
        %squeeze3A_892 = vector.extract %slice3A_891[0] : f32 from vector<1xf32>
        %mul3A_893 = vector.broadcast %squeeze3A_892 : f32 to vector<16xf32>
        %mul3A_894 = arith.mulf %max3A_890, %mul3A_893 : vector<16xf32>
        %add3A_895 = arith.addf %add3A_879, %mul3A_894 : vector<16xf32>
        %broadcast_in_dim3A_896 = arith.constant 43 : i32
        %broadcast_in_dim3A_897 = vector.broadcast %broadcast_in_dim3A_896 : i32 to vector<16xi32>
        %gather3A_898 = tpu.vector_load_idx %arg14[%add3A_203, %broadcast_in_dim3A_897] : memref<80x64xf32, #tpu.memory_space<vmem>>[vector<16xi32>, vector<16xi32>], vector<16xf32>,
        %broadcast_in_dim3A_899 = arith.constant 43 : i32
        %broadcast_in_dim3A_900 = vector.broadcast %broadcast_in_dim3A_899 : i32 to vector<16xi32>
        %gather3A_901 = tpu.vector_load_idx %arg16[%add3A_203, %broadcast_in_dim3A_900] : memref<80x128xf32, #tpu.memory_space<vmem>>[vector<16xi32>, vector<16xi32>], vector<16xf32>,
        %add3A_902 = arith.addf %gather3A_898, %gather3A_901 : vector<16xf32>
        %mul3A_903 = arith.constant 2.000000e-01 : f32
        %mul3A_904 = vector.broadcast %mul3A_903 : f32 to vector<16xf32>
        %mul3A_905 = arith.mulf %mul3A_904, %add3A_902 : vector<16xf32>
        %max3A_906 = arith.maximumf %add3A_902, %mul3A_905 : vector<16xf32>
        %slice3A_907 = vector.extract_strided_slice %get3A_181 {offsets = [11], sizes = [1], strides = [1]} : vector<16xf32> to vector<1xf32>
        %squeeze3A_908 = vector.extract %slice3A_907[0] : f32 from vector<1xf32>
        %mul3A_909 = vector.broadcast %squeeze3A_908 : f32 to vector<16xf32>
        %mul3A_910 = arith.mulf %max3A_906, %mul3A_909 : vector<16xf32>
        %add3A_911 = arith.addf %add3A_895, %mul3A_910 : vector<16xf32>
        %broadcast_in_dim3A_912 = arith.constant 44 : i32
        %broadcast_in_dim3A_913 = vector.broadcast %broadcast_in_dim3A_912 : i32 to vector<16xi32>
        %gather3A_914 = tpu.vector_load_idx %arg14[%add3A_203, %broadcast_in_dim3A_913] : memref<80x64xf32, #tpu.memory_space<vmem>>[vector<16xi32>, vector<16xi32>], vector<16xf32>,
        %broadcast_in_dim3A_915 = arith.constant 44 : i32
        %broadcast_in_dim3A_916 = vector.broadcast %broadcast_in_dim3A_915 : i32 to vector<16xi32>
        %gather3A_917 = tpu.vector_load_idx %arg16[%add3A_203, %broadcast_in_dim3A_916] : memref<80x128xf32, #tpu.memory_space<vmem>>[vector<16xi32>, vector<16xi32>], vector<16xf32>,
        %add3A_918 = arith.addf %gather3A_914, %gather3A_917 : vector<16xf32>
        %mul3A_919 = arith.constant 2.000000e-01 : f32
        %mul3A_920 = vector.broadcast %mul3A_919 : f32 to vector<16xf32>
        %mul3A_921 = arith.mulf %mul3A_920, %add3A_918 : vector<16xf32>
        %max3A_922 = arith.maximumf %add3A_918, %mul3A_921 : vector<16xf32>
        %slice3A_923 = vector.extract_strided_slice %get3A_181 {offsets = [12], sizes = [1], strides = [1]} : vector<16xf32> to vector<1xf32>
        %squeeze3A_924 = vector.extract %slice3A_923[0] : f32 from vector<1xf32>
        %mul3A_925 = vector.broadcast %squeeze3A_924 : f32 to vector<16xf32>
        %mul3A_926 = arith.mulf %max3A_922, %mul3A_925 : vector<16xf32>
        %add3A_927 = arith.addf %add3A_911, %mul3A_926 : vector<16xf32>
        %broadcast_in_dim3A_928 = arith.constant 45 : i32
        %broadcast_in_dim3A_929 = vector.broadcast %broadcast_in_dim3A_928 : i32 to vector<16xi32>
        %gather3A_930 = tpu.vector_load_idx %arg14[%add3A_203, %broadcast_in_dim3A_929] : memref<80x64xf32, #tpu.memory_space<vmem>>[vector<16xi32>, vector<16xi32>], vector<16xf32>,
        %broadcast_in_dim3A_931 = arith.constant 45 : i32
        %broadcast_in_dim3A_932 = vector.broadcast %broadcast_in_dim3A_931 : i32 to vector<16xi32>
        %gather3A_933 = tpu.vector_load_idx %arg16[%add3A_203, %broadcast_in_dim3A_932] : memref<80x128xf32, #tpu.memory_space<vmem>>[vector<16xi32>, vector<16xi32>], vector<16xf32>,
        %add3A_934 = arith.addf %gather3A_930, %gather3A_933 : vector<16xf32>
        %mul3A_935 = arith.constant 2.000000e-01 : f32
        %mul3A_936 = vector.broadcast %mul3A_935 : f32 to vector<16xf32>
        %mul3A_937 = arith.mulf %mul3A_936, %add3A_934 : vector<16xf32>
        %max3A_938 = arith.maximumf %add3A_934, %mul3A_937 : vector<16xf32>
        %slice3A_939 = vector.extract_strided_slice %get3A_181 {offsets = [13], sizes = [1], strides = [1]} : vector<16xf32> to vector<1xf32>
        %squeeze3A_940 = vector.extract %slice3A_939[0] : f32 from vector<1xf32>
        %mul3A_941 = vector.broadcast %squeeze3A_940 : f32 to vector<16xf32>
        %mul3A_942 = arith.mulf %max3A_938, %mul3A_941 : vector<16xf32>
        %add3A_943 = arith.addf %add3A_927, %mul3A_942 : vector<16xf32>
        %broadcast_in_dim3A_944 = arith.constant 46 : i32
        %broadcast_in_dim3A_945 = vector.broadcast %broadcast_in_dim3A_944 : i32 to vector<16xi32>
        %gather3A_946 = tpu.vector_load_idx %arg14[%add3A_203, %broadcast_in_dim3A_945] : memref<80x64xf32, #tpu.memory_space<vmem>>[vector<16xi32>, vector<16xi32>], vector<16xf32>,
        %broadcast_in_dim3A_947 = arith.constant 46 : i32
        %broadcast_in_dim3A_948 = vector.broadcast %broadcast_in_dim3A_947 : i32 to vector<16xi32>
        %gather3A_949 = tpu.vector_load_idx %arg16[%add3A_203, %broadcast_in_dim3A_948] : memref<80x128xf32, #tpu.memory_space<vmem>>[vector<16xi32>, vector<16xi32>], vector<16xf32>,
        %add3A_950 = arith.addf %gather3A_946, %gather3A_949 : vector<16xf32>
        %mul3A_951 = arith.constant 2.000000e-01 : f32
        %mul3A_952 = vector.broadcast %mul3A_951 : f32 to vector<16xf32>
        %mul3A_953 = arith.mulf %mul3A_952, %add3A_950 : vector<16xf32>
        %max3A_954 = arith.maximumf %add3A_950, %mul3A_953 : vector<16xf32>
        %slice3A_955 = vector.extract_strided_slice %get3A_181 {offsets = [14], sizes = [1], strides = [1]} : vector<16xf32> to vector<1xf32>
        %squeeze3A_956 = vector.extract %slice3A_955[0] : f32 from vector<1xf32>
        %mul3A_957 = vector.broadcast %squeeze3A_956 : f32 to vector<16xf32>
        %mul3A_958 = arith.mulf %max3A_954, %mul3A_957 : vector<16xf32>
        %add3A_959 = arith.addf %add3A_943, %mul3A_958 : vector<16xf32>
        %broadcast_in_dim3A_960 = arith.constant 47 : i32
        %broadcast_in_dim3A_961 = vector.broadcast %broadcast_in_dim3A_960 : i32 to vector<16xi32>
        %gather3A_962 = tpu.vector_load_idx %arg14[%add3A_203, %broadcast_in_dim3A_961] : memref<80x64xf32, #tpu.memory_space<vmem>>[vector<16xi32>, vector<16xi32>], vector<16xf32>,
        %broadcast_in_dim3A_963 = arith.constant 47 : i32
        %broadcast_in_dim3A_964 = vector.broadcast %broadcast_in_dim3A_963 : i32 to vector<16xi32>
        %gather3A_965 = tpu.vector_load_idx %arg16[%add3A_203, %broadcast_in_dim3A_964] : memref<80x128xf32, #tpu.memory_space<vmem>>[vector<16xi32>, vector<16xi32>], vector<16xf32>,
        %add3A_966 = arith.addf %gather3A_962, %gather3A_965 : vector<16xf32>
        %mul3A_967 = arith.constant 2.000000e-01 : f32
        %mul3A_968 = vector.broadcast %mul3A_967 : f32 to vector<16xf32>
        %mul3A_969 = arith.mulf %mul3A_968, %add3A_966 : vector<16xf32>
        %max3A_970 = arith.maximumf %add3A_966, %mul3A_969 : vector<16xf32>
        %slice3A_971 = vector.extract_strided_slice %get3A_181 {offsets = [15], sizes = [1], strides = [1]} : vector<16xf32> to vector<1xf32>
        %squeeze3A_972 = vector.extract %slice3A_971[0] : f32 from vector<1xf32>
        %mul3A_973 = vector.broadcast %squeeze3A_972 : f32 to vector<16xf32>
        %mul3A_974 = arith.mulf %max3A_970, %mul3A_973 : vector<16xf32>
        %add3A_975 = arith.addf %add3A_959, %mul3A_974 : vector<16xf32>
        %broadcast_in_dim3A_976 = arith.constant 48 : i32
        %broadcast_in_dim3A_977 = vector.broadcast %broadcast_in_dim3A_976 : i32 to vector<16xi32>
        %gather3A_978 = tpu.vector_load_idx %arg14[%add3A_203, %broadcast_in_dim3A_977] : memref<80x64xf32, #tpu.memory_space<vmem>>[vector<16xi32>, vector<16xi32>], vector<16xf32>,
        %broadcast_in_dim3A_979 = arith.constant 48 : i32
        %broadcast_in_dim3A_980 = vector.broadcast %broadcast_in_dim3A_979 : i32 to vector<16xi32>
        %gather3A_981 = tpu.vector_load_idx %arg16[%add3A_203, %broadcast_in_dim3A_980] : memref<80x128xf32, #tpu.memory_space<vmem>>[vector<16xi32>, vector<16xi32>], vector<16xf32>,
        %add3A_982 = arith.addf %gather3A_978, %gather3A_981 : vector<16xf32>
        %mul3A_983 = arith.constant 2.000000e-01 : f32
        %mul3A_984 = vector.broadcast %mul3A_983 : f32 to vector<16xf32>
        %mul3A_985 = arith.mulf %mul3A_984, %add3A_982 : vector<16xf32>
        %max3A_986 = arith.maximumf %add3A_982, %mul3A_985 : vector<16xf32>
        %slice3A_987 = vector.extract_strided_slice %get3A_183 {offsets = [0], sizes = [1], strides = [1]} : vector<16xf32> to vector<1xf32>
        %squeeze3A_988 = vector.extract %slice3A_987[0] : f32 from vector<1xf32>
        %mul3A_989 = vector.broadcast %squeeze3A_988 : f32 to vector<16xf32>
        %mul3A_990 = arith.mulf %max3A_986, %mul3A_989 : vector<16xf32>
        %add3A_991 = arith.addf %add3A_975, %mul3A_990 : vector<16xf32>
        %broadcast_in_dim3A_992 = arith.constant 49 : i32
        %broadcast_in_dim3A_993 = vector.broadcast %broadcast_in_dim3A_992 : i32 to vector<16xi32>
        %gather3A_994 = tpu.vector_load_idx %arg14[%add3A_203, %broadcast_in_dim3A_993] : memref<80x64xf32, #tpu.memory_space<vmem>>[vector<16xi32>, vector<16xi32>], vector<16xf32>,
        %broadcast_in_dim3A_995 = arith.constant 49 : i32
        %broadcast_in_dim3A_996 = vector.broadcast %broadcast_in_dim3A_995 : i32 to vector<16xi32>
        %gather3A_997 = tpu.vector_load_idx %arg16[%add3A_203, %broadcast_in_dim3A_996] : memref<80x128xf32, #tpu.memory_space<vmem>>[vector<16xi32>, vector<16xi32>], vector<16xf32>,
        %add3A_998 = arith.addf %gather3A_994, %gather3A_997 : vector<16xf32>
        %mul3A_999 = arith.constant 2.000000e-01 : f32
        %mul3A_1000 = vector.broadcast %mul3A_999 : f32 to vector<16xf32>
        %mul3A_1001 = arith.mulf %mul3A_1000, %add3A_998 : vector<16xf32>
        %max3A_1002 = arith.maximumf %add3A_998, %mul3A_1001 : vector<16xf32>
        %slice3A_1003 = vector.extract_strided_slice %get3A_183 {offsets = [1], sizes = [1], strides = [1]} : vector<16xf32> to vector<1xf32>
        %squeeze3A_1004 = vector.extract %slice3A_1003[0] : f32 from vector<1xf32>
        %mul3A_1005 = vector.broadcast %squeeze3A_1004 : f32 to vector<16xf32>
        %mul3A_1006 = arith.mulf %max3A_1002, %mul3A_1005 : vector<16xf32>
        %add3A_1007 = arith.addf %add3A_991, %mul3A_1006 : vector<16xf32>
        %broadcast_in_dim3A_1008 = arith.constant 50 : i32
        %broadcast_in_dim3A_1009 = vector.broadcast %broadcast_in_dim3A_1008 : i32 to vector<16xi32>
        %gather3A_1010 = tpu.vector_load_idx %arg14[%add3A_203, %broadcast_in_dim3A_1009] : memref<80x64xf32, #tpu.memory_space<vmem>>[vector<16xi32>, vector<16xi32>], vector<16xf32>,
        %broadcast_in_dim3A_1011 = arith.constant 50 : i32
        %broadcast_in_dim3A_1012 = vector.broadcast %broadcast_in_dim3A_1011 : i32 to vector<16xi32>
        %gather3A_1013 = tpu.vector_load_idx %arg16[%add3A_203, %broadcast_in_dim3A_1012] : memref<80x128xf32, #tpu.memory_space<vmem>>[vector<16xi32>, vector<16xi32>], vector<16xf32>,
        %add3A_1014 = arith.addf %gather3A_1010, %gather3A_1013 : vector<16xf32>
        %mul3A_1015 = arith.constant 2.000000e-01 : f32
        %mul3A_1016 = vector.broadcast %mul3A_1015 : f32 to vector<16xf32>
        %mul3A_1017 = arith.mulf %mul3A_1016, %add3A_1014 : vector<16xf32>
        %max3A_1018 = arith.maximumf %add3A_1014, %mul3A_1017 : vector<16xf32>
        %slice3A_1019 = vector.extract_strided_slice %get3A_183 {offsets = [2], sizes = [1], strides = [1]} : vector<16xf32> to vector<1xf32>
        %squeeze3A_1020 = vector.extract %slice3A_1019[0] : f32 from vector<1xf32>
        %mul3A_1021 = vector.broadcast %squeeze3A_1020 : f32 to vector<16xf32>
        %mul3A_1022 = arith.mulf %max3A_1018, %mul3A_1021 : vector<16xf32>
        %add3A_1023 = arith.addf %add3A_1007, %mul3A_1022 : vector<16xf32>
        %broadcast_in_dim3A_1024 = arith.constant 51 : i32
        %broadcast_in_dim3A_1025 = vector.broadcast %broadcast_in_dim3A_1024 : i32 to vector<16xi32>
        %gather3A_1026 = tpu.vector_load_idx %arg14[%add3A_203, %broadcast_in_dim3A_1025] : memref<80x64xf32, #tpu.memory_space<vmem>>[vector<16xi32>, vector<16xi32>], vector<16xf32>,
        %broadcast_in_dim3A_1027 = arith.constant 51 : i32
        %broadcast_in_dim3A_1028 = vector.broadcast %broadcast_in_dim3A_1027 : i32 to vector<16xi32>
        %gather3A_1029 = tpu.vector_load_idx %arg16[%add3A_203, %broadcast_in_dim3A_1028] : memref<80x128xf32, #tpu.memory_space<vmem>>[vector<16xi32>, vector<16xi32>], vector<16xf32>,
        %add3A_1030 = arith.addf %gather3A_1026, %gather3A_1029 : vector<16xf32>
        %mul3A_1031 = arith.constant 2.000000e-01 : f32
        %mul3A_1032 = vector.broadcast %mul3A_1031 : f32 to vector<16xf32>
        %mul3A_1033 = arith.mulf %mul3A_1032, %add3A_1030 : vector<16xf32>
        %max3A_1034 = arith.maximumf %add3A_1030, %mul3A_1033 : vector<16xf32>
        %slice3A_1035 = vector.extract_strided_slice %get3A_183 {offsets = [3], sizes = [1], strides = [1]} : vector<16xf32> to vector<1xf32>
        %squeeze3A_1036 = vector.extract %slice3A_1035[0] : f32 from vector<1xf32>
        %mul3A_1037 = vector.broadcast %squeeze3A_1036 : f32 to vector<16xf32>
        %mul3A_1038 = arith.mulf %max3A_1034, %mul3A_1037 : vector<16xf32>
        %add3A_1039 = arith.addf %add3A_1023, %mul3A_1038 : vector<16xf32>
        %broadcast_in_dim3A_1040 = arith.constant 52 : i32
        %broadcast_in_dim3A_1041 = vector.broadcast %broadcast_in_dim3A_1040 : i32 to vector<16xi32>
        %gather3A_1042 = tpu.vector_load_idx %arg14[%add3A_203, %broadcast_in_dim3A_1041] : memref<80x64xf32, #tpu.memory_space<vmem>>[vector<16xi32>, vector<16xi32>], vector<16xf32>,
        %broadcast_in_dim3A_1043 = arith.constant 52 : i32
        %broadcast_in_dim3A_1044 = vector.broadcast %broadcast_in_dim3A_1043 : i32 to vector<16xi32>
        %gather3A_1045 = tpu.vector_load_idx %arg16[%add3A_203, %broadcast_in_dim3A_1044] : memref<80x128xf32, #tpu.memory_space<vmem>>[vector<16xi32>, vector<16xi32>], vector<16xf32>,
        %add3A_1046 = arith.addf %gather3A_1042, %gather3A_1045 : vector<16xf32>
        %mul3A_1047 = arith.constant 2.000000e-01 : f32
        %mul3A_1048 = vector.broadcast %mul3A_1047 : f32 to vector<16xf32>
        %mul3A_1049 = arith.mulf %mul3A_1048, %add3A_1046 : vector<16xf32>
        %max3A_1050 = arith.maximumf %add3A_1046, %mul3A_1049 : vector<16xf32>
        %slice3A_1051 = vector.extract_strided_slice %get3A_183 {offsets = [4], sizes = [1], strides = [1]} : vector<16xf32> to vector<1xf32>
        %squeeze3A_1052 = vector.extract %slice3A_1051[0] : f32 from vector<1xf32>
        %mul3A_1053 = vector.broadcast %squeeze3A_1052 : f32 to vector<16xf32>
        %mul3A_1054 = arith.mulf %max3A_1050, %mul3A_1053 : vector<16xf32>
        %add3A_1055 = arith.addf %add3A_1039, %mul3A_1054 : vector<16xf32>
        %broadcast_in_dim3A_1056 = arith.constant 53 : i32
        %broadcast_in_dim3A_1057 = vector.broadcast %broadcast_in_dim3A_1056 : i32 to vector<16xi32>
        %gather3A_1058 = tpu.vector_load_idx %arg14[%add3A_203, %broadcast_in_dim3A_1057] : memref<80x64xf32, #tpu.memory_space<vmem>>[vector<16xi32>, vector<16xi32>], vector<16xf32>,
        %broadcast_in_dim3A_1059 = arith.constant 53 : i32
        %broadcast_in_dim3A_1060 = vector.broadcast %broadcast_in_dim3A_1059 : i32 to vector<16xi32>
        %gather3A_1061 = tpu.vector_load_idx %arg16[%add3A_203, %broadcast_in_dim3A_1060] : memref<80x128xf32, #tpu.memory_space<vmem>>[vector<16xi32>, vector<16xi32>], vector<16xf32>,
        %add3A_1062 = arith.addf %gather3A_1058, %gather3A_1061 : vector<16xf32>
        %mul3A_1063 = arith.constant 2.000000e-01 : f32
        %mul3A_1064 = vector.broadcast %mul3A_1063 : f32 to vector<16xf32>
        %mul3A_1065 = arith.mulf %mul3A_1064, %add3A_1062 : vector<16xf32>
        %max3A_1066 = arith.maximumf %add3A_1062, %mul3A_1065 : vector<16xf32>
        %slice3A_1067 = vector.extract_strided_slice %get3A_183 {offsets = [5], sizes = [1], strides = [1]} : vector<16xf32> to vector<1xf32>
        %squeeze3A_1068 = vector.extract %slice3A_1067[0] : f32 from vector<1xf32>
        %mul3A_1069 = vector.broadcast %squeeze3A_1068 : f32 to vector<16xf32>
        %mul3A_1070 = arith.mulf %max3A_1066, %mul3A_1069 : vector<16xf32>
        %add3A_1071 = arith.addf %add3A_1055, %mul3A_1070 : vector<16xf32>
        %broadcast_in_dim3A_1072 = arith.constant 54 : i32
        %broadcast_in_dim3A_1073 = vector.broadcast %broadcast_in_dim3A_1072 : i32 to vector<16xi32>
        %gather3A_1074 = tpu.vector_load_idx %arg14[%add3A_203, %broadcast_in_dim3A_1073] : memref<80x64xf32, #tpu.memory_space<vmem>>[vector<16xi32>, vector<16xi32>], vector<16xf32>,
        %broadcast_in_dim3A_1075 = arith.constant 54 : i32
        %broadcast_in_dim3A_1076 = vector.broadcast %broadcast_in_dim3A_1075 : i32 to vector<16xi32>
        %gather3A_1077 = tpu.vector_load_idx %arg16[%add3A_203, %broadcast_in_dim3A_1076] : memref<80x128xf32, #tpu.memory_space<vmem>>[vector<16xi32>, vector<16xi32>], vector<16xf32>,
        %add3A_1078 = arith.addf %gather3A_1074, %gather3A_1077 : vector<16xf32>
        %mul3A_1079 = arith.constant 2.000000e-01 : f32
        %mul3A_1080 = vector.broadcast %mul3A_1079 : f32 to vector<16xf32>
        %mul3A_1081 = arith.mulf %mul3A_1080, %add3A_1078 : vector<16xf32>
        %max3A_1082 = arith.maximumf %add3A_1078, %mul3A_1081 : vector<16xf32>
        %slice3A_1083 = vector.extract_strided_slice %get3A_183 {offsets = [6], sizes = [1], strides = [1]} : vector<16xf32> to vector<1xf32>
        %squeeze3A_1084 = vector.extract %slice3A_1083[0] : f32 from vector<1xf32>
        %mul3A_1085 = vector.broadcast %squeeze3A_1084 : f32 to vector<16xf32>
        %mul3A_1086 = arith.mulf %max3A_1082, %mul3A_1085 : vector<16xf32>
        %add3A_1087 = arith.addf %add3A_1071, %mul3A_1086 : vector<16xf32>
        %broadcast_in_dim3A_1088 = arith.constant 55 : i32
        %broadcast_in_dim3A_1089 = vector.broadcast %broadcast_in_dim3A_1088 : i32 to vector<16xi32>
        %gather3A_1090 = tpu.vector_load_idx %arg14[%add3A_203, %broadcast_in_dim3A_1089] : memref<80x64xf32, #tpu.memory_space<vmem>>[vector<16xi32>, vector<16xi32>], vector<16xf32>,
        %broadcast_in_dim3A_1091 = arith.constant 55 : i32
        %broadcast_in_dim3A_1092 = vector.broadcast %broadcast_in_dim3A_1091 : i32 to vector<16xi32>
        %gather3A_1093 = tpu.vector_load_idx %arg16[%add3A_203, %broadcast_in_dim3A_1092] : memref<80x128xf32, #tpu.memory_space<vmem>>[vector<16xi32>, vector<16xi32>], vector<16xf32>,
        %add3A_1094 = arith.addf %gather3A_1090, %gather3A_1093 : vector<16xf32>
        %mul3A_1095 = arith.constant 2.000000e-01 : f32
        %mul3A_1096 = vector.broadcast %mul3A_1095 : f32 to vector<16xf32>
        %mul3A_1097 = arith.mulf %mul3A_1096, %add3A_1094 : vector<16xf32>
        %max3A_1098 = arith.maximumf %add3A_1094, %mul3A_1097 : vector<16xf32>
        %slice3A_1099 = vector.extract_strided_slice %get3A_183 {offsets = [7], sizes = [1], strides = [1]} : vector<16xf32> to vector<1xf32>
        %squeeze3A_1100 = vector.extract %slice3A_1099[0] : f32 from vector<1xf32>
        %mul3A_1101 = vector.broadcast %squeeze3A_1100 : f32 to vector<16xf32>
        %mul3A_1102 = arith.mulf %max3A_1098, %mul3A_1101 : vector<16xf32>
        %add3A_1103 = arith.addf %add3A_1087, %mul3A_1102 : vector<16xf32>
        %broadcast_in_dim3A_1104 = arith.constant 56 : i32
        %broadcast_in_dim3A_1105 = vector.broadcast %broadcast_in_dim3A_1104 : i32 to vector<16xi32>
        %gather3A_1106 = tpu.vector_load_idx %arg14[%add3A_203, %broadcast_in_dim3A_1105] : memref<80x64xf32, #tpu.memory_space<vmem>>[vector<16xi32>, vector<16xi32>], vector<16xf32>,
        %broadcast_in_dim3A_1107 = arith.constant 56 : i32
        %broadcast_in_dim3A_1108 = vector.broadcast %broadcast_in_dim3A_1107 : i32 to vector<16xi32>
        %gather3A_1109 = tpu.vector_load_idx %arg16[%add3A_203, %broadcast_in_dim3A_1108] : memref<80x128xf32, #tpu.memory_space<vmem>>[vector<16xi32>, vector<16xi32>], vector<16xf32>,
        %add3A_1110 = arith.addf %gather3A_1106, %gather3A_1109 : vector<16xf32>
        %mul3A_1111 = arith.constant 2.000000e-01 : f32
        %mul3A_1112 = vector.broadcast %mul3A_1111 : f32 to vector<16xf32>
        %mul3A_1113 = arith.mulf %mul3A_1112, %add3A_1110 : vector<16xf32>
        %max3A_1114 = arith.maximumf %add3A_1110, %mul3A_1113 : vector<16xf32>
        %slice3A_1115 = vector.extract_strided_slice %get3A_183 {offsets = [8], sizes = [1], strides = [1]} : vector<16xf32> to vector<1xf32>
        %squeeze3A_1116 = vector.extract %slice3A_1115[0] : f32 from vector<1xf32>
        %mul3A_1117 = vector.broadcast %squeeze3A_1116 : f32 to vector<16xf32>
        %mul3A_1118 = arith.mulf %max3A_1114, %mul3A_1117 : vector<16xf32>
        %add3A_1119 = arith.addf %add3A_1103, %mul3A_1118 : vector<16xf32>
        %broadcast_in_dim3A_1120 = arith.constant 57 : i32
        %broadcast_in_dim3A_1121 = vector.broadcast %broadcast_in_dim3A_1120 : i32 to vector<16xi32>
        %gather3A_1122 = tpu.vector_load_idx %arg14[%add3A_203, %broadcast_in_dim3A_1121] : memref<80x64xf32, #tpu.memory_space<vmem>>[vector<16xi32>, vector<16xi32>], vector<16xf32>,
        %broadcast_in_dim3A_1123 = arith.constant 57 : i32
        %broadcast_in_dim3A_1124 = vector.broadcast %broadcast_in_dim3A_1123 : i32 to vector<16xi32>
        %gather3A_1125 = tpu.vector_load_idx %arg16[%add3A_203, %broadcast_in_dim3A_1124] : memref<80x128xf32, #tpu.memory_space<vmem>>[vector<16xi32>, vector<16xi32>], vector<16xf32>,
        %add3A_1126 = arith.addf %gather3A_1122, %gather3A_1125 : vector<16xf32>
        %mul3A_1127 = arith.constant 2.000000e-01 : f32
        %mul3A_1128 = vector.broadcast %mul3A_1127 : f32 to vector<16xf32>
        %mul3A_1129 = arith.mulf %mul3A_1128, %add3A_1126 : vector<16xf32>
        %max3A_1130 = arith.maximumf %add3A_1126, %mul3A_1129 : vector<16xf32>
        %slice3A_1131 = vector.extract_strided_slice %get3A_183 {offsets = [9], sizes = [1], strides = [1]} : vector<16xf32> to vector<1xf32>
        %squeeze3A_1132 = vector.extract %slice3A_1131[0] : f32 from vector<1xf32>
        %mul3A_1133 = vector.broadcast %squeeze3A_1132 : f32 to vector<16xf32>
        %mul3A_1134 = arith.mulf %max3A_1130, %mul3A_1133 : vector<16xf32>
        %add3A_1135 = arith.addf %add3A_1119, %mul3A_1134 : vector<16xf32>
        %broadcast_in_dim3A_1136 = arith.constant 58 : i32
        %broadcast_in_dim3A_1137 = vector.broadcast %broadcast_in_dim3A_1136 : i32 to vector<16xi32>
        %gather3A_1138 = tpu.vector_load_idx %arg14[%add3A_203, %broadcast_in_dim3A_1137] : memref<80x64xf32, #tpu.memory_space<vmem>>[vector<16xi32>, vector<16xi32>], vector<16xf32>,
        %broadcast_in_dim3A_1139 = arith.constant 58 : i32
        %broadcast_in_dim3A_1140 = vector.broadcast %broadcast_in_dim3A_1139 : i32 to vector<16xi32>
        %gather3A_1141 = tpu.vector_load_idx %arg16[%add3A_203, %broadcast_in_dim3A_1140] : memref<80x128xf32, #tpu.memory_space<vmem>>[vector<16xi32>, vector<16xi32>], vector<16xf32>,
        %add3A_1142 = arith.addf %gather3A_1138, %gather3A_1141 : vector<16xf32>
        %mul3A_1143 = arith.constant 2.000000e-01 : f32
        %mul3A_1144 = vector.broadcast %mul3A_1143 : f32 to vector<16xf32>
        %mul3A_1145 = arith.mulf %mul3A_1144, %add3A_1142 : vector<16xf32>
        %max3A_1146 = arith.maximumf %add3A_1142, %mul3A_1145 : vector<16xf32>
        %slice3A_1147 = vector.extract_strided_slice %get3A_183 {offsets = [10], sizes = [1], strides = [1]} : vector<16xf32> to vector<1xf32>
        %squeeze3A_1148 = vector.extract %slice3A_1147[0] : f32 from vector<1xf32>
        %mul3A_1149 = vector.broadcast %squeeze3A_1148 : f32 to vector<16xf32>
        %mul3A_1150 = arith.mulf %max3A_1146, %mul3A_1149 : vector<16xf32>
        %add3A_1151 = arith.addf %add3A_1135, %mul3A_1150 : vector<16xf32>
        %broadcast_in_dim3A_1152 = arith.constant 59 : i32
        %broadcast_in_dim3A_1153 = vector.broadcast %broadcast_in_dim3A_1152 : i32 to vector<16xi32>
        %gather3A_1154 = tpu.vector_load_idx %arg14[%add3A_203, %broadcast_in_dim3A_1153] : memref<80x64xf32, #tpu.memory_space<vmem>>[vector<16xi32>, vector<16xi32>], vector<16xf32>,
        %broadcast_in_dim3A_1155 = arith.constant 59 : i32
        %broadcast_in_dim3A_1156 = vector.broadcast %broadcast_in_dim3A_1155 : i32 to vector<16xi32>
        %gather3A_1157 = tpu.vector_load_idx %arg16[%add3A_203, %broadcast_in_dim3A_1156] : memref<80x128xf32, #tpu.memory_space<vmem>>[vector<16xi32>, vector<16xi32>], vector<16xf32>,
        %add3A_1158 = arith.addf %gather3A_1154, %gather3A_1157 : vector<16xf32>
        %mul3A_1159 = arith.constant 2.000000e-01 : f32
        %mul3A_1160 = vector.broadcast %mul3A_1159 : f32 to vector<16xf32>
        %mul3A_1161 = arith.mulf %mul3A_1160, %add3A_1158 : vector<16xf32>
        %max3A_1162 = arith.maximumf %add3A_1158, %mul3A_1161 : vector<16xf32>
        %slice3A_1163 = vector.extract_strided_slice %get3A_183 {offsets = [11], sizes = [1], strides = [1]} : vector<16xf32> to vector<1xf32>
        %squeeze3A_1164 = vector.extract %slice3A_1163[0] : f32 from vector<1xf32>
        %mul3A_1165 = vector.broadcast %squeeze3A_1164 : f32 to vector<16xf32>
        %mul3A_1166 = arith.mulf %max3A_1162, %mul3A_1165 : vector<16xf32>
        %add3A_1167 = arith.addf %add3A_1151, %mul3A_1166 : vector<16xf32>
        %broadcast_in_dim3A_1168 = arith.constant 60 : i32
        %broadcast_in_dim3A_1169 = vector.broadcast %broadcast_in_dim3A_1168 : i32 to vector<16xi32>
        %gather3A_1170 = tpu.vector_load_idx %arg14[%add3A_203, %broadcast_in_dim3A_1169] : memref<80x64xf32, #tpu.memory_space<vmem>>[vector<16xi32>, vector<16xi32>], vector<16xf32>,
        %broadcast_in_dim3A_1171 = arith.constant 60 : i32
        %broadcast_in_dim3A_1172 = vector.broadcast %broadcast_in_dim3A_1171 : i32 to vector<16xi32>
        %gather3A_1173 = tpu.vector_load_idx %arg16[%add3A_203, %broadcast_in_dim3A_1172] : memref<80x128xf32, #tpu.memory_space<vmem>>[vector<16xi32>, vector<16xi32>], vector<16xf32>,
        %add3A_1174 = arith.addf %gather3A_1170, %gather3A_1173 : vector<16xf32>
        %mul3A_1175 = arith.constant 2.000000e-01 : f32
        %mul3A_1176 = vector.broadcast %mul3A_1175 : f32 to vector<16xf32>
        %mul3A_1177 = arith.mulf %mul3A_1176, %add3A_1174 : vector<16xf32>
        %max3A_1178 = arith.maximumf %add3A_1174, %mul3A_1177 : vector<16xf32>
        %slice3A_1179 = vector.extract_strided_slice %get3A_183 {offsets = [12], sizes = [1], strides = [1]} : vector<16xf32> to vector<1xf32>
        %squeeze3A_1180 = vector.extract %slice3A_1179[0] : f32 from vector<1xf32>
        %mul3A_1181 = vector.broadcast %squeeze3A_1180 : f32 to vector<16xf32>
        %mul3A_1182 = arith.mulf %max3A_1178, %mul3A_1181 : vector<16xf32>
        %add3A_1183 = arith.addf %add3A_1167, %mul3A_1182 : vector<16xf32>
        %broadcast_in_dim3A_1184 = arith.constant 61 : i32
        %broadcast_in_dim3A_1185 = vector.broadcast %broadcast_in_dim3A_1184 : i32 to vector<16xi32>
        %gather3A_1186 = tpu.vector_load_idx %arg14[%add3A_203, %broadcast_in_dim3A_1185] : memref<80x64xf32, #tpu.memory_space<vmem>>[vector<16xi32>, vector<16xi32>], vector<16xf32>,
        %broadcast_in_dim3A_1187 = arith.constant 61 : i32
        %broadcast_in_dim3A_1188 = vector.broadcast %broadcast_in_dim3A_1187 : i32 to vector<16xi32>
        %gather3A_1189 = tpu.vector_load_idx %arg16[%add3A_203, %broadcast_in_dim3A_1188] : memref<80x128xf32, #tpu.memory_space<vmem>>[vector<16xi32>, vector<16xi32>], vector<16xf32>,
        %add3A_1190 = arith.addf %gather3A_1186, %gather3A_1189 : vector<16xf32>
        %mul3A_1191 = arith.constant 2.000000e-01 : f32
        %mul3A_1192 = vector.broadcast %mul3A_1191 : f32 to vector<16xf32>
        %mul3A_1193 = arith.mulf %mul3A_1192, %add3A_1190 : vector<16xf32>
        %max3A_1194 = arith.maximumf %add3A_1190, %mul3A_1193 : vector<16xf32>
        %slice3A_1195 = vector.extract_strided_slice %get3A_183 {offsets = [13], sizes = [1], strides = [1]} : vector<16xf32> to vector<1xf32>
        %squeeze3A_1196 = vector.extract %slice3A_1195[0] : f32 from vector<1xf32>
        %mul3A_1197 = vector.broadcast %squeeze3A_1196 : f32 to vector<16xf32>
        %mul3A_1198 = arith.mulf %max3A_1194, %mul3A_1197 : vector<16xf32>
        %add3A_1199 = arith.addf %add3A_1183, %mul3A_1198 : vector<16xf32>
        %broadcast_in_dim3A_1200 = arith.constant 62 : i32
        %broadcast_in_dim3A_1201 = vector.broadcast %broadcast_in_dim3A_1200 : i32 to vector<16xi32>
        %gather3A_1202 = tpu.vector_load_idx %arg14[%add3A_203, %broadcast_in_dim3A_1201] : memref<80x64xf32, #tpu.memory_space<vmem>>[vector<16xi32>, vector<16xi32>], vector<16xf32>,
        %broadcast_in_dim3A_1203 = arith.constant 62 : i32
        %broadcast_in_dim3A_1204 = vector.broadcast %broadcast_in_dim3A_1203 : i32 to vector<16xi32>
        %gather3A_1205 = tpu.vector_load_idx %arg16[%add3A_203, %broadcast_in_dim3A_1204] : memref<80x128xf32, #tpu.memory_space<vmem>>[vector<16xi32>, vector<16xi32>], vector<16xf32>,
        %add3A_1206 = arith.addf %gather3A_1202, %gather3A_1205 : vector<16xf32>
        %mul3A_1207 = arith.constant 2.000000e-01 : f32
        %mul3A_1208 = vector.broadcast %mul3A_1207 : f32 to vector<16xf32>
        %mul3A_1209 = arith.mulf %mul3A_1208, %add3A_1206 : vector<16xf32>
        %max3A_1210 = arith.maximumf %add3A_1206, %mul3A_1209 : vector<16xf32>
        %slice3A_1211 = vector.extract_strided_slice %get3A_183 {offsets = [14], sizes = [1], strides = [1]} : vector<16xf32> to vector<1xf32>
        %squeeze3A_1212 = vector.extract %slice3A_1211[0] : f32 from vector<1xf32>
        %mul3A_1213 = vector.broadcast %squeeze3A_1212 : f32 to vector<16xf32>
        %mul3A_1214 = arith.mulf %max3A_1210, %mul3A_1213 : vector<16xf32>
        %add3A_1215 = arith.addf %add3A_1199, %mul3A_1214 : vector<16xf32>
        %broadcast_in_dim3A_1216 = arith.constant 63 : i32
        %broadcast_in_dim3A_1217 = vector.broadcast %broadcast_in_dim3A_1216 : i32 to vector<16xi32>
        %gather3A_1218 = tpu.vector_load_idx %arg14[%add3A_203, %broadcast_in_dim3A_1217] : memref<80x64xf32, #tpu.memory_space<vmem>>[vector<16xi32>, vector<16xi32>], vector<16xf32>,
        %broadcast_in_dim3A_1219 = arith.constant 63 : i32
        %broadcast_in_dim3A_1220 = vector.broadcast %broadcast_in_dim3A_1219 : i32 to vector<16xi32>
        %gather3A_1221 = tpu.vector_load_idx %arg16[%add3A_203, %broadcast_in_dim3A_1220] : memref<80x128xf32, #tpu.memory_space<vmem>>[vector<16xi32>, vector<16xi32>], vector<16xf32>,
        %add3A_1222 = arith.addf %gather3A_1218, %gather3A_1221 : vector<16xf32>
        %mul3A_1223 = arith.constant 2.000000e-01 : f32
        %mul3A_1224 = vector.broadcast %mul3A_1223 : f32 to vector<16xf32>
        %mul3A_1225 = arith.mulf %mul3A_1224, %add3A_1222 : vector<16xf32>
        %max3A_1226 = arith.maximumf %add3A_1222, %mul3A_1225 : vector<16xf32>
        %slice3A_1227 = vector.extract_strided_slice %get3A_183 {offsets = [15], sizes = [1], strides = [1]} : vector<16xf32> to vector<1xf32>
        %squeeze3A_1228 = vector.extract %slice3A_1227[0] : f32 from vector<1xf32>
        %mul3A_1229 = vector.broadcast %squeeze3A_1228 : f32 to vector<16xf32>
        %mul3A_1230 = arith.mulf %max3A_1226, %mul3A_1229 : vector<16xf32>
        %add3A_1231 = arith.addf %add3A_1215, %mul3A_1230 : vector<16xf32>
        %broadcast_in_dim3A_1232 = arith.constant 0 : i32
        %broadcast_in_dim3A_1233 = vector.broadcast %broadcast_in_dim3A_1232 : i32 to vector<16xi32>
        %gather3A_1234 = tpu.vector_load_idx %arg15[%add3A_203, %broadcast_in_dim3A_1233] : memref<80x64xf32, #tpu.memory_space<vmem>>[vector<16xi32>, vector<16xi32>], vector<16xf32>,
        %broadcast_in_dim3A_1235 = arith.constant 64 : i32
        %broadcast_in_dim3A_1236 = vector.broadcast %broadcast_in_dim3A_1235 : i32 to vector<16xi32>
        %gather3A_1237 = tpu.vector_load_idx %arg16[%add3A_203, %broadcast_in_dim3A_1236] : memref<80x128xf32, #tpu.memory_space<vmem>>[vector<16xi32>, vector<16xi32>], vector<16xf32>,
        %add3A_1238 = arith.addf %gather3A_1234, %gather3A_1237 : vector<16xf32>
        %mul3A_1239 = arith.constant 2.000000e-01 : f32
        %mul3A_1240 = vector.broadcast %mul3A_1239 : f32 to vector<16xf32>
        %mul3A_1241 = arith.mulf %mul3A_1240, %add3A_1238 : vector<16xf32>
        %max3A_1242 = arith.maximumf %add3A_1238, %mul3A_1241 : vector<16xf32>
        %slice3A_1243 = vector.extract_strided_slice %get3A_185 {offsets = [0], sizes = [1], strides = [1]} : vector<16xf32> to vector<1xf32>
        %squeeze3A_1244 = vector.extract %slice3A_1243[0] : f32 from vector<1xf32>
        %mul3A_1245 = vector.broadcast %squeeze3A_1244 : f32 to vector<16xf32>
        %mul3A_1246 = arith.mulf %max3A_1242, %mul3A_1245 : vector<16xf32>
        %add3A_1247 = arith.addf %broadcast_in_dim3A_209, %mul3A_1246 : vector<16xf32>
        %broadcast_in_dim3A_1248 = arith.constant 1 : i32
        %broadcast_in_dim3A_1249 = vector.broadcast %broadcast_in_dim3A_1248 : i32 to vector<16xi32>
        %gather3A_1250 = tpu.vector_load_idx %arg15[%add3A_203, %broadcast_in_dim3A_1249] : memref<80x64xf32, #tpu.memory_space<vmem>>[vector<16xi32>, vector<16xi32>], vector<16xf32>,
        %broadcast_in_dim3A_1251 = arith.constant 65 : i32
        %broadcast_in_dim3A_1252 = vector.broadcast %broadcast_in_dim3A_1251 : i32 to vector<16xi32>
        %gather3A_1253 = tpu.vector_load_idx %arg16[%add3A_203, %broadcast_in_dim3A_1252] : memref<80x128xf32, #tpu.memory_space<vmem>>[vector<16xi32>, vector<16xi32>], vector<16xf32>,
        %add3A_1254 = arith.addf %gather3A_1250, %gather3A_1253 : vector<16xf32>
        %mul3A_1255 = arith.constant 2.000000e-01 : f32
        %mul3A_1256 = vector.broadcast %mul3A_1255 : f32 to vector<16xf32>
        %mul3A_1257 = arith.mulf %mul3A_1256, %add3A_1254 : vector<16xf32>
        %max3A_1258 = arith.maximumf %add3A_1254, %mul3A_1257 : vector<16xf32>
        %slice3A_1259 = vector.extract_strided_slice %get3A_185 {offsets = [1], sizes = [1], strides = [1]} : vector<16xf32> to vector<1xf32>
        %squeeze3A_1260 = vector.extract %slice3A_1259[0] : f32 from vector<1xf32>
        %mul3A_1261 = vector.broadcast %squeeze3A_1260 : f32 to vector<16xf32>
        %mul3A_1262 = arith.mulf %max3A_1258, %mul3A_1261 : vector<16xf32>
        %add3A_1263 = arith.addf %add3A_1247, %mul3A_1262 : vector<16xf32>
        %broadcast_in_dim3A_1264 = arith.constant 2 : i32
        %broadcast_in_dim3A_1265 = vector.broadcast %broadcast_in_dim3A_1264 : i32 to vector<16xi32>
        %gather3A_1266 = tpu.vector_load_idx %arg15[%add3A_203, %broadcast_in_dim3A_1265] : memref<80x64xf32, #tpu.memory_space<vmem>>[vector<16xi32>, vector<16xi32>], vector<16xf32>,
        %broadcast_in_dim3A_1267 = arith.constant 66 : i32
        %broadcast_in_dim3A_1268 = vector.broadcast %broadcast_in_dim3A_1267 : i32 to vector<16xi32>
        %gather3A_1269 = tpu.vector_load_idx %arg16[%add3A_203, %broadcast_in_dim3A_1268] : memref<80x128xf32, #tpu.memory_space<vmem>>[vector<16xi32>, vector<16xi32>], vector<16xf32>,
        %add3A_1270 = arith.addf %gather3A_1266, %gather3A_1269 : vector<16xf32>
        %mul3A_1271 = arith.constant 2.000000e-01 : f32
        %mul3A_1272 = vector.broadcast %mul3A_1271 : f32 to vector<16xf32>
        %mul3A_1273 = arith.mulf %mul3A_1272, %add3A_1270 : vector<16xf32>
        %max3A_1274 = arith.maximumf %add3A_1270, %mul3A_1273 : vector<16xf32>
        %slice3A_1275 = vector.extract_strided_slice %get3A_185 {offsets = [2], sizes = [1], strides = [1]} : vector<16xf32> to vector<1xf32>
        %squeeze3A_1276 = vector.extract %slice3A_1275[0] : f32 from vector<1xf32>
        %mul3A_1277 = vector.broadcast %squeeze3A_1276 : f32 to vector<16xf32>
        %mul3A_1278 = arith.mulf %max3A_1274, %mul3A_1277 : vector<16xf32>
        %add3A_1279 = arith.addf %add3A_1263, %mul3A_1278 : vector<16xf32>
        %broadcast_in_dim3A_1280 = arith.constant 3 : i32
        %broadcast_in_dim3A_1281 = vector.broadcast %broadcast_in_dim3A_1280 : i32 to vector<16xi32>
        %gather3A_1282 = tpu.vector_load_idx %arg15[%add3A_203, %broadcast_in_dim3A_1281] : memref<80x64xf32, #tpu.memory_space<vmem>>[vector<16xi32>, vector<16xi32>], vector<16xf32>,
        %broadcast_in_dim3A_1283 = arith.constant 67 : i32
        %broadcast_in_dim3A_1284 = vector.broadcast %broadcast_in_dim3A_1283 : i32 to vector<16xi32>
        %gather3A_1285 = tpu.vector_load_idx %arg16[%add3A_203, %broadcast_in_dim3A_1284] : memref<80x128xf32, #tpu.memory_space<vmem>>[vector<16xi32>, vector<16xi32>], vector<16xf32>,
        %add3A_1286 = arith.addf %gather3A_1282, %gather3A_1285 : vector<16xf32>
        %mul3A_1287 = arith.constant 2.000000e-01 : f32
        %mul3A_1288 = vector.broadcast %mul3A_1287 : f32 to vector<16xf32>
        %mul3A_1289 = arith.mulf %mul3A_1288, %add3A_1286 : vector<16xf32>
        %max3A_1290 = arith.maximumf %add3A_1286, %mul3A_1289 : vector<16xf32>
        %slice3A_1291 = vector.extract_strided_slice %get3A_185 {offsets = [3], sizes = [1], strides = [1]} : vector<16xf32> to vector<1xf32>
        %squeeze3A_1292 = vector.extract %slice3A_1291[0] : f32 from vector<1xf32>
        %mul3A_1293 = vector.broadcast %squeeze3A_1292 : f32 to vector<16xf32>
        %mul3A_1294 = arith.mulf %max3A_1290, %mul3A_1293 : vector<16xf32>
        %add3A_1295 = arith.addf %add3A_1279, %mul3A_1294 : vector<16xf32>
        %broadcast_in_dim3A_1296 = arith.constant 4 : i32
        %broadcast_in_dim3A_1297 = vector.broadcast %broadcast_in_dim3A_1296 : i32 to vector<16xi32>
        %gather3A_1298 = tpu.vector_load_idx %arg15[%add3A_203, %broadcast_in_dim3A_1297] : memref<80x64xf32, #tpu.memory_space<vmem>>[vector<16xi32>, vector<16xi32>], vector<16xf32>,
        %broadcast_in_dim3A_1299 = arith.constant 68 : i32
        %broadcast_in_dim3A_1300 = vector.broadcast %broadcast_in_dim3A_1299 : i32 to vector<16xi32>
        %gather3A_1301 = tpu.vector_load_idx %arg16[%add3A_203, %broadcast_in_dim3A_1300] : memref<80x128xf32, #tpu.memory_space<vmem>>[vector<16xi32>, vector<16xi32>], vector<16xf32>,
        %add3A_1302 = arith.addf %gather3A_1298, %gather3A_1301 : vector<16xf32>
        %mul3A_1303 = arith.constant 2.000000e-01 : f32
        %mul3A_1304 = vector.broadcast %mul3A_1303 : f32 to vector<16xf32>
        %mul3A_1305 = arith.mulf %mul3A_1304, %add3A_1302 : vector<16xf32>
        %max3A_1306 = arith.maximumf %add3A_1302, %mul3A_1305 : vector<16xf32>
        %slice3A_1307 = vector.extract_strided_slice %get3A_185 {offsets = [4], sizes = [1], strides = [1]} : vector<16xf32> to vector<1xf32>
        %squeeze3A_1308 = vector.extract %slice3A_1307[0] : f32 from vector<1xf32>
        %mul3A_1309 = vector.broadcast %squeeze3A_1308 : f32 to vector<16xf32>
        %mul3A_1310 = arith.mulf %max3A_1306, %mul3A_1309 : vector<16xf32>
        %add3A_1311 = arith.addf %add3A_1295, %mul3A_1310 : vector<16xf32>
        %broadcast_in_dim3A_1312 = arith.constant 5 : i32
        %broadcast_in_dim3A_1313 = vector.broadcast %broadcast_in_dim3A_1312 : i32 to vector<16xi32>
        %gather3A_1314 = tpu.vector_load_idx %arg15[%add3A_203, %broadcast_in_dim3A_1313] : memref<80x64xf32, #tpu.memory_space<vmem>>[vector<16xi32>, vector<16xi32>], vector<16xf32>,
        %broadcast_in_dim3A_1315 = arith.constant 69 : i32
        %broadcast_in_dim3A_1316 = vector.broadcast %broadcast_in_dim3A_1315 : i32 to vector<16xi32>
        %gather3A_1317 = tpu.vector_load_idx %arg16[%add3A_203, %broadcast_in_dim3A_1316] : memref<80x128xf32, #tpu.memory_space<vmem>>[vector<16xi32>, vector<16xi32>], vector<16xf32>,
        %add3A_1318 = arith.addf %gather3A_1314, %gather3A_1317 : vector<16xf32>
        %mul3A_1319 = arith.constant 2.000000e-01 : f32
        %mul3A_1320 = vector.broadcast %mul3A_1319 : f32 to vector<16xf32>
        %mul3A_1321 = arith.mulf %mul3A_1320, %add3A_1318 : vector<16xf32>
        %max3A_1322 = arith.maximumf %add3A_1318, %mul3A_1321 : vector<16xf32>
        %slice3A_1323 = vector.extract_strided_slice %get3A_185 {offsets = [5], sizes = [1], strides = [1]} : vector<16xf32> to vector<1xf32>
        %squeeze3A_1324 = vector.extract %slice3A_1323[0] : f32 from vector<1xf32>
        %mul3A_1325 = vector.broadcast %squeeze3A_1324 : f32 to vector<16xf32>
        %mul3A_1326 = arith.mulf %max3A_1322, %mul3A_1325 : vector<16xf32>
        %add3A_1327 = arith.addf %add3A_1311, %mul3A_1326 : vector<16xf32>
        %broadcast_in_dim3A_1328 = arith.constant 6 : i32
        %broadcast_in_dim3A_1329 = vector.broadcast %broadcast_in_dim3A_1328 : i32 to vector<16xi32>
        %gather3A_1330 = tpu.vector_load_idx %arg15[%add3A_203, %broadcast_in_dim3A_1329] : memref<80x64xf32, #tpu.memory_space<vmem>>[vector<16xi32>, vector<16xi32>], vector<16xf32>,
        %broadcast_in_dim3A_1331 = arith.constant 70 : i32
        %broadcast_in_dim3A_1332 = vector.broadcast %broadcast_in_dim3A_1331 : i32 to vector<16xi32>
        %gather3A_1333 = tpu.vector_load_idx %arg16[%add3A_203, %broadcast_in_dim3A_1332] : memref<80x128xf32, #tpu.memory_space<vmem>>[vector<16xi32>, vector<16xi32>], vector<16xf32>,
        %add3A_1334 = arith.addf %gather3A_1330, %gather3A_1333 : vector<16xf32>
        %mul3A_1335 = arith.constant 2.000000e-01 : f32
        %mul3A_1336 = vector.broadcast %mul3A_1335 : f32 to vector<16xf32>
        %mul3A_1337 = arith.mulf %mul3A_1336, %add3A_1334 : vector<16xf32>
        %max3A_1338 = arith.maximumf %add3A_1334, %mul3A_1337 : vector<16xf32>
        %slice3A_1339 = vector.extract_strided_slice %get3A_185 {offsets = [6], sizes = [1], strides = [1]} : vector<16xf32> to vector<1xf32>
        %squeeze3A_1340 = vector.extract %slice3A_1339[0] : f32 from vector<1xf32>
        %mul3A_1341 = vector.broadcast %squeeze3A_1340 : f32 to vector<16xf32>
        %mul3A_1342 = arith.mulf %max3A_1338, %mul3A_1341 : vector<16xf32>
        %add3A_1343 = arith.addf %add3A_1327, %mul3A_1342 : vector<16xf32>
        %broadcast_in_dim3A_1344 = arith.constant 7 : i32
        %broadcast_in_dim3A_1345 = vector.broadcast %broadcast_in_dim3A_1344 : i32 to vector<16xi32>
        %gather3A_1346 = tpu.vector_load_idx %arg15[%add3A_203, %broadcast_in_dim3A_1345] : memref<80x64xf32, #tpu.memory_space<vmem>>[vector<16xi32>, vector<16xi32>], vector<16xf32>,
        %broadcast_in_dim3A_1347 = arith.constant 71 : i32
        %broadcast_in_dim3A_1348 = vector.broadcast %broadcast_in_dim3A_1347 : i32 to vector<16xi32>
        %gather3A_1349 = tpu.vector_load_idx %arg16[%add3A_203, %broadcast_in_dim3A_1348] : memref<80x128xf32, #tpu.memory_space<vmem>>[vector<16xi32>, vector<16xi32>], vector<16xf32>,
        %add3A_1350 = arith.addf %gather3A_1346, %gather3A_1349 : vector<16xf32>
        %mul3A_1351 = arith.constant 2.000000e-01 : f32
        %mul3A_1352 = vector.broadcast %mul3A_1351 : f32 to vector<16xf32>
        %mul3A_1353 = arith.mulf %mul3A_1352, %add3A_1350 : vector<16xf32>
        %max3A_1354 = arith.maximumf %add3A_1350, %mul3A_1353 : vector<16xf32>
        %slice3A_1355 = vector.extract_strided_slice %get3A_185 {offsets = [7], sizes = [1], strides = [1]} : vector<16xf32> to vector<1xf32>
        %squeeze3A_1356 = vector.extract %slice3A_1355[0] : f32 from vector<1xf32>
        %mul3A_1357 = vector.broadcast %squeeze3A_1356 : f32 to vector<16xf32>
        %mul3A_1358 = arith.mulf %max3A_1354, %mul3A_1357 : vector<16xf32>
        %add3A_1359 = arith.addf %add3A_1343, %mul3A_1358 : vector<16xf32>
        %broadcast_in_dim3A_1360 = arith.constant 8 : i32
        %broadcast_in_dim3A_1361 = vector.broadcast %broadcast_in_dim3A_1360 : i32 to vector<16xi32>
        %gather3A_1362 = tpu.vector_load_idx %arg15[%add3A_203, %broadcast_in_dim3A_1361] : memref<80x64xf32, #tpu.memory_space<vmem>>[vector<16xi32>, vector<16xi32>], vector<16xf32>,
        %broadcast_in_dim3A_1363 = arith.constant 72 : i32
        %broadcast_in_dim3A_1364 = vector.broadcast %broadcast_in_dim3A_1363 : i32 to vector<16xi32>
        %gather3A_1365 = tpu.vector_load_idx %arg16[%add3A_203, %broadcast_in_dim3A_1364] : memref<80x128xf32, #tpu.memory_space<vmem>>[vector<16xi32>, vector<16xi32>], vector<16xf32>,
        %add3A_1366 = arith.addf %gather3A_1362, %gather3A_1365 : vector<16xf32>
        %mul3A_1367 = arith.constant 2.000000e-01 : f32
        %mul3A_1368 = vector.broadcast %mul3A_1367 : f32 to vector<16xf32>
        %mul3A_1369 = arith.mulf %mul3A_1368, %add3A_1366 : vector<16xf32>
        %max3A_1370 = arith.maximumf %add3A_1366, %mul3A_1369 : vector<16xf32>
        %slice3A_1371 = vector.extract_strided_slice %get3A_185 {offsets = [8], sizes = [1], strides = [1]} : vector<16xf32> to vector<1xf32>
        %squeeze3A_1372 = vector.extract %slice3A_1371[0] : f32 from vector<1xf32>
        %mul3A_1373 = vector.broadcast %squeeze3A_1372 : f32 to vector<16xf32>
        %mul3A_1374 = arith.mulf %max3A_1370, %mul3A_1373 : vector<16xf32>
        %add3A_1375 = arith.addf %add3A_1359, %mul3A_1374 : vector<16xf32>
        %broadcast_in_dim3A_1376 = arith.constant 9 : i32
        %broadcast_in_dim3A_1377 = vector.broadcast %broadcast_in_dim3A_1376 : i32 to vector<16xi32>
        %gather3A_1378 = tpu.vector_load_idx %arg15[%add3A_203, %broadcast_in_dim3A_1377] : memref<80x64xf32, #tpu.memory_space<vmem>>[vector<16xi32>, vector<16xi32>], vector<16xf32>,
        %broadcast_in_dim3A_1379 = arith.constant 73 : i32
        %broadcast_in_dim3A_1380 = vector.broadcast %broadcast_in_dim3A_1379 : i32 to vector<16xi32>
        %gather3A_1381 = tpu.vector_load_idx %arg16[%add3A_203, %broadcast_in_dim3A_1380] : memref<80x128xf32, #tpu.memory_space<vmem>>[vector<16xi32>, vector<16xi32>], vector<16xf32>,
        %add3A_1382 = arith.addf %gather3A_1378, %gather3A_1381 : vector<16xf32>
        %mul3A_1383 = arith.constant 2.000000e-01 : f32
        %mul3A_1384 = vector.broadcast %mul3A_1383 : f32 to vector<16xf32>
        %mul3A_1385 = arith.mulf %mul3A_1384, %add3A_1382 : vector<16xf32>
        %max3A_1386 = arith.maximumf %add3A_1382, %mul3A_1385 : vector<16xf32>
        %slice3A_1387 = vector.extract_strided_slice %get3A_185 {offsets = [9], sizes = [1], strides = [1]} : vector<16xf32> to vector<1xf32>
        %squeeze3A_1388 = vector.extract %slice3A_1387[0] : f32 from vector<1xf32>
        %mul3A_1389 = vector.broadcast %squeeze3A_1388 : f32 to vector<16xf32>
        %mul3A_1390 = arith.mulf %max3A_1386, %mul3A_1389 : vector<16xf32>
        %add3A_1391 = arith.addf %add3A_1375, %mul3A_1390 : vector<16xf32>
        %broadcast_in_dim3A_1392 = arith.constant 10 : i32
        %broadcast_in_dim3A_1393 = vector.broadcast %broadcast_in_dim3A_1392 : i32 to vector<16xi32>
        %gather3A_1394 = tpu.vector_load_idx %arg15[%add3A_203, %broadcast_in_dim3A_1393] : memref<80x64xf32, #tpu.memory_space<vmem>>[vector<16xi32>, vector<16xi32>], vector<16xf32>,
        %broadcast_in_dim3A_1395 = arith.constant 74 : i32
        %broadcast_in_dim3A_1396 = vector.broadcast %broadcast_in_dim3A_1395 : i32 to vector<16xi32>
        %gather3A_1397 = tpu.vector_load_idx %arg16[%add3A_203, %broadcast_in_dim3A_1396] : memref<80x128xf32, #tpu.memory_space<vmem>>[vector<16xi32>, vector<16xi32>], vector<16xf32>,
        %add3A_1398 = arith.addf %gather3A_1394, %gather3A_1397 : vector<16xf32>
        %mul3A_1399 = arith.constant 2.000000e-01 : f32
        %mul3A_1400 = vector.broadcast %mul3A_1399 : f32 to vector<16xf32>
        %mul3A_1401 = arith.mulf %mul3A_1400, %add3A_1398 : vector<16xf32>
        %max3A_1402 = arith.maximumf %add3A_1398, %mul3A_1401 : vector<16xf32>
        %slice3A_1403 = vector.extract_strided_slice %get3A_185 {offsets = [10], sizes = [1], strides = [1]} : vector<16xf32> to vector<1xf32>
        %squeeze3A_1404 = vector.extract %slice3A_1403[0] : f32 from vector<1xf32>
        %mul3A_1405 = vector.broadcast %squeeze3A_1404 : f32 to vector<16xf32>
        %mul3A_1406 = arith.mulf %max3A_1402, %mul3A_1405 : vector<16xf32>
        %add3A_1407 = arith.addf %add3A_1391, %mul3A_1406 : vector<16xf32>
        %broadcast_in_dim3A_1408 = arith.constant 11 : i32
        %broadcast_in_dim3A_1409 = vector.broadcast %broadcast_in_dim3A_1408 : i32 to vector<16xi32>
        %gather3A_1410 = tpu.vector_load_idx %arg15[%add3A_203, %broadcast_in_dim3A_1409] : memref<80x64xf32, #tpu.memory_space<vmem>>[vector<16xi32>, vector<16xi32>], vector<16xf32>,
        %broadcast_in_dim3A_1411 = arith.constant 75 : i32
        %broadcast_in_dim3A_1412 = vector.broadcast %broadcast_in_dim3A_1411 : i32 to vector<16xi32>
        %gather3A_1413 = tpu.vector_load_idx %arg16[%add3A_203, %broadcast_in_dim3A_1412] : memref<80x128xf32, #tpu.memory_space<vmem>>[vector<16xi32>, vector<16xi32>], vector<16xf32>,
        %add3A_1414 = arith.addf %gather3A_1410, %gather3A_1413 : vector<16xf32>
        %mul3A_1415 = arith.constant 2.000000e-01 : f32
        %mul3A_1416 = vector.broadcast %mul3A_1415 : f32 to vector<16xf32>
        %mul3A_1417 = arith.mulf %mul3A_1416, %add3A_1414 : vector<16xf32>
        %max3A_1418 = arith.maximumf %add3A_1414, %mul3A_1417 : vector<16xf32>
        %slice3A_1419 = vector.extract_strided_slice %get3A_185 {offsets = [11], sizes = [1], strides = [1]} : vector<16xf32> to vector<1xf32>
        %squeeze3A_1420 = vector.extract %slice3A_1419[0] : f32 from vector<1xf32>
        %mul3A_1421 = vector.broadcast %squeeze3A_1420 : f32 to vector<16xf32>
        %mul3A_1422 = arith.mulf %max3A_1418, %mul3A_1421 : vector<16xf32>
        %add3A_1423 = arith.addf %add3A_1407, %mul3A_1422 : vector<16xf32>
        %broadcast_in_dim3A_1424 = arith.constant 12 : i32
        %broadcast_in_dim3A_1425 = vector.broadcast %broadcast_in_dim3A_1424 : i32 to vector<16xi32>
        %gather3A_1426 = tpu.vector_load_idx %arg15[%add3A_203, %broadcast_in_dim3A_1425] : memref<80x64xf32, #tpu.memory_space<vmem>>[vector<16xi32>, vector<16xi32>], vector<16xf32>,
        %broadcast_in_dim3A_1427 = arith.constant 76 : i32
        %broadcast_in_dim3A_1428 = vector.broadcast %broadcast_in_dim3A_1427 : i32 to vector<16xi32>
        %gather3A_1429 = tpu.vector_load_idx %arg16[%add3A_203, %broadcast_in_dim3A_1428] : memref<80x128xf32, #tpu.memory_space<vmem>>[vector<16xi32>, vector<16xi32>], vector<16xf32>,
        %add3A_1430 = arith.addf %gather3A_1426, %gather3A_1429 : vector<16xf32>
        %mul3A_1431 = arith.constant 2.000000e-01 : f32
        %mul3A_1432 = vector.broadcast %mul3A_1431 : f32 to vector<16xf32>
        %mul3A_1433 = arith.mulf %mul3A_1432, %add3A_1430 : vector<16xf32>
        %max3A_1434 = arith.maximumf %add3A_1430, %mul3A_1433 : vector<16xf32>
        %slice3A_1435 = vector.extract_strided_slice %get3A_185 {offsets = [12], sizes = [1], strides = [1]} : vector<16xf32> to vector<1xf32>
        %squeeze3A_1436 = vector.extract %slice3A_1435[0] : f32 from vector<1xf32>
        %mul3A_1437 = vector.broadcast %squeeze3A_1436 : f32 to vector<16xf32>
        %mul3A_1438 = arith.mulf %max3A_1434, %mul3A_1437 : vector<16xf32>
        %add3A_1439 = arith.addf %add3A_1423, %mul3A_1438 : vector<16xf32>
        %broadcast_in_dim3A_1440 = arith.constant 13 : i32
        %broadcast_in_dim3A_1441 = vector.broadcast %broadcast_in_dim3A_1440 : i32 to vector<16xi32>
        %gather3A_1442 = tpu.vector_load_idx %arg15[%add3A_203, %broadcast_in_dim3A_1441] : memref<80x64xf32, #tpu.memory_space<vmem>>[vector<16xi32>, vector<16xi32>], vector<16xf32>,
        %broadcast_in_dim3A_1443 = arith.constant 77 : i32
        %broadcast_in_dim3A_1444 = vector.broadcast %broadcast_in_dim3A_1443 : i32 to vector<16xi32>
        %gather3A_1445 = tpu.vector_load_idx %arg16[%add3A_203, %broadcast_in_dim3A_1444] : memref<80x128xf32, #tpu.memory_space<vmem>>[vector<16xi32>, vector<16xi32>], vector<16xf32>,
        %add3A_1446 = arith.addf %gather3A_1442, %gather3A_1445 : vector<16xf32>
        %mul3A_1447 = arith.constant 2.000000e-01 : f32
        %mul3A_1448 = vector.broadcast %mul3A_1447 : f32 to vector<16xf32>
        %mul3A_1449 = arith.mulf %mul3A_1448, %add3A_1446 : vector<16xf32>
        %max3A_1450 = arith.maximumf %add3A_1446, %mul3A_1449 : vector<16xf32>
        %slice3A_1451 = vector.extract_strided_slice %get3A_185 {offsets = [13], sizes = [1], strides = [1]} : vector<16xf32> to vector<1xf32>
        %squeeze3A_1452 = vector.extract %slice3A_1451[0] : f32 from vector<1xf32>
        %mul3A_1453 = vector.broadcast %squeeze3A_1452 : f32 to vector<16xf32>
        %mul3A_1454 = arith.mulf %max3A_1450, %mul3A_1453 : vector<16xf32>
        %add3A_1455 = arith.addf %add3A_1439, %mul3A_1454 : vector<16xf32>
        %broadcast_in_dim3A_1456 = arith.constant 14 : i32
        %broadcast_in_dim3A_1457 = vector.broadcast %broadcast_in_dim3A_1456 : i32 to vector<16xi32>
        %gather3A_1458 = tpu.vector_load_idx %arg15[%add3A_203, %broadcast_in_dim3A_1457] : memref<80x64xf32, #tpu.memory_space<vmem>>[vector<16xi32>, vector<16xi32>], vector<16xf32>,
        %broadcast_in_dim3A_1459 = arith.constant 78 : i32
        %broadcast_in_dim3A_1460 = vector.broadcast %broadcast_in_dim3A_1459 : i32 to vector<16xi32>
        %gather3A_1461 = tpu.vector_load_idx %arg16[%add3A_203, %broadcast_in_dim3A_1460] : memref<80x128xf32, #tpu.memory_space<vmem>>[vector<16xi32>, vector<16xi32>], vector<16xf32>,
        %add3A_1462 = arith.addf %gather3A_1458, %gather3A_1461 : vector<16xf32>
        %mul3A_1463 = arith.constant 2.000000e-01 : f32
        %mul3A_1464 = vector.broadcast %mul3A_1463 : f32 to vector<16xf32>
        %mul3A_1465 = arith.mulf %mul3A_1464, %add3A_1462 : vector<16xf32>
        %max3A_1466 = arith.maximumf %add3A_1462, %mul3A_1465 : vector<16xf32>
        %slice3A_1467 = vector.extract_strided_slice %get3A_185 {offsets = [14], sizes = [1], strides = [1]} : vector<16xf32> to vector<1xf32>
        %squeeze3A_1468 = vector.extract %slice3A_1467[0] : f32 from vector<1xf32>
        %mul3A_1469 = vector.broadcast %squeeze3A_1468 : f32 to vector<16xf32>
        %mul3A_1470 = arith.mulf %max3A_1466, %mul3A_1469 : vector<16xf32>
        %add3A_1471 = arith.addf %add3A_1455, %mul3A_1470 : vector<16xf32>
        %broadcast_in_dim3A_1472 = arith.constant 15 : i32
        %broadcast_in_dim3A_1473 = vector.broadcast %broadcast_in_dim3A_1472 : i32 to vector<16xi32>
        %gather3A_1474 = tpu.vector_load_idx %arg15[%add3A_203, %broadcast_in_dim3A_1473] : memref<80x64xf32, #tpu.memory_space<vmem>>[vector<16xi32>, vector<16xi32>], vector<16xf32>,
        %broadcast_in_dim3A_1475 = arith.constant 79 : i32
        %broadcast_in_dim3A_1476 = vector.broadcast %broadcast_in_dim3A_1475 : i32 to vector<16xi32>
        %gather3A_1477 = tpu.vector_load_idx %arg16[%add3A_203, %broadcast_in_dim3A_1476] : memref<80x128xf32, #tpu.memory_space<vmem>>[vector<16xi32>, vector<16xi32>], vector<16xf32>,
        %add3A_1478 = arith.addf %gather3A_1474, %gather3A_1477 : vector<16xf32>
        %mul3A_1479 = arith.constant 2.000000e-01 : f32
        %mul3A_1480 = vector.broadcast %mul3A_1479 : f32 to vector<16xf32>
        %mul3A_1481 = arith.mulf %mul3A_1480, %add3A_1478 : vector<16xf32>
        %max3A_1482 = arith.maximumf %add3A_1478, %mul3A_1481 : vector<16xf32>
        %slice3A_1483 = vector.extract_strided_slice %get3A_185 {offsets = [15], sizes = [1], strides = [1]} : vector<16xf32> to vector<1xf32>
        %squeeze3A_1484 = vector.extract %slice3A_1483[0] : f32 from vector<1xf32>
        %mul3A_1485 = vector.broadcast %squeeze3A_1484 : f32 to vector<16xf32>
        %mul3A_1486 = arith.mulf %max3A_1482, %mul3A_1485 : vector<16xf32>
        %add3A_1487 = arith.addf %add3A_1471, %mul3A_1486 : vector<16xf32>
        %broadcast_in_dim3A_1488 = arith.constant 16 : i32
        %broadcast_in_dim3A_1489 = vector.broadcast %broadcast_in_dim3A_1488 : i32 to vector<16xi32>
        %gather3A_1490 = tpu.vector_load_idx %arg15[%add3A_203, %broadcast_in_dim3A_1489] : memref<80x64xf32, #tpu.memory_space<vmem>>[vector<16xi32>, vector<16xi32>], vector<16xf32>,
        %broadcast_in_dim3A_1491 = arith.constant 80 : i32
        %broadcast_in_dim3A_1492 = vector.broadcast %broadcast_in_dim3A_1491 : i32 to vector<16xi32>
        %gather3A_1493 = tpu.vector_load_idx %arg16[%add3A_203, %broadcast_in_dim3A_1492] : memref<80x128xf32, #tpu.memory_space<vmem>>[vector<16xi32>, vector<16xi32>], vector<16xf32>,
        %add3A_1494 = arith.addf %gather3A_1490, %gather3A_1493 : vector<16xf32>
        %mul3A_1495 = arith.constant 2.000000e-01 : f32
        %mul3A_1496 = vector.broadcast %mul3A_1495 : f32 to vector<16xf32>
        %mul3A_1497 = arith.mulf %mul3A_1496, %add3A_1494 : vector<16xf32>
        %max3A_1498 = arith.maximumf %add3A_1494, %mul3A_1497 : vector<16xf32>
        %slice3A_1499 = vector.extract_strided_slice %get3A_187 {offsets = [0], sizes = [1], strides = [1]} : vector<16xf32> to vector<1xf32>
        %squeeze3A_1500 = vector.extract %slice3A_1499[0] : f32 from vector<1xf32>
        %mul3A_1501 = vector.broadcast %squeeze3A_1500 : f32 to vector<16xf32>
        %mul3A_1502 = arith.mulf %max3A_1498, %mul3A_1501 : vector<16xf32>
        %add3A_1503 = arith.addf %add3A_1487, %mul3A_1502 : vector<16xf32>
        %broadcast_in_dim3A_1504 = arith.constant 17 : i32
        %broadcast_in_dim3A_1505 = vector.broadcast %broadcast_in_dim3A_1504 : i32 to vector<16xi32>
        %gather3A_1506 = tpu.vector_load_idx %arg15[%add3A_203, %broadcast_in_dim3A_1505] : memref<80x64xf32, #tpu.memory_space<vmem>>[vector<16xi32>, vector<16xi32>], vector<16xf32>,
        %broadcast_in_dim3A_1507 = arith.constant 81 : i32
        %broadcast_in_dim3A_1508 = vector.broadcast %broadcast_in_dim3A_1507 : i32 to vector<16xi32>
        %gather3A_1509 = tpu.vector_load_idx %arg16[%add3A_203, %broadcast_in_dim3A_1508] : memref<80x128xf32, #tpu.memory_space<vmem>>[vector<16xi32>, vector<16xi32>], vector<16xf32>,
        %add3A_1510 = arith.addf %gather3A_1506, %gather3A_1509 : vector<16xf32>
        %mul3A_1511 = arith.constant 2.000000e-01 : f32
        %mul3A_1512 = vector.broadcast %mul3A_1511 : f32 to vector<16xf32>
        %mul3A_1513 = arith.mulf %mul3A_1512, %add3A_1510 : vector<16xf32>
        %max3A_1514 = arith.maximumf %add3A_1510, %mul3A_1513 : vector<16xf32>
        %slice3A_1515 = vector.extract_strided_slice %get3A_187 {offsets = [1], sizes = [1], strides = [1]} : vector<16xf32> to vector<1xf32>
        %squeeze3A_1516 = vector.extract %slice3A_1515[0] : f32 from vector<1xf32>
        %mul3A_1517 = vector.broadcast %squeeze3A_1516 : f32 to vector<16xf32>
        %mul3A_1518 = arith.mulf %max3A_1514, %mul3A_1517 : vector<16xf32>
        %add3A_1519 = arith.addf %add3A_1503, %mul3A_1518 : vector<16xf32>
        %broadcast_in_dim3A_1520 = arith.constant 18 : i32
        %broadcast_in_dim3A_1521 = vector.broadcast %broadcast_in_dim3A_1520 : i32 to vector<16xi32>
        %gather3A_1522 = tpu.vector_load_idx %arg15[%add3A_203, %broadcast_in_dim3A_1521] : memref<80x64xf32, #tpu.memory_space<vmem>>[vector<16xi32>, vector<16xi32>], vector<16xf32>,
        %broadcast_in_dim3A_1523 = arith.constant 82 : i32
        %broadcast_in_dim3A_1524 = vector.broadcast %broadcast_in_dim3A_1523 : i32 to vector<16xi32>
        %gather3A_1525 = tpu.vector_load_idx %arg16[%add3A_203, %broadcast_in_dim3A_1524] : memref<80x128xf32, #tpu.memory_space<vmem>>[vector<16xi32>, vector<16xi32>], vector<16xf32>,
        %add3A_1526 = arith.addf %gather3A_1522, %gather3A_1525 : vector<16xf32>
        %mul3A_1527 = arith.constant 2.000000e-01 : f32
        %mul3A_1528 = vector.broadcast %mul3A_1527 : f32 to vector<16xf32>
        %mul3A_1529 = arith.mulf %mul3A_1528, %add3A_1526 : vector<16xf32>
        %max3A_1530 = arith.maximumf %add3A_1526, %mul3A_1529 : vector<16xf32>
        %slice3A_1531 = vector.extract_strided_slice %get3A_187 {offsets = [2], sizes = [1], strides = [1]} : vector<16xf32> to vector<1xf32>
        %squeeze3A_1532 = vector.extract %slice3A_1531[0] : f32 from vector<1xf32>
        %mul3A_1533 = vector.broadcast %squeeze3A_1532 : f32 to vector<16xf32>
        %mul3A_1534 = arith.mulf %max3A_1530, %mul3A_1533 : vector<16xf32>
        %add3A_1535 = arith.addf %add3A_1519, %mul3A_1534 : vector<16xf32>
        %broadcast_in_dim3A_1536 = arith.constant 19 : i32
        %broadcast_in_dim3A_1537 = vector.broadcast %broadcast_in_dim3A_1536 : i32 to vector<16xi32>
        %gather3A_1538 = tpu.vector_load_idx %arg15[%add3A_203, %broadcast_in_dim3A_1537] : memref<80x64xf32, #tpu.memory_space<vmem>>[vector<16xi32>, vector<16xi32>], vector<16xf32>,
        %broadcast_in_dim3A_1539 = arith.constant 83 : i32
        %broadcast_in_dim3A_1540 = vector.broadcast %broadcast_in_dim3A_1539 : i32 to vector<16xi32>
        %gather3A_1541 = tpu.vector_load_idx %arg16[%add3A_203, %broadcast_in_dim3A_1540] : memref<80x128xf32, #tpu.memory_space<vmem>>[vector<16xi32>, vector<16xi32>], vector<16xf32>,
        %add3A_1542 = arith.addf %gather3A_1538, %gather3A_1541 : vector<16xf32>
        %mul3A_1543 = arith.constant 2.000000e-01 : f32
        %mul3A_1544 = vector.broadcast %mul3A_1543 : f32 to vector<16xf32>
        %mul3A_1545 = arith.mulf %mul3A_1544, %add3A_1542 : vector<16xf32>
        %max3A_1546 = arith.maximumf %add3A_1542, %mul3A_1545 : vector<16xf32>
        %slice3A_1547 = vector.extract_strided_slice %get3A_187 {offsets = [3], sizes = [1], strides = [1]} : vector<16xf32> to vector<1xf32>
        %squeeze3A_1548 = vector.extract %slice3A_1547[0] : f32 from vector<1xf32>
        %mul3A_1549 = vector.broadcast %squeeze3A_1548 : f32 to vector<16xf32>
        %mul3A_1550 = arith.mulf %max3A_1546, %mul3A_1549 : vector<16xf32>
        %add3A_1551 = arith.addf %add3A_1535, %mul3A_1550 : vector<16xf32>
        %broadcast_in_dim3A_1552 = arith.constant 20 : i32
        %broadcast_in_dim3A_1553 = vector.broadcast %broadcast_in_dim3A_1552 : i32 to vector<16xi32>
        %gather3A_1554 = tpu.vector_load_idx %arg15[%add3A_203, %broadcast_in_dim3A_1553] : memref<80x64xf32, #tpu.memory_space<vmem>>[vector<16xi32>, vector<16xi32>], vector<16xf32>,
        %broadcast_in_dim3A_1555 = arith.constant 84 : i32
        %broadcast_in_dim3A_1556 = vector.broadcast %broadcast_in_dim3A_1555 : i32 to vector<16xi32>
        %gather3A_1557 = tpu.vector_load_idx %arg16[%add3A_203, %broadcast_in_dim3A_1556] : memref<80x128xf32, #tpu.memory_space<vmem>>[vector<16xi32>, vector<16xi32>], vector<16xf32>,
        %add3A_1558 = arith.addf %gather3A_1554, %gather3A_1557 : vector<16xf32>
        %mul3A_1559 = arith.constant 2.000000e-01 : f32
        %mul3A_1560 = vector.broadcast %mul3A_1559 : f32 to vector<16xf32>
        %mul3A_1561 = arith.mulf %mul3A_1560, %add3A_1558 : vector<16xf32>
        %max3A_1562 = arith.maximumf %add3A_1558, %mul3A_1561 : vector<16xf32>
        %slice3A_1563 = vector.extract_strided_slice %get3A_187 {offsets = [4], sizes = [1], strides = [1]} : vector<16xf32> to vector<1xf32>
        %squeeze3A_1564 = vector.extract %slice3A_1563[0] : f32 from vector<1xf32>
        %mul3A_1565 = vector.broadcast %squeeze3A_1564 : f32 to vector<16xf32>
        %mul3A_1566 = arith.mulf %max3A_1562, %mul3A_1565 : vector<16xf32>
        %add3A_1567 = arith.addf %add3A_1551, %mul3A_1566 : vector<16xf32>
        %broadcast_in_dim3A_1568 = arith.constant 21 : i32
        %broadcast_in_dim3A_1569 = vector.broadcast %broadcast_in_dim3A_1568 : i32 to vector<16xi32>
        %gather3A_1570 = tpu.vector_load_idx %arg15[%add3A_203, %broadcast_in_dim3A_1569] : memref<80x64xf32, #tpu.memory_space<vmem>>[vector<16xi32>, vector<16xi32>], vector<16xf32>,
        %broadcast_in_dim3A_1571 = arith.constant 85 : i32
        %broadcast_in_dim3A_1572 = vector.broadcast %broadcast_in_dim3A_1571 : i32 to vector<16xi32>
        %gather3A_1573 = tpu.vector_load_idx %arg16[%add3A_203, %broadcast_in_dim3A_1572] : memref<80x128xf32, #tpu.memory_space<vmem>>[vector<16xi32>, vector<16xi32>], vector<16xf32>,
        %add3A_1574 = arith.addf %gather3A_1570, %gather3A_1573 : vector<16xf32>
        %mul3A_1575 = arith.constant 2.000000e-01 : f32
        %mul3A_1576 = vector.broadcast %mul3A_1575 : f32 to vector<16xf32>
        %mul3A_1577 = arith.mulf %mul3A_1576, %add3A_1574 : vector<16xf32>
        %max3A_1578 = arith.maximumf %add3A_1574, %mul3A_1577 : vector<16xf32>
        %slice3A_1579 = vector.extract_strided_slice %get3A_187 {offsets = [5], sizes = [1], strides = [1]} : vector<16xf32> to vector<1xf32>
        %squeeze3A_1580 = vector.extract %slice3A_1579[0] : f32 from vector<1xf32>
        %mul3A_1581 = vector.broadcast %squeeze3A_1580 : f32 to vector<16xf32>
        %mul3A_1582 = arith.mulf %max3A_1578, %mul3A_1581 : vector<16xf32>
        %add3A_1583 = arith.addf %add3A_1567, %mul3A_1582 : vector<16xf32>
        %broadcast_in_dim3A_1584 = arith.constant 22 : i32
        %broadcast_in_dim3A_1585 = vector.broadcast %broadcast_in_dim3A_1584 : i32 to vector<16xi32>
        %gather3A_1586 = tpu.vector_load_idx %arg15[%add3A_203, %broadcast_in_dim3A_1585] : memref<80x64xf32, #tpu.memory_space<vmem>>[vector<16xi32>, vector<16xi32>], vector<16xf32>,
        %broadcast_in_dim3A_1587 = arith.constant 86 : i32
        %broadcast_in_dim3A_1588 = vector.broadcast %broadcast_in_dim3A_1587 : i32 to vector<16xi32>
        %gather3A_1589 = tpu.vector_load_idx %arg16[%add3A_203, %broadcast_in_dim3A_1588] : memref<80x128xf32, #tpu.memory_space<vmem>>[vector<16xi32>, vector<16xi32>], vector<16xf32>,
        %add3A_1590 = arith.addf %gather3A_1586, %gather3A_1589 : vector<16xf32>
        %mul3A_1591 = arith.constant 2.000000e-01 : f32
        %mul3A_1592 = vector.broadcast %mul3A_1591 : f32 to vector<16xf32>
        %mul3A_1593 = arith.mulf %mul3A_1592, %add3A_1590 : vector<16xf32>
        %max3A_1594 = arith.maximumf %add3A_1590, %mul3A_1593 : vector<16xf32>
        %slice3A_1595 = vector.extract_strided_slice %get3A_187 {offsets = [6], sizes = [1], strides = [1]} : vector<16xf32> to vector<1xf32>
        %squeeze3A_1596 = vector.extract %slice3A_1595[0] : f32 from vector<1xf32>
        %mul3A_1597 = vector.broadcast %squeeze3A_1596 : f32 to vector<16xf32>
        %mul3A_1598 = arith.mulf %max3A_1594, %mul3A_1597 : vector<16xf32>
        %add3A_1599 = arith.addf %add3A_1583, %mul3A_1598 : vector<16xf32>
        %broadcast_in_dim3A_1600 = arith.constant 23 : i32
        %broadcast_in_dim3A_1601 = vector.broadcast %broadcast_in_dim3A_1600 : i32 to vector<16xi32>
        %gather3A_1602 = tpu.vector_load_idx %arg15[%add3A_203, %broadcast_in_dim3A_1601] : memref<80x64xf32, #tpu.memory_space<vmem>>[vector<16xi32>, vector<16xi32>], vector<16xf32>,
        %broadcast_in_dim3A_1603 = arith.constant 87 : i32
        %broadcast_in_dim3A_1604 = vector.broadcast %broadcast_in_dim3A_1603 : i32 to vector<16xi32>
        %gather3A_1605 = tpu.vector_load_idx %arg16[%add3A_203, %broadcast_in_dim3A_1604] : memref<80x128xf32, #tpu.memory_space<vmem>>[vector<16xi32>, vector<16xi32>], vector<16xf32>,
        %add3A_1606 = arith.addf %gather3A_1602, %gather3A_1605 : vector<16xf32>
        %mul3A_1607 = arith.constant 2.000000e-01 : f32
        %mul3A_1608 = vector.broadcast %mul3A_1607 : f32 to vector<16xf32>
        %mul3A_1609 = arith.mulf %mul3A_1608, %add3A_1606 : vector<16xf32>
        %max3A_1610 = arith.maximumf %add3A_1606, %mul3A_1609 : vector<16xf32>
        %slice3A_1611 = vector.extract_strided_slice %get3A_187 {offsets = [7], sizes = [1], strides = [1]} : vector<16xf32> to vector<1xf32>
        %squeeze3A_1612 = vector.extract %slice3A_1611[0] : f32 from vector<1xf32>
        %mul3A_1613 = vector.broadcast %squeeze3A_1612 : f32 to vector<16xf32>
        %mul3A_1614 = arith.mulf %max3A_1610, %mul3A_1613 : vector<16xf32>
        %add3A_1615 = arith.addf %add3A_1599, %mul3A_1614 : vector<16xf32>
        %broadcast_in_dim3A_1616 = arith.constant 24 : i32
        %broadcast_in_dim3A_1617 = vector.broadcast %broadcast_in_dim3A_1616 : i32 to vector<16xi32>
        %gather3A_1618 = tpu.vector_load_idx %arg15[%add3A_203, %broadcast_in_dim3A_1617] : memref<80x64xf32, #tpu.memory_space<vmem>>[vector<16xi32>, vector<16xi32>], vector<16xf32>,
        %broadcast_in_dim3A_1619 = arith.constant 88 : i32
        %broadcast_in_dim3A_1620 = vector.broadcast %broadcast_in_dim3A_1619 : i32 to vector<16xi32>
        %gather3A_1621 = tpu.vector_load_idx %arg16[%add3A_203, %broadcast_in_dim3A_1620] : memref<80x128xf32, #tpu.memory_space<vmem>>[vector<16xi32>, vector<16xi32>], vector<16xf32>,
        %add3A_1622 = arith.addf %gather3A_1618, %gather3A_1621 : vector<16xf32>
        %mul3A_1623 = arith.constant 2.000000e-01 : f32
        %mul3A_1624 = vector.broadcast %mul3A_1623 : f32 to vector<16xf32>
        %mul3A_1625 = arith.mulf %mul3A_1624, %add3A_1622 : vector<16xf32>
        %max3A_1626 = arith.maximumf %add3A_1622, %mul3A_1625 : vector<16xf32>
        %slice3A_1627 = vector.extract_strided_slice %get3A_187 {offsets = [8], sizes = [1], strides = [1]} : vector<16xf32> to vector<1xf32>
        %squeeze3A_1628 = vector.extract %slice3A_1627[0] : f32 from vector<1xf32>
        %mul3A_1629 = vector.broadcast %squeeze3A_1628 : f32 to vector<16xf32>
        %mul3A_1630 = arith.mulf %max3A_1626, %mul3A_1629 : vector<16xf32>
        %add3A_1631 = arith.addf %add3A_1615, %mul3A_1630 : vector<16xf32>
        %broadcast_in_dim3A_1632 = arith.constant 25 : i32
        %broadcast_in_dim3A_1633 = vector.broadcast %broadcast_in_dim3A_1632 : i32 to vector<16xi32>
        %gather3A_1634 = tpu.vector_load_idx %arg15[%add3A_203, %broadcast_in_dim3A_1633] : memref<80x64xf32, #tpu.memory_space<vmem>>[vector<16xi32>, vector<16xi32>], vector<16xf32>,
        %broadcast_in_dim3A_1635 = arith.constant 89 : i32
        %broadcast_in_dim3A_1636 = vector.broadcast %broadcast_in_dim3A_1635 : i32 to vector<16xi32>
        %gather3A_1637 = tpu.vector_load_idx %arg16[%add3A_203, %broadcast_in_dim3A_1636] : memref<80x128xf32, #tpu.memory_space<vmem>>[vector<16xi32>, vector<16xi32>], vector<16xf32>,
        %add3A_1638 = arith.addf %gather3A_1634, %gather3A_1637 : vector<16xf32>
        %mul3A_1639 = arith.constant 2.000000e-01 : f32
        %mul3A_1640 = vector.broadcast %mul3A_1639 : f32 to vector<16xf32>
        %mul3A_1641 = arith.mulf %mul3A_1640, %add3A_1638 : vector<16xf32>
        %max3A_1642 = arith.maximumf %add3A_1638, %mul3A_1641 : vector<16xf32>
        %slice3A_1643 = vector.extract_strided_slice %get3A_187 {offsets = [9], sizes = [1], strides = [1]} : vector<16xf32> to vector<1xf32>
        %squeeze3A_1644 = vector.extract %slice3A_1643[0] : f32 from vector<1xf32>
        %mul3A_1645 = vector.broadcast %squeeze3A_1644 : f32 to vector<16xf32>
        %mul3A_1646 = arith.mulf %max3A_1642, %mul3A_1645 : vector<16xf32>
        %add3A_1647 = arith.addf %add3A_1631, %mul3A_1646 : vector<16xf32>
        %broadcast_in_dim3A_1648 = arith.constant 26 : i32
        %broadcast_in_dim3A_1649 = vector.broadcast %broadcast_in_dim3A_1648 : i32 to vector<16xi32>
        %gather3A_1650 = tpu.vector_load_idx %arg15[%add3A_203, %broadcast_in_dim3A_1649] : memref<80x64xf32, #tpu.memory_space<vmem>>[vector<16xi32>, vector<16xi32>], vector<16xf32>,
        %broadcast_in_dim3A_1651 = arith.constant 90 : i32
        %broadcast_in_dim3A_1652 = vector.broadcast %broadcast_in_dim3A_1651 : i32 to vector<16xi32>
        %gather3A_1653 = tpu.vector_load_idx %arg16[%add3A_203, %broadcast_in_dim3A_1652] : memref<80x128xf32, #tpu.memory_space<vmem>>[vector<16xi32>, vector<16xi32>], vector<16xf32>,
        %add3A_1654 = arith.addf %gather3A_1650, %gather3A_1653 : vector<16xf32>
        %mul3A_1655 = arith.constant 2.000000e-01 : f32
        %mul3A_1656 = vector.broadcast %mul3A_1655 : f32 to vector<16xf32>
        %mul3A_1657 = arith.mulf %mul3A_1656, %add3A_1654 : vector<16xf32>
        %max3A_1658 = arith.maximumf %add3A_1654, %mul3A_1657 : vector<16xf32>
        %slice3A_1659 = vector.extract_strided_slice %get3A_187 {offsets = [10], sizes = [1], strides = [1]} : vector<16xf32> to vector<1xf32>
        %squeeze3A_1660 = vector.extract %slice3A_1659[0] : f32 from vector<1xf32>
        %mul3A_1661 = vector.broadcast %squeeze3A_1660 : f32 to vector<16xf32>
        %mul3A_1662 = arith.mulf %max3A_1658, %mul3A_1661 : vector<16xf32>
        %add3A_1663 = arith.addf %add3A_1647, %mul3A_1662 : vector<16xf32>
        %broadcast_in_dim3A_1664 = arith.constant 27 : i32
        %broadcast_in_dim3A_1665 = vector.broadcast %broadcast_in_dim3A_1664 : i32 to vector<16xi32>
        %gather3A_1666 = tpu.vector_load_idx %arg15[%add3A_203, %broadcast_in_dim3A_1665] : memref<80x64xf32, #tpu.memory_space<vmem>>[vector<16xi32>, vector<16xi32>], vector<16xf32>,
        %broadcast_in_dim3A_1667 = arith.constant 91 : i32
        %broadcast_in_dim3A_1668 = vector.broadcast %broadcast_in_dim3A_1667 : i32 to vector<16xi32>
        %gather3A_1669 = tpu.vector_load_idx %arg16[%add3A_203, %broadcast_in_dim3A_1668] : memref<80x128xf32, #tpu.memory_space<vmem>>[vector<16xi32>, vector<16xi32>], vector<16xf32>,
        %add3A_1670 = arith.addf %gather3A_1666, %gather3A_1669 : vector<16xf32>
        %mul3A_1671 = arith.constant 2.000000e-01 : f32
        %mul3A_1672 = vector.broadcast %mul3A_1671 : f32 to vector<16xf32>
        %mul3A_1673 = arith.mulf %mul3A_1672, %add3A_1670 : vector<16xf32>
        %max3A_1674 = arith.maximumf %add3A_1670, %mul3A_1673 : vector<16xf32>
        %slice3A_1675 = vector.extract_strided_slice %get3A_187 {offsets = [11], sizes = [1], strides = [1]} : vector<16xf32> to vector<1xf32>
        %squeeze3A_1676 = vector.extract %slice3A_1675[0] : f32 from vector<1xf32>
        %mul3A_1677 = vector.broadcast %squeeze3A_1676 : f32 to vector<16xf32>
        %mul3A_1678 = arith.mulf %max3A_1674, %mul3A_1677 : vector<16xf32>
        %add3A_1679 = arith.addf %add3A_1663, %mul3A_1678 : vector<16xf32>
        %broadcast_in_dim3A_1680 = arith.constant 28 : i32
        %broadcast_in_dim3A_1681 = vector.broadcast %broadcast_in_dim3A_1680 : i32 to vector<16xi32>
        %gather3A_1682 = tpu.vector_load_idx %arg15[%add3A_203, %broadcast_in_dim3A_1681] : memref<80x64xf32, #tpu.memory_space<vmem>>[vector<16xi32>, vector<16xi32>], vector<16xf32>,
        %broadcast_in_dim3A_1683 = arith.constant 92 : i32
        %broadcast_in_dim3A_1684 = vector.broadcast %broadcast_in_dim3A_1683 : i32 to vector<16xi32>
        %gather3A_1685 = tpu.vector_load_idx %arg16[%add3A_203, %broadcast_in_dim3A_1684] : memref<80x128xf32, #tpu.memory_space<vmem>>[vector<16xi32>, vector<16xi32>], vector<16xf32>,
        %add3A_1686 = arith.addf %gather3A_1682, %gather3A_1685 : vector<16xf32>
        %mul3A_1687 = arith.constant 2.000000e-01 : f32
        %mul3A_1688 = vector.broadcast %mul3A_1687 : f32 to vector<16xf32>
        %mul3A_1689 = arith.mulf %mul3A_1688, %add3A_1686 : vector<16xf32>
        %max3A_1690 = arith.maximumf %add3A_1686, %mul3A_1689 : vector<16xf32>
        %slice3A_1691 = vector.extract_strided_slice %get3A_187 {offsets = [12], sizes = [1], strides = [1]} : vector<16xf32> to vector<1xf32>
        %squeeze3A_1692 = vector.extract %slice3A_1691[0] : f32 from vector<1xf32>
        %mul3A_1693 = vector.broadcast %squeeze3A_1692 : f32 to vector<16xf32>
        %mul3A_1694 = arith.mulf %max3A_1690, %mul3A_1693 : vector<16xf32>
        %add3A_1695 = arith.addf %add3A_1679, %mul3A_1694 : vector<16xf32>
        %broadcast_in_dim3A_1696 = arith.constant 29 : i32
        %broadcast_in_dim3A_1697 = vector.broadcast %broadcast_in_dim3A_1696 : i32 to vector<16xi32>
        %gather3A_1698 = tpu.vector_load_idx %arg15[%add3A_203, %broadcast_in_dim3A_1697] : memref<80x64xf32, #tpu.memory_space<vmem>>[vector<16xi32>, vector<16xi32>], vector<16xf32>,
        %broadcast_in_dim3A_1699 = arith.constant 93 : i32
        %broadcast_in_dim3A_1700 = vector.broadcast %broadcast_in_dim3A_1699 : i32 to vector<16xi32>
        %gather3A_1701 = tpu.vector_load_idx %arg16[%add3A_203, %broadcast_in_dim3A_1700] : memref<80x128xf32, #tpu.memory_space<vmem>>[vector<16xi32>, vector<16xi32>], vector<16xf32>,
        %add3A_1702 = arith.addf %gather3A_1698, %gather3A_1701 : vector<16xf32>
        %mul3A_1703 = arith.constant 2.000000e-01 : f32
        %mul3A_1704 = vector.broadcast %mul3A_1703 : f32 to vector<16xf32>
        %mul3A_1705 = arith.mulf %mul3A_1704, %add3A_1702 : vector<16xf32>
        %max3A_1706 = arith.maximumf %add3A_1702, %mul3A_1705 : vector<16xf32>
        %slice3A_1707 = vector.extract_strided_slice %get3A_187 {offsets = [13], sizes = [1], strides = [1]} : vector<16xf32> to vector<1xf32>
        %squeeze3A_1708 = vector.extract %slice3A_1707[0] : f32 from vector<1xf32>
        %mul3A_1709 = vector.broadcast %squeeze3A_1708 : f32 to vector<16xf32>
        %mul3A_1710 = arith.mulf %max3A_1706, %mul3A_1709 : vector<16xf32>
        %add3A_1711 = arith.addf %add3A_1695, %mul3A_1710 : vector<16xf32>
        %broadcast_in_dim3A_1712 = arith.constant 30 : i32
        %broadcast_in_dim3A_1713 = vector.broadcast %broadcast_in_dim3A_1712 : i32 to vector<16xi32>
        %gather3A_1714 = tpu.vector_load_idx %arg15[%add3A_203, %broadcast_in_dim3A_1713] : memref<80x64xf32, #tpu.memory_space<vmem>>[vector<16xi32>, vector<16xi32>], vector<16xf32>,
        %broadcast_in_dim3A_1715 = arith.constant 94 : i32
        %broadcast_in_dim3A_1716 = vector.broadcast %broadcast_in_dim3A_1715 : i32 to vector<16xi32>
        %gather3A_1717 = tpu.vector_load_idx %arg16[%add3A_203, %broadcast_in_dim3A_1716] : memref<80x128xf32, #tpu.memory_space<vmem>>[vector<16xi32>, vector<16xi32>], vector<16xf32>,
        %add3A_1718 = arith.addf %gather3A_1714, %gather3A_1717 : vector<16xf32>
        %mul3A_1719 = arith.constant 2.000000e-01 : f32
        %mul3A_1720 = vector.broadcast %mul3A_1719 : f32 to vector<16xf32>
        %mul3A_1721 = arith.mulf %mul3A_1720, %add3A_1718 : vector<16xf32>
        %max3A_1722 = arith.maximumf %add3A_1718, %mul3A_1721 : vector<16xf32>
        %slice3A_1723 = vector.extract_strided_slice %get3A_187 {offsets = [14], sizes = [1], strides = [1]} : vector<16xf32> to vector<1xf32>
        %squeeze3A_1724 = vector.extract %slice3A_1723[0] : f32 from vector<1xf32>
        %mul3A_1725 = vector.broadcast %squeeze3A_1724 : f32 to vector<16xf32>
        %mul3A_1726 = arith.mulf %max3A_1722, %mul3A_1725 : vector<16xf32>
        %add3A_1727 = arith.addf %add3A_1711, %mul3A_1726 : vector<16xf32>
        %broadcast_in_dim3A_1728 = arith.constant 31 : i32
        %broadcast_in_dim3A_1729 = vector.broadcast %broadcast_in_dim3A_1728 : i32 to vector<16xi32>
        %gather3A_1730 = tpu.vector_load_idx %arg15[%add3A_203, %broadcast_in_dim3A_1729] : memref<80x64xf32, #tpu.memory_space<vmem>>[vector<16xi32>, vector<16xi32>], vector<16xf32>,
        %broadcast_in_dim3A_1731 = arith.constant 95 : i32
        %broadcast_in_dim3A_1732 = vector.broadcast %broadcast_in_dim3A_1731 : i32 to vector<16xi32>
        %gather3A_1733 = tpu.vector_load_idx %arg16[%add3A_203, %broadcast_in_dim3A_1732] : memref<80x128xf32, #tpu.memory_space<vmem>>[vector<16xi32>, vector<16xi32>], vector<16xf32>,
        %add3A_1734 = arith.addf %gather3A_1730, %gather3A_1733 : vector<16xf32>
        %mul3A_1735 = arith.constant 2.000000e-01 : f32
        %mul3A_1736 = vector.broadcast %mul3A_1735 : f32 to vector<16xf32>
        %mul3A_1737 = arith.mulf %mul3A_1736, %add3A_1734 : vector<16xf32>
        %max3A_1738 = arith.maximumf %add3A_1734, %mul3A_1737 : vector<16xf32>
        %slice3A_1739 = vector.extract_strided_slice %get3A_187 {offsets = [15], sizes = [1], strides = [1]} : vector<16xf32> to vector<1xf32>
        %squeeze3A_1740 = vector.extract %slice3A_1739[0] : f32 from vector<1xf32>
        %mul3A_1741 = vector.broadcast %squeeze3A_1740 : f32 to vector<16xf32>
        %mul3A_1742 = arith.mulf %max3A_1738, %mul3A_1741 : vector<16xf32>
        %add3A_1743 = arith.addf %add3A_1727, %mul3A_1742 : vector<16xf32>
        %broadcast_in_dim3A_1744 = arith.constant 32 : i32
        %broadcast_in_dim3A_1745 = vector.broadcast %broadcast_in_dim3A_1744 : i32 to vector<16xi32>
        %gather3A_1746 = tpu.vector_load_idx %arg15[%add3A_203, %broadcast_in_dim3A_1745] : memref<80x64xf32, #tpu.memory_space<vmem>>[vector<16xi32>, vector<16xi32>], vector<16xf32>,
        %broadcast_in_dim3A_1747 = arith.constant 96 : i32
        %broadcast_in_dim3A_1748 = vector.broadcast %broadcast_in_dim3A_1747 : i32 to vector<16xi32>
        %gather3A_1749 = tpu.vector_load_idx %arg16[%add3A_203, %broadcast_in_dim3A_1748] : memref<80x128xf32, #tpu.memory_space<vmem>>[vector<16xi32>, vector<16xi32>], vector<16xf32>,
        %add3A_1750 = arith.addf %gather3A_1746, %gather3A_1749 : vector<16xf32>
        %mul3A_1751 = arith.constant 2.000000e-01 : f32
        %mul3A_1752 = vector.broadcast %mul3A_1751 : f32 to vector<16xf32>
        %mul3A_1753 = arith.mulf %mul3A_1752, %add3A_1750 : vector<16xf32>
        %max3A_1754 = arith.maximumf %add3A_1750, %mul3A_1753 : vector<16xf32>
        %slice3A_1755 = vector.extract_strided_slice %get3A_189 {offsets = [0], sizes = [1], strides = [1]} : vector<16xf32> to vector<1xf32>
        %squeeze3A_1756 = vector.extract %slice3A_1755[0] : f32 from vector<1xf32>
        %mul3A_1757 = vector.broadcast %squeeze3A_1756 : f32 to vector<16xf32>
        %mul3A_1758 = arith.mulf %max3A_1754, %mul3A_1757 : vector<16xf32>
        %add3A_1759 = arith.addf %broadcast_in_dim3A_211, %mul3A_1758 : vector<16xf32>
        %broadcast_in_dim3A_1760 = arith.constant 33 : i32
        %broadcast_in_dim3A_1761 = vector.broadcast %broadcast_in_dim3A_1760 : i32 to vector<16xi32>
        %gather3A_1762 = tpu.vector_load_idx %arg15[%add3A_203, %broadcast_in_dim3A_1761] : memref<80x64xf32, #tpu.memory_space<vmem>>[vector<16xi32>, vector<16xi32>], vector<16xf32>,
        %broadcast_in_dim3A_1763 = arith.constant 97 : i32
        %broadcast_in_dim3A_1764 = vector.broadcast %broadcast_in_dim3A_1763 : i32 to vector<16xi32>
        %gather3A_1765 = tpu.vector_load_idx %arg16[%add3A_203, %broadcast_in_dim3A_1764] : memref<80x128xf32, #tpu.memory_space<vmem>>[vector<16xi32>, vector<16xi32>], vector<16xf32>,
        %add3A_1766 = arith.addf %gather3A_1762, %gather3A_1765 : vector<16xf32>
        %mul3A_1767 = arith.constant 2.000000e-01 : f32
        %mul3A_1768 = vector.broadcast %mul3A_1767 : f32 to vector<16xf32>
        %mul3A_1769 = arith.mulf %mul3A_1768, %add3A_1766 : vector<16xf32>
        %max3A_1770 = arith.maximumf %add3A_1766, %mul3A_1769 : vector<16xf32>
        %slice3A_1771 = vector.extract_strided_slice %get3A_189 {offsets = [1], sizes = [1], strides = [1]} : vector<16xf32> to vector<1xf32>
        %squeeze3A_1772 = vector.extract %slice3A_1771[0] : f32 from vector<1xf32>
        %mul3A_1773 = vector.broadcast %squeeze3A_1772 : f32 to vector<16xf32>
        %mul3A_1774 = arith.mulf %max3A_1770, %mul3A_1773 : vector<16xf32>
        %add3A_1775 = arith.addf %add3A_1759, %mul3A_1774 : vector<16xf32>
        %broadcast_in_dim3A_1776 = arith.constant 34 : i32
        %broadcast_in_dim3A_1777 = vector.broadcast %broadcast_in_dim3A_1776 : i32 to vector<16xi32>
        %gather3A_1778 = tpu.vector_load_idx %arg15[%add3A_203, %broadcast_in_dim3A_1777] : memref<80x64xf32, #tpu.memory_space<vmem>>[vector<16xi32>, vector<16xi32>], vector<16xf32>,
        %broadcast_in_dim3A_1779 = arith.constant 98 : i32
        %broadcast_in_dim3A_1780 = vector.broadcast %broadcast_in_dim3A_1779 : i32 to vector<16xi32>
        %gather3A_1781 = tpu.vector_load_idx %arg16[%add3A_203, %broadcast_in_dim3A_1780] : memref<80x128xf32, #tpu.memory_space<vmem>>[vector<16xi32>, vector<16xi32>], vector<16xf32>,
        %add3A_1782 = arith.addf %gather3A_1778, %gather3A_1781 : vector<16xf32>
        %mul3A_1783 = arith.constant 2.000000e-01 : f32
        %mul3A_1784 = vector.broadcast %mul3A_1783 : f32 to vector<16xf32>
        %mul3A_1785 = arith.mulf %mul3A_1784, %add3A_1782 : vector<16xf32>
        %max3A_1786 = arith.maximumf %add3A_1782, %mul3A_1785 : vector<16xf32>
        %slice3A_1787 = vector.extract_strided_slice %get3A_189 {offsets = [2], sizes = [1], strides = [1]} : vector<16xf32> to vector<1xf32>
        %squeeze3A_1788 = vector.extract %slice3A_1787[0] : f32 from vector<1xf32>
        %mul3A_1789 = vector.broadcast %squeeze3A_1788 : f32 to vector<16xf32>
        %mul3A_1790 = arith.mulf %max3A_1786, %mul3A_1789 : vector<16xf32>
        %add3A_1791 = arith.addf %add3A_1775, %mul3A_1790 : vector<16xf32>
        %broadcast_in_dim3A_1792 = arith.constant 35 : i32
        %broadcast_in_dim3A_1793 = vector.broadcast %broadcast_in_dim3A_1792 : i32 to vector<16xi32>
        %gather3A_1794 = tpu.vector_load_idx %arg15[%add3A_203, %broadcast_in_dim3A_1793] : memref<80x64xf32, #tpu.memory_space<vmem>>[vector<16xi32>, vector<16xi32>], vector<16xf32>,
        %broadcast_in_dim3A_1795 = arith.constant 99 : i32
        %broadcast_in_dim3A_1796 = vector.broadcast %broadcast_in_dim3A_1795 : i32 to vector<16xi32>
        %gather3A_1797 = tpu.vector_load_idx %arg16[%add3A_203, %broadcast_in_dim3A_1796] : memref<80x128xf32, #tpu.memory_space<vmem>>[vector<16xi32>, vector<16xi32>], vector<16xf32>,
        %add3A_1798 = arith.addf %gather3A_1794, %gather3A_1797 : vector<16xf32>
        %mul3A_1799 = arith.constant 2.000000e-01 : f32
        %mul3A_1800 = vector.broadcast %mul3A_1799 : f32 to vector<16xf32>
        %mul3A_1801 = arith.mulf %mul3A_1800, %add3A_1798 : vector<16xf32>
        %max3A_1802 = arith.maximumf %add3A_1798, %mul3A_1801 : vector<16xf32>
        %slice3A_1803 = vector.extract_strided_slice %get3A_189 {offsets = [3], sizes = [1], strides = [1]} : vector<16xf32> to vector<1xf32>
        %squeeze3A_1804 = vector.extract %slice3A_1803[0] : f32 from vector<1xf32>
        %mul3A_1805 = vector.broadcast %squeeze3A_1804 : f32 to vector<16xf32>
        %mul3A_1806 = arith.mulf %max3A_1802, %mul3A_1805 : vector<16xf32>
        %add3A_1807 = arith.addf %add3A_1791, %mul3A_1806 : vector<16xf32>
        %broadcast_in_dim3A_1808 = arith.constant 36 : i32
        %broadcast_in_dim3A_1809 = vector.broadcast %broadcast_in_dim3A_1808 : i32 to vector<16xi32>
        %gather3A_1810 = tpu.vector_load_idx %arg15[%add3A_203, %broadcast_in_dim3A_1809] : memref<80x64xf32, #tpu.memory_space<vmem>>[vector<16xi32>, vector<16xi32>], vector<16xf32>,
        %broadcast_in_dim3A_1811 = arith.constant 100 : i32
        %broadcast_in_dim3A_1812 = vector.broadcast %broadcast_in_dim3A_1811 : i32 to vector<16xi32>
        %gather3A_1813 = tpu.vector_load_idx %arg16[%add3A_203, %broadcast_in_dim3A_1812] : memref<80x128xf32, #tpu.memory_space<vmem>>[vector<16xi32>, vector<16xi32>], vector<16xf32>,
        %add3A_1814 = arith.addf %gather3A_1810, %gather3A_1813 : vector<16xf32>
        %mul3A_1815 = arith.constant 2.000000e-01 : f32
        %mul3A_1816 = vector.broadcast %mul3A_1815 : f32 to vector<16xf32>
        %mul3A_1817 = arith.mulf %mul3A_1816, %add3A_1814 : vector<16xf32>
        %max3A_1818 = arith.maximumf %add3A_1814, %mul3A_1817 : vector<16xf32>
        %slice3A_1819 = vector.extract_strided_slice %get3A_189 {offsets = [4], sizes = [1], strides = [1]} : vector<16xf32> to vector<1xf32>
        %squeeze3A_1820 = vector.extract %slice3A_1819[0] : f32 from vector<1xf32>
        %mul3A_1821 = vector.broadcast %squeeze3A_1820 : f32 to vector<16xf32>
        %mul3A_1822 = arith.mulf %max3A_1818, %mul3A_1821 : vector<16xf32>
        %add3A_1823 = arith.addf %add3A_1807, %mul3A_1822 : vector<16xf32>
        %broadcast_in_dim3A_1824 = arith.constant 37 : i32
        %broadcast_in_dim3A_1825 = vector.broadcast %broadcast_in_dim3A_1824 : i32 to vector<16xi32>
        %gather3A_1826 = tpu.vector_load_idx %arg15[%add3A_203, %broadcast_in_dim3A_1825] : memref<80x64xf32, #tpu.memory_space<vmem>>[vector<16xi32>, vector<16xi32>], vector<16xf32>,
        %broadcast_in_dim3A_1827 = arith.constant 101 : i32
        %broadcast_in_dim3A_1828 = vector.broadcast %broadcast_in_dim3A_1827 : i32 to vector<16xi32>
        %gather3A_1829 = tpu.vector_load_idx %arg16[%add3A_203, %broadcast_in_dim3A_1828] : memref<80x128xf32, #tpu.memory_space<vmem>>[vector<16xi32>, vector<16xi32>], vector<16xf32>,
        %add3A_1830 = arith.addf %gather3A_1826, %gather3A_1829 : vector<16xf32>
        %mul3A_1831 = arith.constant 2.000000e-01 : f32
        %mul3A_1832 = vector.broadcast %mul3A_1831 : f32 to vector<16xf32>
        %mul3A_1833 = arith.mulf %mul3A_1832, %add3A_1830 : vector<16xf32>
        %max3A_1834 = arith.maximumf %add3A_1830, %mul3A_1833 : vector<16xf32>
        %slice3A_1835 = vector.extract_strided_slice %get3A_189 {offsets = [5], sizes = [1], strides = [1]} : vector<16xf32> to vector<1xf32>
        %squeeze3A_1836 = vector.extract %slice3A_1835[0] : f32 from vector<1xf32>
        %mul3A_1837 = vector.broadcast %squeeze3A_1836 : f32 to vector<16xf32>
        %mul3A_1838 = arith.mulf %max3A_1834, %mul3A_1837 : vector<16xf32>
        %add3A_1839 = arith.addf %add3A_1823, %mul3A_1838 : vector<16xf32>
        %broadcast_in_dim3A_1840 = arith.constant 38 : i32
        %broadcast_in_dim3A_1841 = vector.broadcast %broadcast_in_dim3A_1840 : i32 to vector<16xi32>
        %gather3A_1842 = tpu.vector_load_idx %arg15[%add3A_203, %broadcast_in_dim3A_1841] : memref<80x64xf32, #tpu.memory_space<vmem>>[vector<16xi32>, vector<16xi32>], vector<16xf32>,
        %broadcast_in_dim3A_1843 = arith.constant 102 : i32
        %broadcast_in_dim3A_1844 = vector.broadcast %broadcast_in_dim3A_1843 : i32 to vector<16xi32>
        %gather3A_1845 = tpu.vector_load_idx %arg16[%add3A_203, %broadcast_in_dim3A_1844] : memref<80x128xf32, #tpu.memory_space<vmem>>[vector<16xi32>, vector<16xi32>], vector<16xf32>,
        %add3A_1846 = arith.addf %gather3A_1842, %gather3A_1845 : vector<16xf32>
        %mul3A_1847 = arith.constant 2.000000e-01 : f32
        %mul3A_1848 = vector.broadcast %mul3A_1847 : f32 to vector<16xf32>
        %mul3A_1849 = arith.mulf %mul3A_1848, %add3A_1846 : vector<16xf32>
        %max3A_1850 = arith.maximumf %add3A_1846, %mul3A_1849 : vector<16xf32>
        %slice3A_1851 = vector.extract_strided_slice %get3A_189 {offsets = [6], sizes = [1], strides = [1]} : vector<16xf32> to vector<1xf32>
        %squeeze3A_1852 = vector.extract %slice3A_1851[0] : f32 from vector<1xf32>
        %mul3A_1853 = vector.broadcast %squeeze3A_1852 : f32 to vector<16xf32>
        %mul3A_1854 = arith.mulf %max3A_1850, %mul3A_1853 : vector<16xf32>
        %add3A_1855 = arith.addf %add3A_1839, %mul3A_1854 : vector<16xf32>
        %broadcast_in_dim3A_1856 = arith.constant 39 : i32
        %broadcast_in_dim3A_1857 = vector.broadcast %broadcast_in_dim3A_1856 : i32 to vector<16xi32>
        %gather3A_1858 = tpu.vector_load_idx %arg15[%add3A_203, %broadcast_in_dim3A_1857] : memref<80x64xf32, #tpu.memory_space<vmem>>[vector<16xi32>, vector<16xi32>], vector<16xf32>,
        %broadcast_in_dim3A_1859 = arith.constant 103 : i32
        %broadcast_in_dim3A_1860 = vector.broadcast %broadcast_in_dim3A_1859 : i32 to vector<16xi32>
        %gather3A_1861 = tpu.vector_load_idx %arg16[%add3A_203, %broadcast_in_dim3A_1860] : memref<80x128xf32, #tpu.memory_space<vmem>>[vector<16xi32>, vector<16xi32>], vector<16xf32>,
        %add3A_1862 = arith.addf %gather3A_1858, %gather3A_1861 : vector<16xf32>
        %mul3A_1863 = arith.constant 2.000000e-01 : f32
        %mul3A_1864 = vector.broadcast %mul3A_1863 : f32 to vector<16xf32>
        %mul3A_1865 = arith.mulf %mul3A_1864, %add3A_1862 : vector<16xf32>
        %max3A_1866 = arith.maximumf %add3A_1862, %mul3A_1865 : vector<16xf32>
        %slice3A_1867 = vector.extract_strided_slice %get3A_189 {offsets = [7], sizes = [1], strides = [1]} : vector<16xf32> to vector<1xf32>
        %squeeze3A_1868 = vector.extract %slice3A_1867[0] : f32 from vector<1xf32>
        %mul3A_1869 = vector.broadcast %squeeze3A_1868 : f32 to vector<16xf32>
        %mul3A_1870 = arith.mulf %max3A_1866, %mul3A_1869 : vector<16xf32>
        %add3A_1871 = arith.addf %add3A_1855, %mul3A_1870 : vector<16xf32>
        %broadcast_in_dim3A_1872 = arith.constant 40 : i32
        %broadcast_in_dim3A_1873 = vector.broadcast %broadcast_in_dim3A_1872 : i32 to vector<16xi32>
        %gather3A_1874 = tpu.vector_load_idx %arg15[%add3A_203, %broadcast_in_dim3A_1873] : memref<80x64xf32, #tpu.memory_space<vmem>>[vector<16xi32>, vector<16xi32>], vector<16xf32>,
        %broadcast_in_dim3A_1875 = arith.constant 104 : i32
        %broadcast_in_dim3A_1876 = vector.broadcast %broadcast_in_dim3A_1875 : i32 to vector<16xi32>
        %gather3A_1877 = tpu.vector_load_idx %arg16[%add3A_203, %broadcast_in_dim3A_1876] : memref<80x128xf32, #tpu.memory_space<vmem>>[vector<16xi32>, vector<16xi32>], vector<16xf32>,
        %add3A_1878 = arith.addf %gather3A_1874, %gather3A_1877 : vector<16xf32>
        %mul3A_1879 = arith.constant 2.000000e-01 : f32
        %mul3A_1880 = vector.broadcast %mul3A_1879 : f32 to vector<16xf32>
        %mul3A_1881 = arith.mulf %mul3A_1880, %add3A_1878 : vector<16xf32>
        %max3A_1882 = arith.maximumf %add3A_1878, %mul3A_1881 : vector<16xf32>
        %slice3A_1883 = vector.extract_strided_slice %get3A_189 {offsets = [8], sizes = [1], strides = [1]} : vector<16xf32> to vector<1xf32>
        %squeeze3A_1884 = vector.extract %slice3A_1883[0] : f32 from vector<1xf32>
        %mul3A_1885 = vector.broadcast %squeeze3A_1884 : f32 to vector<16xf32>
        %mul3A_1886 = arith.mulf %max3A_1882, %mul3A_1885 : vector<16xf32>
        %add3A_1887 = arith.addf %add3A_1871, %mul3A_1886 : vector<16xf32>
        %broadcast_in_dim3A_1888 = arith.constant 41 : i32
        %broadcast_in_dim3A_1889 = vector.broadcast %broadcast_in_dim3A_1888 : i32 to vector<16xi32>
        %gather3A_1890 = tpu.vector_load_idx %arg15[%add3A_203, %broadcast_in_dim3A_1889] : memref<80x64xf32, #tpu.memory_space<vmem>>[vector<16xi32>, vector<16xi32>], vector<16xf32>,
        %broadcast_in_dim3A_1891 = arith.constant 105 : i32
        %broadcast_in_dim3A_1892 = vector.broadcast %broadcast_in_dim3A_1891 : i32 to vector<16xi32>
        %gather3A_1893 = tpu.vector_load_idx %arg16[%add3A_203, %broadcast_in_dim3A_1892] : memref<80x128xf32, #tpu.memory_space<vmem>>[vector<16xi32>, vector<16xi32>], vector<16xf32>,
        %add3A_1894 = arith.addf %gather3A_1890, %gather3A_1893 : vector<16xf32>
        %mul3A_1895 = arith.constant 2.000000e-01 : f32
        %mul3A_1896 = vector.broadcast %mul3A_1895 : f32 to vector<16xf32>
        %mul3A_1897 = arith.mulf %mul3A_1896, %add3A_1894 : vector<16xf32>
        %max3A_1898 = arith.maximumf %add3A_1894, %mul3A_1897 : vector<16xf32>
        %slice3A_1899 = vector.extract_strided_slice %get3A_189 {offsets = [9], sizes = [1], strides = [1]} : vector<16xf32> to vector<1xf32>
        %squeeze3A_1900 = vector.extract %slice3A_1899[0] : f32 from vector<1xf32>
        %mul3A_1901 = vector.broadcast %squeeze3A_1900 : f32 to vector<16xf32>
        %mul3A_1902 = arith.mulf %max3A_1898, %mul3A_1901 : vector<16xf32>
        %add3A_1903 = arith.addf %add3A_1887, %mul3A_1902 : vector<16xf32>
        %broadcast_in_dim3A_1904 = arith.constant 42 : i32
        %broadcast_in_dim3A_1905 = vector.broadcast %broadcast_in_dim3A_1904 : i32 to vector<16xi32>
        %gather3A_1906 = tpu.vector_load_idx %arg15[%add3A_203, %broadcast_in_dim3A_1905] : memref<80x64xf32, #tpu.memory_space<vmem>>[vector<16xi32>, vector<16xi32>], vector<16xf32>,
        %broadcast_in_dim3A_1907 = arith.constant 106 : i32
        %broadcast_in_dim3A_1908 = vector.broadcast %broadcast_in_dim3A_1907 : i32 to vector<16xi32>
        %gather3A_1909 = tpu.vector_load_idx %arg16[%add3A_203, %broadcast_in_dim3A_1908] : memref<80x128xf32, #tpu.memory_space<vmem>>[vector<16xi32>, vector<16xi32>], vector<16xf32>,
        %add3A_1910 = arith.addf %gather3A_1906, %gather3A_1909 : vector<16xf32>
        %mul3A_1911 = arith.constant 2.000000e-01 : f32
        %mul3A_1912 = vector.broadcast %mul3A_1911 : f32 to vector<16xf32>
        %mul3A_1913 = arith.mulf %mul3A_1912, %add3A_1910 : vector<16xf32>
        %max3A_1914 = arith.maximumf %add3A_1910, %mul3A_1913 : vector<16xf32>
        %slice3A_1915 = vector.extract_strided_slice %get3A_189 {offsets = [10], sizes = [1], strides = [1]} : vector<16xf32> to vector<1xf32>
        %squeeze3A_1916 = vector.extract %slice3A_1915[0] : f32 from vector<1xf32>
        %mul3A_1917 = vector.broadcast %squeeze3A_1916 : f32 to vector<16xf32>
        %mul3A_1918 = arith.mulf %max3A_1914, %mul3A_1917 : vector<16xf32>
        %add3A_1919 = arith.addf %add3A_1903, %mul3A_1918 : vector<16xf32>
        %broadcast_in_dim3A_1920 = arith.constant 43 : i32
        %broadcast_in_dim3A_1921 = vector.broadcast %broadcast_in_dim3A_1920 : i32 to vector<16xi32>
        %gather3A_1922 = tpu.vector_load_idx %arg15[%add3A_203, %broadcast_in_dim3A_1921] : memref<80x64xf32, #tpu.memory_space<vmem>>[vector<16xi32>, vector<16xi32>], vector<16xf32>,
        %broadcast_in_dim3A_1923 = arith.constant 107 : i32
        %broadcast_in_dim3A_1924 = vector.broadcast %broadcast_in_dim3A_1923 : i32 to vector<16xi32>
        %gather3A_1925 = tpu.vector_load_idx %arg16[%add3A_203, %broadcast_in_dim3A_1924] : memref<80x128xf32, #tpu.memory_space<vmem>>[vector<16xi32>, vector<16xi32>], vector<16xf32>,
        %add3A_1926 = arith.addf %gather3A_1922, %gather3A_1925 : vector<16xf32>
        %mul3A_1927 = arith.constant 2.000000e-01 : f32
        %mul3A_1928 = vector.broadcast %mul3A_1927 : f32 to vector<16xf32>
        %mul3A_1929 = arith.mulf %mul3A_1928, %add3A_1926 : vector<16xf32>
        %max3A_1930 = arith.maximumf %add3A_1926, %mul3A_1929 : vector<16xf32>
        %slice3A_1931 = vector.extract_strided_slice %get3A_189 {offsets = [11], sizes = [1], strides = [1]} : vector<16xf32> to vector<1xf32>
        %squeeze3A_1932 = vector.extract %slice3A_1931[0] : f32 from vector<1xf32>
        %mul3A_1933 = vector.broadcast %squeeze3A_1932 : f32 to vector<16xf32>
        %mul3A_1934 = arith.mulf %max3A_1930, %mul3A_1933 : vector<16xf32>
        %add3A_1935 = arith.addf %add3A_1919, %mul3A_1934 : vector<16xf32>
        %broadcast_in_dim3A_1936 = arith.constant 44 : i32
        %broadcast_in_dim3A_1937 = vector.broadcast %broadcast_in_dim3A_1936 : i32 to vector<16xi32>
        %gather3A_1938 = tpu.vector_load_idx %arg15[%add3A_203, %broadcast_in_dim3A_1937] : memref<80x64xf32, #tpu.memory_space<vmem>>[vector<16xi32>, vector<16xi32>], vector<16xf32>,
        %broadcast_in_dim3A_1939 = arith.constant 108 : i32
        %broadcast_in_dim3A_1940 = vector.broadcast %broadcast_in_dim3A_1939 : i32 to vector<16xi32>
        %gather3A_1941 = tpu.vector_load_idx %arg16[%add3A_203, %broadcast_in_dim3A_1940] : memref<80x128xf32, #tpu.memory_space<vmem>>[vector<16xi32>, vector<16xi32>], vector<16xf32>,
        %add3A_1942 = arith.addf %gather3A_1938, %gather3A_1941 : vector<16xf32>
        %mul3A_1943 = arith.constant 2.000000e-01 : f32
        %mul3A_1944 = vector.broadcast %mul3A_1943 : f32 to vector<16xf32>
        %mul3A_1945 = arith.mulf %mul3A_1944, %add3A_1942 : vector<16xf32>
        %max3A_1946 = arith.maximumf %add3A_1942, %mul3A_1945 : vector<16xf32>
        %slice3A_1947 = vector.extract_strided_slice %get3A_189 {offsets = [12], sizes = [1], strides = [1]} : vector<16xf32> to vector<1xf32>
        %squeeze3A_1948 = vector.extract %slice3A_1947[0] : f32 from vector<1xf32>
        %mul3A_1949 = vector.broadcast %squeeze3A_1948 : f32 to vector<16xf32>
        %mul3A_1950 = arith.mulf %max3A_1946, %mul3A_1949 : vector<16xf32>
        %add3A_1951 = arith.addf %add3A_1935, %mul3A_1950 : vector<16xf32>
        %broadcast_in_dim3A_1952 = arith.constant 45 : i32
        %broadcast_in_dim3A_1953 = vector.broadcast %broadcast_in_dim3A_1952 : i32 to vector<16xi32>
        %gather3A_1954 = tpu.vector_load_idx %arg15[%add3A_203, %broadcast_in_dim3A_1953] : memref<80x64xf32, #tpu.memory_space<vmem>>[vector<16xi32>, vector<16xi32>], vector<16xf32>,
        %broadcast_in_dim3A_1955 = arith.constant 109 : i32
        %broadcast_in_dim3A_1956 = vector.broadcast %broadcast_in_dim3A_1955 : i32 to vector<16xi32>
        %gather3A_1957 = tpu.vector_load_idx %arg16[%add3A_203, %broadcast_in_dim3A_1956] : memref<80x128xf32, #tpu.memory_space<vmem>>[vector<16xi32>, vector<16xi32>], vector<16xf32>,
        %add3A_1958 = arith.addf %gather3A_1954, %gather3A_1957 : vector<16xf32>
        %mul3A_1959 = arith.constant 2.000000e-01 : f32
        %mul3A_1960 = vector.broadcast %mul3A_1959 : f32 to vector<16xf32>
        %mul3A_1961 = arith.mulf %mul3A_1960, %add3A_1958 : vector<16xf32>
        %max3A_1962 = arith.maximumf %add3A_1958, %mul3A_1961 : vector<16xf32>
        %slice3A_1963 = vector.extract_strided_slice %get3A_189 {offsets = [13], sizes = [1], strides = [1]} : vector<16xf32> to vector<1xf32>
        %squeeze3A_1964 = vector.extract %slice3A_1963[0] : f32 from vector<1xf32>
        %mul3A_1965 = vector.broadcast %squeeze3A_1964 : f32 to vector<16xf32>
        %mul3A_1966 = arith.mulf %max3A_1962, %mul3A_1965 : vector<16xf32>
        %add3A_1967 = arith.addf %add3A_1951, %mul3A_1966 : vector<16xf32>
        %broadcast_in_dim3A_1968 = arith.constant 46 : i32
        %broadcast_in_dim3A_1969 = vector.broadcast %broadcast_in_dim3A_1968 : i32 to vector<16xi32>
        %gather3A_1970 = tpu.vector_load_idx %arg15[%add3A_203, %broadcast_in_dim3A_1969] : memref<80x64xf32, #tpu.memory_space<vmem>>[vector<16xi32>, vector<16xi32>], vector<16xf32>,
        %broadcast_in_dim3A_1971 = arith.constant 110 : i32
        %broadcast_in_dim3A_1972 = vector.broadcast %broadcast_in_dim3A_1971 : i32 to vector<16xi32>
        %gather3A_1973 = tpu.vector_load_idx %arg16[%add3A_203, %broadcast_in_dim3A_1972] : memref<80x128xf32, #tpu.memory_space<vmem>>[vector<16xi32>, vector<16xi32>], vector<16xf32>,
        %add3A_1974 = arith.addf %gather3A_1970, %gather3A_1973 : vector<16xf32>
        %mul3A_1975 = arith.constant 2.000000e-01 : f32
        %mul3A_1976 = vector.broadcast %mul3A_1975 : f32 to vector<16xf32>
        %mul3A_1977 = arith.mulf %mul3A_1976, %add3A_1974 : vector<16xf32>
        %max3A_1978 = arith.maximumf %add3A_1974, %mul3A_1977 : vector<16xf32>
        %slice3A_1979 = vector.extract_strided_slice %get3A_189 {offsets = [14], sizes = [1], strides = [1]} : vector<16xf32> to vector<1xf32>
        %squeeze3A_1980 = vector.extract %slice3A_1979[0] : f32 from vector<1xf32>
        %mul3A_1981 = vector.broadcast %squeeze3A_1980 : f32 to vector<16xf32>
        %mul3A_1982 = arith.mulf %max3A_1978, %mul3A_1981 : vector<16xf32>
        %add3A_1983 = arith.addf %add3A_1967, %mul3A_1982 : vector<16xf32>
        %broadcast_in_dim3A_1984 = arith.constant 47 : i32
        %broadcast_in_dim3A_1985 = vector.broadcast %broadcast_in_dim3A_1984 : i32 to vector<16xi32>
        %gather3A_1986 = tpu.vector_load_idx %arg15[%add3A_203, %broadcast_in_dim3A_1985] : memref<80x64xf32, #tpu.memory_space<vmem>>[vector<16xi32>, vector<16xi32>], vector<16xf32>,
        %broadcast_in_dim3A_1987 = arith.constant 111 : i32
        %broadcast_in_dim3A_1988 = vector.broadcast %broadcast_in_dim3A_1987 : i32 to vector<16xi32>
        %gather3A_1989 = tpu.vector_load_idx %arg16[%add3A_203, %broadcast_in_dim3A_1988] : memref<80x128xf32, #tpu.memory_space<vmem>>[vector<16xi32>, vector<16xi32>], vector<16xf32>,
        %add3A_1990 = arith.addf %gather3A_1986, %gather3A_1989 : vector<16xf32>
        %mul3A_1991 = arith.constant 2.000000e-01 : f32
        %mul3A_1992 = vector.broadcast %mul3A_1991 : f32 to vector<16xf32>
        %mul3A_1993 = arith.mulf %mul3A_1992, %add3A_1990 : vector<16xf32>
        %max3A_1994 = arith.maximumf %add3A_1990, %mul3A_1993 : vector<16xf32>
        %slice3A_1995 = vector.extract_strided_slice %get3A_189 {offsets = [15], sizes = [1], strides = [1]} : vector<16xf32> to vector<1xf32>
        %squeeze3A_1996 = vector.extract %slice3A_1995[0] : f32 from vector<1xf32>
        %mul3A_1997 = vector.broadcast %squeeze3A_1996 : f32 to vector<16xf32>
        %mul3A_1998 = arith.mulf %max3A_1994, %mul3A_1997 : vector<16xf32>
        %add3A_1999 = arith.addf %add3A_1983, %mul3A_1998 : vector<16xf32>
        %broadcast_in_dim3A_2000 = arith.constant 48 : i32
        %broadcast_in_dim3A_2001 = vector.broadcast %broadcast_in_dim3A_2000 : i32 to vector<16xi32>
        %gather3A_2002 = tpu.vector_load_idx %arg15[%add3A_203, %broadcast_in_dim3A_2001] : memref<80x64xf32, #tpu.memory_space<vmem>>[vector<16xi32>, vector<16xi32>], vector<16xf32>,
        %broadcast_in_dim3A_2003 = arith.constant 112 : i32
        %broadcast_in_dim3A_2004 = vector.broadcast %broadcast_in_dim3A_2003 : i32 to vector<16xi32>
        %gather3A_2005 = tpu.vector_load_idx %arg16[%add3A_203, %broadcast_in_dim3A_2004] : memref<80x128xf32, #tpu.memory_space<vmem>>[vector<16xi32>, vector<16xi32>], vector<16xf32>,
        %add3A_2006 = arith.addf %gather3A_2002, %gather3A_2005 : vector<16xf32>
        %mul3A_2007 = arith.constant 2.000000e-01 : f32
        %mul3A_2008 = vector.broadcast %mul3A_2007 : f32 to vector<16xf32>
        %mul3A_2009 = arith.mulf %mul3A_2008, %add3A_2006 : vector<16xf32>
        %max3A_2010 = arith.maximumf %add3A_2006, %mul3A_2009 : vector<16xf32>
        %slice3A_2011 = vector.extract_strided_slice %get3A_191 {offsets = [0], sizes = [1], strides = [1]} : vector<16xf32> to vector<1xf32>
        %squeeze3A_2012 = vector.extract %slice3A_2011[0] : f32 from vector<1xf32>
        %mul3A_2013 = vector.broadcast %squeeze3A_2012 : f32 to vector<16xf32>
        %mul3A_2014 = arith.mulf %max3A_2010, %mul3A_2013 : vector<16xf32>
        %add3A_2015 = arith.addf %add3A_1999, %mul3A_2014 : vector<16xf32>
        %broadcast_in_dim3A_2016 = arith.constant 49 : i32
        %broadcast_in_dim3A_2017 = vector.broadcast %broadcast_in_dim3A_2016 : i32 to vector<16xi32>
        %gather3A_2018 = tpu.vector_load_idx %arg15[%add3A_203, %broadcast_in_dim3A_2017] : memref<80x64xf32, #tpu.memory_space<vmem>>[vector<16xi32>, vector<16xi32>], vector<16xf32>,
        %broadcast_in_dim3A_2019 = arith.constant 113 : i32
        %broadcast_in_dim3A_2020 = vector.broadcast %broadcast_in_dim3A_2019 : i32 to vector<16xi32>
        %gather3A_2021 = tpu.vector_load_idx %arg16[%add3A_203, %broadcast_in_dim3A_2020] : memref<80x128xf32, #tpu.memory_space<vmem>>[vector<16xi32>, vector<16xi32>], vector<16xf32>,
        %add3A_2022 = arith.addf %gather3A_2018, %gather3A_2021 : vector<16xf32>
        %mul3A_2023 = arith.constant 2.000000e-01 : f32
        %mul3A_2024 = vector.broadcast %mul3A_2023 : f32 to vector<16xf32>
        %mul3A_2025 = arith.mulf %mul3A_2024, %add3A_2022 : vector<16xf32>
        %max3A_2026 = arith.maximumf %add3A_2022, %mul3A_2025 : vector<16xf32>
        %slice3A_2027 = vector.extract_strided_slice %get3A_191 {offsets = [1], sizes = [1], strides = [1]} : vector<16xf32> to vector<1xf32>
        %squeeze3A_2028 = vector.extract %slice3A_2027[0] : f32 from vector<1xf32>
        %mul3A_2029 = vector.broadcast %squeeze3A_2028 : f32 to vector<16xf32>
        %mul3A_2030 = arith.mulf %max3A_2026, %mul3A_2029 : vector<16xf32>
        %add3A_2031 = arith.addf %add3A_2015, %mul3A_2030 : vector<16xf32>
        %broadcast_in_dim3A_2032 = arith.constant 50 : i32
        %broadcast_in_dim3A_2033 = vector.broadcast %broadcast_in_dim3A_2032 : i32 to vector<16xi32>
        %gather3A_2034 = tpu.vector_load_idx %arg15[%add3A_203, %broadcast_in_dim3A_2033] : memref<80x64xf32, #tpu.memory_space<vmem>>[vector<16xi32>, vector<16xi32>], vector<16xf32>,
        %broadcast_in_dim3A_2035 = arith.constant 114 : i32
        %broadcast_in_dim3A_2036 = vector.broadcast %broadcast_in_dim3A_2035 : i32 to vector<16xi32>
        %gather3A_2037 = tpu.vector_load_idx %arg16[%add3A_203, %broadcast_in_dim3A_2036] : memref<80x128xf32, #tpu.memory_space<vmem>>[vector<16xi32>, vector<16xi32>], vector<16xf32>,
        %add3A_2038 = arith.addf %gather3A_2034, %gather3A_2037 : vector<16xf32>
        %mul3A_2039 = arith.constant 2.000000e-01 : f32
        %mul3A_2040 = vector.broadcast %mul3A_2039 : f32 to vector<16xf32>
        %mul3A_2041 = arith.mulf %mul3A_2040, %add3A_2038 : vector<16xf32>
        %max3A_2042 = arith.maximumf %add3A_2038, %mul3A_2041 : vector<16xf32>
        %slice3A_2043 = vector.extract_strided_slice %get3A_191 {offsets = [2], sizes = [1], strides = [1]} : vector<16xf32> to vector<1xf32>
        %squeeze3A_2044 = vector.extract %slice3A_2043[0] : f32 from vector<1xf32>
        %mul3A_2045 = vector.broadcast %squeeze3A_2044 : f32 to vector<16xf32>
        %mul3A_2046 = arith.mulf %max3A_2042, %mul3A_2045 : vector<16xf32>
        %add3A_2047 = arith.addf %add3A_2031, %mul3A_2046 : vector<16xf32>
        %broadcast_in_dim3A_2048 = arith.constant 51 : i32
        %broadcast_in_dim3A_2049 = vector.broadcast %broadcast_in_dim3A_2048 : i32 to vector<16xi32>
        %gather3A_2050 = tpu.vector_load_idx %arg15[%add3A_203, %broadcast_in_dim3A_2049] : memref<80x64xf32, #tpu.memory_space<vmem>>[vector<16xi32>, vector<16xi32>], vector<16xf32>,
        %broadcast_in_dim3A_2051 = arith.constant 115 : i32
        %broadcast_in_dim3A_2052 = vector.broadcast %broadcast_in_dim3A_2051 : i32 to vector<16xi32>
        %gather3A_2053 = tpu.vector_load_idx %arg16[%add3A_203, %broadcast_in_dim3A_2052] : memref<80x128xf32, #tpu.memory_space<vmem>>[vector<16xi32>, vector<16xi32>], vector<16xf32>,
        %add3A_2054 = arith.addf %gather3A_2050, %gather3A_2053 : vector<16xf32>
        %mul3A_2055 = arith.constant 2.000000e-01 : f32
        %mul3A_2056 = vector.broadcast %mul3A_2055 : f32 to vector<16xf32>
        %mul3A_2057 = arith.mulf %mul3A_2056, %add3A_2054 : vector<16xf32>
        %max3A_2058 = arith.maximumf %add3A_2054, %mul3A_2057 : vector<16xf32>
        %slice3A_2059 = vector.extract_strided_slice %get3A_191 {offsets = [3], sizes = [1], strides = [1]} : vector<16xf32> to vector<1xf32>
        %squeeze3A_2060 = vector.extract %slice3A_2059[0] : f32 from vector<1xf32>
        %mul3A_2061 = vector.broadcast %squeeze3A_2060 : f32 to vector<16xf32>
        %mul3A_2062 = arith.mulf %max3A_2058, %mul3A_2061 : vector<16xf32>
        %add3A_2063 = arith.addf %add3A_2047, %mul3A_2062 : vector<16xf32>
        %broadcast_in_dim3A_2064 = arith.constant 52 : i32
        %broadcast_in_dim3A_2065 = vector.broadcast %broadcast_in_dim3A_2064 : i32 to vector<16xi32>
        %gather3A_2066 = tpu.vector_load_idx %arg15[%add3A_203, %broadcast_in_dim3A_2065] : memref<80x64xf32, #tpu.memory_space<vmem>>[vector<16xi32>, vector<16xi32>], vector<16xf32>,
        %broadcast_in_dim3A_2067 = arith.constant 116 : i32
        %broadcast_in_dim3A_2068 = vector.broadcast %broadcast_in_dim3A_2067 : i32 to vector<16xi32>
        %gather3A_2069 = tpu.vector_load_idx %arg16[%add3A_203, %broadcast_in_dim3A_2068] : memref<80x128xf32, #tpu.memory_space<vmem>>[vector<16xi32>, vector<16xi32>], vector<16xf32>,
        %add3A_2070 = arith.addf %gather3A_2066, %gather3A_2069 : vector<16xf32>
        %mul3A_2071 = arith.constant 2.000000e-01 : f32
        %mul3A_2072 = vector.broadcast %mul3A_2071 : f32 to vector<16xf32>
        %mul3A_2073 = arith.mulf %mul3A_2072, %add3A_2070 : vector<16xf32>
        %max3A_2074 = arith.maximumf %add3A_2070, %mul3A_2073 : vector<16xf32>
        %slice3A_2075 = vector.extract_strided_slice %get3A_191 {offsets = [4], sizes = [1], strides = [1]} : vector<16xf32> to vector<1xf32>
        %squeeze3A_2076 = vector.extract %slice3A_2075[0] : f32 from vector<1xf32>
        %mul3A_2077 = vector.broadcast %squeeze3A_2076 : f32 to vector<16xf32>
        %mul3A_2078 = arith.mulf %max3A_2074, %mul3A_2077 : vector<16xf32>
        %add3A_2079 = arith.addf %add3A_2063, %mul3A_2078 : vector<16xf32>
        %broadcast_in_dim3A_2080 = arith.constant 53 : i32
        %broadcast_in_dim3A_2081 = vector.broadcast %broadcast_in_dim3A_2080 : i32 to vector<16xi32>
        %gather3A_2082 = tpu.vector_load_idx %arg15[%add3A_203, %broadcast_in_dim3A_2081] : memref<80x64xf32, #tpu.memory_space<vmem>>[vector<16xi32>, vector<16xi32>], vector<16xf32>,
        %broadcast_in_dim3A_2083 = arith.constant 117 : i32
        %broadcast_in_dim3A_2084 = vector.broadcast %broadcast_in_dim3A_2083 : i32 to vector<16xi32>
        %gather3A_2085 = tpu.vector_load_idx %arg16[%add3A_203, %broadcast_in_dim3A_2084] : memref<80x128xf32, #tpu.memory_space<vmem>>[vector<16xi32>, vector<16xi32>], vector<16xf32>,
        %add3A_2086 = arith.addf %gather3A_2082, %gather3A_2085 : vector<16xf32>
        %mul3A_2087 = arith.constant 2.000000e-01 : f32
        %mul3A_2088 = vector.broadcast %mul3A_2087 : f32 to vector<16xf32>
        %mul3A_2089 = arith.mulf %mul3A_2088, %add3A_2086 : vector<16xf32>
        %max3A_2090 = arith.maximumf %add3A_2086, %mul3A_2089 : vector<16xf32>
        %slice3A_2091 = vector.extract_strided_slice %get3A_191 {offsets = [5], sizes = [1], strides = [1]} : vector<16xf32> to vector<1xf32>
        %squeeze3A_2092 = vector.extract %slice3A_2091[0] : f32 from vector<1xf32>
        %mul3A_2093 = vector.broadcast %squeeze3A_2092 : f32 to vector<16xf32>
        %mul3A_2094 = arith.mulf %max3A_2090, %mul3A_2093 : vector<16xf32>
        %add3A_2095 = arith.addf %add3A_2079, %mul3A_2094 : vector<16xf32>
        %broadcast_in_dim3A_2096 = arith.constant 54 : i32
        %broadcast_in_dim3A_2097 = vector.broadcast %broadcast_in_dim3A_2096 : i32 to vector<16xi32>
        %gather3A_2098 = tpu.vector_load_idx %arg15[%add3A_203, %broadcast_in_dim3A_2097] : memref<80x64xf32, #tpu.memory_space<vmem>>[vector<16xi32>, vector<16xi32>], vector<16xf32>,
        %broadcast_in_dim3A_2099 = arith.constant 118 : i32
        %broadcast_in_dim3A_2100 = vector.broadcast %broadcast_in_dim3A_2099 : i32 to vector<16xi32>
        %gather3A_2101 = tpu.vector_load_idx %arg16[%add3A_203, %broadcast_in_dim3A_2100] : memref<80x128xf32, #tpu.memory_space<vmem>>[vector<16xi32>, vector<16xi32>], vector<16xf32>,
        %add3A_2102 = arith.addf %gather3A_2098, %gather3A_2101 : vector<16xf32>
        %mul3A_2103 = arith.constant 2.000000e-01 : f32
        %mul3A_2104 = vector.broadcast %mul3A_2103 : f32 to vector<16xf32>
        %mul3A_2105 = arith.mulf %mul3A_2104, %add3A_2102 : vector<16xf32>
        %max3A_2106 = arith.maximumf %add3A_2102, %mul3A_2105 : vector<16xf32>
        %slice3A_2107 = vector.extract_strided_slice %get3A_191 {offsets = [6], sizes = [1], strides = [1]} : vector<16xf32> to vector<1xf32>
        %squeeze3A_2108 = vector.extract %slice3A_2107[0] : f32 from vector<1xf32>
        %mul3A_2109 = vector.broadcast %squeeze3A_2108 : f32 to vector<16xf32>
        %mul3A_2110 = arith.mulf %max3A_2106, %mul3A_2109 : vector<16xf32>
        %add3A_2111 = arith.addf %add3A_2095, %mul3A_2110 : vector<16xf32>
        %broadcast_in_dim3A_2112 = arith.constant 55 : i32
        %broadcast_in_dim3A_2113 = vector.broadcast %broadcast_in_dim3A_2112 : i32 to vector<16xi32>
        %gather3A_2114 = tpu.vector_load_idx %arg15[%add3A_203, %broadcast_in_dim3A_2113] : memref<80x64xf32, #tpu.memory_space<vmem>>[vector<16xi32>, vector<16xi32>], vector<16xf32>,
        %broadcast_in_dim3A_2115 = arith.constant 119 : i32
        %broadcast_in_dim3A_2116 = vector.broadcast %broadcast_in_dim3A_2115 : i32 to vector<16xi32>
        %gather3A_2117 = tpu.vector_load_idx %arg16[%add3A_203, %broadcast_in_dim3A_2116] : memref<80x128xf32, #tpu.memory_space<vmem>>[vector<16xi32>, vector<16xi32>], vector<16xf32>,
        %add3A_2118 = arith.addf %gather3A_2114, %gather3A_2117 : vector<16xf32>
        %mul3A_2119 = arith.constant 2.000000e-01 : f32
        %mul3A_2120 = vector.broadcast %mul3A_2119 : f32 to vector<16xf32>
        %mul3A_2121 = arith.mulf %mul3A_2120, %add3A_2118 : vector<16xf32>
        %max3A_2122 = arith.maximumf %add3A_2118, %mul3A_2121 : vector<16xf32>
        %slice3A_2123 = vector.extract_strided_slice %get3A_191 {offsets = [7], sizes = [1], strides = [1]} : vector<16xf32> to vector<1xf32>
        %squeeze3A_2124 = vector.extract %slice3A_2123[0] : f32 from vector<1xf32>
        %mul3A_2125 = vector.broadcast %squeeze3A_2124 : f32 to vector<16xf32>
        %mul3A_2126 = arith.mulf %max3A_2122, %mul3A_2125 : vector<16xf32>
        %add3A_2127 = arith.addf %add3A_2111, %mul3A_2126 : vector<16xf32>
        %broadcast_in_dim3A_2128 = arith.constant 56 : i32
        %broadcast_in_dim3A_2129 = vector.broadcast %broadcast_in_dim3A_2128 : i32 to vector<16xi32>
        %gather3A_2130 = tpu.vector_load_idx %arg15[%add3A_203, %broadcast_in_dim3A_2129] : memref<80x64xf32, #tpu.memory_space<vmem>>[vector<16xi32>, vector<16xi32>], vector<16xf32>,
        %broadcast_in_dim3A_2131 = arith.constant 120 : i32
        %broadcast_in_dim3A_2132 = vector.broadcast %broadcast_in_dim3A_2131 : i32 to vector<16xi32>
        %gather3A_2133 = tpu.vector_load_idx %arg16[%add3A_203, %broadcast_in_dim3A_2132] : memref<80x128xf32, #tpu.memory_space<vmem>>[vector<16xi32>, vector<16xi32>], vector<16xf32>,
        %add3A_2134 = arith.addf %gather3A_2130, %gather3A_2133 : vector<16xf32>
        %mul3A_2135 = arith.constant 2.000000e-01 : f32
        %mul3A_2136 = vector.broadcast %mul3A_2135 : f32 to vector<16xf32>
        %mul3A_2137 = arith.mulf %mul3A_2136, %add3A_2134 : vector<16xf32>
        %max3A_2138 = arith.maximumf %add3A_2134, %mul3A_2137 : vector<16xf32>
        %slice3A_2139 = vector.extract_strided_slice %get3A_191 {offsets = [8], sizes = [1], strides = [1]} : vector<16xf32> to vector<1xf32>
        %squeeze3A_2140 = vector.extract %slice3A_2139[0] : f32 from vector<1xf32>
        %mul3A_2141 = vector.broadcast %squeeze3A_2140 : f32 to vector<16xf32>
        %mul3A_2142 = arith.mulf %max3A_2138, %mul3A_2141 : vector<16xf32>
        %add3A_2143 = arith.addf %add3A_2127, %mul3A_2142 : vector<16xf32>
        %broadcast_in_dim3A_2144 = arith.constant 57 : i32
        %broadcast_in_dim3A_2145 = vector.broadcast %broadcast_in_dim3A_2144 : i32 to vector<16xi32>
        %gather3A_2146 = tpu.vector_load_idx %arg15[%add3A_203, %broadcast_in_dim3A_2145] : memref<80x64xf32, #tpu.memory_space<vmem>>[vector<16xi32>, vector<16xi32>], vector<16xf32>,
        %broadcast_in_dim3A_2147 = arith.constant 121 : i32
        %broadcast_in_dim3A_2148 = vector.broadcast %broadcast_in_dim3A_2147 : i32 to vector<16xi32>
        %gather3A_2149 = tpu.vector_load_idx %arg16[%add3A_203, %broadcast_in_dim3A_2148] : memref<80x128xf32, #tpu.memory_space<vmem>>[vector<16xi32>, vector<16xi32>], vector<16xf32>,
        %add3A_2150 = arith.addf %gather3A_2146, %gather3A_2149 : vector<16xf32>
        %mul3A_2151 = arith.constant 2.000000e-01 : f32
        %mul3A_2152 = vector.broadcast %mul3A_2151 : f32 to vector<16xf32>
        %mul3A_2153 = arith.mulf %mul3A_2152, %add3A_2150 : vector<16xf32>
        %max3A_2154 = arith.maximumf %add3A_2150, %mul3A_2153 : vector<16xf32>
        %slice3A_2155 = vector.extract_strided_slice %get3A_191 {offsets = [9], sizes = [1], strides = [1]} : vector<16xf32> to vector<1xf32>
        %squeeze3A_2156 = vector.extract %slice3A_2155[0] : f32 from vector<1xf32>
        %mul3A_2157 = vector.broadcast %squeeze3A_2156 : f32 to vector<16xf32>
        %mul3A_2158 = arith.mulf %max3A_2154, %mul3A_2157 : vector<16xf32>
        %add3A_2159 = arith.addf %add3A_2143, %mul3A_2158 : vector<16xf32>
        %broadcast_in_dim3A_2160 = arith.constant 58 : i32
        %broadcast_in_dim3A_2161 = vector.broadcast %broadcast_in_dim3A_2160 : i32 to vector<16xi32>
        %gather3A_2162 = tpu.vector_load_idx %arg15[%add3A_203, %broadcast_in_dim3A_2161] : memref<80x64xf32, #tpu.memory_space<vmem>>[vector<16xi32>, vector<16xi32>], vector<16xf32>,
        %broadcast_in_dim3A_2163 = arith.constant 122 : i32
        %broadcast_in_dim3A_2164 = vector.broadcast %broadcast_in_dim3A_2163 : i32 to vector<16xi32>
        %gather3A_2165 = tpu.vector_load_idx %arg16[%add3A_203, %broadcast_in_dim3A_2164] : memref<80x128xf32, #tpu.memory_space<vmem>>[vector<16xi32>, vector<16xi32>], vector<16xf32>,
        %add3A_2166 = arith.addf %gather3A_2162, %gather3A_2165 : vector<16xf32>
        %mul3A_2167 = arith.constant 2.000000e-01 : f32
        %mul3A_2168 = vector.broadcast %mul3A_2167 : f32 to vector<16xf32>
        %mul3A_2169 = arith.mulf %mul3A_2168, %add3A_2166 : vector<16xf32>
        %max3A_2170 = arith.maximumf %add3A_2166, %mul3A_2169 : vector<16xf32>
        %slice3A_2171 = vector.extract_strided_slice %get3A_191 {offsets = [10], sizes = [1], strides = [1]} : vector<16xf32> to vector<1xf32>
        %squeeze3A_2172 = vector.extract %slice3A_2171[0] : f32 from vector<1xf32>
        %mul3A_2173 = vector.broadcast %squeeze3A_2172 : f32 to vector<16xf32>
        %mul3A_2174 = arith.mulf %max3A_2170, %mul3A_2173 : vector<16xf32>
        %add3A_2175 = arith.addf %add3A_2159, %mul3A_2174 : vector<16xf32>
        %broadcast_in_dim3A_2176 = arith.constant 59 : i32
        %broadcast_in_dim3A_2177 = vector.broadcast %broadcast_in_dim3A_2176 : i32 to vector<16xi32>
        %gather3A_2178 = tpu.vector_load_idx %arg15[%add3A_203, %broadcast_in_dim3A_2177] : memref<80x64xf32, #tpu.memory_space<vmem>>[vector<16xi32>, vector<16xi32>], vector<16xf32>,
        %broadcast_in_dim3A_2179 = arith.constant 123 : i32
        %broadcast_in_dim3A_2180 = vector.broadcast %broadcast_in_dim3A_2179 : i32 to vector<16xi32>
        %gather3A_2181 = tpu.vector_load_idx %arg16[%add3A_203, %broadcast_in_dim3A_2180] : memref<80x128xf32, #tpu.memory_space<vmem>>[vector<16xi32>, vector<16xi32>], vector<16xf32>,
        %add3A_2182 = arith.addf %gather3A_2178, %gather3A_2181 : vector<16xf32>
        %mul3A_2183 = arith.constant 2.000000e-01 : f32
        %mul3A_2184 = vector.broadcast %mul3A_2183 : f32 to vector<16xf32>
        %mul3A_2185 = arith.mulf %mul3A_2184, %add3A_2182 : vector<16xf32>
        %max3A_2186 = arith.maximumf %add3A_2182, %mul3A_2185 : vector<16xf32>
        %slice3A_2187 = vector.extract_strided_slice %get3A_191 {offsets = [11], sizes = [1], strides = [1]} : vector<16xf32> to vector<1xf32>
        %squeeze3A_2188 = vector.extract %slice3A_2187[0] : f32 from vector<1xf32>
        %mul3A_2189 = vector.broadcast %squeeze3A_2188 : f32 to vector<16xf32>
        %mul3A_2190 = arith.mulf %max3A_2186, %mul3A_2189 : vector<16xf32>
        %add3A_2191 = arith.addf %add3A_2175, %mul3A_2190 : vector<16xf32>
        %broadcast_in_dim3A_2192 = arith.constant 60 : i32
        %broadcast_in_dim3A_2193 = vector.broadcast %broadcast_in_dim3A_2192 : i32 to vector<16xi32>
        %gather3A_2194 = tpu.vector_load_idx %arg15[%add3A_203, %broadcast_in_dim3A_2193] : memref<80x64xf32, #tpu.memory_space<vmem>>[vector<16xi32>, vector<16xi32>], vector<16xf32>,
        %broadcast_in_dim3A_2195 = arith.constant 124 : i32
        %broadcast_in_dim3A_2196 = vector.broadcast %broadcast_in_dim3A_2195 : i32 to vector<16xi32>
        %gather3A_2197 = tpu.vector_load_idx %arg16[%add3A_203, %broadcast_in_dim3A_2196] : memref<80x128xf32, #tpu.memory_space<vmem>>[vector<16xi32>, vector<16xi32>], vector<16xf32>,
        %add3A_2198 = arith.addf %gather3A_2194, %gather3A_2197 : vector<16xf32>
        %mul3A_2199 = arith.constant 2.000000e-01 : f32
        %mul3A_2200 = vector.broadcast %mul3A_2199 : f32 to vector<16xf32>
        %mul3A_2201 = arith.mulf %mul3A_2200, %add3A_2198 : vector<16xf32>
        %max3A_2202 = arith.maximumf %add3A_2198, %mul3A_2201 : vector<16xf32>
        %slice3A_2203 = vector.extract_strided_slice %get3A_191 {offsets = [12], sizes = [1], strides = [1]} : vector<16xf32> to vector<1xf32>
        %squeeze3A_2204 = vector.extract %slice3A_2203[0] : f32 from vector<1xf32>
        %mul3A_2205 = vector.broadcast %squeeze3A_2204 : f32 to vector<16xf32>
        %mul3A_2206 = arith.mulf %max3A_2202, %mul3A_2205 : vector<16xf32>
        %add3A_2207 = arith.addf %add3A_2191, %mul3A_2206 : vector<16xf32>
        %broadcast_in_dim3A_2208 = arith.constant 61 : i32
        %broadcast_in_dim3A_2209 = vector.broadcast %broadcast_in_dim3A_2208 : i32 to vector<16xi32>
        %gather3A_2210 = tpu.vector_load_idx %arg15[%add3A_203, %broadcast_in_dim3A_2209] : memref<80x64xf32, #tpu.memory_space<vmem>>[vector<16xi32>, vector<16xi32>], vector<16xf32>,
        %broadcast_in_dim3A_2211 = arith.constant 125 : i32
        %broadcast_in_dim3A_2212 = vector.broadcast %broadcast_in_dim3A_2211 : i32 to vector<16xi32>
        %gather3A_2213 = tpu.vector_load_idx %arg16[%add3A_203, %broadcast_in_dim3A_2212] : memref<80x128xf32, #tpu.memory_space<vmem>>[vector<16xi32>, vector<16xi32>], vector<16xf32>,
        %add3A_2214 = arith.addf %gather3A_2210, %gather3A_2213 : vector<16xf32>
        %mul3A_2215 = arith.constant 2.000000e-01 : f32
        %mul3A_2216 = vector.broadcast %mul3A_2215 : f32 to vector<16xf32>
        %mul3A_2217 = arith.mulf %mul3A_2216, %add3A_2214 : vector<16xf32>
        %max3A_2218 = arith.maximumf %add3A_2214, %mul3A_2217 : vector<16xf32>
        %slice3A_2219 = vector.extract_strided_slice %get3A_191 {offsets = [13], sizes = [1], strides = [1]} : vector<16xf32> to vector<1xf32>
        %squeeze3A_2220 = vector.extract %slice3A_2219[0] : f32 from vector<1xf32>
        %mul3A_2221 = vector.broadcast %squeeze3A_2220 : f32 to vector<16xf32>
        %mul3A_2222 = arith.mulf %max3A_2218, %mul3A_2221 : vector<16xf32>
        %add3A_2223 = arith.addf %add3A_2207, %mul3A_2222 : vector<16xf32>
        %broadcast_in_dim3A_2224 = arith.constant 62 : i32
        %broadcast_in_dim3A_2225 = vector.broadcast %broadcast_in_dim3A_2224 : i32 to vector<16xi32>
        %gather3A_2226 = tpu.vector_load_idx %arg15[%add3A_203, %broadcast_in_dim3A_2225] : memref<80x64xf32, #tpu.memory_space<vmem>>[vector<16xi32>, vector<16xi32>], vector<16xf32>,
        %broadcast_in_dim3A_2227 = arith.constant 126 : i32
        %broadcast_in_dim3A_2228 = vector.broadcast %broadcast_in_dim3A_2227 : i32 to vector<16xi32>
        %gather3A_2229 = tpu.vector_load_idx %arg16[%add3A_203, %broadcast_in_dim3A_2228] : memref<80x128xf32, #tpu.memory_space<vmem>>[vector<16xi32>, vector<16xi32>], vector<16xf32>,
        %add3A_2230 = arith.addf %gather3A_2226, %gather3A_2229 : vector<16xf32>
        %mul3A_2231 = arith.constant 2.000000e-01 : f32
        %mul3A_2232 = vector.broadcast %mul3A_2231 : f32 to vector<16xf32>
        %mul3A_2233 = arith.mulf %mul3A_2232, %add3A_2230 : vector<16xf32>
        %max3A_2234 = arith.maximumf %add3A_2230, %mul3A_2233 : vector<16xf32>
        %slice3A_2235 = vector.extract_strided_slice %get3A_191 {offsets = [14], sizes = [1], strides = [1]} : vector<16xf32> to vector<1xf32>
        %squeeze3A_2236 = vector.extract %slice3A_2235[0] : f32 from vector<1xf32>
        %mul3A_2237 = vector.broadcast %squeeze3A_2236 : f32 to vector<16xf32>
        %mul3A_2238 = arith.mulf %max3A_2234, %mul3A_2237 : vector<16xf32>
        %add3A_2239 = arith.addf %add3A_2223, %mul3A_2238 : vector<16xf32>
        %broadcast_in_dim3A_2240 = arith.constant 63 : i32
        %broadcast_in_dim3A_2241 = vector.broadcast %broadcast_in_dim3A_2240 : i32 to vector<16xi32>
        %gather3A_2242 = tpu.vector_load_idx %arg15[%add3A_203, %broadcast_in_dim3A_2241] : memref<80x64xf32, #tpu.memory_space<vmem>>[vector<16xi32>, vector<16xi32>], vector<16xf32>,
        %broadcast_in_dim3A_2243 = arith.constant 127 : i32
        %broadcast_in_dim3A_2244 = vector.broadcast %broadcast_in_dim3A_2243 : i32 to vector<16xi32>
        %gather3A_2245 = tpu.vector_load_idx %arg16[%add3A_203, %broadcast_in_dim3A_2244] : memref<80x128xf32, #tpu.memory_space<vmem>>[vector<16xi32>, vector<16xi32>], vector<16xf32>,
        %add3A_2246 = arith.addf %gather3A_2242, %gather3A_2245 : vector<16xf32>
        %mul3A_2247 = arith.constant 2.000000e-01 : f32
        %mul3A_2248 = vector.broadcast %mul3A_2247 : f32 to vector<16xf32>
        %mul3A_2249 = arith.mulf %mul3A_2248, %add3A_2246 : vector<16xf32>
        %max3A_2250 = arith.maximumf %add3A_2246, %mul3A_2249 : vector<16xf32>
        %slice3A_2251 = vector.extract_strided_slice %get3A_191 {offsets = [15], sizes = [1], strides = [1]} : vector<16xf32> to vector<1xf32>
        %squeeze3A_2252 = vector.extract %slice3A_2251[0] : f32 from vector<1xf32>
        %mul3A_2253 = vector.broadcast %squeeze3A_2252 : f32 to vector<16xf32>
        %mul3A_2254 = arith.mulf %max3A_2250, %mul3A_2253 : vector<16xf32>
        %add3A_2255 = arith.addf %add3A_2239, %mul3A_2254 : vector<16xf32>
        %exp3A = math.exp %add3A_719 : vector<16xf32>
        %broadcast_in_dim3A_2256 = arith.constant 0 : i32
        %broadcast_in_dim3A_2257 = vector.broadcast %broadcast_in_dim3A_2256 : i32 to vector<16xi32>
        tpu.vector_store_idx %arg17[%add3A_203, %broadcast_in_dim3A_2257], %exp3A : memref<80x16xf32, #tpu.memory_space<vmem>>[vector<16xi32>, vector<16xi32>], vector<16xf32>,
        %broadcast_in_dim3A_2258 = arith.constant 0 : i32
        %broadcast_in_dim3A_2259 = vector.broadcast %broadcast_in_dim3A_2258 : i32 to vector<16xi32>
        tpu.vector_store_idx %arg18[%add3A_203, %broadcast_in_dim3A_2259], %exp3A : memref<80x4xf32, #tpu.memory_space<vmem>>[vector<16xi32>, vector<16xi32>], vector<16xf32>,
        %exp3A_2260 = math.exp %add3A_1231 : vector<16xf32>
        %broadcast_in_dim3A_2261 = arith.constant 1 : i32
        %broadcast_in_dim3A_2262 = vector.broadcast %broadcast_in_dim3A_2261 : i32 to vector<16xi32>
        tpu.vector_store_idx %arg17[%add3A_203, %broadcast_in_dim3A_2262], %exp3A_2260 : memref<80x16xf32, #tpu.memory_space<vmem>>[vector<16xi32>, vector<16xi32>], vector<16xf32>,
        %broadcast_in_dim3A_2263 = arith.constant 1 : i32
        %broadcast_in_dim3A_2264 = vector.broadcast %broadcast_in_dim3A_2263 : i32 to vector<16xi32>
        tpu.vector_store_idx %arg18[%add3A_203, %broadcast_in_dim3A_2264], %exp3A_2260 : memref<80x4xf32, #tpu.memory_space<vmem>>[vector<16xi32>, vector<16xi32>], vector<16xf32>,
        %exp3A_2265 = math.exp %add3A_1743 : vector<16xf32>
        %broadcast_in_dim3A_2266 = arith.constant 2 : i32
        %broadcast_in_dim3A_2267 = vector.broadcast %broadcast_in_dim3A_2266 : i32 to vector<16xi32>
        tpu.vector_store_idx %arg17[%add3A_203, %broadcast_in_dim3A_2267], %exp3A_2265 : memref<80x16xf32, #tpu.memory_space<vmem>>[vector<16xi32>, vector<16xi32>], vector<16xf32>,
        %broadcast_in_dim3A_2268 = arith.constant 2 : i32
        %broadcast_in_dim3A_2269 = vector.broadcast %broadcast_in_dim3A_2268 : i32 to vector<16xi32>
        tpu.vector_store_idx %arg18[%add3A_203, %broadcast_in_dim3A_2269], %exp3A_2265 : memref<80x4xf32, #tpu.memory_space<vmem>>[vector<16xi32>, vector<16xi32>], vector<16xf32>,
        %exp3A_2270 = math.exp %add3A_2255 : vector<16xf32>
        %broadcast_in_dim3A_2271 = arith.constant 3 : i32
        %broadcast_in_dim3A_2272 = vector.broadcast %broadcast_in_dim3A_2271 : i32 to vector<16xi32>
        tpu.vector_store_idx %arg17[%add3A_203, %broadcast_in_dim3A_2272], %exp3A_2270 : memref<80x16xf32, #tpu.memory_space<vmem>>[vector<16xi32>, vector<16xi32>], vector<16xf32>,
        %broadcast_in_dim3A_2273 = arith.constant 3 : i32
        %broadcast_in_dim3A_2274 = vector.broadcast %broadcast_in_dim3A_2273 : i32 to vector<16xi32>
        tpu.vector_store_idx %arg18[%add3A_203, %broadcast_in_dim3A_2274], %exp3A_2270 : memref<80x4xf32, #tpu.memory_space<vmem>>[vector<16xi32>, vector<16xi32>], vector<16xf32>,
      }
      %scan3A_197 = arith.constant 5 : i32
      "tpu.region"() ({
        %run_scoped3A = tpu.sem_alloc : memref<!tpu.dma_semaphore, #tpu.memory_space<semaphore_mem>>
        %dma_start3A_198 = arith.constant 0 : i32
        %dma_start3A_199 = tpu.memref_slice %arg9[%add3A_160, %dma_start3A_198] : memref<320000x4xf32, #tpu.memory_space<hbm>> -> memref<80x4xf32, #tpu.memory_space<hbm>>
        %dma_start3A_200 = arith.constant 0 : i32
        %dma_start3A_201 = tpu.memref_slice %arg9[%add3A_160, %dma_start3A_200] : memref<320000x4xf32, #tpu.memory_space<hbm>> -> memref<80x4xf32, #tpu.memory_space<hbm>>
        tpu.enqueue_dma source(%arg18 : memref<80x4xf32, #tpu.memory_space<vmem>>) target(%dma_start3A_201 : memref<80x4xf32, #tpu.memory_space<hbm>>) target_semaphore(%run_scoped3A : memref<!tpu.dma_semaphore, #tpu.memory_space<semaphore_mem>>)
        %dma_wait3A_202 = arith.constant 0 : i32
        %dma_wait3A_203 = tpu.memref_slice %arg9[%add3A_160, %dma_wait3A_202] : memref<320000x4xf32, #tpu.memory_space<hbm>> -> memref<80x4xf32, #tpu.memory_space<hbm>>
        %dma_wait3A_204 = arith.constant 0 : i32
        %dma_wait3A_205 = tpu.memref_slice %arg9[%add3A_160, %dma_wait3A_204] : memref<320000x4xf32, #tpu.memory_space<hbm>> -> memref<80x4xf32, #tpu.memory_space<hbm>>
        tpu.wait_dma2 semaphore(%run_scoped3A : memref<!tpu.dma_semaphore, #tpu.memory_space<semaphore_mem>>) src(%arg18 : memref<80x4xf32, #tpu.memory_space<vmem>>) dst(%dma_wait3A_205 : memref<80x4xf32, #tpu.memory_space<hbm>>)
        tpu.yield
      }) : () -> ()
      "tpu.region"() ({
        %run_scoped3A = tpu.sem_alloc : memref<!tpu.dma_semaphore, #tpu.memory_space<semaphore_mem>>
        %dma_start3A_198 = arith.constant 0 : i32
        %dma_start3A_199 = arith.constant 0 : i32
        %dma_start3A_200 = tpu.memref_slice %arg20[%dma_start3A_198, %dma_start3A_199] : memref<10112x16xf32, #tpu.memory_space<vmem_shared>> -> memref<10112x16xf32, #tpu.memory_space<vmem_shared>>
        tpu.enqueue_indirect_dma source(%arg17 : memref<80x16xf32, #tpu.memory_space<vmem>>) target(%dma_start3A_200 : memref<10112x16xf32, #tpu.memory_space<vmem_shared>>) offsets(%arg13 : memref<80xi32, #tpu.memory_space<vmem>>) semaphore(%run_scoped3A : memref<!tpu.dma_semaphore, #tpu.memory_space<semaphore_mem>>) {add = true}
        %dma_wait3A_201 = arith.constant 0 : i32
        %dma_wait3A_202 = arith.constant 0 : i32
        %dma_wait3A_203 = tpu.memref_slice %arg20[%dma_wait3A_201, %dma_wait3A_202] : memref<10112x16xf32, #tpu.memory_space<vmem_shared>> -> memref<10112x16xf32, #tpu.memory_space<vmem_shared>>
        tpu.wait_indirect_dma semaphore(%run_scoped3A : memref<!tpu.dma_semaphore, #tpu.memory_space<semaphore_mem>>) src(%arg17 : memref<80x16xf32, #tpu.memory_space<vmem>>) dst(%dma_wait3A_203 : memref<10112x16xf32, #tpu.memory_space<vmem_shared>>)
        tpu.yield
      }) : () -> ()
    }
    %scan3A_151 = arith.constant 125 : i32
    %barrier3A_152 = arith.constant 0 : index
    tpu.barrier barrier_id(%barrier3A_152)
    %mul3A_153 = arith.constant 632 : i32
    %mul3A_154 = arith.muli %arg1, %mul3A_153 : i32
    "tpu.region"() ({
      %run_scoped3A = tpu.sem_alloc : memref<!tpu.dma_semaphore, #tpu.memory_space<semaphore_mem>>
      %dma_start3A = arith.constant 0 : i32
      %dma_start3A_157 = tpu.memref_slice %arg20[%mul3A_154, %dma_start3A] : memref<10112x16xf32, #tpu.memory_space<vmem_shared>> -> memref<632x16xf32, #tpu.memory_space<vmem_shared>>
      %dma_start3A_158 = arith.constant 0 : i32
      %dma_start3A_159 = tpu.memref_slice %arg20[%mul3A_154, %dma_start3A_158] : memref<10112x16xf32, #tpu.memory_space<vmem_shared>> -> memref<632x16xf32, #tpu.memory_space<vmem_shared>>
      tpu.enqueue_dma source(%dma_start3A_159 : memref<632x16xf32, #tpu.memory_space<vmem_shared>>) target(%arg19 : memref<632x16xf32, #tpu.memory_space<vmem>>) target_semaphore(%run_scoped3A : memref<!tpu.dma_semaphore, #tpu.memory_space<semaphore_mem>>)
      %dma_wait3A = arith.constant 0 : i32
      %dma_wait3A_160 = tpu.memref_slice %arg20[%mul3A_154, %dma_wait3A] : memref<10112x16xf32, #tpu.memory_space<vmem_shared>> -> memref<632x16xf32, #tpu.memory_space<vmem_shared>>
      %dma_wait3A_161 = arith.constant 0 : i32
      %dma_wait3A_162 = tpu.memref_slice %arg20[%mul3A_154, %dma_wait3A_161] : memref<10112x16xf32, #tpu.memory_space<vmem_shared>> -> memref<632x16xf32, #tpu.memory_space<vmem_shared>>
      tpu.wait_dma2 semaphore(%run_scoped3A : memref<!tpu.dma_semaphore, #tpu.memory_space<semaphore_mem>>) src(%dma_wait3A_162 : memref<632x16xf32, #tpu.memory_space<vmem_shared>>) dst(%arg19 : memref<632x16xf32, #tpu.memory_space<vmem>>)
      tpu.yield
    }) : () -> ()
    %mul3A_155 = arith.constant 632 : i32
    %mul3A_156 = arith.muli %arg1, %mul3A_155 : i32
    "tpu.region"() ({
      %run_scoped3A = tpu.sem_alloc : memref<!tpu.dma_semaphore, #tpu.memory_space<semaphore_mem>>
      %dma_start3A = arith.constant 0 : i32
      %dma_start3A_157 = tpu.memref_slice %arg10[%arg0, %mul3A_156, %dma_start3A] : memref<2x10112x16xf32, #tpu.memory_space<hbm>> -> memref<1x632x16xf32, #tpu.memory_space<hbm>>
      %dma_start3A_158 = tpu.memref_squeeze %dma_start3A_157 : memref<1x632x16xf32, #tpu.memory_space<hbm>> -> memref<632x16xf32, #tpu.memory_space<hbm>>
      %dma_start3A_159 = arith.constant 0 : i32
      %dma_start3A_160 = tpu.memref_slice %arg10[%arg0, %mul3A_156, %dma_start3A_159] : memref<2x10112x16xf32, #tpu.memory_space<hbm>> -> memref<1x632x16xf32, #tpu.memory_space<hbm>>
      %dma_start3A_161 = tpu.memref_squeeze %dma_start3A_160 : memref<1x632x16xf32, #tpu.memory_space<hbm>> -> memref<632x16xf32, #tpu.memory_space<hbm>>
      tpu.enqueue_dma source(%arg19 : memref<632x16xf32, #tpu.memory_space<vmem>>) target(%dma_start3A_161 : memref<632x16xf32, #tpu.memory_space<hbm>>) target_semaphore(%run_scoped3A : memref<!tpu.dma_semaphore, #tpu.memory_space<semaphore_mem>>)
      %dma_wait3A = arith.constant 0 : i32
      %dma_wait3A_162 = tpu.memref_slice %arg10[%arg0, %mul3A_156, %dma_wait3A] : memref<2x10112x16xf32, #tpu.memory_space<hbm>> -> memref<1x632x16xf32, #tpu.memory_space<hbm>>
      %dma_wait3A_163 = tpu.memref_squeeze %dma_wait3A_162 : memref<1x632x16xf32, #tpu.memory_space<hbm>> -> memref<632x16xf32, #tpu.memory_space<hbm>>
      %dma_wait3A_164 = arith.constant 0 : i32
      %dma_wait3A_165 = tpu.memref_slice %arg10[%arg0, %mul3A_156, %dma_wait3A_164] : memref<2x10112x16xf32, #tpu.memory_space<hbm>> -> memref<1x632x16xf32, #tpu.memory_space<hbm>>
      %dma_wait3A_166 = tpu.memref_squeeze %dma_wait3A_165 : memref<1x632x16xf32, #tpu.memory_space<hbm>> -> memref<632x16xf32, #tpu.memory_space<hbm>>
      tpu.wait_dma2 semaphore(%run_scoped3A : memref<!tpu.dma_semaphore, #tpu.memory_space<semaphore_mem>>) src(%arg19 : memref<632x16xf32, #tpu.memory_space<vmem>>) dst(%dma_wait3A_166 : memref<632x16xf32, #tpu.memory_space<hbm>>)
      tpu.yield
    }) : () -> ()
    return
  }
}

module attributes {stable_mosaic.version = 14 : i64} {
  func.func @_tc1_body(%arg0: memref<10000x128xf32, #tpu.memory_space<vmem>>, %arg1: memref<128xf32, #tpu.memory_space<vmem>>, %arg2: memref<128xf32, #tpu.memory_space<vmem>>, %arg3: memref<128xf32, #tpu.memory_space<vmem>>, %arg4: memref<128x128xf32, #tpu.memory_space<vmem>>, %arg5: memref<128x128xf32, #tpu.memory_space<vmem>>, %arg6: memref<10000x64xf32, #tpu.memory_space<vmem>>, %arg7: memref<10000x64xf32, #tpu.memory_space<vmem>>, %arg8: memref<10000x128xf32, #tpu.memory_space<vmem>>) attributes {dimension_semantics = [], scalar_prefetch = 0 : i64, scratch_operands = 0 : i64, tpu.core_type = #tpu.core_type<tc>} {
    %get3A = arith.constant 0 : index
    %get3A_0 = arith.constant 0 : index
    %get3A_1 = vector.load %arg0[%get3A, %get3A_0] : memref<10000x128xf32, #tpu.memory_space<vmem>>, vector<10000x128xf32>
    %get3A_2 = arith.constant 0 : index
    %get3A_3 = vector.load %arg1[%get3A_2] : memref<128xf32, #tpu.memory_space<vmem>>, vector<128xf32>
    %get3A_4 = arith.constant 0 : index
    %get3A_5 = vector.load %arg2[%get3A_4] : memref<128xf32, #tpu.memory_space<vmem>>, vector<128xf32>
    %get3A_6 = arith.constant 0 : index
    %get3A_7 = vector.load %arg3[%get3A_6] : memref<128xf32, #tpu.memory_space<vmem>>, vector<128xf32>
    %get3A_8 = arith.constant 0 : index
    %get3A_9 = arith.constant 0 : index
    %get3A_10 = vector.load %arg4[%get3A_8, %get3A_9] : memref<128x128xf32, #tpu.memory_space<vmem>>, vector<128x128xf32>
    %get3A_11 = arith.constant 0 : index
    %get3A_12 = arith.constant 0 : index
    %get3A_13 = vector.load %arg5[%get3A_11, %get3A_12] : memref<128x128xf32, #tpu.memory_space<vmem>>, vector<128x128xf32>
    %reduce_sum3A = arith.constant dense<0.000000e+00> : vector<128xf32>
    %reduce_sum3A_14 = vector.multi_reduction <add>, %get3A_1, %reduce_sum3A [0] : vector<10000x128xf32> to vector<128xf32>
    %broadcast_in_dim3A = vector.shape_cast %reduce_sum3A_14 : vector<128xf32> to vector<1x128xf32>
    %div3A = arith.constant 1.000000e+04 : f32
    %div3A_15 = vector.broadcast %div3A : f32 to vector<1x128xf32>
    %div3A_16 = arith.divf %broadcast_in_dim3A, %div3A_15 : vector<1x128xf32>
    %broadcast_in_dim3A_17 = vector.shape_cast %get3A_7 : vector<128xf32> to vector<1x128xf32>
    %mul3A = arith.mulf %broadcast_in_dim3A_17, %div3A_16 : vector<1x128xf32>
    %sub3A = vector.broadcast %mul3A : vector<1x128xf32> to vector<10000x128xf32>
    %sub3A_18 = arith.subf %get3A_1, %sub3A : vector<10000x128xf32>
    %mul3A_19 = arith.mulf %sub3A_18, %sub3A_18 : vector<10000x128xf32>
    %reduce_sum3A_20 = arith.constant dense<0.000000e+00> : vector<128xf32>
    %reduce_sum3A_21 = vector.multi_reduction <add>, %mul3A_19, %reduce_sum3A_20 [0] : vector<10000x128xf32> to vector<128xf32>
    %broadcast_in_dim3A_22 = vector.shape_cast %reduce_sum3A_21 : vector<128xf32> to vector<1x128xf32>
    %div3A_23 = arith.constant 1.000000e+04 : f32
    %div3A_24 = vector.broadcast %div3A_23 : f32 to vector<1x128xf32>
    %div3A_25 = arith.divf %broadcast_in_dim3A_22, %div3A_24 : vector<1x128xf32>
    %broadcast_in_dim3A_26 = vector.shape_cast %get3A_3 : vector<128xf32> to vector<1x128xf32>
    %mul3A_27 = vector.broadcast %broadcast_in_dim3A_26 : vector<1x128xf32> to vector<10000x128xf32>
    %mul3A_28 = arith.mulf %mul3A_27, %sub3A_18 : vector<10000x128xf32>
    %add3A = arith.constant 9.99999974E-6 : f32
    %add3A_29 = vector.broadcast %add3A : f32 to vector<1x128xf32>
    %add3A_30 = arith.addf %div3A_25, %add3A_29 : vector<1x128xf32>
    %sqrt3A = math.sqrt %add3A_30 : vector<1x128xf32>
    %div3A_31 = vector.broadcast %sqrt3A : vector<1x128xf32> to vector<10000x128xf32>
    %div3A_32 = arith.divf %mul3A_28, %div3A_31 : vector<10000x128xf32>
    %broadcast_in_dim3A_33 = vector.shape_cast %get3A_5 : vector<128xf32> to vector<1x128xf32>
    %add3A_34 = vector.broadcast %broadcast_in_dim3A_33 : vector<1x128xf32> to vector<10000x128xf32>
    %add3A_35 = arith.addf %div3A_32, %add3A_34 : vector<10000x128xf32>
    %mul3A_36 = arith.constant 0.00999999977 : f32
    %mul3A_37 = vector.broadcast %mul3A_36 : f32 to vector<10000x128xf32>
    %mul3A_38 = arith.mulf %mul3A_37, %add3A_35 : vector<10000x128xf32>
    %max3A = arith.maximumf %add3A_35, %mul3A_38 : vector<10000x128xf32>
    %dot_general3A = arith.constant dense<0.000000e+00> : vector<10000x128xf32>
    %dot_general3A_39 = tpu.matmul %max3A, %get3A_10, %dot_general3A {dimension_numbers = #tpu.dot_dimension_numbers<[1], [0], [0], [1], [0, 0, 1, 1], [], []>, transpose_lhs_hint = false} : vector<10000x128xf32>, vector<128x128xf32>, vector<10000x128xf32> -> vector<10000x128xf32>
    %dot_general3A_40 = arith.constant dense<0.000000e+00> : vector<10000x128xf32>
    %dot_general3A_41 = tpu.matmul %max3A, %get3A_13, %dot_general3A_40 {dimension_numbers = #tpu.dot_dimension_numbers<[1], [0], [0], [1], [0, 0, 1, 1], [], []>, transpose_lhs_hint = false} : vector<10000x128xf32>, vector<128x128xf32>, vector<10000x128xf32> -> vector<10000x128xf32>
    %slice3A = vector.extract_strided_slice %dot_general3A_39 {offsets = [0, 0], sizes = [10000, 64], strides = [1, 1]} : vector<10000x128xf32> to vector<10000x64xf32>
    %swap3A = arith.constant 0 : index
    %swap3A_42 = arith.constant 0 : index
    %swap3A_43 = vector.load %arg6[%swap3A, %swap3A_42] : memref<10000x64xf32, #tpu.memory_space<vmem>>, vector<10000x64xf32>
    tpu.vector_store %arg6[%swap3A, %swap3A_42], %slice3A {strides = array<i32>} : memref<10000x64xf32, #tpu.memory_space<vmem>>, vector<10000x64xf32>,
    %slice3A_44 = vector.extract_strided_slice %dot_general3A_39 {offsets = [0, 64], sizes = [10000, 64], strides = [1, 1]} : vector<10000x128xf32> to vector<10000x64xf32>
    %swap3A_45 = arith.constant 0 : index
    %swap3A_46 = arith.constant 0 : index
    %swap3A_47 = vector.load %arg7[%swap3A_45, %swap3A_46] : memref<10000x64xf32, #tpu.memory_space<vmem>>, vector<10000x64xf32>
    tpu.vector_store %arg7[%swap3A_45, %swap3A_46], %slice3A_44 {strides = array<i32>} : memref<10000x64xf32, #tpu.memory_space<vmem>>, vector<10000x64xf32>,
    %swap3A_48 = arith.constant 0 : index
    %swap3A_49 = arith.constant 0 : index
    %swap3A_50 = vector.load %arg8[%swap3A_48, %swap3A_49] : memref<10000x128xf32, #tpu.memory_space<vmem>>, vector<10000x128xf32>
    tpu.vector_store %arg8[%swap3A_48, %swap3A_49], %dot_general3A_41 {strides = array<i32>} : memref<10000x128xf32, #tpu.memory_space<vmem>>, vector<10000x128xf32>,
    return
  }
}

</mosaic_0001>

<sc_bundles>
// kernel: _stage1.5.cloned.1.call-start
scs
__scs_entry_jumppad:
0x0: {  	(pc) =	sbr.rel $0x88, $3  }
0x1: {  	(tag) =	ssettag $0x0;
	lr =	simm.s32 $0x1  }
0x2: {  	[smem:$0x3F95] =	sst lr;
	_ =	strace $0xD0000000  }
0x3: {  	_ = 	snop  }
0x4: {  	_ = 	snop  }
0x5: {  	_ = 	snop  }
0x6: {  	_ = 	snop  }
0x7: {  	_ = 	snop  }
__scs_overlays_trampoline_lowered:
0x8: {  	[smem:$0x3FA4] =	sst s0  }
0x9: {  	[smem:$0x3FA5] =	sst s1  }
0xa: {  	[smem:$0x3FA6] =	sst s2  }
0xb: {  	[smem:$0x3FA7] =	sst s3  }
0xc: {  	[smem:$0x3FA8] =	sst s4  }
0xd: {  	[smem:$0x3FA9] =	sst s5  }
0xe: {  	[smem:$0x3FAA] =	sst s6  }
0xf: {  	[smem:$0x3FAB] =	sst s7  }
0x10: {  	[smem:$0x3FAC] =	sst s8  }
0x11: {  	[smem:$0x3FAD] =	sst s9;
	s0 =	simm.s32 @!p0 $0x0  }
0x12: {  	s1 =	sld [smem:$0x3F93];
	s0 =	simm.s32 @p0 $0x1  }
0x13: {  	[smem:$0x3FAE] =	sst s0;
	s0 =	simm.s32 @!p1 $0x0  }
0x14: {  	s2 =	sld [smem:$0x3F92];
	s0 =	simm.s32 @p1 $0x1  }
0x15: {  	[smem:$0x3FAF] =	sst s0;
	s0 =	simm.s32 @!p2 $0x0  }
0x16: {  	s3 =	sld [smem:$0x3FDB];
	s0 =	simm.s32 @p2 $0x1  }
0x17: {  	s4 =	simm.s32 $0x1BF5;
	[smem:$0x3FB1] =	sst s0  }
0x18: {  	s0 =	sld [smem:$0x3F94];
	_ =	swait.ge [sflag:s4], $0x0  }
0x19: {  	s7 =	sld [smem:$0x3F95]  }
0x1a: {  	s8 =	sadd.s32 $0xFFFFE003, lr  }
0x1b: {  	s9 =	sadd.s32 $0xFFFFFEF7, lr;
	s5 =	simm.s32 $0xFFFFFFFF;
	p2 =	slt.u32 s8, $0xFFFFF086  }
0x1c: {  	p1 =	slt.u32 s9, $0xF7A;
	s5 =	simm.s32 @!p2 $0x0  }
0x1d: {  	s5 =	simm.s32 @p1 $0x1;
	p0 =	seq.s32 s7, s2  }
0x1e: {  	s7 =	smul.u32 @!p0 $0xF7A, s2;
	p2 =	seq.s32 @!p0 s5, $0x0  }
0x1f: {  	s9 =	smul.u32 $0xF7A, s1;
	s8 =	simm.s32 @!p0 $0x1BF5;
	p2 =	por !p2, p0  }
0x20: {  	[sflag:s8] =	ssyncset.s32 @!p0 $0xFFFFF086;
	s6 =	sadd.s32 @!p0 s3, s7;
	s7 =	simm.s32 @!p0 $0x108  }
0x21: {  	s3 =	sadd.s32 s3, s9;
	s6 =	sadd.s32 @!p0 $0x88, s6;
	s7 =	simm.s32 @p2 $0x1082  }
0x22: {  	[simem:s7], [sflag:s8] =	dma.local @!p0 [hbm:s6], $0xF7A  }
0x23: {  	s9 =	sor.u32 $0xD0000000, s2;
	s6 =	simm.s32 $0x108;
	_ =	swait.ge @!p0 [sflag:s8], $0x0  }
0x24: {  	s3 =	sadd.s32 $0x88, s3;
	s6 =	simm.s32 @!p1 $0x1082;
	[sflag:s4] =	ssyncset.s32 $0xFFFFF086  }
0x25: {  	[simem:s6], [sflag:s4] =	dma.local [hbm:s3], $0xF7A  }
0x26: {  	[smem:$0x3F95] =	sst s1;
	(tag) =	ssettag s2;
	_ =	strace s9  }
0x27: {  	s1 =	sld [smem:$0x3FA5]  }
0x28: {  	s2 =	sld [smem:$0x3FA6]  }
0x29: {  	s4 =	sld [smem:$0x3FA8]  }
0x2a: {  	p0 =	seq.s32 s5, $0x0;
	s5 =	sld [smem:$0x3FA9]  }
0x2b: {  	s6 =	sld [smem:$0x3FAA]  }
0x2c: {  	s7 =	sld [smem:$0x3FAB]  }
0x2d: {  	s3 =	simm.s32 $0x108;
	s8 =	sld [smem:$0x3FAC]  }
0x2e: {  	s3 =	simm.s32 @!p0 $0x1082;
	s9 =	sld [smem:$0x3FAD]  }
0x2f: {  	lr =	sadd.s32 s0, s3;
	s0 =	sld [smem:$0x3FA4]  }
0x30: {  	s3 =	sld [smem:$0x3FA7]  }
0x31: {  	[smem:$0x3FB0] =	sst s10  }
0x32: {  	s10 =	sld [smem:$0x3FAE];
	_ =	sdelay $0x3  }
0x33: {  	p0 =	seq.s32 s10, $0x1;
	s10 =	sld [smem:$0x3FB0];
	_ =	sdelay $0x3  }
0x34: {  	[smem:$0x3FB0] =	sst s10  }
0x35: {  	s10 =	sld [smem:$0x3FAF];
	_ =	sdelay $0x3  }
0x36: {  	p1 =	seq.s32 s10, $0x1;
	s10 =	sld [smem:$0x3FB0];
	_ =	sdelay $0x3  }
0x37: {  	[smem:$0x3FB0] =	sst s10  }
0x38: {  	s10 =	sld [smem:$0x3FB1]  }
0x39: {  	_ = 	snop;
	(pc) =	sbr.ind lr, $3  }
0x3a: {  	_ = 	snop  }
0x3b: {  	_ = 	snop  }
0x3c: {  	p2 =	seq.s32 s10, $0x1;
	s10 =	sld [smem:$0x3FB0]  }
0x3d: {  	_ =	shalt  }
0x3e: {  	_ =	shalt  }
0x3f: {  	_ =	shalt  }
0x40: {  	_ =	shalt  }
0x41: {  	_ =	shalt  }
0x42: {  	_ =	shalt  }
0x43: {  	_ =	shalt  }
0x44: {  	_ =	shalt  }
0x45: {  	_ =	shalt  }
0x46: {  	_ =	shalt  }
0x47: {  	_ =	shalt  }
0x48: {  	_ =	shalt  }
0x49: {  	_ =	shalt  }
0x4a: {  	_ =	shalt  }
0x4b: {  	_ =	shalt  }
0x4c: {  	_ =	shalt  }
0x4d: {  	_ =	shalt  }
0x4e: {  	_ =	shalt  }
0x4f: {  	_ =	shalt  }
0x50: {  	_ =	shalt  }
0x51: {  	_ =	shalt  }
0x52: {  	_ =	shalt  }
0x53: {  	_ =	shalt  }
0x54: {  	_ =	shalt  }
0x55: {  	_ =	shalt  }
0x56: {  	_ =	shalt  }
0x57: {  	_ =	shalt  }
0x58: {  	_ =	shalt  }
0x59: {  	_ =	shalt  }
0x5a: {  	_ =	shalt  }
0x5b: {  	_ =	shalt  }
0x5c: {  	_ =	shalt  }
0x5d: {  	_ =	shalt  }
0x5e: {  	_ =	shalt  }
0x5f: {  	_ =	shalt  }
0x60: {  	_ =	shalt  }
0x61: {  	_ =	shalt  }
0x62: {  	_ =	shalt  }
0x63: {  	_ =	shalt  }
0x64: {  	_ =	shalt  }
0x65: {  	_ =	shalt  }
0x66: {  	_ =	shalt  }
0x67: {  	_ =	shalt  }
0x68: {  	_ =	shalt  }
0x69: {  	_ =	shalt  }
0x6a: {  	_ =	shalt  }
0x6b: {  	_ =	shalt  }
0x6c: {  	_ =	shalt  }
0x6d: {  	_ =	shalt  }
0x6e: {  	_ =	shalt  }
0x6f: {  	_ =	shalt  }
0x70: {  	_ =	shalt  }
0x71: {  	_ =	shalt  }
0x72: {  	_ =	shalt  }
0x73: {  	_ =	shalt  }
0x74: {  	_ =	shalt  }
0x75: {  	_ =	shalt  }
0x76: {  	_ =	shalt  }
0x77: {  	_ =	shalt  }
0x78: {  	_ =	shalt  }
0x79: {  	_ =	shalt  }
0x7a: {  	_ =	shalt  }
0x7b: {  	_ =	shalt  }
0x7c: {  	_ =	shalt  }
0x7d: {  	_ =	shalt  }
0x7e: {  	_ =	shalt  }
0x7f: {  	_ =	shalt  }
0x80: {  	_ =	shalt  }
0x81: {  	_ =	shalt  }
0x82: {  	_ =	shalt  }
0x83: {  	_ =	shalt  }
0x84: {  	_ =	shalt  }
0x85: {  	_ =	shalt  }
0x86: {  	_ =	shalt  }
0x87: {  	_ =	shalt  }
.Lfunc_end0:
.L_simem_size_0:
called_computation_lowered:
.L_overlay_start_0:
0x88: {  	s2 =	sld [smem:$0x3FD9]  }
0x89: {  	s3 =	sld [smem:$0x3FFE];
	_ =	sdelay $0x1  }
0x8a: {  	s1 =	srdreg.scid  }
0x8b: {  	s0 =	sand.u32 $0x1, s1  }
0x8c: {  	s14 =	sshll.u32 s0, $0xA;
	s2 =	sadd.s32 s3, s2  }
0x8d: {  	s2 =	sadd.s32 s2, s14  }
0x8e: {  	[smem:$0x3FBC] =	sst s2  }
0x8f: {  	_ = 	snop  }
0x90: {  	s2 =	sld [smem:$0x3FD0]  }
0x91: {  	s15 =	sld [smem:$0x3FC8]  }
0x92: {  	s4 =	sld [smem:$0x3FC7]  }
0x93: {  	s6 =	simm.s32 $0xA;
	s7 =	simm.s32 $0x10;
	s5 =	sld [smem:$0x3FC3]  }
0x94: {  	[smem:s7], [sflag:s6] =	dma.local [hbm:s2], $0x1  }
0x95: {  	_ =	swait.eq [sflag:s6], $0x1  }
0x96: {  	s16 =	sld [smem:$0x10]  }
0x97: {  	s17 =	sld [smem:$0x11];
	[sflag:s6] =	ssyncset.done $0x0  }
0x98: {  	s8 =	sld [smem:$0x12];
	[sflag:s6] =	ssyncadd.s32 $0xFFFFFFFF  }
0x99: {  	s18 =	sld [smem:$0x13];
	(tm) =	ssettm $0x1  }
0x9a: {  	s9 =	sld [smem:$0x3FFB];
	_ =	sdelay $0x3  }
0x9b: {  	_ =	strace s9  }
0x9c: {  	s9 =	sld [smem:$0x3FFC];
	_ =	sdelay $0x3  }
0x9d: {  	_ =	strace s9  }
0x9e: {  	s9 =	sld [smem:$0x3FFD];
	_ =	sdelay $0x3  }
0x9f: {  	_ =	strace s9  }
0xa0: {  	_ =	strace $0x8FFFFFFF  }
0xa1: {  	s19 =	sld [smem:$0x3FDB];
	_ =	sdelay $0x1  }
0xa2: {  	s10 =	simm.s32 $_scs_section_size  }
0xa3: {  	s11 =	simm.s32 $_size__tile_overlayer_lowered;
	s12 =	simm.s32 $_tile_overlayer_lowered  }
0xa4: {  	s22 =	simm.s32 $0x1BFF;
	s21 =	sshll.u32 s12, $0x1;
	s9 =	sadd.s32 s10, s19  }
0xa5: {  	s13 =	simm.s32 $0x0;
	s20 =	sshll.u32 s11, $0x1;
	s11 =	sadd.s32 s21, s9  }
0xa6: {  	[timem:s13], [sflag:s22] =	dma.local [hbm:s11], s20  }
0xa7: {  	_ =	swait.ge [sflag:s22], s20  }
0xa8: {  	s10 =	ssub.s32 $0x0, s20;
	[sflag:s22] =	ssyncset.done $0x0  }
0xa9: {  	[sflag:s22] =	ssyncadd.s32 s10;
	_ =	sdelay $0x1  }
0xaa: {  	s23 =	simm.s32 $0x1B8B  }
0xab: {  	_ =	swait.ge [sflag:s23], $0x1  }
0xac: {  	[sflag:s23] =	ssyncset.done $0x0  }
0xad: {  	s25 =	simm.s32 $0x1B8E;
	s24 =	sld [smem:$0x3FFE];
	[sflag:s23] =	ssyncadd.s32 $0xFFFFFFFF  }
0xae: {  	s26 =	simm.s32 $execute0_lowered;
	[smem:$0x3FD2] =	sst s25  }
0xaf: {  	s11 =	sshll.u32 s26, $0x1;
	_ =	strace $0x80000046;
	[dreg:$0x1] =	wrdreg $0xFFFFFFFF  }
0xb0: {  	s28 =	simm.s32 $_size_execute0_lowered;
	s9 =	sadd.s32 s9, s11;
	[dreg:$0x0] =	wrdreg $0x0  }
0xb1: {  	s11 =	sshll.u32 s28, $0x1;
	[dreg:$0x2] =	wrdreg s9  }
0xb2: {  	[dreg:$0x3] =	wrdreg s11  }
0xb3: {  	[dreg:$0x4] =	wrdreg $0xC0  }
0xb4: {  	_ =	task [dreg:s13], $0x5FFFF  }
0xb5: {  	[dreg:$0x1] =	wrdreg $0xFFFFFFFF  }
0xb6: {  	[dreg:$0x0] =	wrdreg $0x60  }
0xb7: {  	[dreg:$0x2] =	wrdreg s24  }
0xb8: {  	[dreg:$0x3] =	wrdreg s16  }
0xb9: {  	[dreg:$0x4] =	wrdreg s17  }
0xba: {  	[dreg:$0x5] =	wrdreg s15  }
0xbb: {  	[dreg:$0x6] =	wrdreg s4  }
0xbc: {  	[dreg:$0x7] =	wrdreg s5  }
0xbd: {  	[dreg:$0x8] =	wrdreg s18  }
0xbe: {  	[dreg:$0x9] =	wrdreg s8  }
0xbf: {  	[dreg:$0xa] =	wrdreg $0x80200  }
0xc0: {  	[dreg:$0xb] =	wrdreg $0x9  }
0xc1: {  	_ =	task.clear_ibuf [dreg:s13], $0xCFFFF;
	_ =	strace $0x90000046  }
0xc2: {  	s29 =	simm.s32 $0x9;
	_ =	strace $0x80000048  }
0xc3: {  	_ =	swait.ge [sflag:s29], $0x1  }
0xc4: {  	[sflag:s29] =	ssyncadd.s32 $0xFFFFFFFF  }
0xc5: {  	_ =	strace $0x90000048  }
0xc6: {  	_ =	sfence  }
0xc7: {  	s30 =	sld [smem:$0x0];
	_ =	sdelay $0x2  }
0xc8: {  	s31 =	sshll.u32 s1, $0xD;
	s1 =	sshrl.u32 s1, $0x2  }
0xc9: {  	s3 =	sand.u32 $0x4000, s31;
	s1 =	sadd.s32 s1, s30  }
0xca: {  	s0 =	sor.u32 s3, s0;
	s1 =	sshll.u32 s1, $0x11  }
0xcb: {  	s0 =	sor.u32 s1, s0  }
0xcc: {  	s0 =	sadd.s32 $0x8F2B, s0  }
0xcd: {  	[sflag:s0] =	ssyncadd.remote.s32 $0x1  }
0xce: {  	_ =	sfence.sel $0xFFFF  }
0xcf: {  	[dreg:$0x0] =	wrdreg $0xFFFFFFFF;
	(pc) =	sbr.abs _section_cstart, $3  }
0xd0: {  	[dreg:$0x1] =	wrdreg $0xFFFFFFFF  }
0xd1: {  	_ =	task.clear_ibuf [dreg:s13], $0x2FFFF;
	_ =	strace $0x9FFFFFFF  }
0xd2: {  	(tm) =	ssettm $0x7FFFFFFF  }
0xd3: {  	_ =	shalt  }
tec
execute0_lowered:
.L_overlay_start_1:
0x0: {  	(tag) =	ssettag $0x1  }
0x1: {  	v2 =	vlaneseq.u32  }
0x2: {  	v0 =	vmul.u32 $0x10, v2;
	_ =	sdelay $0x1  }
0x3: {  	v1 =	vor.u32 $0x4, v0  }
0x4: {  	[tilespmem:$0x1FC40] =	vst v1;
	v1 =	vor.u32 $0x5, v0  }
0x5: {  	[tilespmem:$0x1FC50] =	vst v1;
	v1 =	vor.u32 $0x6, v0  }
0x6: {  	[tilespmem:$0x1FC60] =	vst v1;
	v1 =	vor.u32 $0x7, v0  }
0x7: {  	[tilespmem:$0x1FC70] =	vst v1;
	v1 =	vor.u32 $0x8, v0  }
0x8: {  	[tilespmem:$0x1FC80] =	vst v1;
	v1 =	vor.u32 $0x9, v0  }
0x9: {  	[tilespmem:$0x1FC90] =	vst v1;
	v1 =	vor.u32 $0xA, v0  }
0xa: {  	[tilespmem:$0x1FCA0] =	vst v1;
	v1 =	vor.u32 $0xB, v0  }
0xb: {  	[tilespmem:$0x1FCB0] =	vst v1;
	v1 =	vor.u32 $0xC, v0  }
0xc: {  	[tilespmem:$0x1FCC0] =	vst v1;
	v1 =	vor.u32 $0xD, v0  }
0xd: {  	[tilespmem:$0x1FCD0] =	vst v1;
	v1 =	vor.u32 $0xE, v0  }
0xe: {  	[tilespmem:$0x1FCE0] =	vst v1;
	v1 =	vor.u32 $0xF, v0  }
0xf: {  	[tilespmem:$0x1FCF0] =	vst v1;
	v1 =	vor.u32 $0x104, v0  }
0x10: {  	[tilespmem:$0x1FD00] =	vst v1;
	v1 =	vor.u32 $0x105, v0  }
0x11: {  	[tilespmem:$0x1FD10] =	vst v1;
	v1 =	vor.u32 $0x106, v0  }
0x12: {  	[tilespmem:$0x1FD20] =	vst v1;
	v1 =	vor.u32 $0x107, v0  }
0x13: {  	[tilespmem:$0x1FD30] =	vst v1;
	v1 =	vor.u32 $0x108, v0  }
0x14: {  	[tilespmem:$0x1FD40] =	vst v1;
	v1 =	vor.u32 $0x109, v0  }
0x15: {  	[tilespmem:$0x1FD50] =	vst v1;
	v1 =	vor.u32 $0x10A, v0  }
0x16: {  	[tilespmem:$0x1FD60] =	vst v1;
	v1 =	vor.u32 $0x10B, v0  }
0x17: {  	s5 =	rddreg [dreg:$0x0];
	[tilespmem:$0x1FD70] =	vst v1;
	v1 =	vor.u32 $0x10C, v0  }
0x18: {  	s0 =	rddreg [dreg:$0x1];
	[tilespmem:$0x1FD80] =	vst v1;
	v1 =	vor.u32 $0x10D, v0  }
0x19: {  	s1 =	rddreg [dreg:$0x2];
	[tilespmem:$0x1FD90] =	vst v1;
	v1 =	vor.u32 $0x10E, v0  }
0x1a: {  	s2 =	rddreg [dreg:$0x3];
	[tilespmem:$0x1FDA0] =	vst v1;
	v1 =	vor.u32 $0x10F, v0  }
0x1b: {  	s3 =	rddreg [dreg:$0x4];
	[tilespmem:$0x1FDB0] =	vst v1;
	v1 =	vor.u32 $0x204, v0  }
0x1c: {  	s8 =	rddreg [dreg:$0x6];
	[tilespmem:$0x1FDC0] =	vst v1;
	v1 =	vor.u32 $0x205, v0  }
0x1d: {  	s14 =	rddreg [dreg:$0x7];
	s7 =	simm.s32 $0x0;
	[tilespmem:$0x1FDD0] =	vst v1;
	v1 =	vor.u32 $0x206, v0  }
0x1e: {  	[smem:$0x7FF] =	sst s7;
	[tilespmem:$0x1FDE0] =	vst v1;
	v1 =	vor.u32 $0x207, v0  }
0x1f: {  	s6 =	rddreg [dreg:$0x8];
	_ =	strace $0x80000047;
	[tilespmem:$0x1FDF0] =	vst v1;
	v1 =	vor.u32 $0x208, v0  }
0x20: {  	[tilespmem:$0x1FE00] =	vst v1;
	v1 =	vor.u32 $0x209, v0  }
0x21: {  	[tilespmem:$0x1FE10] =	vst v1;
	v1 =	vor.u32 $0x20A, v0  }
0x22: {  	[tilespmem:$0x1FE20] =	vst v1;
	v1 =	vor.u32 $0x20B, v0  }
0x23: {  	[tilespmem:$0x1FE30] =	vst v1;
	v1 =	vor.u32 $0x20C, v0  }
0x24: {  	[tilespmem:$0x1FE40] =	vst v1;
	v1 =	vor.u32 $0x20D, v0  }
0x25: {  	[tilespmem:$0x1FE50] =	vst v1;
	v1 =	vor.u32 $0x20E, v0  }
0x26: {  	[tilespmem:$0x1FE60] =	vst v1;
	v1 =	vor.u32 $0x20F, v0  }
0x27: {  	[tilespmem:$0x1FE70] =	vst v1;
	v1 =	vor.u32 $0x304, v0  }
0x28: {  	[tilespmem:$0x1FE80] =	vst v1;
	v1 =	vor.u32 $0x305, v0  }
0x29: {  	[tilespmem:$0x1FE90] =	vst v1;
	v1 =	vor.u32 $0x306, v0  }
0x2a: {  	[tilespmem:$0x1FEA0] =	vst v1;
	v1 =	vor.u32 $0x307, v0  }
0x2b: {  	[tilespmem:$0x1FEB0] =	vst v1;
	v1 =	vor.u32 $0x308, v0  }
0x2c: {  	[tilespmem:$0x1FEC0] =	vst v1;
	v1 =	vor.u32 $0x309, v0  }
0x2d: {  	[tilespmem:$0x1FED0] =	vst v1;
	v1 =	vor.u32 $0x30A, v0  }
0x2e: {  	[tilespmem:$0x1FEE0] =	vst v1;
	v1 =	vor.u32 $0x30B, v0  }
0x2f: {  	[tilespmem:$0x1FEF0] =	vst v1;
	v1 =	vor.u32 $0x30C, v0  }
0x30: {  	[tilespmem:$0x1FF00] =	vst v1;
	v1 =	vor.u32 $0x30D, v0  }
0x31: {  	[tilespmem:$0x1FF10] =	vst v1;
	v1 =	vor.u32 $0x30E, v0  }
0x32: {  	[tilespmem:$0x1FF20] =	vst v1;
	v1 =	vor.u32 $0x30F, v0  }
0x33: {  	[tilespmem:$0x1FF30] =	vst v1;
	v1 =	vor.u32 $0x404, v0  }
0x34: {  	s9 =	srdreg.scid;
	s4 =	stileid.u32;
	[tilespmem:$0x1FF40] =	vst v1;
	v1 =	vor.u32 $0x405, v0  }
0x35: {  	s17 =	simm.s32 $0x4;
	s18 =	simm.s32 $0x5120;
	s19 =	simm.s32 $0x80;
	[tilespmem:$0x1FF50] =	vst v1;
	v1 =	vor.u32 $0x406, v0  }
0x36: {  	s20 =	simm.s32 $0xD0;
	s21 =	simm.s32 $0x50;
	s22 =	simm.s32 $0x120;
	[tilespmem:$0x1FF60] =	vst v1;
	v1 =	vor.u32 $0x407, v0  }
0x37: {  	s23 =	simm.s32 $0x1520;
	s28 =	simm.s32 $0x3;
	s29 =	simm.s32 $0x5620;
	[tilespmem:$0x1FF70] =	vst v1;
	v1 =	vor.u32 $0x408, v0  }
0x38: {  	s30 =	simm.s32 $0x0;
	s11 =	sand.u32 $0x1, s9;
	s13 =	smul.u32 $0x2780, s4;
	[tilespmem:$0x1FF80] =	vst v1;
	v1 =	vor.u32 $0x409, v0  }
0x39: {  	s9 =	sadd.s32 $0x2800, s5;
	s10 =	sadd.s32 $0x16200, s5;
	s12 =	ssub.s32 $0x2, s11;
	[tilespmem:$0x1FF90] =	vst v1;
	v1 =	vor.u32 $0x40A, v0  }
0x3a: {  	s15 =	smul.u32 $0x27800, s11;
	s11 =	sshll.u32 s11, $0x4;
	s24 =	sshrl.u32 s12, $0x1;
	[tilespmem:$0x1FFA0] =	vst v1;
	v1 =	vor.u32 $0x40B, v0  }
0x3b: {  	s11 =	sor.u32 s4, s11;
	s26 =	sshrl.u32 s13, $0x3;
	s5 =	ssub.s32 s12, s24;
	[tilespmem:$0x1FFB0] =	vst v1;
	v1 =	vor.u32 $0x40C, v0  }
0x3c: {  	s25 =	sadd.s32 s13, s15;
	s11 =	smul.u32 $0x2710, s11;
	s31 =	sadd.s32 s8, s26;
	[tilespmem:$0x1FFC0] =	vst v1;
	v1 =	vor.u32 $0x40D, v0  }
0x3d: {  	s13 =	sadd.s32 s13, s6;
	s24 =	simm.s32 $0x2920;
	s26 =	simm.s32 $0x2;
	[tilespmem:$0x1FFD0] =	vst v1;
	v1 =	vor.u32 $0x40E, v0  }
0x3e: {  	s16 =	sshrl.u32 s25, $0x3;
	s15 =	smax.u32 s5, $0x1;
	s25 =	simm.s32 $0x1;
	v0 =	vor.u32 $0x40F, v0;
	[tilespmem:$0x1FFE0] =	vst v1  }
0x3f: {  	s14 =	sadd.s32 s14, s16;
	s16 =	simm.s32 $0x58A0;
	[dreg:$0xa] =	wrdreg s31;
	[tilespmem:$0x1FFF0] =	vst v0  }
.LBB2_1:
0x40: {  	s4 =	rddreg [dreg:$0xa]  }
0x41: {  	[tilespmem:s16], [sflag:$0x4] =	stream.linear.gather [hbm4b:s4+s7], $0x2780, $0x38;
	[tilespmem:$0xA7A0] =	vst v63  }
0x42: {  	_ =	swait.ge [sflag:s17], $0x2780  }
0x43: {  	[sflag:s17] =	ssyncset.done $0x0  }
0x44: {  	[sflag:s17] =	ssyncadd.s32 $0xFFFFD880  }
0x45: {  	[spmem:s13] =	stream.linear.scatter [tilespmem:s16], [sflag:$0x4], $0x2780, $0x38;
	[tilespmem:$0xA7A0] =	vst v63  }
0x46: {  	_ =	swait.ge [sflag:s17], $0x2780  }
0x47: {  	[sflag:s17] =	ssyncset.done $0x0  }
0x48: {  	[sflag:s17] =	ssyncadd.s32 $0xFFFFD880  }
0x49: {  	s12 =	rddreg [dreg:$0x5]  }
0x4a: {  	[tilespmem:s7], [sflag:$0x4] =	stream.linear.gather [hbm4b:s12+s7], $0x80, $0x38;
	[tilespmem:$0xA7A0] =	vst v63  }
0x4b: {  	_ =	swait.ge [sflag:s17], $0x80  }
0x4c: {  	v0 =	vld [tilespmem:$0x1FC40];
	_ =	sdelay $0x5  }
0x4d: {  	[sflag:s17] =	ssyncset.done $0x0  }
0x4e: {  	v1 =	vimm.f32 $0.0e+00;
	[sflag:s17] =	ssyncadd.s32 $0xFFFFFF80  }
0x4f: {  	[tilespmem:v0+s18+$0x0] =	vst.idx.msk $0xffff, v1;
	v0 =	vld [tilespmem:$0x1FC50];
	_ =	sdelay $0x7  }
0x50: {  	[tilespmem:v0+s18+$0x0] =	vst.idx.msk $0xffff, v1;
	v0 =	vld [tilespmem:$0x1FC60];
	_ =	sdelay $0x7  }
0x51: {  	[tilespmem:v0+s18+$0x0] =	vst.idx.msk $0xffff, v1;
	v0 =	vld [tilespmem:$0x1FC70];
	_ =	sdelay $0x7  }
0x52: {  	[tilespmem:v0+s18+$0x0] =	vst.idx.msk $0xffff, v1;
	v0 =	vld [tilespmem:$0x1FC80];
	_ =	sdelay $0x7  }
0x53: {  	[tilespmem:v0+s18+$0x0] =	vst.idx.msk $0xffff, v1;
	v0 =	vld [tilespmem:$0x1FC90];
	_ =	sdelay $0x7  }
0x54: {  	[tilespmem:v0+s18+$0x0] =	vst.idx.msk $0xffff, v1;
	v0 =	vld [tilespmem:$0x1FCA0];
	_ =	sdelay $0x7  }
0x55: {  	[tilespmem:v0+s18+$0x0] =	vst.idx.msk $0xffff, v1;
	v0 =	vld [tilespmem:$0x1FCB0];
	_ =	sdelay $0x7  }
0x56: {  	[tilespmem:v0+s18+$0x0] =	vst.idx.msk $0xffff, v1;
	v0 =	vld [tilespmem:$0x1FCC0];
	_ =	sdelay $0x7  }
0x57: {  	[tilespmem:v0+s18+$0x0] =	vst.idx.msk $0xffff, v1;
	v0 =	vld [tilespmem:$0x1FCD0];
	_ =	sdelay $0x7  }
0x58: {  	[tilespmem:v0+s18+$0x0] =	vst.idx.msk $0xffff, v1;
	v0 =	vld [tilespmem:$0x1FCE0];
	_ =	sdelay $0x7  }
0x59: {  	[tilespmem:v0+s18+$0x0] =	vst.idx.msk $0xffff, v1;
	v0 =	vld [tilespmem:$0x1FCF0];
	_ =	sdelay $0x7  }
0x5a: {  	[tilespmem:v0+s18+$0x0] =	vst.idx.msk $0xffff, v1;
	v0 =	vld [tilespmem:$0x1FD00];
	_ =	sdelay $0x7  }
0x5b: {  	[tilespmem:v0+s18+$0x0] =	vst.idx.msk $0xffff, v1;
	v0 =	vld [tilespmem:$0x1FD10];
	_ =	sdelay $0x7  }
0x5c: {  	[tilespmem:v0+s18+$0x0] =	vst.idx.msk $0xffff, v1;
	v0 =	vld [tilespmem:$0x1FD20];
	_ =	sdelay $0x7  }
0x5d: {  	[tilespmem:v0+s18+$0x0] =	vst.idx.msk $0xffff, v1;
	v0 =	vld [tilespmem:$0x1FD30];
	_ =	sdelay $0x7  }
0x5e: {  	[tilespmem:v0+s18+$0x0] =	vst.idx.msk $0xffff, v1;
	v0 =	vld [tilespmem:$0x1FD40];
	_ =	sdelay $0x7  }
0x5f: {  	[tilespmem:v0+s18+$0x0] =	vst.idx.msk $0xffff, v1;
	v0 =	vld [tilespmem:$0x1FD50];
	_ =	sdelay $0x7  }
0x60: {  	[tilespmem:v0+s18+$0x0] =	vst.idx.msk $0xffff, v1;
	v0 =	vld [tilespmem:$0x1FD60];
	_ =	sdelay $0x7  }
0x61: {  	[tilespmem:v0+s18+$0x0] =	vst.idx.msk $0xffff, v1;
	v0 =	vld [tilespmem:$0x1FD70];
	_ =	sdelay $0x7  }
0x62: {  	[tilespmem:v0+s18+$0x0] =	vst.idx.msk $0xffff, v1;
	v0 =	vld [tilespmem:$0x1FD80];
	_ =	sdelay $0x7  }
0x63: {  	[tilespmem:v0+s18+$0x0] =	vst.idx.msk $0xffff, v1;
	v0 =	vld [tilespmem:$0x1FD90];
	_ =	sdelay $0x7  }
0x64: {  	[tilespmem:v0+s18+$0x0] =	vst.idx.msk $0xffff, v1;
	v0 =	vld [tilespmem:$0x1FDA0];
	_ =	sdelay $0x7  }
0x65: {  	[tilespmem:v0+s18+$0x0] =	vst.idx.msk $0xffff, v1;
	v0 =	vld [tilespmem:$0x1FDB0];
	_ =	sdelay $0x7  }
0x66: {  	[tilespmem:v0+s18+$0x0] =	vst.idx.msk $0xffff, v1;
	v0 =	vld [tilespmem:$0x1FDC0];
	_ =	sdelay $0x7  }
0x67: {  	[tilespmem:v0+s18+$0x0] =	vst.idx.msk $0xffff, v1;
	v0 =	vld [tilespmem:$0x1FDD0];
	_ =	sdelay $0x7  }
0x68: {  	[tilespmem:v0+s18+$0x0] =	vst.idx.msk $0xffff, v1;
	v0 =	vld [tilespmem:$0x1FDE0];
	_ =	sdelay $0x7  }
0x69: {  	[tilespmem:v0+s18+$0x0] =	vst.idx.msk $0xffff, v1;
	v0 =	vld [tilespmem:$0x1FDF0];
	_ =	sdelay $0x7  }
0x6a: {  	[tilespmem:v0+s18+$0x0] =	vst.idx.msk $0xffff, v1;
	v0 =	vld [tilespmem:$0x1FE00];
	_ =	sdelay $0x7  }
0x6b: {  	[tilespmem:v0+s18+$0x0] =	vst.idx.msk $0xffff, v1;
	v0 =	vld [tilespmem:$0x1FE10];
	_ =	sdelay $0x7  }
0x6c: {  	[tilespmem:v0+s18+$0x0] =	vst.idx.msk $0xffff, v1;
	v0 =	vld [tilespmem:$0x1FE20];
	_ =	sdelay $0x7  }
0x6d: {  	[tilespmem:v0+s18+$0x0] =	vst.idx.msk $0xffff, v1;
	v0 =	vld [tilespmem:$0x1FE30];
	_ =	sdelay $0x7  }
0x6e: {  	[tilespmem:v0+s18+$0x0] =	vst.idx.msk $0xffff, v1;
	v0 =	vld [tilespmem:$0x1FE40];
	_ =	sdelay $0x7  }
0x6f: {  	[tilespmem:v0+s18+$0x0] =	vst.idx.msk $0xffff, v1;
	v0 =	vld [tilespmem:$0x1FE50];
	_ =	sdelay $0x7  }
0x70: {  	[tilespmem:v0+s18+$0x0] =	vst.idx.msk $0xffff, v1;
	v0 =	vld [tilespmem:$0x1FE60];
	_ =	sdelay $0x7  }
0x71: {  	[tilespmem:v0+s18+$0x0] =	vst.idx.msk $0xffff, v1;
	v0 =	vld [tilespmem:$0x1FE70];
	_ =	sdelay $0x7  }
0x72: {  	[tilespmem:v0+s18+$0x0] =	vst.idx.msk $0xffff, v1;
	v0 =	vld [tilespmem:$0x1FE80];
	_ =	sdelay $0x7  }
0x73: {  	[tilespmem:v0+s18+$0x0] =	vst.idx.msk $0xffff, v1;
	v0 =	vld [tilespmem:$0x1FE90];
	_ =	sdelay $0x7  }
0x74: {  	[tilespmem:v0+s18+$0x0] =	vst.idx.msk $0xffff, v1;
	v0 =	vld [tilespmem:$0x1FEA0];
	_ =	sdelay $0x7  }
0x75: {  	[tilespmem:v0+s18+$0x0] =	vst.idx.msk $0xffff, v1;
	v0 =	vld [tilespmem:$0x1FEB0];
	_ =	sdelay $0x7  }
0x76: {  	[tilespmem:v0+s18+$0x0] =	vst.idx.msk $0xffff, v1;
	v0 =	vld [tilespmem:$0x1FEC0];
	_ =	sdelay $0x7  }
0x77: {  	[tilespmem:v0+s18+$0x0] =	vst.idx.msk $0xffff, v1;
	v0 =	vld [tilespmem:$0x1FED0];
	_ =	sdelay $0x7  }
0x78: {  	[tilespmem:v0+s18+$0x0] =	vst.idx.msk $0xffff, v1;
	v0 =	vld [tilespmem:$0x1FEE0];
	_ =	sdelay $0x7  }
0x79: {  	[tilespmem:v0+s18+$0x0] =	vst.idx.msk $0xffff, v1;
	v0 =	vld [tilespmem:$0x1FEF0];
	_ =	sdelay $0x7  }
0x7a: {  	[tilespmem:v0+s18+$0x0] =	vst.idx.msk $0xffff, v1;
	v0 =	vld [tilespmem:$0x1FF00];
	_ =	sdelay $0x7  }
0x7b: {  	[tilespmem:v0+s18+$0x0] =	vst.idx.msk $0xffff, v1;
	v0 =	vld [tilespmem:$0x1FF10];
	_ =	sdelay $0x7  }
0x7c: {  	[tilespmem:v0+s18+$0x0] =	vst.idx.msk $0xffff, v1;
	v0 =	vld [tilespmem:$0x1FF20];
	_ =	sdelay $0x7  }
0x7d: {  	[tilespmem:v0+s18+$0x0] =	vst.idx.msk $0xffff, v1;
	v0 =	vld [tilespmem:$0x1FF30];
	_ =	sdelay $0x7  }
0x7e: {  	[tilespmem:v0+s18+$0x0] =	vst.idx.msk $0xffff, v1;
	v0 =	vld [tilespmem:$0x1FF40];
	_ =	sdelay $0x7  }
0x7f: {  	[tilespmem:v0+s18+$0x0] =	vst.idx.msk $0xffff, v1;
	v0 =	vld [tilespmem:$0x1FF50];
	_ =	sdelay $0x7  }
0x80: {  	[tilespmem:v0+s18+$0x0] =	vst.idx.msk $0xffff, v1;
	v0 =	vld [tilespmem:$0x1FF60];
	_ =	sdelay $0x7  }
0x81: {  	[tilespmem:v0+s18+$0x0] =	vst.idx.msk $0xffff, v1;
	v0 =	vld [tilespmem:$0x1FF70];
	_ =	sdelay $0x7  }
0x82: {  	[tilespmem:v0+s18+$0x0] =	vst.idx.msk $0xffff, v1;
	v0 =	vld [tilespmem:$0x1FF80];
	_ =	sdelay $0x7  }
0x83: {  	[tilespmem:v0+s18+$0x0] =	vst.idx.msk $0xffff, v1;
	v0 =	vld [tilespmem:$0x1FF90];
	_ =	sdelay $0x7  }
0x84: {  	[tilespmem:v0+s18+$0x0] =	vst.idx.msk $0xffff, v1;
	v0 =	vld [tilespmem:$0x1FFA0];
	_ =	sdelay $0x7  }
0x85: {  	[tilespmem:v0+s18+$0x0] =	vst.idx.msk $0xffff, v1;
	v0 =	vld [tilespmem:$0x1FFB0];
	_ =	sdelay $0x7  }
0x86: {  	[tilespmem:v0+s18+$0x0] =	vst.idx.msk $0xffff, v1;
	v0 =	vld [tilespmem:$0x1FFC0];
	_ =	sdelay $0x7  }
0x87: {  	[tilespmem:v0+s18+$0x0] =	vst.idx.msk $0xffff, v1;
	v0 =	vld [tilespmem:$0x1FFD0];
	_ =	sdelay $0x7  }
0x88: {  	[tilespmem:v0+s18+$0x0] =	vst.idx.msk $0xffff, v1;
	v0 =	vld [tilespmem:$0x1FFE0];
	_ =	sdelay $0x7  }
0x89: {  	[tilespmem:v0+s18+$0x0] =	vst.idx.msk $0xffff, v1;
	v0 =	vld [tilespmem:$0x1FFF0];
	_ =	sdelay $0x7  }
0x8a: {  	[tilespmem:v0+s18+$0x0] =	vst.idx.msk $0xffff, v1  }
0x8b: {  	s31 =	simm.s32 $0x0;
	[bflag:$0x0] =	sbarrier.arrive $0xFFFF  }
.LBB2_2:
0x8c: {  	s5 =	smul.u32 $0x50, s31;
	_ =	sdelay $0x1  }
0x8d: {  	s5 =	sadd.s32 s11, s5  }
0x8e: {  	s4 =	sshrl.u32 s5, $0x3  }
0x8f: {  	s8 =	simm.s32 $0x0;
	s12 =	sadd.s32 s2, s4  }
0x90: {  	[tilespmem:s19], [sflag:$0x4] =	stream.linear.gather [hbm4b:s12+s8], $0x50, $0x38;
	[tilespmem:$0xA7A0] =	vst v63  }
0x91: {  	_ =	swait.ge [sflag:s17], $0x50  }
0x92: {  	[sflag:s17] =	ssyncset.done $0x0  }
0x93: {  	s4 =	sadd.s32 s3, s4;
	[sflag:s17] =	ssyncadd.s32 $0xFFFFFFB0  }
0x94: {  	[tilespmem:s20], [sflag:$0x4] =	stream.linear.gather [hbm4b:s4+s8], $0x50, $0x38;
	[tilespmem:$0xA7A0] =	vst v63  }
0x95: {  	_ =	swait.ge [sflag:s17], $0x50  }
0x96: {  	[sflag:s17] =	ssyncset.done $0x0  }
0x97: {  	[sflag:s17] =	ssyncadd.s32 $0xFFFFFFB0  }
0x98: {  	[tilespmem:s22], [sflag:$0x1] =	stream.indirect.gather [hbm4b:s9+s21], $0x40, s19, s21, $0xb8;
	[tilespmem:$0xA7A0] =	vst v63  }
0x99: {  	_ = 	snop  }
0x9a: {  	[tilespmem:s23], [sflag:$0x2] =	stream.indirect.gather [hbm4b:s0+s21], $0x40, s19, s21, $0xb8;
	[tilespmem:$0xA7A0] =	vst v63  }
0x9b: {  	_ = 	snop  }
0x9c: {  	[tilespmem:s24], [sflag:$0x3] =	stream.indirect.gather [hbm4b:s1+s21], $0x80, s20, s21, $0xb8;
	[tilespmem:$0xA7A0] =	vst v63  }
0x9d: {  	_ =	swait.ge [sflag:s25], $0x1400  }
0x9e: {  	[sflag:s25] =	ssyncset.done $0x0  }
0x9f: {  	[sflag:s25] =	ssyncadd.s32 $0xFFFFEC00  }
0xa0: {  	_ =	swait.ge [sflag:s26], $0x1400  }
0xa1: {  	[sflag:s26] =	ssyncset.done $0x0  }
0xa2: {  	[sflag:s26] =	ssyncadd.s32 $0xFFFFEC00  }
0xa3: {  	_ =	swait.ge [sflag:s28], $0x2800  }
0xa4: {  	[sflag:s28] =	ssyncset.done $0x0  }
0xa5: {  	[sflag:s28] =	ssyncadd.s32 $0xFFFFD800  }
0xa6: {  	v0 =	vld [tilespmem:$0x0];
	_ =	sdelay $0x4  }
0xa7: {  	v3 =	vbroadcast v0, $0x6  }
0xa8: {  	v1 =	vbroadcast v0, $0x0  }
0xa9: {  	[tilespmem:$0x1F4A0] =	vst v3;
	v3 =	vbroadcast v0, $0x7  }
0xaa: {  	[tilespmem:$0x1F440] =	vst v1;
	v1 =	vbroadcast v0, $0x1  }
0xab: {  	[tilespmem:$0x1F4B0] =	vst v3;
	v3 =	vbroadcast v0, $0x8  }
0xac: {  	[tilespmem:$0x1F450] =	vst v1;
	v1 =	vbroadcast v0, $0x2  }
0xad: {  	[tilespmem:$0x1F4C0] =	vst v3;
	v3 =	vbroadcast v0, $0x9  }
0xae: {  	[tilespmem:$0x1F460] =	vst v1;
	v1 =	vbroadcast v0, $0x3  }
0xaf: {  	[tilespmem:$0x1F4D0] =	vst v3;
	v3 =	vbroadcast v0, $0xA  }
0xb0: {  	[tilespmem:$0x1F470] =	vst v1;
	v1 =	vbroadcast v0, $0x4  }
0xb1: {  	[tilespmem:$0x1F4E0] =	vst v3;
	v3 =	vbroadcast v0, $0xB  }
0xb2: {  	[tilespmem:$0x1F480] =	vst v1;
	v1 =	vbroadcast v0, $0x5  }
0xb3: {  	[tilespmem:$0x1F4F0] =	vst v3;
	v3 =	vbroadcast v0, $0xC  }
0xb4: {  	[tilespmem:$0x1F490] =	vst v1;
	v1 =	vld [tilespmem:$0x10]  }
0xb5: {  	[tilespmem:$0x1F500] =	vst v3;
	v3 =	vbroadcast v0, $0xD;
	_ =	sdelay $0x1  }
0xb6: {  	[tilespmem:$0x1F510] =	vst v3;
	v3 =	vbroadcast v0, $0xE  }
0xb7: {  	v0 =	vbroadcast v0, $0xF  }
0xb8: {  	[tilespmem:$0x1F520] =	vst v3;
	v3 =	vbroadcast v1, $0x6  }
0xb9: {  	[tilespmem:$0x1F530] =	vst v0;
	v0 =	vbroadcast v1, $0x0  }
0xba: {  	[tilespmem:$0x1F5A0] =	vst v3;
	v3 =	vbroadcast v1, $0x7  }
0xbb: {  	[tilespmem:$0x1F540] =	vst v0;
	v0 =	vbroadcast v1, $0x1  }
0xbc: {  	[tilespmem:$0x1F5B0] =	vst v3;
	v3 =	vbroadcast v1, $0x8  }
0xbd: {  	[tilespmem:$0x1F550] =	vst v0;
	v0 =	vbroadcast v1, $0x2  }
0xbe: {  	[tilespmem:$0x1F5C0] =	vst v3;
	v3 =	vbroadcast v1, $0x9  }
0xbf: {  	[tilespmem:$0x1F560] =	vst v0;
	v0 =	vbroadcast v1, $0x3  }
0xc0: {  	[tilespmem:$0x1F5D0] =	vst v3;
	v3 =	vbroadcast v1, $0xA  }
0xc1: {  	[tilespmem:$0x1F570] =	vst v0;
	v0 =	vbroadcast v1, $0x4  }
0xc2: {  	[tilespmem:$0x1F5E0] =	vst v3;
	v3 =	vbroadcast v1, $0xB  }
0xc3: {  	[tilespmem:$0x1F580] =	vst v0;
	v0 =	vbroadcast v1, $0x5  }
0xc4: {  	[tilespmem:$0x1F5F0] =	vst v3;
	v3 =	vbroadcast v1, $0xC  }
0xc5: {  	[tilespmem:$0x1F590] =	vst v0;
	v0 =	vld [tilespmem:$0x20]  }
0xc6: {  	[tilespmem:$0x1F600] =	vst v3;
	v3 =	vbroadcast v1, $0xD;
	_ =	sdelay $0x1  }
0xc7: {  	[tilespmem:$0x1F610] =	vst v3;
	v3 =	vbroadcast v1, $0xE  }
0xc8: {  	v1 =	vbroadcast v1, $0xF  }
0xc9: {  	[tilespmem:$0x1F620] =	vst v3;
	v3 =	vbroadcast v0, $0x6  }
0xca: {  	[tilespmem:$0x1F630] =	vst v1;
	v1 =	vbroadcast v0, $0x0  }
0xcb: {  	[tilespmem:$0x1F6A0] =	vst v3;
	v3 =	vbroadcast v0, $0x7  }
0xcc: {  	[tilespmem:$0x1F640] =	vst v1;
	v1 =	vbroadcast v0, $0x1  }
0xcd: {  	[tilespmem:$0x1F6B0] =	vst v3;
	v3 =	vbroadcast v0, $0x8  }
0xce: {  	[tilespmem:$0x1F650] =	vst v1;
	v1 =	vbroadcast v0, $0x2  }
0xcf: {  	[tilespmem:$0x1F6C0] =	vst v3;
	v3 =	vbroadcast v0, $0x9  }
0xd0: {  	[tilespmem:$0x1F660] =	vst v1;
	v1 =	vbroadcast v0, $0x3  }
0xd1: {  	[tilespmem:$0x1F6D0] =	vst v3;
	v3 =	vbroadcast v0, $0xA  }
0xd2: {  	[tilespmem:$0x1F670] =	vst v1;
	v1 =	vbroadcast v0, $0x4  }
0xd3: {  	[tilespmem:$0x1F6E0] =	vst v3;
	v3 =	vbroadcast v0, $0xB  }
0xd4: {  	[tilespmem:$0x1F680] =	vst v1;
	v1 =	vbroadcast v0, $0x5  }
0xd5: {  	[tilespmem:$0x1F6F0] =	vst v3;
	v3 =	vbroadcast v0, $0xC  }
0xd6: {  	[tilespmem:$0x1F690] =	vst v1;
	v1 =	vld [tilespmem:$0x30]  }
0xd7: {  	[tilespmem:$0x1F700] =	vst v3;
	v3 =	vbroadcast v0, $0xD;
	_ =	sdelay $0x1  }
0xd8: {  	[tilespmem:$0x1F710] =	vst v3;
	v3 =	vbroadcast v0, $0xE  }
0xd9: {  	v0 =	vbroadcast v0, $0xF  }
0xda: {  	[tilespmem:$0x1F720] =	vst v3;
	v3 =	vbroadcast v1, $0x6  }
0xdb: {  	[tilespmem:$0x1F730] =	vst v0;
	v0 =	vbroadcast v1, $0x0  }
0xdc: {  	[tilespmem:$0x1F7A0] =	vst v3;
	v3 =	vbroadcast v1, $0x7  }
0xdd: {  	[tilespmem:$0x1F740] =	vst v0;
	v0 =	vbroadcast v1, $0x1  }
0xde: {  	[tilespmem:$0x1F7B0] =	vst v3;
	v3 =	vbroadcast v1, $0x8  }
0xdf: {  	[tilespmem:$0x1F750] =	vst v0;
	v0 =	vbroadcast v1, $0x2  }
0xe0: {  	[tilespmem:$0x1F7C0] =	vst v3;
	v3 =	vbroadcast v1, $0x9  }
0xe1: {  	[tilespmem:$0x1F760] =	vst v0;
	v0 =	vbroadcast v1, $0x3  }
0xe2: {  	[tilespmem:$0x1F7D0] =	vst v3;
	v3 =	vbroadcast v1, $0xA  }
0xe3: {  	[tilespmem:$0x1F770] =	vst v0;
	v0 =	vbroadcast v1, $0x4  }
0xe4: {  	[tilespmem:$0x1F7E0] =	vst v3;
	v3 =	vbroadcast v1, $0xB  }
0xe5: {  	[tilespmem:$0x1F780] =	vst v0;
	v0 =	vbroadcast v1, $0x5  }
0xe6: {  	[tilespmem:$0x1F7F0] =	vst v3;
	v3 =	vbroadcast v1, $0xC  }
0xe7: {  	[tilespmem:$0x1F790] =	vst v0;
	v0 =	vld [tilespmem:$0x40]  }
0xe8: {  	[tilespmem:$0x1F800] =	vst v3;
	v3 =	vbroadcast v1, $0xD;
	_ =	sdelay $0x1  }
0xe9: {  	[tilespmem:$0x1F810] =	vst v3;
	v3 =	vbroadcast v1, $0xE  }
0xea: {  	v1 =	vbroadcast v1, $0xF  }
0xeb: {  	[tilespmem:$0x1F820] =	vst v3;
	v3 =	vbroadcast v0, $0x6  }
0xec: {  	[tilespmem:$0x1F830] =	vst v1;
	v1 =	vbroadcast v0, $0x0  }
0xed: {  	[tilespmem:$0x1F8A0] =	vst v3;
	v3 =	vbroadcast v0, $0x7  }
0xee: {  	[tilespmem:$0x1F840] =	vst v1;
	v1 =	vbroadcast v0, $0x1  }
0xef: {  	[tilespmem:$0x1F8B0] =	vst v3;
	v3 =	vbroadcast v0, $0x8  }
0xf0: {  	[tilespmem:$0x1F850] =	vst v1;
	v1 =	vbroadcast v0, $0x2  }
0xf1: {  	[tilespmem:$0x1F8C0] =	vst v3;
	v3 =	vbroadcast v0, $0x9  }
0xf2: {  	[tilespmem:$0x1F860] =	vst v1;
	v1 =	vbroadcast v0, $0x3  }
0xf3: {  	[tilespmem:$0x1F8D0] =	vst v3;
	v3 =	vbroadcast v0, $0xA  }
0xf4: {  	[tilespmem:$0x1F870] =	vst v1;
	v1 =	vbroadcast v0, $0x4  }
0xf5: {  	[tilespmem:$0x1F8E0] =	vst v3;
	v3 =	vbroadcast v0, $0xB  }
0xf6: {  	[tilespmem:$0x1F880] =	vst v1;
	v1 =	vbroadcast v0, $0x5  }
0xf7: {  	[tilespmem:$0x1F8F0] =	vst v3;
	v3 =	vbroadcast v0, $0xC  }
0xf8: {  	[tilespmem:$0x1F890] =	vst v1;
	v1 =	vld [tilespmem:$0x50]  }
0xf9: {  	[tilespmem:$0x1F900] =	vst v3;
	v3 =	vbroadcast v0, $0xD;
	_ =	sdelay $0x1  }
0xfa: {  	[tilespmem:$0x1F910] =	vst v3;
	v3 =	vbroadcast v0, $0xE  }
0xfb: {  	v0 =	vbroadcast v0, $0xF  }
0xfc: {  	[tilespmem:$0x1F920] =	vst v3;
	v3 =	vbroadcast v1, $0x6  }
0xfd: {  	[tilespmem:$0x1F930] =	vst v0;
	v0 =	vbroadcast v1, $0x0  }
0xfe: {  	[tilespmem:$0x1F9A0] =	vst v3;
	v3 =	vbroadcast v1, $0x7  }
0xff: {  	[tilespmem:$0x1F940] =	vst v0;
	v0 =	vbroadcast v1, $0x1  }
0x100: {  	[tilespmem:$0x1F9B0] =	vst v3;
	v3 =	vbroadcast v1, $0x8  }
0x101: {  	[tilespmem:$0x1F950] =	vst v0;
	v0 =	vbroadcast v1, $0x2  }
0x102: {  	[tilespmem:$0x1F9C0] =	vst v3;
	v3 =	vbroadcast v1, $0x9  }
0x103: {  	[tilespmem:$0x1F960] =	vst v0;
	v0 =	vbroadcast v1, $0x3  }
0x104: {  	[tilespmem:$0x1F9D0] =	vst v3;
	v3 =	vbroadcast v1, $0xA  }
0x105: {  	[tilespmem:$0x1F970] =	vst v0;
	v0 =	vbroadcast v1, $0x4  }
0x106: {  	[tilespmem:$0x1F9E0] =	vst v3;
	v3 =	vbroadcast v1, $0xB  }
0x107: {  	[tilespmem:$0x1F980] =	vst v0;
	v0 =	vbroadcast v1, $0x5  }
0x108: {  	[tilespmem:$0x1F9F0] =	vst v3;
	v3 =	vbroadcast v1, $0xC  }
0x109: {  	[tilespmem:$0x1F990] =	vst v0;
	v0 =	vld [tilespmem:$0x60]  }
0x10a: {  	[tilespmem:$0x1FA00] =	vst v3;
	v3 =	vbroadcast v1, $0xD;
	_ =	sdelay $0x1  }
0x10b: {  	[tilespmem:$0x1FA10] =	vst v3;
	v3 =	vbroadcast v1, $0xE  }
0x10c: {  	v1 =	vbroadcast v1, $0xF  }
0x10d: {  	[tilespmem:$0x1FA20] =	vst v3;
	v3 =	vbroadcast v0, $0x6  }
0x10e: {  	[tilespmem:$0x1FA30] =	vst v1;
	v1 =	vbroadcast v0, $0x0  }
0x10f: {  	[tilespmem:$0x1FAA0] =	vst v3;
	v3 =	vbroadcast v0, $0x7  }
0x110: {  	[tilespmem:$0x1FA40] =	vst v1;
	v1 =	vbroadcast v0, $0x1  }
0x111: {  	[tilespmem:$0x1FAB0] =	vst v3;
	v3 =	vbroadcast v0, $0x8  }
0x112: {  	[tilespmem:$0x1FA50] =	vst v1;
	v1 =	vbroadcast v0, $0x2  }
0x113: {  	[tilespmem:$0x1FAC0] =	vst v3;
	v3 =	vbroadcast v0, $0x9  }
0x114: {  	[tilespmem:$0x1FA60] =	vst v1;
	v1 =	vbroadcast v0, $0x3  }
0x115: {  	[tilespmem:$0x1FAD0] =	vst v3;
	v3 =	vbroadcast v0, $0xA  }
0x116: {  	[tilespmem:$0x1FA70] =	vst v1;
	v1 =	vbroadcast v0, $0x4  }
0x117: {  	[tilespmem:$0x1FAE0] =	vst v3;
	v3 =	vbroadcast v0, $0xB  }
0x118: {  	[tilespmem:$0x1FA80] =	vst v1;
	v1 =	vbroadcast v0, $0x5  }
0x119: {  	[tilespmem:$0x1FAF0] =	vst v3;
	v3 =	vbroadcast v0, $0xC  }
0x11a: {  	[tilespmem:$0x1FA90] =	vst v1;
	v1 =	vld [tilespmem:$0x70]  }
0x11b: {  	[tilespmem:$0x1FB00] =	vst v3;
	v3 =	vbroadcast v0, $0xD;
	_ =	sdelay $0x1  }
0x11c: {  	[tilespmem:$0x1FB10] =	vst v3;
	v3 =	vbroadcast v0, $0xE;
	v0 =	vbroadcast v0, $0xF;
	_ =	sdelay $0x1  }
0x11d: {  	[tilespmem:$0x1FB30] =	vst v0;
	v0 =	vbroadcast v1, $0x0;
	_ =	sdelay $0x1  }
0x11e: {  	[tilespmem:$0x1FB40] =	vst v0;
	v0 =	vbroadcast v1, $0x1;
	_ =	sdelay $0x1  }
0x11f: {  	[tilespmem:$0x1FB50] =	vst v0;
	v0 =	vbroadcast v1, $0x2;
	_ =	sdelay $0x1  }
0x120: {  	[tilespmem:$0x1FB60] =	vst v0;
	v0 =	vbroadcast v1, $0x3;
	_ =	sdelay $0x1  }
0x121: {  	[tilespmem:$0x1FB70] =	vst v0;
	v0 =	vbroadcast v1, $0x4;
	_ =	sdelay $0x1  }
0x122: {  	[tilespmem:$0x1FB80] =	vst v0;
	v0 =	vbroadcast v1, $0x5;
	_ =	sdelay $0x1  }
0x123: {  	[tilespmem:$0x1FB90] =	vst v0;
	v0 =	vbroadcast v1, $0x6;
	_ =	sdelay $0x1  }
0x124: {  	[tilespmem:$0x1FBA0] =	vst v0;
	v0 =	vbroadcast v1, $0x7;
	_ =	sdelay $0x1  }
0x125: {  	[tilespmem:$0x1FBB0] =	vst v0;
	v0 =	vbroadcast v1, $0x8;
	_ =	sdelay $0x1  }
0x126: {  	[tilespmem:$0x1FBC0] =	vst v0;
	v0 =	vbroadcast v1, $0x9;
	_ =	sdelay $0x1  }
0x127: {  	[tilespmem:$0x1FBD0] =	vst v0;
	v0 =	vbroadcast v1, $0xA;
	_ =	sdelay $0x1  }
0x128: {  	[tilespmem:$0x1FBE0] =	vst v0;
	v0 =	vbroadcast v1, $0xB;
	_ =	sdelay $0x1  }
0x129: {  	[tilespmem:$0x1FBF0] =	vst v0;
	v0 =	vbroadcast v1, $0xC;
	_ =	sdelay $0x1  }
0x12a: {  	[tilespmem:$0x1FC00] =	vst v0;
	v0 =	vbroadcast v1, $0xD;
	_ =	sdelay $0x1  }
0x12b: {  	[tilespmem:$0x1FC10] =	vst v0;
	v0 =	vbroadcast v1, $0xE;
	_ =	sdelay $0x1  }
0x12c: {  	[tilespmem:$0x1FC20] =	vst v0;
	v0 =	vbroadcast v1, $0xF  }
0x12d: {  	[tilespmem:$0x1FB20] =	vst v3  }
0x12e: {  	[tilespmem:$0x1FC30] =	vst v0  }
.LBB2_3:
0x12f: {  	v0 =	vor.u32 s8, v2  }
0x130: {  	v35 =	vshll.u32 v0, $0x6  }
0x131: {  	v63 =	vshll.u32 v0, $0x7  }
0x132: {  	v33 =	vor.u32 $0x1, v35  }
0x133: {  	[tilespmem:$0x1F430] =	vst v0;
	v0 =	vor.u32 $0x1, v63;
	_ =	sdelay $0x1  }
0x134: {  	v1 =	vld.idx.msk [tilespmem:v35+s22+$0x0], $0xffff  }
0x135: {  	v2 =	vld.idx.msk [tilespmem:v63+s24+$0x0], $0xffff  }
0x136: {  	v4 =	vld.idx.msk [tilespmem:v33+s22+$0x0], $0xffff  }
0x137: {  	v0 =	vld.idx.msk [tilespmem:v0+s24+$0x0], $0xffff  }
0x138: {  	v21 =	vor.u32 $0x2, v35  }
0x139: {  	v3 =	vor.u32 $0x2, v63  }
0x13a: {  	v53 =	vld [tilespmem:$0x1F440];
	v1 =	vadd.f32 v2, v1;
	_ =	sdelay $0x1  }
0x13b: {  	v57 =	vld [tilespmem:$0x1F450];
	v0 =	vadd.f32 v0, v4;
	v51 =	vmul.f32 $2.000000030e-01, v1  }
0x13c: {  	v6 =	vld.idx.msk [tilespmem:v21+s22+$0x0], $0xffff  }
0x13d: {  	v2 =	vld.idx.msk [tilespmem:v3+s24+$0x0], $0xffff;
	v12 =	vmul.f32 $2.000000030e-01, v0;
	v1 =	vmax.f32 v1, v51  }
0x13e: {  	v8 =	vor.u32 $0x3, v35;
	v1 =	vmul.f32 v1, v53  }
0x13f: {  	v5 =	vor.u32 $0x3, v63;
	v0 =	vmax.f32 v0, v12  }
0x140: {  	v0 =	vmul.f32 v0, v57;
	v1 =	vadd.f32 $0.0e+00, v1;
	_ =	sdelay $0x1  }
0x141: {  	v2 =	vadd.f32 v2, v6;
	v0 =	vadd.f32 v0, v1;
	v1 =	vld [tilespmem:$0x1F460]  }
0x142: {  	v9 =	vld.idx.msk [tilespmem:v8+s22+$0x0], $0xffff  }
0x143: {  	v5 =	vld.idx.msk [tilespmem:v5+s24+$0x0], $0xffff;
	v56 =	vmul.f32 $2.000000030e-01, v2  }
0x144: {  	v7 =	vor.u32 $0x4, v35  }
0x145: {  	v3 =	vor.u32 $0x4, v63;
	v2 =	vmax.f32 v2, v56  }
0x146: {  	v1 =	vmul.f32 v2, v1;
	_ =	sdelay $0x1  }
0x147: {  	v5 =	vadd.f32 v5, v9;
	v0 =	vadd.f32 v1, v0;
	v1 =	vld [tilespmem:$0x1F470]  }
0x148: {  	v52 =	vld.idx.msk [tilespmem:v7+s22+$0x0], $0xffff  }
0x149: {  	v17 =	vmul.f32 $2.000000030e-01, v5;
	v3 =	vld.idx.msk [tilespmem:v3+s24+$0x0], $0xffff  }
0x14a: {  	v11 =	vor.u32 $0x5, v35  }
0x14b: {  	v10 =	vor.u32 $0x5, v63;
	v2 =	vmax.f32 v5, v17  }
0x14c: {  	v1 =	vmul.f32 v2, v1;
	_ =	sdelay $0x1  }
0x14d: {  	v54 =	vor.u32 $0x6, v35;
	v3 =	vadd.f32 v3, v52;
	v0 =	vadd.f32 v1, v0;
	v1 =	vld [tilespmem:$0x1F480]  }
0x14e: {  	v14 =	vor.u32 $0x6, v63;
	v13 =	vld.idx.msk [tilespmem:v11+s22+$0x0], $0xffff  }
0x14f: {  	v10 =	vld.idx.msk [tilespmem:v10+s24+$0x0], $0xffff;
	v61 =	vmul.f32 $2.000000030e-01, v3  }
0x150: {  	v55 =	vor.u32 $0x7, v35  }
0x151: {  	v16 =	vor.u32 $0x7, v63;
	v3 =	vmax.f32 v3, v61  }
0x152: {  	v59 =	vld.idx.msk [tilespmem:v54+s22+$0x0], $0xffff;
	v1 =	vmul.f32 v3, v1  }
0x153: {  	v60 =	vld.idx.msk [tilespmem:v14+s24+$0x0], $0xffff  }
0x154: {  	v13 =	vadd.f32 v10, v13;
	v0 =	vadd.f32 v1, v0;
	v1 =	vld [tilespmem:$0x1F490]  }
0x155: {  	v62 =	vld.idx.msk [tilespmem:v55+s22+$0x0], $0xffff  }
0x156: {  	v25 =	vmul.f32 $2.000000030e-01, v13;
	v2 =	vld.idx.msk [tilespmem:v16+s24+$0x0], $0xffff  }
0x157: {  	v58 =	vor.u32 $0x8, v35  }
0x158: {  	v18 =	vor.u32 $0x8, v63;
	v13 =	vmax.f32 v13, v25  }
0x159: {  	v34 =	vld [tilespmem:$0x1F4A0];
	v4 =	vadd.f32 v60, v59;
	v1 =	vmul.f32 v13, v1;
	_ =	sdelay $0x1  }
0x15a: {  	v40 =	vld [tilespmem:$0x1F4B0];
	v20 =	vmul.f32 $2.000000030e-01, v4;
	v0 =	vadd.f32 v1, v0;
	v1 =	vadd.f32 v2, v62  }
0x15b: {  	v19 =	vld.idx.msk [tilespmem:v58+s22+$0x0], $0xffff  }
0x15c: {  	v4 =	vmax.f32 v4, v20;
	v3 =	vld.idx.msk [tilespmem:v18+s24+$0x0], $0xffff;
	v36 =	vmul.f32 $2.000000030e-01, v1  }
0x15d: {  	v23 =	vor.u32 $0x9, v35;
	v4 =	vmul.f32 v4, v34  }
0x15e: {  	v24 =	vor.u32 $0x9, v63;
	v1 =	vmax.f32 v1, v36  }
0x15f: {  	v0 =	vadd.f32 v4, v0;
	v1 =	vmul.f32 v1, v40;
	_ =	sdelay $0x1  }
0x160: {  	v3 =	vadd.f32 v3, v19;
	v0 =	vadd.f32 v1, v0;
	v1 =	vld [tilespmem:$0x1F4C0]  }
0x161: {  	v28 =	vld.idx.msk [tilespmem:v23+s22+$0x0], $0xffff  }
0x162: {  	[tilespmem:$0x1F370] =	vst v23;
	v17 =	vld.idx.msk [tilespmem:v24+s24+$0x0], $0xffff;
	v23 =	vmul.f32 $2.000000030e-01, v3  }
0x163: {  	v27 =	vor.u32 $0xA, v63  }
0x164: {  	v26 =	vor.u32 $0xA, v35;
	v3 =	vmax.f32 v3, v23  }
0x165: {  	v22 =	vor.u32 $0xB, v63;
	v1 =	vmul.f32 v3, v1  }
0x166: {  	v30 =	vor.u32 $0xC, v35  }
0x167: {  	v29 =	vor.u32 $0xB, v35;
	v38 =	vadd.f32 v17, v28;
	v0 =	vadd.f32 v1, v0;
	v1 =	vld [tilespmem:$0x1F4D0]  }
0x168: {  	v32 =	vor.u32 $0xC, v63;
	v31 =	vld.idx.msk [tilespmem:v27+s24+$0x0], $0xffff  }
0x169: {  	v43 =	vmul.f32 $2.000000030e-01, v38;
	v2 =	vld.idx.msk [tilespmem:v26+s22+$0x0], $0xffff  }
0x16a: {  	v39 =	vld.idx.msk [tilespmem:v22+s24+$0x0], $0xffff;
	v25 =	vor.u32 $0xD, v63  }
0x16b: {  	v37 =	vor.u32 $0xD, v35;
	v41 =	vld.idx.msk [tilespmem:v30+s22+$0x0], $0xffff;
	v4 =	vmax.f32 v38, v43  }
0x16c: {  	v24 =	vld.idx.msk [tilespmem:v29+s22+$0x0], $0xffff;
	v1 =	vmul.f32 v4, v1  }
0x16d: {  	v44 =	vld.idx.msk [tilespmem:v32+s24+$0x0], $0xffff  }
0x16e: {  	v2 =	vadd.f32 v31, v2;
	v0 =	vadd.f32 v1, v0;
	v1 =	vld [tilespmem:$0x1F4E0]  }
0x16f: {  	v25 =	vld.idx.msk [tilespmem:v25+s24+$0x0], $0xffff  }
0x170: {  	v47 =	vmul.f32 $2.000000030e-01, v2;
	v3 =	vld.idx.msk [tilespmem:v37+s22+$0x0], $0xffff  }
0x171: {  	v42 =	vor.u32 $0xE, v35;
	[tilespmem:$0x1F340] =	vst v54;
	v54 =	vld [tilespmem:$0x1F4F0];
	v48 =	vadd.f32 v39, v24  }
0x172: {  	v45 =	vor.u32 $0xE, v63;
	v51 =	vadd.f32 v44, v41;
	v2 =	vmax.f32 v2, v47  }
0x173: {  	[tilespmem:$0x1F360] =	vst v58;
	v58 =	vld [tilespmem:$0x1F500];
	v50 =	vmul.f32 $2.000000030e-01, v48;
	v1 =	vmul.f32 v2, v1  }
0x174: {  	v52 =	vmul.f32 $2.000000030e-01, v51  }
0x175: {  	[tilespmem:$0x1F310] =	vst v8;
	v8 =	vld [tilespmem:$0x1F510];
	v4 =	vmax.f32 v48, v50;
	v0 =	vadd.f32 v1, v0;
	v1 =	vadd.f32 v25, v3  }
0x176: {  	v49 =	vld.idx.msk [tilespmem:v42+s22+$0x0], $0xffff;
	v4 =	vmul.f32 v4, v54  }
0x177: {  	[tilespmem:$0x1F350] =	vst v55;
	v20 =	vmax.f32 v51, v52;
	v2 =	vld.idx.msk [tilespmem:v45+s24+$0x0], $0xffff;
	v55 =	vmul.f32 $2.000000030e-01, v1  }
0x178: {  	v46 =	vor.u32 $0xF, v35;
	v0 =	vadd.f32 v4, v0;
	v4 =	vmul.f32 v20, v58  }
0x179: {  	[tilespmem:$0x1F380] =	vst v26;
	v26 =	vor.u32 $0xF, v63;
	v1 =	vmax.f32 v1, v55  }
0x17a: {  	v0 =	vadd.f32 v4, v0;
	v1 =	vmul.f32 v1, v8;
	_ =	sdelay $0x1  }
0x17b: {  	v22 =	vor.u32 $0x10, v35;
	v2 =	vadd.f32 v2, v49;
	v0 =	vadd.f32 v1, v0;
	v1 =	vld [tilespmem:$0x1F520]  }
0x17c: {  	v27 =	vld.idx.msk [tilespmem:v46+s22+$0x0], $0xffff;
	v28 =	vor.u32 $0x10, v63  }
0x17d: {  	v3 =	vld.idx.msk [tilespmem:v26+s24+$0x0], $0xffff;
	v60 =	vmul.f32 $2.000000030e-01, v2  }
0x17e: {  	v53 =	vor.u32 $0x11, v63  }
0x17f: {  	v23 =	vor.u32 $0x11, v35;
	v2 =	vmax.f32 v2, v60  }
0x180: {  	v56 =	vld.idx.msk [tilespmem:v22+s22+$0x0], $0xffff;
	v1 =	vmul.f32 v2, v1  }
0x181: {  	v59 =	vld.idx.msk [tilespmem:v28+s24+$0x0], $0xffff  }
0x182: {  	v3 =	vadd.f32 v3, v27;
	v0 =	vadd.f32 v1, v0;
	v1 =	vld [tilespmem:$0x1F530]  }
0x183: {  	v9 =	vld.idx.msk [tilespmem:v53+s24+$0x0], $0xffff  }
0x184: {  	v61 =	vld.idx.msk [tilespmem:v23+s22+$0x0], $0xffff;
	v10 =	vmul.f32 $2.000000030e-01, v3  }
0x185: {  	v62 =	vor.u32 $0x12, v35  }
0x186: {  	v57 =	vor.u32 $0x12, v63;
	v3 =	vmax.f32 v3, v10  }
0x187: {  	v15 =	vld [tilespmem:$0x1F540];
	v5 =	vadd.f32 v59, v56;
	v1 =	vmul.f32 v3, v1;
	_ =	sdelay $0x1  }
0x188: {  	v39 =	vld [tilespmem:$0x1F550];
	v20 =	vmul.f32 $2.000000030e-01, v5;
	v0 =	vadd.f32 v1, v0;
	v1 =	vadd.f32 v9, v61  }
0x189: {  	v31 =	vld.idx.msk [tilespmem:v62+s22+$0x0], $0xffff  }
0x18a: {  	v5 =	vmax.f32 v5, v20;
	v2 =	vld.idx.msk [tilespmem:v57+s24+$0x0], $0xffff;
	v16 =	vmul.f32 $2.000000030e-01, v1  }
0x18b: {  	[tilespmem:$0x1F3A0] =	vst v30;
	v30 =	vor.u32 $0x13, v63;
	v5 =	vmul.f32 v5, v15  }
0x18c: {  	v27 =	vor.u32 $0x13, v35;
	v1 =	vmax.f32 v1, v16  }
0x18d: {  	v0 =	vadd.f32 v5, v0;
	v1 =	vmul.f32 v1, v39;
	_ =	sdelay $0x1  }
0x18e: {  	v2 =	vadd.f32 v2, v31;
	v0 =	vadd.f32 v1, v0;
	v1 =	vld [tilespmem:$0x1F560]  }
0x18f: {  	v30 =	vld.idx.msk [tilespmem:v30+s24+$0x0], $0xffff  }
0x190: {  	v3 =	vld.idx.msk [tilespmem:v27+s22+$0x0], $0xffff;
	v34 =	vmul.f32 $2.000000030e-01, v2  }
0x191: {  	[tilespmem:$0x1F330] =	vst v11;
	v11 =	vor.u32 $0x14, v63  }
0x192: {  	v25 =	vor.u32 $0x14, v35;
	v2 =	vmax.f32 v2, v34  }
0x193: {  	v14 =	vor.u32 $0x16, v63;
	v1 =	vmul.f32 v2, v1  }
0x194: {  	v32 =	vor.u32 $0x15, v63  }
0x195: {  	[tilespmem:$0x1F390] =	vst v29;
	v29 =	vor.u32 $0x15, v35;
	v3 =	vadd.f32 v30, v3;
	v0 =	vadd.f32 v1, v0;
	v1 =	vld [tilespmem:$0x1F570]  }
0x196: {  	v28 =	vor.u32 $0x16, v35;
	v13 =	vld.idx.msk [tilespmem:v11+s24+$0x0], $0xffff  }
0x197: {  	[tilespmem:$0x1F3B0] =	vst v37;
	v12 =	vld.idx.msk [tilespmem:v25+s22+$0x0], $0xffff;
	v41 =	vmul.f32 $2.000000030e-01, v3  }
0x198: {  	[tilespmem:$0x1F3C0] =	vst v42;
	v42 =	vld.idx.msk [tilespmem:v14+s24+$0x0], $0xffff;
	v37 =	vor.u32 $0x17, v63  }
0x199: {  	v17 =	vld.idx.msk [tilespmem:v32+s24+$0x0], $0xffff;
	v26 =	vor.u32 $0x17, v35;
	v3 =	vmax.f32 v3, v41  }
0x19a: {  	v36 =	vld.idx.msk [tilespmem:v29+s22+$0x0], $0xffff;
	v1 =	vmul.f32 v3, v1  }
0x19b: {  	v40 =	vld.idx.msk [tilespmem:v28+s22+$0x0], $0xffff  }
0x19c: {  	v4 =	vadd.f32 v13, v12;
	v0 =	vadd.f32 v1, v0;
	v1 =	vld [tilespmem:$0x1F580]  }
0x19d: {  	v37 =	vld.idx.msk [tilespmem:v37+s24+$0x0], $0xffff  }
0x19e: {  	v44 =	vmul.f32 $2.000000030e-01, v4;
	v2 =	vld.idx.msk [tilespmem:v26+s22+$0x0], $0xffff  }
0x19f: {  	v52 =	vld [tilespmem:$0x1F590];
	v45 =	vadd.f32 v17, v36;
	v30 =	vor.u32 $0x18, v35  }
0x1a0: {  	v43 =	vor.u32 $0x18, v63;
	v20 =	vadd.f32 v42, v40;
	v3 =	vmax.f32 v4, v44  }
0x1a1: {  	v56 =	vld [tilespmem:$0x1F5A0];
	v47 =	vmul.f32 $2.000000030e-01, v45;
	v1 =	vmul.f32 v3, v1  }
0x1a2: {  	v50 =	vmul.f32 $2.000000030e-01, v20  }
0x1a3: {  	v60 =	vld [tilespmem:$0x1F5B0];
	v4 =	vmax.f32 v45, v47;
	v0 =	vadd.f32 v1, v0;
	v1 =	vadd.f32 v37, v2  }
0x1a4: {  	[tilespmem:$0x1F3D0] =	vst v46;
	v46 =	vld.idx.msk [tilespmem:v30+s22+$0x0], $0xffff;
	v4 =	vmul.f32 v4, v52  }
0x1a5: {  	v20 =	vmax.f32 v20, v50;
	v3 =	vld.idx.msk [tilespmem:v43+s24+$0x0], $0xffff;
	v53 =	vmul.f32 $2.000000030e-01, v1  }
0x1a6: {  	v31 =	vor.u32 $0x19, v35;
	v0 =	vadd.f32 v4, v0;
	v4 =	vmul.f32 v20, v56  }
0x1a7: {  	v38 =	vor.u32 $0x19, v63;
	v1 =	vmax.f32 v1, v53  }
0x1a8: {  	v0 =	vadd.f32 v4, v0;
	v1 =	vmul.f32 v1, v60;
	_ =	sdelay $0x1  }
0x1a9: {  	v3 =	vadd.f32 v3, v46;
	v0 =	vadd.f32 v1, v0;
	v1 =	vld [tilespmem:$0x1F5C0]  }
0x1aa: {  	v32 =	vor.u32 $0x1A, v35;
	v48 =	vld.idx.msk [tilespmem:v31+s22+$0x0], $0xffff  }
0x1ab: {  	v2 =	vld.idx.msk [tilespmem:v38+s24+$0x0], $0xffff;
	v58 =	vmul.f32 $2.000000030e-01, v3  }
0x1ac: {  	v34 =	vor.u32 $0x20, v35  }
0x1ad: {  	v39 =	vor.u32 $0x1A, v63;
	v3 =	vmax.f32 v3, v58  }
0x1ae: {  	v55 =	vor.u32 $0x20, v63;
	v1 =	vmul.f32 v3, v1  }
0x1af: {  	v54 =	vld.idx.msk [tilespmem:v32+s22+$0x0], $0xffff;
	v41 =	vor.u32 $0x21, v63  }
0x1b0: {  	v36 =	vor.u32 $0x21, v35;
	v2 =	vadd.f32 v2, v48;
	v0 =	vadd.f32 v1, v0;
	v1 =	vld [tilespmem:$0x1F5D0]  }
0x1b1: {  	v42 =	vld.idx.msk [tilespmem:v34+s22+$0x0], $0xffff  }
0x1b2: {  	v57 =	vld.idx.msk [tilespmem:v39+s24+$0x0], $0xffff;
	v8 =	vmul.f32 $2.000000030e-01, v2  }
0x1b3: {  	v3 =	vld.idx.msk [tilespmem:v55+s24+$0x0], $0xffff  }
0x1b4: {  	v41 =	vld.idx.msk [tilespmem:v41+s24+$0x0], $0xffff;
	v2 =	vmax.f32 v2, v8  }
0x1b5: {  	v1 =	vmul.f32 v2, v1;
	v2 =	vld.idx.msk [tilespmem:v36+s22+$0x0], $0xffff  }
0x1b6: {  	v9 =	vor.u32 $0x22, v63  }
0x1b7: {  	v37 =	vor.u32 $0x22, v35  }
0x1b8: {  	v5 =	vadd.f32 v57, v54;
	v54 =	vld [tilespmem:$0x1F640];
	v3 =	vadd.f32 v3, v42;
	_ =	sdelay $0x1  }
0x1b9: {  	v58 =	vld [tilespmem:$0x1F650];
	v42 =	vmul.f32 $2.000000030e-01, v3;
	v2 =	vadd.f32 v41, v2  }
0x1ba: {  	v11 =	vld.idx.msk [tilespmem:v9+s24+$0x0], $0xffff  }
0x1bb: {  	v44 =	vld.idx.msk [tilespmem:v37+s22+$0x0], $0xffff;
	v3 =	vmax.f32 v3, v42;
	v56 =	vmul.f32 $2.000000030e-01, v2  }
0x1bc: {  	v40 =	vor.u32 $0x23, v35;
	v3 =	vmul.f32 v3, v54  }
0x1bd: {  	v43 =	vor.u32 $0x23, v63;
	v2 =	vmax.f32 v2, v56  }
0x1be: {  	v20 =	vmul.f32 $2.000000030e-01, v5;
	v3 =	vadd.f32 $0.0e+00, v3;
	v2 =	vmul.f32 v2, v58  }
0x1bf: {  	v49 =	vor.u32 $0x1B, v35  }
0x1c0: {  	v10 =	vmax.f32 v5, v20;
	v5 =	vadd.f32 v11, v44;
	v2 =	vadd.f32 v2, v3;
	v3 =	vld [tilespmem:$0x1F660]  }
0x1c1: {  	v51 =	vor.u32 $0x1B, v63;
	v45 =	vld.idx.msk [tilespmem:v40+s22+$0x0], $0xffff  }
0x1c2: {  	v15 =	vld.idx.msk [tilespmem:v43+s24+$0x0], $0xffff;
	v44 =	vmul.f32 $2.000000030e-01, v5  }
0x1c3: {  	v39 =	vor.u32 $0x24, v35  }
0x1c4: {  	v12 =	vor.u32 $0x24, v63;
	v5 =	vmax.f32 v5, v44  }
0x1c5: {  	v59 =	vld.idx.msk [tilespmem:v49+s22+$0x0], $0xffff;
	v3 =	vmul.f32 v5, v3  }
0x1c6: {  	v61 =	vld.idx.msk [tilespmem:v51+s24+$0x0], $0xffff  }
0x1c7: {  	v24 =	vadd.f32 v15, v45;
	v2 =	vadd.f32 v3, v2;
	v3 =	vld [tilespmem:$0x1F670]  }
0x1c8: {  	[tilespmem:$0x1F3E0] =	vst v49;
	v49 =	vor.u32 $0x1C, v63;
	v17 =	vld.idx.msk [tilespmem:v39+s22+$0x0], $0xffff  }
0x1c9: {  	v20 =	vld.idx.msk [tilespmem:v12+s24+$0x0], $0xffff;
	v51 =	vmul.f32 $2.000000030e-01, v24  }
0x1ca: {  	v38 =	vor.u32 $0x25, v35  }
0x1cb: {  	v46 =	vor.u32 $0x25, v63;
	v24 =	vmax.f32 v24, v51  }
0x1cc: {  	v13 =	vld [tilespmem:$0x1F5E0];
	v16 =	vor.u32 $0x1C, v35;
	v3 =	vmul.f32 v24, v3  }
0x1cd: {  	v49 =	vld.idx.msk [tilespmem:v49+s24+$0x0], $0xffff;
	v52 =	vor.u32 $0x28, v63  }
0x1ce: {  	v43 =	vor.u32 $0x26, v35;
	v20 =	vadd.f32 v20, v17;
	v2 =	vadd.f32 v3, v2;
	v3 =	vld [tilespmem:$0x1F680]  }
0x1cf: {  	v47 =	vld.idx.msk [tilespmem:v38+s22+$0x0], $0xffff;
	v48 =	vor.u32 $0x26, v63  }
0x1d0: {  	v50 =	vld.idx.msk [tilespmem:v46+s24+$0x0], $0xffff;
	v8 =	vmul.f32 $2.000000030e-01, v20  }
0x1d1: {  	v57 =	vld.idx.msk [tilespmem:v16+s22+$0x0], $0xffff  }
0x1d2: {  	v12 =	vld.idx.msk [tilespmem:v52+s24+$0x0], $0xffff;
	v46 =	vor.u32 $0x27, v35;
	v20 =	vmax.f32 v20, v8  }
0x1d3: {  	v60 =	vld.idx.msk [tilespmem:v43+s22+$0x0], $0xffff;
	v44 =	vor.u32 $0x28, v35;
	v3 =	vmul.f32 v20, v3  }
0x1d4: {  	v0 =	vadd.f32 v1, v0;
	v1 =	vadd.f32 v61, v59;
	v59 =	vor.u32 $0x27, v63;
	v61 =	vld.idx.msk [tilespmem:v48+s24+$0x0], $0xffff  }
0x1d5: {  	v47 =	vadd.f32 v50, v47;
	v48 =	vor.u32 $0x29, v35;
	v2 =	vadd.f32 v3, v2;
	v3 =	vld [tilespmem:$0x1F690]  }
0x1d6: {  	v55 =	vld [tilespmem:$0x1F5F0]  }
0x1d7: {  	v53 =	vor.u32 $0x29, v63;
	v9 =	vld.idx.msk [tilespmem:v46+s22+$0x0], $0xffff;
	v50 =	vmul.f32 $2.000000030e-01, v47  }
0x1d8: {  	v11 =	vld.idx.msk [tilespmem:v44+s22+$0x0], $0xffff;
	v14 =	vmul.f32 $2.000000030e-01, v1  }
0x1d9: {  	v4 =	vmul.f32 v10, v13;
	v47 =	vmax.f32 v47, v50;
	v10 =	vld.idx.msk [tilespmem:v59+s24+$0x0], $0xffff  }
0x1da: {  	v1 =	vmax.f32 v1, v14;
	v14 =	vld.idx.msk [tilespmem:v48+s22+$0x0], $0xffff;
	v3 =	vmul.f32 v47, v3  }
0x1db: {  	v5 =	vadd.f32 v61, v60;
	v60 =	vld [tilespmem:$0x1F6A0]  }
0x1dc: {  	v0 =	vadd.f32 v4, v0;
	v1 =	vmul.f32 v1, v55;
	v2 =	vadd.f32 v3, v2;
	v3 =	vld.idx.msk [tilespmem:v53+s24+$0x0], $0xffff;
	_ =	sdelay $0x1  }
0x1dd: {  	v0 =	vadd.f32 v1, v0;
	v1 =	vmul.f32 $2.000000030e-01, v5  }
0x1de: {  	v15 =	vadd.f32 v10, v9;
	v20 =	vadd.f32 v12, v11;
	v11 =	vld [tilespmem:$0x1F6B0]  }
0x1df: {  	v54 =	vadd.f32 v49, v57;
	v49 =	vor.u32 $0x2B, v35;
	v1 =	vmax.f32 v5, v1  }
0x1e0: {  	v8 =	vmul.f32 $2.000000030e-01, v15;
	v1 =	vmul.f32 v1, v60;
	v3 =	vadd.f32 v3, v14;
	v14 =	vld [tilespmem:$0x1F6C0]  }
0x1e1: {  	v17 =	vor.u32 $0x2B, v63  }
0x1e2: {  	v5 =	vmax.f32 v15, v8;
	v1 =	vadd.f32 v1, v2;
	v2 =	vmul.f32 $2.000000030e-01, v20  }
0x1e3: {  	v45 =	vor.u32 $0x2A, v35;
	v56 =	vmul.f32 v5, v11  }
0x1e4: {  	v13 =	vor.u32 $0x2A, v63;
	v2 =	vmax.f32 v20, v2  }
0x1e5: {  	v55 =	vor.u32 $0x2C, v63;
	v9 =	vld.idx.msk [tilespmem:v49+s22+$0x0], $0xffff;
	v1 =	vadd.f32 v56, v1;
	v2 =	vmul.f32 v2, v14  }
0x1e6: {  	v12 =	vld.idx.msk [tilespmem:v17+s24+$0x0], $0xffff;
	v47 =	vor.u32 $0x2C, v35  }
0x1e7: {  	v1 =	vadd.f32 v2, v1;
	v2 =	vld [tilespmem:$0x1F6D0]  }
0x1e8: {  	[tilespmem:$0x1F3F0] =	vst v16;
	v16 =	vld.idx.msk [tilespmem:v45+s22+$0x0], $0xffff;
	v15 =	vor.u32 $0x1D, v63  }
0x1e9: {  	v50 =	vld.idx.msk [tilespmem:v13+s24+$0x0], $0xffff;
	v57 =	vmul.f32 $2.000000030e-01, v3  }
0x1ea: {  	v55 =	vld.idx.msk [tilespmem:v55+s24+$0x0], $0xffff  }
0x1eb: {  	v10 =	vor.u32 $0x2D, v63;
	v58 =	vld.idx.msk [tilespmem:v47+s22+$0x0], $0xffff;
	v3 =	vmax.f32 v3, v57  }
0x1ec: {  	v13 =	vor.u32 $0x1D, v35;
	v20 =	vadd.f32 v12, v9;
	v12 =	vld [tilespmem:$0x1F600];
	v2 =	vmul.f32 v3, v2  }
0x1ed: {  	v41 =	vor.u32 $0x2D, v35;
	v56 =	vld.idx.msk [tilespmem:v15+s24+$0x0], $0xffff  }
0x1ee: {  	v61 =	vmul.f32 $2.000000030e-01, v54;
	v24 =	vadd.f32 v50, v16;
	v1 =	vadd.f32 v2, v1;
	v2 =	vld [tilespmem:$0x1F6E0]  }
0x1ef: {  	v15 =	vld [tilespmem:$0x1F6F0]  }
0x1f0: {  	v51 =	vmax.f32 v54, v61;
	v50 =	vmul.f32 $2.000000030e-01, v24;
	v3 =	vld.idx.msk [tilespmem:v10+s24+$0x0], $0xffff  }
0x1f1: {  	[tilespmem:$0x1F400] =	vst v13;
	v42 =	vor.u32 $0x2E, v35;
	v10 =	vld.idx.msk [tilespmem:v13+s22+$0x0], $0xffff;
	v13 =	vmul.f32 v51, v12  }
0x1f2: {  	v59 =	vor.u32 $0x2E, v63;
	v16 =	vld.idx.msk [tilespmem:v41+s22+$0x0], $0xffff;
	v24 =	vmax.f32 v24, v50;
	v60 =	vmul.f32 $2.000000030e-01, v20  }
0x1f3: {  	[tilespmem:$0x1F320] =	vst v7;
	v55 =	vadd.f32 v55, v58;
	v7 =	vadd.f32 v13, v0;
	v0 =	vld [tilespmem:$0x1F700];
	v2 =	vmul.f32 v24, v2;
	_ =	sdelay $0x1  }
0x1f4: {  	v14 =	vmul.f32 $2.000000030e-01, v55;
	v1 =	vadd.f32 v2, v1;
	v2 =	vmax.f32 v20, v60  }
0x1f5: {  	v17 =	vld.idx.msk [tilespmem:v42+s22+$0x0], $0xffff;
	v2 =	vmul.f32 v2, v15  }
0x1f6: {  	v24 =	vld.idx.msk [tilespmem:v59+s24+$0x0], $0xffff;
	v20 =	vmax.f32 v55, v14  }
0x1f7: {  	v3 =	vadd.f32 v3, v16;
	v1 =	vadd.f32 v2, v1;
	v2 =	vmul.f32 v20, v0;
	v0 =	vld [tilespmem:$0x1F710];
	_ =	sdelay $0x1  }
0x1f8: {  	v6 =	vmul.f32 $2.000000030e-01, v3;
	_ =	sdelay $0x1  }
0x1f9: {  	v1 =	vadd.f32 v2, v1;
	v2 =	vmax.f32 v3, v6  }
0x1fa: {  	v50 =	vor.u32 $0x2F, v35;
	v52 =	vadd.f32 v24, v17;
	v2 =	vmul.f32 v2, v0;
	v0 =	vld [tilespmem:$0x1F720]  }
0x1fb: {  	v16 =	vor.u32 $0x30, v63  }
0x1fc: {  	v8 =	vadd.f32 v56, v10;
	v10 =	vmul.f32 $2.000000030e-01, v52  }
0x1fd: {  	v9 =	vor.u32 $0x2F, v63  }
0x1fe: {  	v11 =	vor.u32 $0x1E, v35;
	v13 =	vmax.f32 v52, v10  }
0x1ff: {  	v61 =	vor.u32 $0x1E, v63;
	v57 =	vld.idx.msk [tilespmem:v50+s22+$0x0], $0xffff;
	v1 =	vadd.f32 v2, v1;
	v2 =	vmul.f32 v13, v0  }
0x200: {  	v14 =	vld.idx.msk [tilespmem:v16+s24+$0x0], $0xffff  }
0x201: {  	v5 =	vadd.f32 v2, v1;
	v1 =	vld [tilespmem:$0x1F610]  }
0x202: {  	v51 =	vor.u32 $0x30, v35;
	v17 =	vld.idx.msk [tilespmem:v9+s24+$0x0], $0xffff  }
0x203: {  	v16 =	vmul.f32 $2.000000030e-01, v8;
	v24 =	vld.idx.msk [tilespmem:v11+s22+$0x0], $0xffff;
	v3 =	vor.u32 $0x33, v63  }
0x204: {  	v9 =	vld.idx.msk [tilespmem:v61+s24+$0x0], $0xffff  }
0x205: {  	v15 =	vor.u32 $0x32, v63;
	v55 =	vmax.f32 v8, v16  }
0x206: {  	[tilespmem:$0x1F410] =	vst v11;
	v11 =	vor.u32 $0x31, v63;
	v55 =	vmul.f32 v55, v1  }
0x207: {  	v12 =	vld.idx.msk [tilespmem:v51+s22+$0x0], $0xffff  }
0x208: {  	v53 =	vadd.f32 v17, v57;
	v57 =	vor.u32 $0x32, v35;
	v7 =	vadd.f32 v55, v7;
	v55 =	vld.idx.msk [tilespmem:v3+s24+$0x0], $0xffff  }
0x209: {  	v54 =	vadd.f32 v9, v24;
	v3 =	vld [tilespmem:$0x1F620]  }
0x20a: {  	v52 =	vld.idx.msk [tilespmem:v15+s24+$0x0], $0xffff  }
0x20b: {  	v60 =	vld.idx.msk [tilespmem:v11+s24+$0x0], $0xffff;
	v11 =	vmul.f32 $2.000000030e-01, v54  }
0x20c: {  	v58 =	vor.u32 $0x31, v35;
	v0 =	vmul.f32 $2.000000030e-01, v53;
	v2 =	vld [tilespmem:$0x1F730]  }
0x20d: {  	v4 =	vadd.f32 v14, v12;
	v24 =	vor.u32 $0x34, v63;
	v54 =	vmax.f32 v54, v11;
	v1 =	vld.idx.msk [tilespmem:v57+s22+$0x0], $0xffff  }
0x20e: {  	v0 =	vmax.f32 v53, v0;
	v53 =	vor.u32 $0x34, v35;
	v54 =	vmul.f32 v54, v3;
	v3 =	vld [tilespmem:$0x1F740];
	_ =	sdelay $0x1  }
0x20f: {  	v16 =	vmul.f32 $2.000000030e-01, v4  }
0x210: {  	v6 =	vld.idx.msk [tilespmem:v58+s22+$0x0], $0xffff;
	v0 =	vmul.f32 v0, v2  }
0x211: {  	v4 =	vmax.f32 v4, v16;
	v56 =	vld.idx.msk [tilespmem:v24+s24+$0x0], $0xffff  }
0x212: {  	v14 =	vld.idx.msk [tilespmem:v53+s22+$0x0], $0xffff;
	v0 =	vadd.f32 v0, v5;
	v1 =	vadd.f32 v52, v1;
	v4 =	vmul.f32 v4, v3  }
0x213: {  	v2 =	vor.u32 $0x35, v63  }
0x214: {  	v4 =	vadd.f32 v4, v0;
	v0 =	vmul.f32 $2.000000030e-01, v1  }
0x215: {  	v61 =	vor.u32 $0x33, v35  }
0x216: {  	v6 =	vadd.f32 v60, v6;
	v3 =	vmax.f32 v1, v0;
	v0 =	vld [tilespmem:$0x1F750]  }
0x217: {  	v56 =	vadd.f32 v56, v14;
	v14 =	vld [tilespmem:$0x1F760]  }
0x218: {  	v11 =	vadd.f32 v54, v7;
	v54 =	vld.idx.msk [tilespmem:v2+s24+$0x0], $0xffff;
	v2 =	vmul.f32 $2.000000030e-01, v6;
	_ =	sdelay $0x1  }
0x219: {  	v5 =	vld.idx.msk [tilespmem:v61+s22+$0x0], $0xffff;
	v2 =	vmax.f32 v6, v2  }
0x21a: {  	v1 =	vmul.f32 v2, v0;
	_ =	sdelay $0x1  }
0x21b: {  	v17 =	vor.u32 $0x1F, v63;
	v3 =	vmul.f32 v3, v14;
	v1 =	vadd.f32 v1, v4  }
0x21c: {  	v24 =	vor.u32 $0x1F, v35  }
0x21d: {  	v59 =	vor.u32 $0x35, v35;
	v5 =	vadd.f32 v55, v5;
	v3 =	vadd.f32 v3, v1;
	v1 =	vld [tilespmem:$0x1F770];
	_ =	sdelay $0x1  }
0x21e: {  	v0 =	vmul.f32 $2.000000030e-01, v5  }
0x21f: {  	v12 =	vld.idx.msk [tilespmem:v17+s24+$0x0], $0xffff;
	v17 =	vor.u32 $0x36, v63  }
0x220: {  	v16 =	vor.u32 $0x36, v35;
	v4 =	vld.idx.msk [tilespmem:v24+s22+$0x0], $0xffff;
	v0 =	vmax.f32 v5, v0  }
0x221: {  	v55 =	vld.idx.msk [tilespmem:v59+s22+$0x0], $0xffff;
	v0 =	vmul.f32 v0, v1;
	_ =	sdelay $0x1  }
0x222: {  	v3 =	vadd.f32 v0, v3;
	v0 =	vld [tilespmem:$0x1F780]  }
0x223: {  	v20 =	vor.u32 $0x37, v63;
	v52 =	vld.idx.msk [tilespmem:v17+s24+$0x0], $0xffff  }
0x224: {  	v17 =	vmul.f32 $2.000000030e-01, v56;
	v6 =	vld.idx.msk [tilespmem:v16+s22+$0x0], $0xffff;
	v12 =	vadd.f32 v12, v4  }
0x225: {  	v54 =	vadd.f32 v54, v55;
	v1 =	vld [tilespmem:$0x1F790]  }
0x226: {  	v15 =	vor.u32 $0x37, v35;
	v5 =	vmax.f32 v56, v17;
	v19 =	vmul.f32 $2.000000030e-01, v12  }
0x227: {  	v18 =	vld [tilespmem:$0x1F630];
	v5 =	vmul.f32 v5, v0;
	v0 =	vmul.f32 $2.000000030e-01, v54  }
0x228: {  	v8 =	vor.u32 $0x3B, v63;
	v10 =	vld.idx.msk [tilespmem:v20+s24+$0x0], $0xffff;
	v20 =	vor.u32 $0x39, v63  }
0x229: {  	v6 =	vadd.f32 v52, v6;
	v12 =	vmax.f32 v12, v19;
	v19 =	vld [tilespmem:$0x1F7A0];
	v0 =	vmax.f32 v54, v0  }
0x22a: {  	v55 =	vor.u32 $0x3D, v63;
	v5 =	vadd.f32 v5, v3;
	v1 =	vmul.f32 v0, v1  }
0x22b: {  	v56 =	vld.idx.msk [tilespmem:v15+s22+$0x0], $0xffff;
	v0 =	vmul.f32 $2.000000030e-01, v6  }
0x22c: {  	v13 =	vor.u32 $0x38, v63;
	v1 =	vadd.f32 v1, v5;
	v5 =	vmul.f32 v12, v18  }
0x22d: {  	v8 =	vld.idx.msk [tilespmem:v8+s24+$0x0], $0xffff;
	v14 =	vor.u32 $0x38, v35;
	v0 =	vmax.f32 v6, v0  }
0x22e: {  	v20 =	vld.idx.msk [tilespmem:v20+s24+$0x0], $0xffff;
	v2 =	vor.u32 $0x3A, v63;
	v12 =	vmul.f32 v0, v19;
	v5 =	vadd.f32 v5, v11  }
0x22f: {  	v17 =	vor.u32 $0x3A, v35;
	v4 =	vld.idx.msk [tilespmem:v55+s24+$0x0], $0xffff  }
0x230: {  	v55 =	vor.u32 $0x3B, v35;
	v10 =	vadd.f32 v10, v56;
	[tilespmem:$0x1F420] =	vst v5;
	v5 =	vadd.f32 v12, v1;
	v1 =	vld [tilespmem:$0x1F7B0]  }
0x231: {  	v60 =	vld.idx.msk [tilespmem:v13+s24+$0x0], $0xffff;
	v13 =	vor.u32 $0x39, v35  }
0x232: {  	v3 =	vld.idx.msk [tilespmem:v14+s22+$0x0], $0xffff;
	v0 =	vmul.f32 $2.000000030e-01, v10  }
0x233: {  	v9 =	vld.idx.msk [tilespmem:v2+s24+$0x0], $0xffff  }
0x234: {  	v6 =	vld.idx.msk [tilespmem:v17+s22+$0x0], $0xffff;
	v0 =	vmax.f32 v10, v0  }
0x235: {  	v10 =	vld.idx.msk [tilespmem:v55+s22+$0x0], $0xffff;
	v0 =	vmul.f32 v0, v1  }
0x236: {  	v56 =	vld.idx.msk [tilespmem:v13+s22+$0x0], $0xffff  }
0x237: {  	v3 =	vadd.f32 v60, v3;
	v60 =	vor.u32 $0x40, v63;
	v0 =	vadd.f32 v0, v5;
	v5 =	vld [tilespmem:$0x1F7C0];
	_ =	sdelay $0x1  }
0x238: {  	v12 =	vmul.f32 $2.000000030e-01, v3  }
0x239: {  	v6 =	vadd.f32 v9, v6;
	v8 =	vadd.f32 v8, v10;
	v10 =	vld.idx.msk [tilespmem:v33+s23+$0x0], $0xffff  }
0x23a: {  	v3 =	vmax.f32 v3, v12;
	v33 =	vld [tilespmem:$0x1F7D0]  }
0x23b: {  	v11 =	vadd.f32 v20, v56;
	v3 =	vmul.f32 v3, v5;
	v5 =	vld.idx.msk [tilespmem:v60+s24+$0x0], $0xffff;
	v60 =	vmul.f32 $2.000000030e-01, v6;
	_ =	sdelay $0x1  }
0x23c: {  	v12 =	vmul.f32 $2.000000030e-01, v11;
	v0 =	vadd.f32 v3, v0;
	v3 =	vmax.f32 v6, v60;
	v60 =	vld [tilespmem:$0x1F7E0];
	_ =	sdelay $0x1  }
0x23d: {  	v11 =	vmax.f32 v11, v12  }
0x23e: {  	v7 =	vor.u32 $0x3C, v63;
	v6 =	vmul.f32 v11, v33  }
0x23f: {  	v54 =	vor.u32 $0x3C, v35  }
0x240: {  	v0 =	vadd.f32 v6, v0;
	v3 =	vmul.f32 v3, v60;
	_ =	sdelay $0x1  }
0x241: {  	v0 =	vadd.f32 v3, v0;
	v3 =	vld [tilespmem:$0x1F7F0]  }
0x242: {  	v7 =	vld.idx.msk [tilespmem:v7+s24+$0x0], $0xffff  }
0x243: {  	v20 =	vld.idx.msk [tilespmem:v54+s22+$0x0], $0xffff;
	v33 =	vmul.f32 $2.000000030e-01, v8  }
0x244: {  	v18 =	vor.u32 $0x3D, v35  }
0x245: {  	v60 =	vmax.f32 v8, v33  }
0x246: {  	v3 =	vmul.f32 v60, v3  }
0x247: {  	v9 =	vld.idx.msk [tilespmem:v35+s23+$0x0], $0xffff  }
0x248: {  	v52 =	vor.u32 $0x3E, v63;
	v7 =	vadd.f32 v7, v20;
	v0 =	vadd.f32 v3, v0;
	v3 =	vld [tilespmem:$0x1F800]  }
0x249: {  	v19 =	vor.u32 $0x3E, v35;
	v1 =	vld.idx.msk [tilespmem:v18+s22+$0x0], $0xffff  }
0x24a: {  	v8 =	vld.idx.msk [tilespmem:v21+s23+$0x0], $0xffff;
	v21 =	vmul.f32 $2.000000030e-01, v7;
	_ =	sdelay $0x1  }
0x24b: {  	v7 =	vmax.f32 v7, v21  }
0x24c: {  	v52 =	vld.idx.msk [tilespmem:v52+s24+$0x0], $0xffff;
	v3 =	vmul.f32 v7, v3  }
0x24d: {  	v1 =	vadd.f32 v4, v1;
	v11 =	vld.idx.msk [tilespmem:v19+s22+$0x0], $0xffff  }
0x24e: {  	v0 =	vadd.f32 v3, v0;
	v3 =	vadd.f32 v5, v9;
	v9 =	vld [tilespmem:$0x1F810]  }
0x24f: {  	v2 =	vor.u32 $0x3F, v63  }
0x250: {  	v60 =	vmul.f32 $2.000000030e-01, v1  }
0x251: {  	v56 =	vor.u32 $0x41, v63  }
0x252: {  	v35 =	vor.u32 $0x3F, v35;
	v11 =	vadd.f32 v52, v11;
	v52 =	vld [tilespmem:$0x1F310];
	v1 =	vmax.f32 v1, v60  }
0x253: {  	v1 =	vmul.f32 v1, v9  }
0x254: {  	v2 =	vld.idx.msk [tilespmem:v2+s24+$0x0], $0xffff;
	v12 =	vor.u32 $0x42, v63  }
0x255: {  	v0 =	vadd.f32 v1, v0;
	v1 =	vld [tilespmem:$0x1F820]  }
0x256: {  	v20 =	vld.idx.msk [tilespmem:v56+s24+$0x0], $0xffff;
	v56 =	vor.u32 $0x43, v63  }
0x257: {  	v4 =	vld.idx.msk [tilespmem:v35+s22+$0x0], $0xffff;
	v60 =	vmul.f32 $2.000000030e-01, v11;
	_ =	sdelay $0x1  }
0x258: {  	v6 =	vld.idx.msk [tilespmem:v12+s24+$0x0], $0xffff;
	v33 =	vor.u32 $0x44, v63;
	v60 =	vmax.f32 v11, v60  }
0x259: {  	v21 =	vld.idx.msk [tilespmem:v52+s23+$0x0], $0xffff;
	v1 =	vmul.f32 v60, v1;
	v60 =	vmul.f32 $2.000000030e-01, v3  }
0x25a: {  	v10 =	vadd.f32 v20, v10;
	v7 =	vld.idx.msk [tilespmem:v56+s24+$0x0], $0xffff  }
0x25b: {  	v2 =	vadd.f32 v2, v4;
	v0 =	vadd.f32 v1, v0;
	v1 =	vmax.f32 v3, v60;
	v3 =	vld [tilespmem:$0x1F830]  }
0x25c: {  	v56 =	vld [tilespmem:$0x1F320]  }
0x25d: {  	v12 =	vmul.f32 $2.000000030e-01, v2;
	v5 =	vld.idx.msk [tilespmem:v33+s24+$0x0], $0xffff;
	v60 =	vmul.f32 $2.000000030e-01, v10  }
0x25e: {  	v33 =	vld [tilespmem:$0x1F330]  }
0x25f: {  	v2 =	vmax.f32 v2, v12;
	v10 =	vmax.f32 v10, v60;
	v60 =	vld [tilespmem:$0x1F360]  }
0x260: {  	v2 =	vmul.f32 v2, v3  }
0x261: {  	v20 =	vld [tilespmem:$0x1F340]  }
0x262: {  	v2 =	vadd.f32 v2, v0;
	v0 =	vadd.f32 v7, v21;
	v21 =	vld [tilespmem:$0x1F840];
	_ =	sdelay $0x2  }
0x263: {  	v4 =	vld.idx.msk [tilespmem:v56+s23+$0x0], $0xffff  }
0x264: {  	v56 =	vor.u32 $0x46, v63;
	v11 =	vld.idx.msk [tilespmem:v33+s23+$0x0], $0xffff  }
0x265: {  	v33 =	vor.u32 $0x47, v63;
	v1 =	vmul.f32 v1, v21;
	v21 =	vld.idx.msk [tilespmem:v60+s23+$0x0], $0xffff  }
0x266: {  	v60 =	vld [tilespmem:$0x1F850];
	_ =	sdelay $0x1  }
0x267: {  	v12 =	vld.idx.msk [tilespmem:v20+s23+$0x0], $0xffff;
	v6 =	vadd.f32 v6, v8  }
0x268: {  	v3 =	vld.idx.msk [tilespmem:v56+s24+$0x0], $0xffff  }
0x269: {  	v7 =	vld.idx.msk [tilespmem:v33+s24+$0x0], $0xffff;
	v33 =	vmul.f32 $2.000000030e-01, v6  }
0x26a: {  	v56 =	vld [tilespmem:$0x1F350];
	v10 =	vmul.f32 v10, v60;
	v60 =	vmul.f32 $2.000000030e-01, v0  }
0x26b: {  	v6 =	vmax.f32 v6, v33;
	v33 =	vld [tilespmem:$0x1F370]  }
0x26c: {  	v0 =	vmax.f32 v0, v60;
	v60 =	vld [tilespmem:$0x1F860];
	_ =	sdelay $0x1  }
0x26d: {  	v3 =	vadd.f32 v3, v12;
	v12 =	vld [tilespmem:$0x1F870]  }
0x26e: {  	v1 =	vadd.f32 $0.0e+00, v1;
	_ =	sdelay $0x1  }
0x26f: {  	v52 =	vor.u32 $0x45, v63;
	v1 =	vadd.f32 v10, v1;
	v6 =	vmul.f32 v6, v60  }
0x270: {  	v8 =	vld.idx.msk [tilespmem:v56+s23+$0x0], $0xffff;
	v56 =	vor.u32 $0x49, v63  }
0x271: {  	v0 =	vmul.f32 v0, v12;
	v1 =	vadd.f32 v6, v1  }
0x272: {  	v4 =	vadd.f32 v5, v4;
	v5 =	vld.idx.msk [tilespmem:v33+s23+$0x0], $0xffff  }
0x273: {  	v33 =	vor.u32 $0x4B, v63;
	v0 =	vadd.f32 v0, v1;
	v1 =	vld [tilespmem:$0x1F880]  }
0x274: {  	v9 =	vld.idx.msk [tilespmem:v52+s24+$0x0], $0xffff  }
0x275: {  	v10 =	vld.idx.msk [tilespmem:v56+s24+$0x0], $0xffff;
	v56 =	vmul.f32 $2.000000030e-01, v4;
	_ =	sdelay $0x1  }
0x276: {  	v52 =	vor.u32 $0x4A, v63;
	v4 =	vmax.f32 v4, v56;
	v60 =	vld [tilespmem:$0x1F380]  }
0x277: {  	v1 =	vmul.f32 v4, v1;
	v4 =	vld.idx.msk [tilespmem:v33+s24+$0x0], $0xffff;
	v33 =	vmul.f32 $2.000000030e-01, v3;
	_ =	sdelay $0x1  }
0x278: {  	v9 =	vadd.f32 v9, v11;
	v0 =	vadd.f32 v1, v0;
	v1 =	vmax.f32 v3, v33;
	v3 =	vld [tilespmem:$0x1F890];
	_ =	sdelay $0x1  }
0x279: {  	v6 =	vld.idx.msk [tilespmem:v52+s24+$0x0], $0xffff;
	v52 =	vmul.f32 $2.000000030e-01, v9;
	_ =	sdelay $0x1  }
0x27a: {  	v9 =	vmax.f32 v9, v52  }
0x27b: {  	v52 =	vld [tilespmem:$0x1F3A0];
	v3 =	vmul.f32 v9, v3  }
0x27c: {  	v11 =	vld.idx.msk [tilespmem:v60+s23+$0x0], $0xffff;
	v60 =	vor.u32 $0x4C, v63  }
0x27d: {  	v0 =	vadd.f32 v3, v0;
	v3 =	vadd.f32 v10, v5;
	v10 =	vld [tilespmem:$0x1F8A0];
	_ =	sdelay $0x2  }
0x27e: {  	v20 =	vor.u32 $0x48, v63;
	v56 =	vld [tilespmem:$0x1F390]  }
0x27f: {  	v9 =	vld.idx.msk [tilespmem:v60+s24+$0x0], $0xffff  }
0x280: {  	v60 =	vld [tilespmem:$0x1F3B0];
	v1 =	vmul.f32 v1, v10  }
0x281: {  	v7 =	vadd.f32 v7, v8;
	v8 =	vld.idx.msk [tilespmem:v52+s23+$0x0], $0xffff  }
0x282: {  	v52 =	vor.u32 $0x4E, v63;
	v0 =	vadd.f32 v1, v0;
	v1 =	vld [tilespmem:$0x1F8B0]  }
0x283: {  	v20 =	vld.idx.msk [tilespmem:v20+s24+$0x0], $0xffff  }
0x284: {  	v33 =	vmul.f32 $2.000000030e-01, v7;
	_ =	sdelay $0x1  }
0x285: {  	v12 =	vld.idx.msk [tilespmem:v56+s23+$0x0], $0xffff;
	v7 =	vmax.f32 v7, v33  }
0x286: {  	v56 =	vor.u32 $0x4D, v63;
	v1 =	vmul.f32 v7, v1;
	v7 =	vld.idx.msk [tilespmem:v52+s24+$0x0], $0xffff;
	v52 =	vmul.f32 $2.000000030e-01, v3  }
0x287: {  	v20 =	vadd.f32 v20, v21;
	v21 =	vld.idx.msk [tilespmem:v60+s23+$0x0], $0xffff  }
0x288: {  	v60 =	vor.u32 $0x4F, v63;
	v0 =	vadd.f32 v1, v0;
	v1 =	vmax.f32 v3, v52;
	v3 =	vld [tilespmem:$0x1F8C0];
	_ =	sdelay $0x1  }
0x289: {  	v33 =	vmul.f32 $2.000000030e-01, v20  }
0x28a: {  	v5 =	vld.idx.msk [tilespmem:v56+s24+$0x0], $0xffff  }
0x28b: {  	v20 =	vmax.f32 v20, v33;
	v56 =	vld [tilespmem:$0x1F3C0]  }
0x28c: {  	v3 =	vmul.f32 v20, v3;
	v20 =	vld.idx.msk [tilespmem:v60+s24+$0x0], $0xffff  }
0x28d: {  	v60 =	vld [tilespmem:$0x1F8D0];
	_ =	sdelay $0x4  }
0x28e: {  	v0 =	vadd.f32 v3, v0;
	v1 =	vmul.f32 v1, v60;
	_ =	sdelay $0x1  }
0x28f: {  	v6 =	vadd.f32 v6, v11;
	v0 =	vadd.f32 v1, v0;
	v1 =	vld [tilespmem:$0x1F8E0]  }
0x290: {  	v10 =	vld.idx.msk [tilespmem:v56+s23+$0x0], $0xffff;
	v56 =	vor.u32 $0x50, v63  }
0x291: {  	v4 =	vadd.f32 v4, v12;
	v12 =	vld.idx.msk [tilespmem:v22+s23+$0x0], $0xffff;
	v22 =	vmul.f32 $2.000000030e-01, v6  }
0x292: {  	v3 =	vadd.f32 v9, v8  }
0x293: {  	v6 =	vmax.f32 v6, v22  }
0x294: {  	v60 =	vmul.f32 $2.000000030e-01, v3;
	v1 =	vmul.f32 v6, v1  }
0x295: {  	v8 =	vld.idx.msk [tilespmem:v56+s24+$0x0], $0xffff  }
0x296: {  	v56 =	vmul.f32 $2.000000030e-01, v4;
	v0 =	vadd.f32 v1, v0;
	v1 =	vmax.f32 v3, v60;
	v3 =	vld [tilespmem:$0x1F8F0];
	_ =	sdelay $0x1  }
0x297: {  	v4 =	vmax.f32 v4, v56;
	v56 =	vld [tilespmem:$0x1F900];
	_ =	sdelay $0x2  }
0x298: {  	v3 =	vmul.f32 v4, v3;
	_ =	sdelay $0x1  }
0x299: {  	v1 =	vmul.f32 v1, v56;
	v0 =	vadd.f32 v3, v0;
	_ =	sdelay $0x1  }
0x29a: {  	v5 =	vadd.f32 v5, v21;
	v0 =	vadd.f32 v1, v0;
	v1 =	vld [tilespmem:$0x1F910]  }
0x29b: {  	v33 =	vld [tilespmem:$0x1F3D0]  }
0x29c: {  	v21 =	vld.idx.msk [tilespmem:v62+s23+$0x0], $0xffff;
	v62 =	vmul.f32 $2.000000030e-01, v5;
	_ =	sdelay $0x1  }
0x29d: {  	v5 =	vmax.f32 v5, v62  }
0x29e: {  	v1 =	vmul.f32 v5, v1;
	_ =	sdelay $0x1  }
0x29f: {  	v7 =	vadd.f32 v7, v10;
	v0 =	vadd.f32 v1, v0;
	v1 =	vld [tilespmem:$0x1F920];
	_ =	sdelay $0x1  }
0x2a0: {  	v11 =	vld.idx.msk [tilespmem:v33+s23+$0x0], $0xffff;
	v60 =	vmul.f32 $2.000000030e-01, v7;
	_ =	sdelay $0x1  }
0x2a1: {  	v7 =	vmax.f32 v7, v60  }
0x2a2: {  	v1 =	vmul.f32 v7, v1  }
0x2a3: {  	v52 =	vor.u32 $0x52, v63  }
0x2a4: {  	v3 =	vadd.f32 v20, v11;
	v0 =	vadd.f32 v1, v0;
	v1 =	vld [tilespmem:$0x1F930];
	_ =	sdelay $0x1  }
0x2a5: {  	v10 =	vld.idx.msk [tilespmem:v27+s23+$0x0], $0xffff;
	v27 =	vmul.f32 $2.000000030e-01, v3  }
0x2a6: {  	v33 =	vor.u32 $0x51, v63  }
0x2a7: {  	v4 =	vld.idx.msk [tilespmem:v52+s24+$0x0], $0xffff;
	v52 =	vor.u32 $0x55, v63;
	v3 =	vmax.f32 v3, v27  }
0x2a8: {  	v1 =	vmul.f32 v3, v1  }
0x2a9: {  	v9 =	vld.idx.msk [tilespmem:v23+s23+$0x0], $0xffff  }
0x2aa: {  	v8 =	vadd.f32 v8, v12;
	v0 =	vadd.f32 v1, v0;
	v1 =	vld [tilespmem:$0x1F940]  }
0x2ab: {  	v6 =	vld.idx.msk [tilespmem:v33+s24+$0x0], $0xffff  }
0x2ac: {  	v7 =	vld.idx.msk [tilespmem:v52+s24+$0x0], $0xffff;
	v52 =	vmul.f32 $2.000000030e-01, v8;
	_ =	sdelay $0x1  }
0x2ad: {  	v8 =	vmax.f32 v8, v52  }
0x2ae: {  	v1 =	vmul.f32 v8, v1;
	_ =	sdelay $0x1  }
0x2af: {  	v6 =	vadd.f32 v6, v9;
	v0 =	vadd.f32 v1, v0;
	v1 =	vld [tilespmem:$0x1F950];
	_ =	sdelay $0x1  }
0x2b0: {  	v60 =	vmul.f32 $2.000000030e-01, v6;
	_ =	sdelay $0x1  }
0x2b1: {  	v23 =	vor.u32 $0x53, v63;
	v6 =	vmax.f32 v6, v60  }
0x2b2: {  	v1 =	vmul.f32 v6, v1;
	_ =	sdelay $0x1  }
0x2b3: {  	v3 =	vadd.f32 v4, v21;
	v0 =	vadd.f32 v1, v0;
	v1 =	vld [tilespmem:$0x1F960]  }
0x2b4: {  	v9 =	vld.idx.msk [tilespmem:v28+s23+$0x0], $0xffff  }
0x2b5: {  	v11 =	vld.idx.msk [tilespmem:v23+s24+$0x0], $0xffff;
	v28 =	vmul.f32 $2.000000030e-01, v3;
	_ =	sdelay $0x1  }
0x2b6: {  	v22 =	vor.u32 $0x54, v63;
	v3 =	vmax.f32 v3, v28  }
0x2b7: {  	v1 =	vmul.f32 v3, v1;
	_ =	sdelay $0x1  }
0x2b8: {  	v10 =	vadd.f32 v11, v10;
	v0 =	vadd.f32 v1, v0;
	v1 =	vld [tilespmem:$0x1F970]  }
0x2b9: {  	v23 =	vld.idx.msk [tilespmem:v25+s23+$0x0], $0xffff  }
0x2ba: {  	v5 =	vld.idx.msk [tilespmem:v22+s24+$0x0], $0xffff;
	v52 =	vmul.f32 $2.000000030e-01, v10  }
0x2bb: {  	v56 =	vor.u32 $0x58, v63  }
0x2bc: {  	v49 =	vld.idx.msk [tilespmem:v49+s23+$0x0], $0xffff;
	v8 =	vmax.f32 v10, v52  }
0x2bd: {  	v12 =	vld.idx.msk [tilespmem:v29+s23+$0x0], $0xffff;
	v20 =	vor.u32 $0x57, v63;
	v1 =	vmul.f32 v8, v1  }
0x2be: {  	v29 =	vld.idx.msk [tilespmem:v30+s23+$0x0], $0xffff  }
0x2bf: {  	v62 =	vor.u32 $0x56, v63;
	v5 =	vadd.f32 v5, v23;
	v0 =	vadd.f32 v1, v0;
	v1 =	vld [tilespmem:$0x1F980]  }
0x2c0: {  	v33 =	vld.idx.msk [tilespmem:v56+s24+$0x0], $0xffff  }
0x2c1: {  	v25 =	vld.idx.msk [tilespmem:v44+s23+$0x0], $0xffff;
	v60 =	vmul.f32 $2.000000030e-01, v5  }
0x2c2: {  	v30 =	vor.u32 $0x5A, v63;
	v20 =	vld.idx.msk [tilespmem:v20+s24+$0x0], $0xffff  }
0x2c3: {  	v22 =	vld.idx.msk [tilespmem:v26+s23+$0x0], $0xffff;
	v5 =	vmax.f32 v5, v60  }
0x2c4: {  	v4 =	vld.idx.msk [tilespmem:v62+s24+$0x0], $0xffff;
	v62 =	vor.u32 $0x59, v63;
	v1 =	vmul.f32 v5, v1  }
0x2c5: {  	v23 =	vld.idx.msk [tilespmem:v31+s23+$0x0], $0xffff  }
0x2c6: {  	v56 =	vor.u32 $0x60, v63;
	v3 =	vadd.f32 v7, v12;
	v0 =	vadd.f32 v1, v0;
	v1 =	vld [tilespmem:$0x1F990]  }
0x2c7: {  	v21 =	vld.idx.msk [tilespmem:v30+s24+$0x0], $0xffff  }
0x2c8: {  	v30 =	vld.idx.msk [tilespmem:v37+s23+$0x0], $0xffff;
	v27 =	vmul.f32 $2.000000030e-01, v3  }
0x2c9: {  	v7 =	vld.idx.msk [tilespmem:v62+s24+$0x0], $0xffff;
	v62 =	vor.u32 $0x61, v63  }
0x2ca: {  	v12 =	vld.idx.msk [tilespmem:v32+s23+$0x0], $0xffff;
	v3 =	vmax.f32 v3, v27  }
0x2cb: {  	v32 =	vld.idx.msk [tilespmem:v56+s24+$0x0], $0xffff;
	v1 =	vmul.f32 v3, v1  }
0x2cc: {  	v56 =	vld.idx.msk [tilespmem:v36+s23+$0x0], $0xffff  }
0x2cd: {  	v37 =	vor.u32 $0x66, v63;
	v4 =	vadd.f32 v4, v9;
	v0 =	vadd.f32 v1, v0;
	v1 =	vld [tilespmem:$0x1F9A0]  }
0x2ce: {  	v31 =	vor.u32 $0x62, v63;
	v62 =	vld.idx.msk [tilespmem:v62+s24+$0x0], $0xffff  }
0x2cf: {  	v28 =	vld.idx.msk [tilespmem:v34+s23+$0x0], $0xffff;
	v52 =	vmul.f32 $2.000000030e-01, v4  }
0x2d0: {  	v44 =	vld [tilespmem:$0x1FA90]  }
0x2d1: {  	v20 =	vadd.f32 v20, v22;
	v22 =	vld.idx.msk [tilespmem:v46+s23+$0x0], $0xffff;
	v4 =	vmax.f32 v4, v52  }
0x2d2: {  	v60 =	vor.u32 $0x63, v63;
	v26 =	vld.idx.msk [tilespmem:v37+s24+$0x0], $0xffff;
	v1 =	vmul.f32 v4, v1  }
0x2d3: {  	v10 =	vld.idx.msk [tilespmem:v31+s24+$0x0], $0xffff;
	v6 =	vadd.f32 v62, v56  }
0x2d4: {  	v5 =	vadd.f32 v32, v28;
	v0 =	vadd.f32 v1, v0;
	v1 =	vld [tilespmem:$0x1F9B0]  }
0x2d5: {  	v52 =	vld.idx.msk [tilespmem:v38+s23+$0x0], $0xffff;
	v28 =	vor.u32 $0x65, v63;
	v3 =	vadd.f32 v33, v29;
	v29 =	vmul.f32 $2.000000030e-01, v20  }
0x2d6: {  	v36 =	vld.idx.msk [tilespmem:v40+s23+$0x0], $0xffff  }
0x2d7: {  	v40 =	vmul.f32 $2.000000030e-01, v6;
	v8 =	vmax.f32 v20, v29;
	v29 =	vld.idx.msk [tilespmem:v60+s24+$0x0], $0xffff  }
0x2d8: {  	v32 =	vld.idx.msk [tilespmem:v39+s23+$0x0], $0xffff  }
0x2d9: {  	v6 =	vmax.f32 v6, v40;
	v40 =	vld [tilespmem:$0x1FA60];
	v33 =	vor.u32 $0x64, v63;
	v1 =	vmul.f32 v8, v1  }
0x2da: {  	v62 =	vld.idx.msk [tilespmem:v28+s24+$0x0], $0xffff  }
0x2db: {  	v31 =	vmul.f32 $2.000000030e-01, v5;
	v0 =	vadd.f32 v1, v0;
	v1 =	vld [tilespmem:$0x1F9C0]  }
0x2dc: {  	v4 =	vadd.f32 v29, v36;
	v36 =	vld [tilespmem:$0x1FA50]  }
0x2dd: {  	v5 =	vmax.f32 v5, v31;
	v31 =	vld.idx.msk [tilespmem:v43+s23+$0x0], $0xffff;
	v34 =	vmul.f32 $2.000000030e-01, v3  }
0x2de: {  	v39 =	vld.idx.msk [tilespmem:v33+s24+$0x0], $0xffff;
	v33 =	vor.u32 $0x68, v63  }
0x2df: {  	v37 =	vor.u32 $0x69, v63;
	v46 =	vadd.f32 v62, v52;
	v62 =	vld.idx.msk [tilespmem:v48+s23+$0x0], $0xffff;
	v3 =	vmax.f32 v3, v34  }
0x2e0: {  	v29 =	vld.idx.msk [tilespmem:v47+s23+$0x0], $0xffff;
	v1 =	vmul.f32 v3, v1  }
0x2e1: {  	v56 =	vor.u32 $0x67, v63;
	v6 =	vmul.f32 v6, v36;
	v36 =	vld [tilespmem:$0x1F3E0]  }
0x2e2: {  	v0 =	vadd.f32 v1, v0;
	v1 =	vld [tilespmem:$0x1FA40]  }
0x2e3: {  	v60 =	vadd.f32 v10, v30;
	v38 =	vmul.f32 $2.000000030e-01, v4;
	v10 =	vld.idx.msk [tilespmem:v33+s24+$0x0], $0xffff  }
0x2e4: {  	v33 =	vld.idx.msk [tilespmem:v37+s24+$0x0], $0xffff  }
0x2e5: {  	v4 =	vmax.f32 v4, v38;
	v38 =	vld [tilespmem:$0x1FA80]  }
0x2e6: {  	v3 =	vadd.f32 v7, v23;
	v7 =	vadd.f32 v39, v32;
	v39 =	vld.idx.msk [tilespmem:v56+s24+$0x0], $0xffff  }
0x2e7: {  	v56 =	vld [tilespmem:$0x1FA70];
	v1 =	vmul.f32 v5, v1  }
0x2e8: {  	v52 =	vor.u32 $0x6A, v63;
	v34 =	vmul.f32 $2.000000030e-01, v60;
	v8 =	vadd.f32 v26, v31;
	v26 =	vld [tilespmem:$0x1FAB0]  }
0x2e9: {  	v27 =	vld.idx.msk [tilespmem:v36+s23+$0x0], $0xffff;
	v1 =	vadd.f32 $0.0e+00, v1  }
0x2ea: {  	v36 =	vld.idx.msk [tilespmem:v41+s23+$0x0], $0xffff;
	v43 =	vmul.f32 $2.000000030e-01, v7;
	v5 =	vmax.f32 v60, v34  }
0x2eb: {  	v41 =	vld.idx.msk [tilespmem:v42+s23+$0x0], $0xffff;
	v32 =	vmul.f32 $2.000000030e-01, v46;
	v5 =	vmul.f32 v5, v40;
	v1 =	vadd.f32 v6, v1  }
0x2ec: {  	v4 =	vmul.f32 v4, v56;
	v60 =	vmax.f32 v7, v43;
	v34 =	vor.u32 $0x6B, v63;
	v43 =	vld.idx.msk [tilespmem:v45+s23+$0x0], $0xffff  }
0x2ed: {  	v7 =	vmax.f32 v46, v32;
	v45 =	vld.idx.msk [tilespmem:v52+s24+$0x0], $0xffff;
	v46 =	vor.u32 $0x6C, v63;
	v1 =	vadd.f32 v5, v1  }
0x2ee: {  	v37 =	vor.u32 $0x5B, v63;
	v10 =	vadd.f32 v10, v25;
	v52 =	vld [tilespmem:$0x1FAA0]  }
0x2ef: {  	v30 =	vmul.f32 $2.000000030e-01, v3;
	v32 =	vld [tilespmem:$0x1F3F0];
	v5 =	vmul.f32 v60, v38;
	v1 =	vadd.f32 v4, v1  }
0x2f0: {  	v39 =	vadd.f32 v39, v22;
	v40 =	vmul.f32 $2.000000030e-01, v8;
	v6 =	vadd.f32 v33, v62;
	v33 =	vld [tilespmem:$0x1FAC0]  }
0x2f1: {  	v3 =	vmax.f32 v3, v30;
	v56 =	vld.idx.msk [tilespmem:v34+s24+$0x0], $0xffff;
	v1 =	vadd.f32 v5, v1;
	v5 =	vmul.f32 v7, v44  }
0x2f2: {  	v48 =	vmul.f32 $2.000000030e-01, v39;
	v8 =	vmax.f32 v8, v40;
	v62 =	vor.u32 $0x6D, v63;
	v30 =	vld.idx.msk [tilespmem:v46+s24+$0x0], $0xffff  }
0x2f3: {  	v46 =	vld [tilespmem:$0x1F9D0];
	v1 =	vadd.f32 v5, v1;
	v5 =	vmul.f32 v8, v52  }
0x2f4: {  	v31 =	vor.u32 $0x6E, v63;
	v9 =	vmax.f32 v39, v48;
	v60 =	vmul.f32 $2.000000030e-01, v10;
	v38 =	vld [tilespmem:$0x1FAD0]  }
0x2f5: {  	v28 =	vmul.f32 $2.000000030e-01, v6;
	v4 =	vld.idx.msk [tilespmem:v37+s24+$0x0], $0xffff;
	v1 =	vadd.f32 v5, v1;
	v5 =	vmul.f32 v9, v26  }
0x2f6: {  	v10 =	vmax.f32 v10, v60;
	v7 =	vadd.f32 v45, v43;
	v44 =	vld [tilespmem:$0x1FAE0]  }
0x2f7: {  	v6 =	vmax.f32 v6, v28;
	v10 =	vmul.f32 v10, v33;
	v39 =	vld.idx.msk [tilespmem:v62+s24+$0x0], $0xffff;
	v1 =	vadd.f32 v5, v1  }
0x2f8: {  	v37 =	vor.u32 $0x6F, v63;
	v34 =	vmul.f32 $2.000000030e-01, v7;
	v8 =	vadd.f32 v56, v49;
	v49 =	vld [tilespmem:$0x1FAF0]  }
0x2f9: {  	v43 =	vadd.f32 v30, v29;
	v45 =	vld.idx.msk [tilespmem:v31+s24+$0x0], $0xffff;
	v6 =	vmul.f32 v6, v38;
	v1 =	vadd.f32 v10, v1  }
0x2fa: {  	v3 =	vmul.f32 v3, v46;
	v31 =	vld [tilespmem:$0x1FB00];
	v7 =	vmax.f32 v7, v34;
	v40 =	vmul.f32 $2.000000030e-01, v8  }
0x2fb: {  	v47 =	vld.idx.msk [tilespmem:v50+s23+$0x0], $0xffff;
	v50 =	vmul.f32 $2.000000030e-01, v43;
	v7 =	vmul.f32 v7, v44;
	v1 =	vadd.f32 v6, v1  }
0x2fc: {  	v0 =	vadd.f32 v3, v0;
	v3 =	vadd.f32 v39, v36;
	v39 =	vld [tilespmem:$0x1FB10];
	v8 =	vmax.f32 v8, v40  }
0x2fd: {  	v1 =	vadd.f32 v7, v1;
	v7 =	vmul.f32 v8, v49  }
0x2fe: {  	v5 =	vld.idx.msk [tilespmem:v32+s23+$0x0], $0xffff;
	v32 =	vmul.f32 $2.000000030e-01, v3;
	v6 =	vmax.f32 v43, v50  }
0x2ff: {  	v46 =	vld [tilespmem:$0x1FB20];
	v11 =	vadd.f32 v45, v41;
	v6 =	vmul.f32 v6, v31;
	v1 =	vadd.f32 v7, v1  }
0x300: {  	v3 =	vmax.f32 v3, v32  }
0x301: {  	v25 =	vld.idx.msk [tilespmem:v37+s24+$0x0], $0xffff;
	v40 =	vmul.f32 $2.000000030e-01, v11;
	v3 =	vmul.f32 v3, v39;
	v1 =	vadd.f32 v6, v1  }
0x302: {  	v42 =	vor.u32 $0x70, v63  }
0x303: {  	v1 =	vadd.f32 v3, v1;
	v3 =	vmax.f32 v11, v40  }
0x304: {  	v3 =	vmul.f32 v3, v46;
	_ =	sdelay $0x1  }
0x305: {  	v9 =	vadd.f32 v25, v47;
	v1 =	vadd.f32 v3, v1;
	v3 =	vld [tilespmem:$0x1FB30]  }
0x306: {  	v62 =	vld.idx.msk [tilespmem:v42+s24+$0x0], $0xffff  }
0x307: {  	v52 =	vld.idx.msk [tilespmem:v51+s23+$0x0], $0xffff;
	v44 =	vmul.f32 $2.000000030e-01, v9  }
0x308: {  	v48 =	vor.u32 $0x71, v63  }
0x309: {  	v12 =	vadd.f32 v21, v12;
	v37 =	vld [tilespmem:$0x1F9E0];
	v9 =	vmax.f32 v9, v44  }
0x30a: {  	v3 =	vmul.f32 v9, v3  }
0x30b: {  	v60 =	vmul.f32 $2.000000030e-01, v12  }
0x30c: {  	v41 =	vadd.f32 v62, v52;
	v1 =	vadd.f32 v3, v1;
	v3 =	vld [tilespmem:$0x1FB40]  }
0x30d: {  	v20 =	vld.idx.msk [tilespmem:v48+s24+$0x0], $0xffff;
	v12 =	vmax.f32 v12, v60  }
0x30e: {  	v33 =	vld.idx.msk [tilespmem:v58+s23+$0x0], $0xffff;
	v47 =	vmul.f32 $2.000000030e-01, v41;
	v6 =	vmul.f32 v12, v37;
	_ =	sdelay $0x1  }
0x30f: {  	v56 =	vor.u32 $0x72, v63;
	v0 =	vadd.f32 v6, v0;
	v6 =	vmax.f32 v41, v47  }
0x310: {  	v3 =	vmul.f32 v6, v3  }
0x311: {  	v16 =	vld.idx.msk [tilespmem:v16+s23+$0x0], $0xffff  }
0x312: {  	v20 =	vadd.f32 v20, v33;
	v1 =	vadd.f32 v3, v1;
	v3 =	vld [tilespmem:$0x1FB50]  }
0x313: {  	v38 =	vld.idx.msk [tilespmem:v57+s23+$0x0], $0xffff  }
0x314: {  	v22 =	vld.idx.msk [tilespmem:v56+s24+$0x0], $0xffff;
	v52 =	vmul.f32 $2.000000030e-01, v20  }
0x315: {  	v13 =	vld.idx.msk [tilespmem:v13+s23+$0x0], $0xffff  }
0x316: {  	v14 =	vld.idx.msk [tilespmem:v14+s23+$0x0], $0xffff;
	v34 =	vor.u32 $0x73, v63;
	v58 =	vmax.f32 v20, v52  }
0x317: {  	v17 =	vld.idx.msk [tilespmem:v17+s23+$0x0], $0xffff;
	v3 =	vmul.f32 v58, v3  }
0x318: {  	v48 =	vor.u32 $0x75, v63;
	v42 =	vld.idx.msk [tilespmem:v61+s23+$0x0], $0xffff  }
0x319: {  	v43 =	vor.u32 $0x74, v63;
	v8 =	vadd.f32 v22, v38;
	v1 =	vadd.f32 v3, v1;
	v3 =	vld [tilespmem:$0x1FB60]  }
0x31a: {  	v57 =	vld.idx.msk [tilespmem:v59+s23+$0x0], $0xffff  }
0x31b: {  	v45 =	vld.idx.msk [tilespmem:v34+s24+$0x0], $0xffff;
	v59 =	vmul.f32 $2.000000030e-01, v8  }
0x31c: {  	v51 =	vld.idx.msk [tilespmem:v53+s23+$0x0], $0xffff  }
0x31d: {  	v53 =	vor.u32 $0x76, v63;
	v60 =	vld.idx.msk [tilespmem:v48+s24+$0x0], $0xffff;
	v8 =	vmax.f32 v8, v59  }
0x31e: {  	v10 =	vld.idx.msk [tilespmem:v43+s24+$0x0], $0xffff;
	v3 =	vmul.f32 v8, v3  }
0x31f: {  	v4 =	vadd.f32 v4, v27;
	v27 =	vld.idx.msk [tilespmem:v18+s23+$0x0], $0xffff  }
0x320: {  	v56 =	vadd.f32 v45, v42;
	v1 =	vadd.f32 v3, v1;
	v3 =	vld [tilespmem:$0x1FB70]  }
0x321: {  	v26 =	vld [tilespmem:$0x1FBC0]  }
0x322: {  	v36 =	vor.u32 $0x5C, v63;
	v30 =	vmul.f32 $2.000000030e-01, v4;
	v29 =	vld.idx.msk [tilespmem:v53+s24+$0x0], $0xffff;
	v62 =	vmul.f32 $2.000000030e-01, v56  }
0x323: {  	v61 =	vor.u32 $0x77, v63;
	v40 =	vld [tilespmem:$0x1FB80];
	v9 =	vadd.f32 v10, v51  }
0x324: {  	v28 =	vor.u32 $0x78, v63;
	v4 =	vmax.f32 v4, v30;
	v30 =	vld [tilespmem:$0x1FBD0];
	v6 =	vmax.f32 v56, v62  }
0x325: {  	v33 =	vadd.f32 v60, v57;
	v46 =	vld [tilespmem:$0x1FB90];
	v37 =	vmul.f32 $2.000000030e-01, v9;
	v3 =	vmul.f32 v6, v3  }
0x326: {  	v25 =	vld [tilespmem:$0x1FA00]  }
0x327: {  	v21 =	vld.idx.msk [tilespmem:v36+s24+$0x0], $0xffff;
	v9 =	vmax.f32 v9, v37;
	v1 =	vadd.f32 v3, v1;
	v3 =	vmul.f32 $2.000000030e-01, v33  }
0x328: {  	v34 =	vld.idx.msk [tilespmem:v61+s24+$0x0], $0xffff;
	v9 =	vmul.f32 v9, v40  }
0x329: {  	v20 =	vld.idx.msk [tilespmem:v28+s24+$0x0], $0xffff;
	v3 =	vmax.f32 v33, v3  }
0x32a: {  	v39 =	vld [tilespmem:$0x1F9F0];
	v1 =	vadd.f32 v9, v1;
	v3 =	vmul.f32 v3, v46  }
0x32b: {  	v36 =	vor.u32 $0x5E, v63;
	v52 =	vld.idx.msk [tilespmem:v55+s23+$0x0], $0xffff  }
0x32c: {  	v8 =	vadd.f32 v29, v16;
	v1 =	vadd.f32 v3, v1;
	v3 =	vld [tilespmem:$0x1FBA0]  }
0x32d: {  	v50 =	vor.u32 $0x5D, v63;
	v49 =	vld [tilespmem:$0x1F400]  }
0x32e: {  	v31 =	vld.idx.msk [tilespmem:v15+s23+$0x0], $0xffff;
	v43 =	vmul.f32 $2.000000030e-01, v8  }
0x32f: {  	v32 =	vor.u32 $0x79, v63;
	v42 =	vld [tilespmem:$0x1F410]  }
0x330: {  	v45 =	vld.idx.msk [tilespmem:v36+s24+$0x0], $0xffff;
	v8 =	vmax.f32 v8, v43  }
0x331: {  	v38 =	vor.u32 $0x7A, v63;
	v4 =	vmul.f32 v4, v39;
	v39 =	vld.idx.msk [tilespmem:v35+s23+$0x0], $0xffff;
	v3 =	vmul.f32 v8, v3  }
0x332: {  	v23 =	vld.idx.msk [tilespmem:v50+s24+$0x0], $0xffff  }
0x333: {  	v44 =	vor.u32 $0x7B, v63;
	v7 =	vadd.f32 v34, v31;
	v1 =	vadd.f32 v3, v1;
	v3 =	vld [tilespmem:$0x1FBB0]  }
0x334: {  	v50 =	vor.u32 $0x7C, v63;
	v41 =	vld.idx.msk [tilespmem:v32+s24+$0x0], $0xffff  }
0x335: {  	v48 =	vmul.f32 $2.000000030e-01, v7;
	v11 =	vld.idx.msk [tilespmem:v49+s23+$0x0], $0xffff  }
0x336: {  	v49 =	vld.idx.msk [tilespmem:v38+s24+$0x0], $0xffff  }
0x337: {  	v34 =	vld.idx.msk [tilespmem:v19+s23+$0x0], $0xffff;
	v7 =	vmax.f32 v7, v48;
	v51 =	vadd.f32 v20, v14  }
0x338: {  	v53 =	vld.idx.msk [tilespmem:v44+s24+$0x0], $0xffff;
	v3 =	vmul.f32 v7, v3  }
0x339: {  	v57 =	vor.u32 $0x5F, v63;
	v62 =	vld.idx.msk [tilespmem:v50+s24+$0x0], $0xffff;
	v58 =	vmul.f32 $2.000000030e-01, v51;
	v6 =	vadd.f32 v41, v13  }
0x33a: {  	v55 =	vor.u32 $0x7D, v63;
	v5 =	vadd.f32 v21, v5;
	v1 =	vadd.f32 v3, v1;
	v3 =	vld.idx.msk [tilespmem:v54+s23+$0x0], $0xffff  }
0x33b: {  	v38 =	vld [tilespmem:$0x1FBE0];
	v61 =	vmax.f32 v51, v58;
	v59 =	vmul.f32 $2.000000030e-01, v6;
	v8 =	vadd.f32 v49, v17  }
0x33c: {  	v60 =	vadd.f32 v23, v11;
	v56 =	vld.idx.msk [tilespmem:v24+s23+$0x0], $0xffff;
	v24 =	vor.u32 $0x7E, v63;
	v11 =	vmul.f32 v61, v26  }
0x33d: {  	v43 =	vld [tilespmem:$0x1FBF0];
	v6 =	vmax.f32 v6, v59;
	v31 =	vmul.f32 $2.000000030e-01, v8;
	v7 =	vadd.f32 v53, v52  }
0x33e: {  	v48 =	vld [tilespmem:$0x1FC00];
	v29 =	vor.u32 $0x7F, v63;
	v6 =	vmul.f32 v6, v30;
	v1 =	vadd.f32 v11, v1  }
0x33f: {  	v15 =	vld.idx.msk [tilespmem:v42+s23+$0x0], $0xffff;
	v36 =	vmax.f32 v8, v31;
	v33 =	vmul.f32 $2.000000030e-01, v7;
	v3 =	vadd.f32 v62, v3  }
0x340: {  	v47 =	vmul.f32 $2.000000030e-01, v5;
	v10 =	vld.idx.msk [tilespmem:v55+s24+$0x0], $0xffff;
	v1 =	vadd.f32 v6, v1;
	v6 =	vmul.f32 v36, v38  }
0x341: {  	v0 =	vadd.f32 v4, v0;
	v40 =	vld [tilespmem:$0x1FA10];
	v7 =	vmax.f32 v7, v33;
	v44 =	vmul.f32 $2.000000030e-01, v3  }
0x342: {  	v5 =	vmax.f32 v5, v47;
	v20 =	vld.idx.msk [tilespmem:v57+s24+$0x0], $0xffff;
	v1 =	vadd.f32 v6, v1;
	v6 =	vmul.f32 v7, v43  }
0x343: {  	v5 =	vmul.f32 v5, v25;
	v28 =	vmul.f32 $2.000000030e-01, v60;
	v37 =	vld.idx.msk [tilespmem:v24+s24+$0x0], $0xffff;
	v3 =	vmax.f32 v3, v44  }
0x344: {  	v42 =	vld.idx.msk [tilespmem:v29+s24+$0x0], $0xffff;
	v1 =	vadd.f32 v6, v1;
	v3 =	vmul.f32 v3, v48  }
0x345: {  	v0 =	vadd.f32 v5, v0;
	v4 =	vadd.f32 v45, v15;
	v32 =	vmax.f32 v60, v28;
	v49 =	vld [tilespmem:$0x1FA20]  }
0x346: {  	v10 =	vadd.f32 v10, v27;
	v5 =	vmul.f32 v32, v40;
	v1 =	vadd.f32 v3, v1;
	v3 =	vld [tilespmem:$0x1FC10]  }
0x347: {  	v55 =	vld [tilespmem:$0x1FA30];
	v41 =	vmul.f32 $2.000000030e-01, v4;
	v46 =	vadd.f32 v20, v56  }
0x348: {  	v45 =	vmul.f32 $2.000000030e-01, v10;
	v0 =	vadd.f32 v5, v0;
	v58 =	vld [tilespmem:$0x1F420]  }
0x349: {  	v57 =	vld [tilespmem:$0x1FC20];
	v47 =	vadd.f32 v37, v34;
	v4 =	vmax.f32 v4, v41;
	v51 =	vmul.f32 $2.000000030e-01, v46  }
0x34a: {  	v5 =	vmax.f32 v10, v45;
	v50 =	vadd.f32 v42, v39;
	v4 =	vmul.f32 v4, v49  }
0x34b: {  	v59 =	vld [tilespmem:$0x1FC30];
	v52 =	vmul.f32 $2.000000030e-01, v47;
	v53 =	vmax.f32 v46, v51;
	v3 =	vmul.f32 v5, v3  }
0x34c: {  	v0 =	vadd.f32 v4, v0;
	v4 =	vmul.f32 v53, v55;
	v54 =	vmul.f32 $2.000000030e-01, v50  }
0x34d: {  	v6 =	vmul.f32 $1.442695020e+00, v58;
	v1 =	vadd.f32 v3, v1;
	v3 =	vmax.f32 v47, v52  }
0x34e: {  	v2 =	vmul.f32 $1.442695020e+00, v2;
	v3 =	vmul.f32 v3, v57  }
0x34f: {  	v0 =	vadd.f32 v4, v0;
	v56 =	vmax.f32 v50, v54;
	(erf) = vpow2.f32 v6  }
0x350: {  	v4 =	vmul.f32 v56, v59;
	(erf) = vpow2.f32 v2;
	v2 =	vld [tilespmem:$0x1F430];
	v1 =	vadd.f32 v3, v1;
	_ =	sdelay $0x1  }
0x351: {  	v0 =	vmul.f32 $1.442695020e+00, v0;
	v1 =	vadd.f32 v4, v1;
	_ =	sdelay $0x1  }
0x352: {  	(erf) = vpow2.f32 v0;
	v0 =	vmul.f32 $1.442695020e+00, v1  }
0x353: {  	v1 =	vshll.u32 v2, $0x4  }
0x354: {  	v2 =	vshll.u32 v2, $0x3;
	(erf) = vpow2.f32 v0  }
0x355: {  	v0 =	vor.u32 $0x1, v1  }
0x356: {  	v3 =	vor.u32 $0x1, v2  }
0x357: {  	v60 =	vpop (erf);
	v61 =	vor.u32 $0x2, v1  }
0x358: {  	v62 =	vor.u32 $0x2, v2;
	[tilespmem:v1+s18+$0x0] =	vst.idx.msk $0xffff, v60  }
0x359: {  	v63 =	vpop (erf);
	v1 =	vor.u32 $0x3, v1;
	[tilespmem:v2+s29+$0x0] =	vst.idx.msk $0xffff, v60  }
0x35a: {  	p0 =	sne.s32 s8, $0x40;
	[tilespmem:v0+s18+$0x0] =	vst.idx.msk $0xffff, v63;
	v0 =	vor.u32 $0x3, v2  }
.Ltmp0:
0x35b: {  	v2 =	vpop (erf);
	[tilespmem:v3+s29+$0x0] =	vst.idx.msk $0xffff, v63;
	(pc) =	sbr.rel @p0 .LBB2_3-.Ltmp0, $4  }
0x35c: {  	[tilespmem:v61+s18+$0x0] =	vst.idx.msk $0xffff, v2  }
0x35d: {  	[tilespmem:v62+s29+$0x0] =	vst.idx.msk $0xffff, v2;
	v2 =	vpop (erf)  }
0x35e: {  	[tilespmem:v1+s18+$0x0] =	vst.idx.msk $0xffff, v2  }
0x35f: {  	s8 =	sadd.s32 $0x10, s8;
	[tilespmem:v0+s29+$0x0] =	vst.idx.msk $0xffff, v2;
	v2 =	vlaneseq.u32  }
0x360: {  	s4 =	sadd.s32 s10, s5  }
0x361: {  	[hbm4b:s4+s7] =	stream.linear.scatter [tilespmem:s29], [sflag:$0x4], $0x280, $0x38;
	[tilespmem:$0xA7A0] =	vst v63  }
0x362: {  	s31 =	sadd.s32 $0x1, s31;
	_ =	swait.ge [sflag:s17], $0x280  }
0x363: {  	p0 =	sne.s32 s31, $0x7D;
	[sflag:s17] =	ssyncset.done $0x0  }
.Ltmp1:
0x364: {  	[sflag:s17] =	ssyncadd.s32 $0xFFFFFD80;
	(pc) =	sbr.rel @p0 .LBB2_2-.Ltmp1, $4  }
0x365: {  	[spmem:s6] =	stream.indirect.scatter.add.f32 [tilespmem:s18], [sflag:$0x4], $0x10, s20, s21, $0xb8;
	[tilespmem:$0xA7A0] =	vst v63  }
0x366: {  	_ =	swait.ge [sflag:s17], $0x500  }
0x367: {  	[sflag:s17] =	ssyncset.done $0x0  }
0x368: {  	[sflag:s17] =	ssyncadd.s32 $0xFFFFFB00  }
0x369: {  	[bflag:$0x0] =	sbarrier.arrive $0xFFFF  }
0x36a: {  	[tilespmem:s16], [sflag:$0x4] =	stream.linear.gather [spmem:s13], $0x2780, $0x38;
	[tilespmem:$0xA7A0] =	vst v63  }
0x36b: {  	s30 =	sadd.s32 $0x1, s30;
	_ =	swait.ge [sflag:s17], $0x2780  }
0x36c: {  	p0 =	sne.s32 s30, s15;
	[sflag:s17] =	ssyncset.done $0x0  }
.Ltmp2:
0x36d: {  	[sflag:s17] =	ssyncadd.s32 $0xFFFFD880;
	(pc) =	sbr.rel @p0 .LBB2_1-.Ltmp2, $4  }
0x36e: {  	[hbm4b:s14+s7] =	stream.linear.scatter [tilespmem:s16], [sflag:$0x4], $0x2780, $0x38;
	[tilespmem:$0xA7A0] =	vst v63  }
0x36f: {  	_ =	swait.ge [sflag:s17], $0x2780  }
0x370: {  	[sflag:s17] =	ssyncset.done $0x0  }
0x371: {  	[sflag:s17] =	ssyncadd.s32 $0xFFFFD880  }
0x372: {  	_ =	sfence.sel $0x180000  }
0x373: {  	[bflag:$0x0] =	sbarrier.arrive $0xFFFF  }
0x374: {  	_ =	strace $0x90000047  }
0x375: {  	s0 =	stileid.u32;
	[bflag:$0x2] =	sbarrier.arrive $0xFFFF  }
0x376: {  	p0 =	sne.s32 s0, $0x0;
	s0 =	rddreg [dreg:$0x9]  }
0x377: {  	s0 =	sadd.s32 @!p0 $0x100000, s0  }
0x378: {  	[sflag:s0] =	ssyncadd.tile.s32 @!p0 $0x1;
	_ =	shalt  }
.Lfunc_end2:
_tile_overlayer_lowered:
.L_overlay_start_2:
0x379: {  	(tag) =	ssettag $0x2  }
0x37a: {  	s0 =	rddreg [dreg:$0x0];
	s2 =	stileid.u32  }
0x37b: {  	s1 =	rddreg [dreg:$0x1];
	p0 =	sne.s32 s2, $0x0  }
0x37c: {  	s3 =	rddreg [dreg:$0x2];
	[bflag:$0x3] =	sbarrier.arrive $0xFFFF;
	s2 =	simm.s32 @!p0 $0x1C04  }
0x37d: {  	[timem:s3], [sflag:s2] =	dma.local @!p0 [hbm:s0], s1  }
0x37e: {  	s0 =	simm.s32 @!p0 $0x4  }
0x37f: {  	_ =	swait.ge @!p0 [sflag:s0], s1  }
0x380: {  	s1 =	ssub.s32 @!p0 $0x0, s1;
	[sflag:s0] =	ssyncset.done @!p0 $0x0  }
0x381: {  	[sflag:s0] =	ssyncadd.s32 @!p0 s1  }
0x382: {  	[bflag:$0x3] =	sbarrier.arrive $0xFFFF  }
0x383: {  	_ =	shalt  }

// kernel: _stage1.8.cloned.1.call-start
scs
__scs_entry_jumppad:
0x0: {  	(pc) =	sbr.rel $0x88, $3  }
0x1: {  	(tag) =	ssettag $0x0;
	lr =	simm.s32 $0x1  }
0x2: {  	[smem:$0x3F95] =	sst lr;
	_ =	strace $0xD0000000  }
0x3: {  	_ = 	snop  }
0x4: {  	_ = 	snop  }
0x5: {  	_ = 	snop  }
0x6: {  	_ = 	snop  }
0x7: {  	_ = 	snop  }
__scs_overlays_trampoline_lowered:
0x8: {  	[smem:$0x3FA4] =	sst s0  }
0x9: {  	[smem:$0x3FA5] =	sst s1  }
0xa: {  	[smem:$0x3FA6] =	sst s2  }
0xb: {  	[smem:$0x3FA7] =	sst s3  }
0xc: {  	[smem:$0x3FA8] =	sst s4  }
0xd: {  	[smem:$0x3FA9] =	sst s5  }
0xe: {  	[smem:$0x3FAA] =	sst s6  }
0xf: {  	[smem:$0x3FAB] =	sst s7  }
0x10: {  	[smem:$0x3FAC] =	sst s8  }
0x11: {  	[smem:$0x3FAD] =	sst s9;
	s0 =	simm.s32 @!p0 $0x0  }
0x12: {  	s1 =	sld [smem:$0x3F93];
	s0 =	simm.s32 @p0 $0x1  }
0x13: {  	[smem:$0x3FAE] =	sst s0;
	s0 =	simm.s32 @!p1 $0x0  }
0x14: {  	s2 =	sld [smem:$0x3F92];
	s0 =	simm.s32 @p1 $0x1  }
0x15: {  	[smem:$0x3FAF] =	sst s0;
	s0 =	simm.s32 @!p2 $0x0  }
0x16: {  	s3 =	sld [smem:$0x3FDB];
	s0 =	simm.s32 @p2 $0x1  }
0x17: {  	s4 =	simm.s32 $0x1BF5;
	[smem:$0x3FB1] =	sst s0  }
0x18: {  	s0 =	sld [smem:$0x3F94];
	_ =	swait.ge [sflag:s4], $0x0  }
0x19: {  	s7 =	sld [smem:$0x3F95]  }
0x1a: {  	s8 =	sadd.s32 $0xFFFFE003, lr  }
0x1b: {  	s9 =	sadd.s32 $0xFFFFFEF7, lr;
	s5 =	simm.s32 $0xFFFFFFFF;
	p2 =	slt.u32 s8, $0xFFFFF086  }
0x1c: {  	p1 =	slt.u32 s9, $0xF7A;
	s5 =	simm.s32 @!p2 $0x0  }
0x1d: {  	s5 =	simm.s32 @p1 $0x1;
	p0 =	seq.s32 s7, s2  }
0x1e: {  	s7 =	smul.u32 @!p0 $0xF7A, s2;
	p2 =	seq.s32 @!p0 s5, $0x0  }
0x1f: {  	s9 =	smul.u32 $0xF7A, s1;
	s8 =	simm.s32 @!p0 $0x1BF5;
	p2 =	por !p2, p0  }
0x20: {  	[sflag:s8] =	ssyncset.s32 @!p0 $0xFFFFF086;
	s6 =	sadd.s32 @!p0 s3, s7;
	s7 =	simm.s32 @!p0 $0x108  }
0x21: {  	s3 =	sadd.s32 s3, s9;
	s6 =	sadd.s32 @!p0 $0x88, s6;
	s7 =	simm.s32 @p2 $0x1082  }
0x22: {  	[simem:s7], [sflag:s8] =	dma.local @!p0 [hbm:s6], $0xF7A  }
0x23: {  	s9 =	sor.u32 $0xD0000000, s2;
	s6 =	simm.s32 $0x108;
	_ =	swait.ge @!p0 [sflag:s8], $0x0  }
0x24: {  	s3 =	sadd.s32 $0x88, s3;
	s6 =	simm.s32 @!p1 $0x1082;
	[sflag:s4] =	ssyncset.s32 $0xFFFFF086  }
0x25: {  	[simem:s6], [sflag:s4] =	dma.local [hbm:s3], $0xF7A  }
0x26: {  	[smem:$0x3F95] =	sst s1;
	(tag) =	ssettag s2;
	_ =	strace s9  }
0x27: {  	s1 =	sld [smem:$0x3FA5]  }
0x28: {  	s2 =	sld [smem:$0x3FA6]  }
0x29: {  	s4 =	sld [smem:$0x3FA8]  }
0x2a: {  	p0 =	seq.s32 s5, $0x0;
	s5 =	sld [smem:$0x3FA9]  }
0x2b: {  	s6 =	sld [smem:$0x3FAA]  }
0x2c: {  	s7 =	sld [smem:$0x3FAB]  }
0x2d: {  	s3 =	simm.s32 $0x108;
	s8 =	sld [smem:$0x3FAC]  }
0x2e: {  	s3 =	simm.s32 @!p0 $0x1082;
	s9 =	sld [smem:$0x3FAD]  }
0x2f: {  	lr =	sadd.s32 s0, s3;
	s0 =	sld [smem:$0x3FA4]  }
0x30: {  	s3 =	sld [smem:$0x3FA7]  }
0x31: {  	[smem:$0x3FB0] =	sst s10  }
0x32: {  	s10 =	sld [smem:$0x3FAE];
	_ =	sdelay $0x3  }
0x33: {  	p0 =	seq.s32 s10, $0x1;
	s10 =	sld [smem:$0x3FB0];
	_ =	sdelay $0x3  }
0x34: {  	[smem:$0x3FB0] =	sst s10  }
0x35: {  	s10 =	sld [smem:$0x3FAF];
	_ =	sdelay $0x3  }
0x36: {  	p1 =	seq.s32 s10, $0x1;
	s10 =	sld [smem:$0x3FB0];
	_ =	sdelay $0x3  }
0x37: {  	[smem:$0x3FB0] =	sst s10  }
0x38: {  	s10 =	sld [smem:$0x3FB1]  }
0x39: {  	_ = 	snop;
	(pc) =	sbr.ind lr, $3  }
0x3a: {  	_ = 	snop  }
0x3b: {  	_ = 	snop  }
0x3c: {  	p2 =	seq.s32 s10, $0x1;
	s10 =	sld [smem:$0x3FB0]  }
0x3d: {  	_ =	shalt  }
0x3e: {  	_ =	shalt  }
0x3f: {  	_ =	shalt  }
0x40: {  	_ =	shalt  }
0x41: {  	_ =	shalt  }
0x42: {  	_ =	shalt  }
0x43: {  	_ =	shalt  }
0x44: {  	_ =	shalt  }
0x45: {  	_ =	shalt  }
0x46: {  	_ =	shalt  }
0x47: {  	_ =	shalt  }
0x48: {  	_ =	shalt  }
0x49: {  	_ =	shalt  }
0x4a: {  	_ =	shalt  }
0x4b: {  	_ =	shalt  }
0x4c: {  	_ =	shalt  }
0x4d: {  	_ =	shalt  }
0x4e: {  	_ =	shalt  }
0x4f: {  	_ =	shalt  }
0x50: {  	_ =	shalt  }
0x51: {  	_ =	shalt  }
0x52: {  	_ =	shalt  }
0x53: {  	_ =	shalt  }
0x54: {  	_ =	shalt  }
0x55: {  	_ =	shalt  }
0x56: {  	_ =	shalt  }
0x57: {  	_ =	shalt  }
0x58: {  	_ =	shalt  }
0x59: {  	_ =	shalt  }
0x5a: {  	_ =	shalt  }
0x5b: {  	_ =	shalt  }
0x5c: {  	_ =	shalt  }
0x5d: {  	_ =	shalt  }
0x5e: {  	_ =	shalt  }
0x5f: {  	_ =	shalt  }
0x60: {  	_ =	shalt  }
0x61: {  	_ =	shalt  }
0x62: {  	_ =	shalt  }
0x63: {  	_ =	shalt  }
0x64: {  	_ =	shalt  }
0x65: {  	_ =	shalt  }
0x66: {  	_ =	shalt  }
0x67: {  	_ =	shalt  }
0x68: {  	_ =	shalt  }
0x69: {  	_ =	shalt  }
0x6a: {  	_ =	shalt  }
0x6b: {  	_ =	shalt  }
0x6c: {  	_ =	shalt  }
0x6d: {  	_ =	shalt  }
0x6e: {  	_ =	shalt  }
0x6f: {  	_ =	shalt  }
0x70: {  	_ =	shalt  }
0x71: {  	_ =	shalt  }
0x72: {  	_ =	shalt  }
0x73: {  	_ =	shalt  }
0x74: {  	_ =	shalt  }
0x75: {  	_ =	shalt  }
0x76: {  	_ =	shalt  }
0x77: {  	_ =	shalt  }
0x78: {  	_ =	shalt  }
0x79: {  	_ =	shalt  }
0x7a: {  	_ =	shalt  }
0x7b: {  	_ =	shalt  }
0x7c: {  	_ =	shalt  }
0x7d: {  	_ =	shalt  }
0x7e: {  	_ =	shalt  }
0x7f: {  	_ =	shalt  }
0x80: {  	_ =	shalt  }
0x81: {  	_ =	shalt  }
0x82: {  	_ =	shalt  }
0x83: {  	_ =	shalt  }
0x84: {  	_ =	shalt  }
0x85: {  	_ =	shalt  }
0x86: {  	_ =	shalt  }
0x87: {  	_ =	shalt  }
.Lfunc_end0:
.L_simem_size_0:
called_computation.1_lowered:
.L_overlay_start_0:
0x88: {  	s2 =	sld [smem:$0x3FD9]  }
0x89: {  	s3 =	sld [smem:$0x3FFE];
	_ =	sdelay $0x1  }
0x8a: {  	s1 =	srdreg.scid  }
0x8b: {  	s0 =	sand.u32 $0x1, s1  }
0x8c: {  	s14 =	sshll.u32 s0, $0xA;
	s2 =	sadd.s32 s3, s2  }
0x8d: {  	s2 =	sadd.s32 s2, s14  }
0x8e: {  	[smem:$0x3FBC] =	sst s2  }
0x8f: {  	_ = 	snop  }
0x90: {  	s2 =	sld [smem:$0x3FD0]  }
0x91: {  	s15 =	sld [smem:$0x3FC8]  }
0x92: {  	s4 =	sld [smem:$0x3FC7]  }
0x93: {  	s6 =	simm.s32 $0xA;
	s7 =	simm.s32 $0x10;
	s5 =	sld [smem:$0x3FC6]  }
0x94: {  	[smem:s7], [sflag:s6] =	dma.local [hbm:s2], $0x1  }
0x95: {  	_ =	swait.eq [sflag:s6], $0x1  }
0x96: {  	[sflag:s6] =	ssyncset.done $0x0  }
0x97: {  	[sflag:s6] =	ssyncadd.s32 $0xFFFFFFFF  }
0x98: {  	s16 =	sld [smem:$0x13];
	(tm) =	ssettm $0x1  }
0x99: {  	s17 =	sld [smem:$0x3FFB];
	_ =	sdelay $0x3  }
0x9a: {  	_ =	strace s17  }
0x9b: {  	s6 =	sld [smem:$0x3FFC];
	_ =	sdelay $0x3  }
0x9c: {  	_ =	strace s6  }
0x9d: {  	s6 =	sld [smem:$0x3FFD];
	_ =	sdelay $0x3  }
0x9e: {  	_ =	strace s6  }
0x9f: {  	_ =	strace $0x8FFFFFFF  }
0xa0: {  	s18 =	sld [smem:$0x3FDB];
	_ =	sdelay $0x1  }
0xa1: {  	s19 =	simm.s32 $_scs_section_size  }
0xa2: {  	s8 =	simm.s32 $_size__tile_overlayer_lowered;
	s9 =	simm.s32 $_tile_overlayer_lowered  }
0xa3: {  	s22 =	simm.s32 $0x1BFF;
	s21 =	sshll.u32 s9, $0x1;
	s6 =	sadd.s32 s19, s18  }
0xa4: {  	s10 =	simm.s32 $0x0;
	s20 =	sshll.u32 s8, $0x1;
	s8 =	sadd.s32 s21, s6  }
0xa5: {  	[timem:s10], [sflag:s22] =	dma.local [hbm:s8], s20  }
0xa6: {  	_ =	swait.ge [sflag:s22], s20  }
0xa7: {  	s7 =	ssub.s32 $0x0, s20;
	[sflag:s22] =	ssyncset.done $0x0  }
0xa8: {  	[sflag:s22] =	ssyncadd.s32 s7;
	_ =	sdelay $0x1  }
0xa9: {  	s23 =	simm.s32 $0x1B8B  }
0xaa: {  	_ =	swait.ge [sflag:s23], $0x1  }
0xab: {  	[sflag:s23] =	ssyncset.done $0x0  }
0xac: {  	s25 =	simm.s32 $0x1B8E;
	s24 =	sld [smem:$0x3FFE];
	[sflag:s23] =	ssyncadd.s32 $0xFFFFFFFF  }
0xad: {  	s26 =	simm.s32 $execute0_lowered;
	[smem:$0x3FD2] =	sst s25  }
0xae: {  	s8 =	sshll.u32 s26, $0x1;
	_ =	strace $0x80000049;
	[dreg:$0x1] =	wrdreg $0xFFFFFFFF  }
0xaf: {  	s28 =	simm.s32 $_size_execute0_lowered;
	s6 =	sadd.s32 s6, s8;
	[dreg:$0x0] =	wrdreg $0x0  }
0xb0: {  	s8 =	sshll.u32 s28, $0x1;
	[dreg:$0x2] =	wrdreg s6  }
0xb1: {  	[dreg:$0x3] =	wrdreg s8  }
0xb2: {  	[dreg:$0x4] =	wrdreg $0xC0  }
0xb3: {  	_ =	task [dreg:s10], $0x5FFFF  }
0xb4: {  	[dreg:$0x1] =	wrdreg $0xFFFFFFFF  }
0xb5: {  	[dreg:$0x0] =	wrdreg $0x60  }
0xb6: {  	[dreg:$0x2] =	wrdreg s24  }
0xb7: {  	[dreg:$0x3] =	wrdreg s15  }
0xb8: {  	[dreg:$0x4] =	wrdreg s4  }
0xb9: {  	[dreg:$0x5] =	wrdreg s5  }
0xba: {  	[dreg:$0x6] =	wrdreg s16  }
0xbb: {  	[dreg:$0x7] =	wrdreg $0xD3700  }
0xbc: {  	[dreg:$0x8] =	wrdreg $0x9  }
0xbd: {  	_ =	task.clear_ibuf [dreg:s10], $0x9FFFF;
	_ =	strace $0x90000049  }
0xbe: {  	s29 =	simm.s32 $0x9;
	_ =	strace $0x8000004B  }
0xbf: {  	_ =	swait.ge [sflag:s29], $0x1  }
0xc0: {  	[sflag:s29] =	ssyncadd.s32 $0xFFFFFFFF  }
0xc1: {  	_ =	strace $0x9000004B  }
0xc2: {  	_ =	sfence  }
0xc3: {  	s30 =	sld [smem:$0x0];
	_ =	sdelay $0x2  }
0xc4: {  	s31 =	sshll.u32 s1, $0xD;
	s1 =	sshrl.u32 s1, $0x2  }
0xc5: {  	s3 =	sand.u32 $0x4000, s31;
	s1 =	sadd.s32 s1, s30  }
0xc6: {  	s0 =	sor.u32 s3, s0;
	s1 =	sshll.u32 s1, $0x11  }
0xc7: {  	s0 =	sor.u32 s1, s0  }
0xc8: {  	s0 =	sadd.s32 $0x8F2B, s0  }
0xc9: {  	[sflag:s0] =	ssyncadd.remote.s32 $0x1  }
0xca: {  	_ =	sfence.sel $0xFFFF  }
0xcb: {  	[dreg:$0x0] =	wrdreg $0xFFFFFFFF;
	(pc) =	sbr.abs _section_cstart, $3  }
0xcc: {  	[dreg:$0x1] =	wrdreg $0xFFFFFFFF  }
0xcd: {  	_ =	task.clear_ibuf [dreg:s10], $0x2FFFF;
	_ =	strace $0x9FFFFFFF  }
0xce: {  	(tm) =	ssettm $0x7FFFFFFF  }
0xcf: {  	_ =	shalt  }
tec
execute0_lowered:
.L_overlay_start_1:
0x0: {  	(tag) =	ssettag $0x1  }
0x1: {  	s11 =	rddreg [dreg:$0x0]  }
0x2: {  	s1 =	rddreg [dreg:$0x1]  }
0x3: {  	s2 =	rddreg [dreg:$0x2]  }
0x4: {  	s3 =	rddreg [dreg:$0x3]  }
0x5: {  	s14 =	rddreg [dreg:$0x4]  }
0x6: {  	s4 =	rddreg [dreg:$0x5];
	s6 =	simm.s32 $0x0;
	s0 =	stileid.u32  }
0x7: {  	s12 =	srdreg.scid;
	s18 =	simm.s32 $0x50;
	s19 =	simm.s32 $0xF0  }
0x8: {  	s20 =	simm.s32 $0xD70;
	s21 =	simm.s32 $0x370;
	s22 =	simm.s32 $0x870  }
0x9: {  	s23 =	simm.s32 $0x1;
	s24 =	simm.s32 $0x2;
	s25 =	simm.s32 $0x3  }
0xa: {  	s26 =	simm.s32 $0x2170;
	s28 =	simm.s32 $0x0;
	[smem:$0x7FF] =	sst s6  }
0xb: {  	s7 =	sadd.s32 $0x2800, s11;
	s8 =	sadd.s32 $0x16200, s11;
	s13 =	smul.u32 $0x9E00, s0  }
0xc: {  	s9 =	sadd.s32 $0x7D000, s11;
	s10 =	sadd.s32 $0x78000, s11;
	s12 =	sand.u32 $0x1, s12  }
0xd: {  	_ =	strace $0x8000004A;
	s16 =	ssub.s32 $0x2, s12;
	s17 =	smul.u32 $0x9E000, s12  }
0xe: {  	s12 =	sshll.u32 s12, $0x4;
	s15 =	sshrl.u32 s13, $0x3;
	s29 =	sshrl.u32 s16, $0x1  }
0xf: {  	s30 =	sor.u32 s0, s12;
	s15 =	sadd.s32 s15, s11;
	s16 =	ssub.s32 s16, s29  }
0x10: {  	s17 =	sadd.s32 s13, s17;
	s11 =	smul.u32 $0x2710, s30;
	s13 =	sadd.s32 s13, s4  }
0x11: {  	s12 =	sadd.s32 $0x64400, s15;
	s31 =	sshrl.u32 s17, $0x3;
	s15 =	smax.u32 s16, $0x1  }
0x12: {  	v0 =	vlaneseq.u32;
	s16 =	simm.s32 $0x3570;
	s17 =	simm.s32 $0x4;
	s14 =	sadd.s32 s14, s31  }
.LBB2_1:
0x13: {  	[tilespmem:s16], [sflag:$0x4] =	stream.linear.gather [hbm4b:s12+s6], $0x9E00, $0x38;
	[tilespmem:$0x17170] =	vst v63  }
0x14: {  	_ =	swait.ge [sflag:s17], $0x9E00  }
0x15: {  	[sflag:s17] =	ssyncset.done $0x0  }
0x16: {  	[sflag:s17] =	ssyncadd.s32 $0xFFFF6200  }
0x17: {  	[spmem:s13] =	stream.linear.scatter [tilespmem:s16], [sflag:$0x4], $0x9E00, $0x38;
	[tilespmem:$0x17170] =	vst v63  }
0x18: {  	_ =	swait.ge [sflag:s17], $0x9E00  }
0x19: {  	[sflag:s17] =	ssyncset.done $0x0  }
0x1a: {  	[sflag:s17] =	ssyncadd.s32 $0xFFFF6200  }
0x1b: {  	s29 =	simm.s32 $0x0;
	[bflag:$0x0] =	sbarrier.arrive $0xFFFF  }
.LBB2_2:
0x1c: {  	s30 =	smul.u32 $0x50, s29;
	_ =	sdelay $0x1  }
0x1d: {  	s0 =	sadd.s32 s11, s30  }
0x1e: {  	s31 =	sshrl.u32 s0, $0x3  }
0x1f: {  	s30 =	simm.s32 $0x0;
	s5 =	sadd.s32 s1, s31  }
0x20: {  	[tilespmem:s30], [sflag:$0x4] =	stream.linear.gather [hbm4b:s5+s30], $0x50, $0x38;
	[tilespmem:$0x17170] =	vst v63  }
0x21: {  	_ =	swait.ge [sflag:s17], $0x50  }
0x22: {  	[sflag:s17] =	ssyncset.done $0x0  }
0x23: {  	s5 =	sadd.s32 s2, s31;
	[sflag:s17] =	ssyncadd.s32 $0xFFFFFFB0  }
0x24: {  	[tilespmem:s18], [sflag:$0x4] =	stream.linear.gather [hbm4b:s5+s30], $0x50, $0x38;
	[tilespmem:$0x17170] =	vst v63  }
0x25: {  	_ =	swait.ge [sflag:s17], $0x50  }
0x26: {  	[sflag:s17] =	ssyncset.done $0x0  }
0x27: {  	s5 =	sadd.s32 s3, s31;
	s31 =	simm.s32 $0xA0;
	[sflag:s17] =	ssyncadd.s32 $0xFFFFFFB0  }
0x28: {  	[tilespmem:s31], [sflag:$0x4] =	stream.linear.gather [hbm4b:s5+s30], $0x50, $0x38;
	[tilespmem:$0x17170] =	vst v63  }
0x29: {  	_ =	swait.ge [sflag:s17], $0x50  }
0x2a: {  	[sflag:s17] =	ssyncset.done $0x0  }
0x2b: {  	s0 =	sadd.s32 s8, s0;
	[sflag:s17] =	ssyncadd.s32 $0xFFFFFFB0  }
0x2c: {  	[tilespmem:s19], [sflag:$0x4] =	stream.linear.gather [hbm4b:s0+s30], $0x280, $0x38;
	[tilespmem:$0x17170] =	vst v63  }
0x2d: {  	_ =	swait.ge [sflag:s17], $0x280  }
0x2e: {  	[sflag:s17] =	ssyncset.done $0x0  }
0x2f: {  	[sflag:s17] =	ssyncadd.s32 $0xFFFFFD80  }
0x30: {  	[tilespmem:s20], [sflag:$0x1] =	stream.indirect.gather [hbm4b:s7+s18], $0x40, s30, s18, $0xb8;
	[tilespmem:$0x17170] =	vst v63  }
0x31: {  	_ = 	snop  }
0x32: {  	[tilespmem:s21], [sflag:$0x2] =	stream.indirect.gather [hbm4b:s9+s18], $0x10, s18, s18, $0xb8;
	[tilespmem:$0x17170] =	vst v63  }
0x33: {  	_ = 	snop  }
0x34: {  	[tilespmem:s22], [sflag:$0x3] =	stream.indirect.gather [hbm4b:s10+s18], $0x10, s18, s18, $0xb8;
	[tilespmem:$0x17170] =	vst v63  }
0x35: {  	_ =	swait.ge [sflag:s23], $0x1400  }
0x36: {  	[sflag:s23] =	ssyncset.done $0x0  }
0x37: {  	[sflag:s23] =	ssyncadd.s32 $0xFFFFEC00  }
0x38: {  	_ =	swait.ge [sflag:s24], $0x500  }
0x39: {  	[sflag:s24] =	ssyncset.done $0x0  }
0x3a: {  	[sflag:s24] =	ssyncadd.s32 $0xFFFFFB00  }
0x3b: {  	_ =	swait.ge [sflag:s25], $0x500  }
0x3c: {  	[sflag:s25] =	ssyncset.done $0x0  }
0x3d: {  	[sflag:s25] =	ssyncadd.s32 $0xFFFFFB00  }
.LBB2_3:
0x3e: {  	v1 =	vor.u32 s30, v0  }
0x3f: {  	v3 =	vshll.u32 v1, $0x4;
	_ =	sdelay $0x4  }
0x40: {  	v2 =	vld.idx.msk [tilespmem:v3+s21+$0x0], $0xffff  }
0x41: {  	v4 =	vld.idx.msk [tilespmem:v3+s22+$0x0], $0xffff;
	_ =	sdelay $0x4  }
0x42: {  	v2 =	vadd.f32 v4, v2  }
0x43: {  	v51 =	vshll.u32 v1, $0x3  }
0x44: {  	v2 =	vadd.f32 $1.000000020e-16, v2;
	_ =	sdelay $0x1  }
0x45: {  	(erf) = vrcp.f32 v2;
	_ =	sdelay $0x1  }
0x46: {  	v1 =	vshll.u32 v1, $0x6;
	v5 =	vld.idx.msk [tilespmem:v51+s19+$0x0], $0xffff  }
0x47: {  	v2 =	vld [tilespmem:s31+$0x0];
	_ =	sdelay $0x3  }
0x48: {  	v7 =	vor.u32 $0x1, v3;
	v8 =	vld.idx.msk [tilespmem:v1+s20+$0x0], $0xffff  }
0x49: {  	v3 =	vmul.f32 v5, v2  }
0x4a: {  	v6 =	vor.u32 $0x1, v51;
	v52 =	vpop (erf)  }
0x4b: {  	v53 =	vor.u32 $0x1, v1;
	v4 =	vmul.f32 v52, v3;
	_ =	sdelay $0x1  }
0x4c: {  	v54 =	vld.idx.msk [tilespmem:v7+s21+$0x0], $0xffff;
	v8 =	vmul.f32 v4, v8  }
0x4d: {  	v7 =	vld.idx.msk [tilespmem:v7+s22+$0x0], $0xffff  }
0x4e: {  	v3 =	vld.idx.msk [tilespmem:v6+s19+$0x0], $0xffff;
	[tilespmem:v1+s26+$0x0] =	vst.idx.msk $0xffff, v8  }
0x4f: {  	v8 =	vld.idx.msk [tilespmem:v53+s20+$0x0], $0xffff;
	_ =	sdelay $0x2  }
0x50: {  	v9 =	vor.u32 $0x2, v1;
	_ =	sdelay $0x1  }
0x51: {  	v8 =	vmul.f32 v8, v4;
	_ =	sdelay $0x1  }
0x52: {  	[tilespmem:v53+s26+$0x0] =	vst.idx.msk $0xffff, v8  }
0x53: {  	v5 =	vld.idx.msk [tilespmem:v9+s20+$0x0], $0xffff;
	_ =	sdelay $0x2  }
0x54: {  	v55 =	vor.u32 $0x3, v1;
	_ =	sdelay $0x1  }
0x55: {  	v5 =	vmul.f32 v5, v4;
	_ =	sdelay $0x1  }
0x56: {  	[tilespmem:v9+s26+$0x0] =	vst.idx.msk $0xffff, v5  }
0x57: {  	v5 =	vld.idx.msk [tilespmem:v55+s20+$0x0], $0xffff;
	_ =	sdelay $0x2  }
0x58: {  	v56 =	vor.u32 $0x4, v1;
	_ =	sdelay $0x1  }
0x59: {  	v5 =	vmul.f32 v5, v4;
	_ =	sdelay $0x1  }
0x5a: {  	[tilespmem:v55+s26+$0x0] =	vst.idx.msk $0xffff, v5  }
0x5b: {  	v5 =	vld.idx.msk [tilespmem:v56+s20+$0x0], $0xffff;
	_ =	sdelay $0x2  }
0x5c: {  	v57 =	vor.u32 $0x5, v1;
	_ =	sdelay $0x1  }
0x5d: {  	v5 =	vmul.f32 v5, v4;
	_ =	sdelay $0x1  }
0x5e: {  	[tilespmem:v56+s26+$0x0] =	vst.idx.msk $0xffff, v5  }
0x5f: {  	v5 =	vld.idx.msk [tilespmem:v57+s20+$0x0], $0xffff;
	_ =	sdelay $0x2  }
0x60: {  	v58 =	vor.u32 $0x6, v1;
	_ =	sdelay $0x1  }
0x61: {  	v5 =	vmul.f32 v5, v4;
	_ =	sdelay $0x1  }
0x62: {  	[tilespmem:v57+s26+$0x0] =	vst.idx.msk $0xffff, v5  }
0x63: {  	v5 =	vld.idx.msk [tilespmem:v58+s20+$0x0], $0xffff;
	_ =	sdelay $0x2  }
0x64: {  	v59 =	vor.u32 $0x7, v1;
	_ =	sdelay $0x1  }
0x65: {  	v5 =	vmul.f32 v5, v4;
	_ =	sdelay $0x1  }
0x66: {  	[tilespmem:v58+s26+$0x0] =	vst.idx.msk $0xffff, v5  }
0x67: {  	v5 =	vld.idx.msk [tilespmem:v59+s20+$0x0], $0xffff;
	_ =	sdelay $0x2  }
0x68: {  	v60 =	vor.u32 $0x8, v1;
	_ =	sdelay $0x1  }
0x69: {  	v5 =	vmul.f32 v5, v4;
	_ =	sdelay $0x1  }
0x6a: {  	[tilespmem:v59+s26+$0x0] =	vst.idx.msk $0xffff, v5  }
0x6b: {  	v5 =	vld.idx.msk [tilespmem:v60+s20+$0x0], $0xffff;
	_ =	sdelay $0x2  }
0x6c: {  	v61 =	vor.u32 $0x9, v1;
	_ =	sdelay $0x1  }
0x6d: {  	v5 =	vmul.f32 v5, v4;
	_ =	sdelay $0x1  }
0x6e: {  	[tilespmem:v60+s26+$0x0] =	vst.idx.msk $0xffff, v5  }
0x6f: {  	v5 =	vld.idx.msk [tilespmem:v61+s20+$0x0], $0xffff;
	_ =	sdelay $0x2  }
0x70: {  	v62 =	vor.u32 $0xA, v1;
	_ =	sdelay $0x1  }
0x71: {  	v5 =	vmul.f32 v5, v4;
	_ =	sdelay $0x1  }
0x72: {  	[tilespmem:v61+s26+$0x0] =	vst.idx.msk $0xffff, v5  }
0x73: {  	v5 =	vld.idx.msk [tilespmem:v62+s20+$0x0], $0xffff;
	_ =	sdelay $0x2  }
0x74: {  	v63 =	vor.u32 $0xB, v1;
	_ =	sdelay $0x1  }
0x75: {  	v5 =	vmul.f32 v5, v4;
	_ =	sdelay $0x1  }
0x76: {  	[tilespmem:v62+s26+$0x0] =	vst.idx.msk $0xffff, v5  }
0x77: {  	v5 =	vld.idx.msk [tilespmem:v63+s20+$0x0], $0xffff;
	_ =	sdelay $0x2  }
0x78: {  	v12 =	vor.u32 $0xC, v1;
	_ =	sdelay $0x1  }
0x79: {  	v5 =	vmul.f32 v5, v4;
	_ =	sdelay $0x1  }
0x7a: {  	[tilespmem:v63+s26+$0x0] =	vst.idx.msk $0xffff, v5  }
0x7b: {  	v5 =	vld.idx.msk [tilespmem:v12+s20+$0x0], $0xffff;
	_ =	sdelay $0x2  }
0x7c: {  	v13 =	vor.u32 $0xD, v1;
	_ =	sdelay $0x1  }
0x7d: {  	v5 =	vmul.f32 v5, v4;
	_ =	sdelay $0x1  }
0x7e: {  	[tilespmem:v12+s26+$0x0] =	vst.idx.msk $0xffff, v5  }
0x7f: {  	v5 =	vld.idx.msk [tilespmem:v13+s20+$0x0], $0xffff;
	_ =	sdelay $0x2  }
0x80: {  	v14 =	vor.u32 $0xE, v1;
	_ =	sdelay $0x1  }
0x81: {  	v5 =	vmul.f32 v5, v4;
	_ =	sdelay $0x1  }
0x82: {  	[tilespmem:v13+s26+$0x0] =	vst.idx.msk $0xffff, v5  }
0x83: {  	v5 =	vld.idx.msk [tilespmem:v14+s20+$0x0], $0xffff;
	_ =	sdelay $0x2  }
0x84: {  	v15 =	vor.u32 $0xF, v1;
	_ =	sdelay $0x1  }
0x85: {  	v5 =	vmul.f32 v5, v4;
	_ =	sdelay $0x1  }
0x86: {  	[tilespmem:v14+s26+$0x0] =	vst.idx.msk $0xffff, v5  }
0x87: {  	v5 =	vld.idx.msk [tilespmem:v15+s20+$0x0], $0xffff;
	_ =	sdelay $0x2  }
0x88: {  	v16 =	vor.u32 $0x10, v1;
	_ =	sdelay $0x1  }
0x89: {  	v5 =	vmul.f32 v5, v4;
	_ =	sdelay $0x1  }
0x8a: {  	[tilespmem:v15+s26+$0x0] =	vst.idx.msk $0xffff, v5  }
0x8b: {  	v5 =	vld.idx.msk [tilespmem:v16+s20+$0x0], $0xffff;
	_ =	sdelay $0x2  }
0x8c: {  	v17 =	vor.u32 $0x11, v1;
	_ =	sdelay $0x1  }
0x8d: {  	v5 =	vmul.f32 v5, v4;
	_ =	sdelay $0x1  }
0x8e: {  	[tilespmem:v16+s26+$0x0] =	vst.idx.msk $0xffff, v5  }
0x8f: {  	v5 =	vld.idx.msk [tilespmem:v17+s20+$0x0], $0xffff;
	_ =	sdelay $0x2  }
0x90: {  	v18 =	vor.u32 $0x12, v1;
	_ =	sdelay $0x1  }
0x91: {  	v5 =	vmul.f32 v5, v4;
	_ =	sdelay $0x1  }
0x92: {  	[tilespmem:v17+s26+$0x0] =	vst.idx.msk $0xffff, v5  }
0x93: {  	v5 =	vld.idx.msk [tilespmem:v18+s20+$0x0], $0xffff;
	_ =	sdelay $0x2  }
0x94: {  	v19 =	vor.u32 $0x13, v1;
	_ =	sdelay $0x1  }
0x95: {  	v5 =	vmul.f32 v5, v4;
	_ =	sdelay $0x1  }
0x96: {  	[tilespmem:v18+s26+$0x0] =	vst.idx.msk $0xffff, v5  }
0x97: {  	v5 =	vld.idx.msk [tilespmem:v19+s20+$0x0], $0xffff;
	_ =	sdelay $0x2  }
0x98: {  	v20 =	vor.u32 $0x14, v1;
	_ =	sdelay $0x1  }
0x99: {  	v5 =	vmul.f32 v5, v4;
	_ =	sdelay $0x1  }
0x9a: {  	[tilespmem:v19+s26+$0x0] =	vst.idx.msk $0xffff, v5  }
0x9b: {  	v5 =	vld.idx.msk [tilespmem:v20+s20+$0x0], $0xffff;
	_ =	sdelay $0x2  }
0x9c: {  	v21 =	vor.u32 $0x15, v1;
	_ =	sdelay $0x1  }
0x9d: {  	v5 =	vmul.f32 v5, v4;
	_ =	sdelay $0x1  }
0x9e: {  	[tilespmem:v20+s26+$0x0] =	vst.idx.msk $0xffff, v5  }
0x9f: {  	v5 =	vld.idx.msk [tilespmem:v21+s20+$0x0], $0xffff;
	_ =	sdelay $0x2  }
0xa0: {  	v22 =	vor.u32 $0x16, v1;
	_ =	sdelay $0x1  }
0xa1: {  	v5 =	vmul.f32 v5, v4;
	_ =	sdelay $0x1  }
0xa2: {  	[tilespmem:v21+s26+$0x0] =	vst.idx.msk $0xffff, v5  }
0xa3: {  	v5 =	vld.idx.msk [tilespmem:v22+s20+$0x0], $0xffff;
	_ =	sdelay $0x2  }
0xa4: {  	v23 =	vor.u32 $0x17, v1;
	_ =	sdelay $0x1  }
0xa5: {  	v5 =	vmul.f32 v5, v4;
	_ =	sdelay $0x1  }
0xa6: {  	[tilespmem:v22+s26+$0x0] =	vst.idx.msk $0xffff, v5  }
0xa7: {  	v5 =	vld.idx.msk [tilespmem:v23+s20+$0x0], $0xffff;
	_ =	sdelay $0x2  }
0xa8: {  	v24 =	vor.u32 $0x18, v1;
	_ =	sdelay $0x1  }
0xa9: {  	v5 =	vmul.f32 v5, v4;
	_ =	sdelay $0x1  }
0xaa: {  	[tilespmem:v23+s26+$0x0] =	vst.idx.msk $0xffff, v5  }
0xab: {  	v5 =	vld.idx.msk [tilespmem:v24+s20+$0x0], $0xffff;
	_ =	sdelay $0x2  }
0xac: {  	v25 =	vor.u32 $0x19, v1;
	_ =	sdelay $0x1  }
0xad: {  	v5 =	vmul.f32 v5, v4;
	_ =	sdelay $0x1  }
0xae: {  	[tilespmem:v24+s26+$0x0] =	vst.idx.msk $0xffff, v5  }
0xaf: {  	v5 =	vld.idx.msk [tilespmem:v25+s20+$0x0], $0xffff;
	_ =	sdelay $0x2  }
0xb0: {  	v26 =	vor.u32 $0x1A, v1;
	_ =	sdelay $0x1  }
0xb1: {  	v5 =	vmul.f32 v5, v4;
	_ =	sdelay $0x1  }
0xb2: {  	[tilespmem:v25+s26+$0x0] =	vst.idx.msk $0xffff, v5  }
0xb3: {  	v5 =	vld.idx.msk [tilespmem:v26+s20+$0x0], $0xffff;
	_ =	sdelay $0x2  }
0xb4: {  	v27 =	vor.u32 $0x1B, v1;
	_ =	sdelay $0x1  }
0xb5: {  	v5 =	vmul.f32 v5, v4;
	_ =	sdelay $0x1  }
0xb6: {  	[tilespmem:v26+s26+$0x0] =	vst.idx.msk $0xffff, v5  }
0xb7: {  	v5 =	vld.idx.msk [tilespmem:v27+s20+$0x0], $0xffff;
	_ =	sdelay $0x2  }
0xb8: {  	v28 =	vor.u32 $0x1C, v1;
	_ =	sdelay $0x1  }
0xb9: {  	v5 =	vmul.f32 v5, v4;
	_ =	sdelay $0x1  }
0xba: {  	[tilespmem:v27+s26+$0x0] =	vst.idx.msk $0xffff, v5  }
0xbb: {  	v5 =	vld.idx.msk [tilespmem:v28+s20+$0x0], $0xffff;
	_ =	sdelay $0x2  }
0xbc: {  	v29 =	vor.u32 $0x1D, v1;
	_ =	sdelay $0x1  }
0xbd: {  	v5 =	vmul.f32 v5, v4;
	_ =	sdelay $0x1  }
0xbe: {  	[tilespmem:v28+s26+$0x0] =	vst.idx.msk $0xffff, v5  }
0xbf: {  	v5 =	vld.idx.msk [tilespmem:v29+s20+$0x0], $0xffff;
	_ =	sdelay $0x2  }
0xc0: {  	v30 =	vor.u32 $0x1E, v1;
	_ =	sdelay $0x1  }
0xc1: {  	v5 =	vmul.f32 v5, v4;
	_ =	sdelay $0x1  }
0xc2: {  	[tilespmem:v29+s26+$0x0] =	vst.idx.msk $0xffff, v5  }
0xc3: {  	v5 =	vld.idx.msk [tilespmem:v30+s20+$0x0], $0xffff;
	_ =	sdelay $0x2  }
0xc4: {  	v31 =	vor.u32 $0x1F, v1;
	_ =	sdelay $0x1  }
0xc5: {  	v6 =	vadd.f32 v7, v54;
	v5 =	vmul.f32 v5, v4;
	_ =	sdelay $0x1  }
0xc6: {  	v32 =	vadd.f32 $1.000000020e-16, v6;
	[tilespmem:v30+s26+$0x0] =	vst.idx.msk $0xffff, v5  }
0xc7: {  	v33 =	vld.idx.msk [tilespmem:v31+s20+$0x0], $0xffff  }
0xc8: {  	(erf) = vrcp.f32 v32;
	_ =	sdelay $0x1  }
0xc9: {  	v34 =	vor.u32 $0x20, v1;
	_ =	sdelay $0x1  }
0xca: {  	v4 =	vmul.f32 v33, v4;
	_ =	sdelay $0x1  }
0xcb: {  	[tilespmem:v31+s26+$0x0] =	vst.idx.msk $0xffff, v4  }
0xcc: {  	v4 =	vld.idx.msk [tilespmem:v34+s20+$0x0], $0xffff  }
0xcd: {  	v2 =	vmul.f32 v3, v2  }
0xce: {  	v3 =	vpop (erf)  }
0xcf: {  	v2 =	vmul.f32 v3, v2;
	v3 =	vor.u32 $0x21, v1;
	_ =	sdelay $0x1  }
0xd0: {  	v4 =	vmul.f32 v4, v2;
	_ =	sdelay $0x1  }
0xd1: {  	[tilespmem:v34+s26+$0x0] =	vst.idx.msk $0xffff, v4  }
0xd2: {  	v4 =	vld.idx.msk [tilespmem:v3+s20+$0x0], $0xffff;
	_ =	sdelay $0x2  }
0xd3: {  	v35 =	vor.u32 $0x22, v1;
	_ =	sdelay $0x1  }
0xd4: {  	v4 =	vmul.f32 v4, v2;
	_ =	sdelay $0x1  }
0xd5: {  	[tilespmem:v3+s26+$0x0] =	vst.idx.msk $0xffff, v4  }
0xd6: {  	v3 =	vld.idx.msk [tilespmem:v35+s20+$0x0], $0xffff;
	_ =	sdelay $0x2  }
0xd7: {  	v36 =	vor.u32 $0x23, v1;
	_ =	sdelay $0x1  }
0xd8: {  	v3 =	vmul.f32 v3, v2;
	_ =	sdelay $0x1  }
0xd9: {  	[tilespmem:v35+s26+$0x0] =	vst.idx.msk $0xffff, v3  }
0xda: {  	v3 =	vld.idx.msk [tilespmem:v36+s20+$0x0], $0xffff;
	_ =	sdelay $0x2  }
0xdb: {  	v37 =	vor.u32 $0x24, v1;
	_ =	sdelay $0x1  }
0xdc: {  	v3 =	vmul.f32 v3, v2;
	_ =	sdelay $0x1  }
0xdd: {  	[tilespmem:v36+s26+$0x0] =	vst.idx.msk $0xffff, v3  }
0xde: {  	v3 =	vld.idx.msk [tilespmem:v37+s20+$0x0], $0xffff;
	_ =	sdelay $0x2  }
0xdf: {  	v38 =	vor.u32 $0x25, v1;
	_ =	sdelay $0x1  }
0xe0: {  	v3 =	vmul.f32 v3, v2;
	_ =	sdelay $0x1  }
0xe1: {  	[tilespmem:v37+s26+$0x0] =	vst.idx.msk $0xffff, v3  }
0xe2: {  	v3 =	vld.idx.msk [tilespmem:v38+s20+$0x0], $0xffff;
	_ =	sdelay $0x2  }
0xe3: {  	v39 =	vor.u32 $0x26, v1;
	_ =	sdelay $0x1  }
0xe4: {  	v3 =	vmul.f32 v3, v2;
	_ =	sdelay $0x1  }
0xe5: {  	[tilespmem:v38+s26+$0x0] =	vst.idx.msk $0xffff, v3  }
0xe6: {  	v3 =	vld.idx.msk [tilespmem:v39+s20+$0x0], $0xffff;
	_ =	sdelay $0x2  }
0xe7: {  	v40 =	vor.u32 $0x27, v1;
	_ =	sdelay $0x1  }
0xe8: {  	v3 =	vmul.f32 v3, v2;
	_ =	sdelay $0x1  }
0xe9: {  	[tilespmem:v39+s26+$0x0] =	vst.idx.msk $0xffff, v3  }
0xea: {  	v3 =	vld.idx.msk [tilespmem:v40+s20+$0x0], $0xffff;
	_ =	sdelay $0x2  }
0xeb: {  	v41 =	vor.u32 $0x28, v1;
	_ =	sdelay $0x1  }
0xec: {  	v3 =	vmul.f32 v3, v2;
	_ =	sdelay $0x1  }
0xed: {  	[tilespmem:v40+s26+$0x0] =	vst.idx.msk $0xffff, v3  }
0xee: {  	v3 =	vld.idx.msk [tilespmem:v41+s20+$0x0], $0xffff;
	_ =	sdelay $0x2  }
0xef: {  	v42 =	vor.u32 $0x29, v1;
	_ =	sdelay $0x1  }
0xf0: {  	v3 =	vmul.f32 v3, v2;
	_ =	sdelay $0x1  }
0xf1: {  	[tilespmem:v41+s26+$0x0] =	vst.idx.msk $0xffff, v3  }
0xf2: {  	v3 =	vld.idx.msk [tilespmem:v42+s20+$0x0], $0xffff;
	_ =	sdelay $0x2  }
0xf3: {  	v43 =	vor.u32 $0x2A, v1;
	_ =	sdelay $0x1  }
0xf4: {  	v3 =	vmul.f32 v3, v2;
	_ =	sdelay $0x1  }
0xf5: {  	[tilespmem:v42+s26+$0x0] =	vst.idx.msk $0xffff, v3  }
0xf6: {  	v3 =	vld.idx.msk [tilespmem:v43+s20+$0x0], $0xffff;
	_ =	sdelay $0x2  }
0xf7: {  	v44 =	vor.u32 $0x2B, v1;
	_ =	sdelay $0x1  }
0xf8: {  	v3 =	vmul.f32 v3, v2;
	_ =	sdelay $0x1  }
0xf9: {  	[tilespmem:v43+s26+$0x0] =	vst.idx.msk $0xffff, v3  }
0xfa: {  	v3 =	vld.idx.msk [tilespmem:v44+s20+$0x0], $0xffff;
	_ =	sdelay $0x2  }
0xfb: {  	v45 =	vor.u32 $0x2C, v1;
	_ =	sdelay $0x1  }
0xfc: {  	v3 =	vmul.f32 v3, v2;
	_ =	sdelay $0x1  }
0xfd: {  	[tilespmem:v44+s26+$0x0] =	vst.idx.msk $0xffff, v3  }
0xfe: {  	v3 =	vld.idx.msk [tilespmem:v45+s20+$0x0], $0xffff;
	_ =	sdelay $0x2  }
0xff: {  	v46 =	vor.u32 $0x2D, v1;
	_ =	sdelay $0x1  }
0x100: {  	v3 =	vmul.f32 v3, v2;
	_ =	sdelay $0x1  }
0x101: {  	[tilespmem:v45+s26+$0x0] =	vst.idx.msk $0xffff, v3  }
0x102: {  	v3 =	vld.idx.msk [tilespmem:v46+s20+$0x0], $0xffff;
	_ =	sdelay $0x2  }
0x103: {  	v47 =	vor.u32 $0x2E, v1;
	_ =	sdelay $0x1  }
0x104: {  	v3 =	vmul.f32 v3, v2;
	_ =	sdelay $0x1  }
0x105: {  	[tilespmem:v46+s26+$0x0] =	vst.idx.msk $0xffff, v3  }
0x106: {  	v3 =	vld.idx.msk [tilespmem:v47+s20+$0x0], $0xffff;
	_ =	sdelay $0x2  }
0x107: {  	v48 =	vor.u32 $0x2F, v1;
	_ =	sdelay $0x1  }
0x108: {  	v3 =	vmul.f32 v3, v2;
	_ =	sdelay $0x1  }
0x109: {  	[tilespmem:v47+s26+$0x0] =	vst.idx.msk $0xffff, v3  }
0x10a: {  	v3 =	vld.idx.msk [tilespmem:v48+s20+$0x0], $0xffff;
	_ =	sdelay $0x2  }
0x10b: {  	v49 =	vor.u32 $0x30, v1;
	_ =	sdelay $0x1  }
0x10c: {  	v3 =	vmul.f32 v3, v2;
	_ =	sdelay $0x1  }
0x10d: {  	[tilespmem:v48+s26+$0x0] =	vst.idx.msk $0xffff, v3  }
0x10e: {  	v3 =	vld.idx.msk [tilespmem:v49+s20+$0x0], $0xffff;
	_ =	sdelay $0x2  }
0x10f: {  	v50 =	vor.u32 $0x31, v1;
	_ =	sdelay $0x1  }
0x110: {  	v3 =	vmul.f32 v3, v2;
	_ =	sdelay $0x1  }
0x111: {  	[tilespmem:v49+s26+$0x0] =	vst.idx.msk $0xffff, v3  }
0x112: {  	v3 =	vld.idx.msk [tilespmem:v50+s20+$0x0], $0xffff;
	_ =	sdelay $0x2  }
0x113: {  	v51 =	vor.u32 $0x32, v1;
	_ =	sdelay $0x1  }
0x114: {  	v3 =	vmul.f32 v3, v2;
	_ =	sdelay $0x1  }
0x115: {  	[tilespmem:v50+s26+$0x0] =	vst.idx.msk $0xffff, v3  }
0x116: {  	v3 =	vld.idx.msk [tilespmem:v51+s20+$0x0], $0xffff;
	_ =	sdelay $0x2  }
0x117: {  	v52 =	vor.u32 $0x33, v1;
	_ =	sdelay $0x1  }
0x118: {  	v3 =	vmul.f32 v3, v2;
	_ =	sdelay $0x1  }
0x119: {  	[tilespmem:v51+s26+$0x0] =	vst.idx.msk $0xffff, v3  }
0x11a: {  	v3 =	vld.idx.msk [tilespmem:v52+s20+$0x0], $0xffff;
	_ =	sdelay $0x2  }
0x11b: {  	v53 =	vor.u32 $0x34, v1;
	_ =	sdelay $0x1  }
0x11c: {  	v3 =	vmul.f32 v3, v2;
	_ =	sdelay $0x1  }
0x11d: {  	[tilespmem:v52+s26+$0x0] =	vst.idx.msk $0xffff, v3  }
0x11e: {  	v3 =	vld.idx.msk [tilespmem:v53+s20+$0x0], $0xffff;
	_ =	sdelay $0x2  }
0x11f: {  	v54 =	vor.u32 $0x35, v1;
	_ =	sdelay $0x1  }
0x120: {  	v3 =	vmul.f32 v3, v2;
	_ =	sdelay $0x1  }
0x121: {  	[tilespmem:v53+s26+$0x0] =	vst.idx.msk $0xffff, v3  }
0x122: {  	v3 =	vld.idx.msk [tilespmem:v54+s20+$0x0], $0xffff;
	_ =	sdelay $0x2  }
0x123: {  	v55 =	vor.u32 $0x36, v1;
	_ =	sdelay $0x1  }
0x124: {  	v3 =	vmul.f32 v3, v2;
	_ =	sdelay $0x1  }
0x125: {  	[tilespmem:v54+s26+$0x0] =	vst.idx.msk $0xffff, v3  }
0x126: {  	v3 =	vld.idx.msk [tilespmem:v55+s20+$0x0], $0xffff;
	_ =	sdelay $0x2  }
0x127: {  	v56 =	vor.u32 $0x37, v1;
	_ =	sdelay $0x1  }
0x128: {  	v3 =	vmul.f32 v3, v2;
	_ =	sdelay $0x1  }
0x129: {  	[tilespmem:v55+s26+$0x0] =	vst.idx.msk $0xffff, v3  }
0x12a: {  	v3 =	vld.idx.msk [tilespmem:v56+s20+$0x0], $0xffff;
	_ =	sdelay $0x2  }
0x12b: {  	v57 =	vor.u32 $0x38, v1;
	_ =	sdelay $0x1  }
0x12c: {  	v3 =	vmul.f32 v3, v2;
	_ =	sdelay $0x1  }
0x12d: {  	[tilespmem:v56+s26+$0x0] =	vst.idx.msk $0xffff, v3  }
0x12e: {  	v3 =	vld.idx.msk [tilespmem:v57+s20+$0x0], $0xffff;
	_ =	sdelay $0x2  }
0x12f: {  	v58 =	vor.u32 $0x39, v1;
	_ =	sdelay $0x1  }
0x130: {  	v3 =	vmul.f32 v3, v2;
	_ =	sdelay $0x1  }
0x131: {  	[tilespmem:v57+s26+$0x0] =	vst.idx.msk $0xffff, v3  }
0x132: {  	v3 =	vld.idx.msk [tilespmem:v58+s20+$0x0], $0xffff;
	_ =	sdelay $0x2  }
0x133: {  	v59 =	vor.u32 $0x3A, v1;
	_ =	sdelay $0x1  }
0x134: {  	v3 =	vmul.f32 v3, v2;
	_ =	sdelay $0x1  }
0x135: {  	[tilespmem:v58+s26+$0x0] =	vst.idx.msk $0xffff, v3  }
0x136: {  	v3 =	vld.idx.msk [tilespmem:v59+s20+$0x0], $0xffff;
	_ =	sdelay $0x2  }
0x137: {  	v60 =	vor.u32 $0x3B, v1;
	_ =	sdelay $0x1  }
0x138: {  	v3 =	vmul.f32 v3, v2;
	_ =	sdelay $0x1  }
0x139: {  	[tilespmem:v59+s26+$0x0] =	vst.idx.msk $0xffff, v3  }
0x13a: {  	v3 =	vld.idx.msk [tilespmem:v60+s20+$0x0], $0xffff;
	_ =	sdelay $0x2  }
0x13b: {  	v61 =	vor.u32 $0x3C, v1;
	_ =	sdelay $0x1  }
0x13c: {  	v3 =	vmul.f32 v3, v2;
	_ =	sdelay $0x1  }
0x13d: {  	[tilespmem:v60+s26+$0x0] =	vst.idx.msk $0xffff, v3  }
0x13e: {  	v3 =	vld.idx.msk [tilespmem:v61+s20+$0x0], $0xffff;
	_ =	sdelay $0x2  }
0x13f: {  	v62 =	vor.u32 $0x3D, v1;
	_ =	sdelay $0x1  }
0x140: {  	v3 =	vmul.f32 v3, v2;
	_ =	sdelay $0x1  }
0x141: {  	[tilespmem:v61+s26+$0x0] =	vst.idx.msk $0xffff, v3  }
0x142: {  	v3 =	vld.idx.msk [tilespmem:v62+s20+$0x0], $0xffff;
	_ =	sdelay $0x2  }
0x143: {  	v63 =	vor.u32 $0x3E, v1;
	_ =	sdelay $0x1  }
0x144: {  	v3 =	vmul.f32 v3, v2;
	_ =	sdelay $0x1  }
0x145: {  	[tilespmem:v62+s26+$0x0] =	vst.idx.msk $0xffff, v3  }
0x146: {  	v3 =	vld.idx.msk [tilespmem:v63+s20+$0x0], $0xffff;
	_ =	sdelay $0x2  }
0x147: {  	v1 =	vor.u32 $0x3F, v1;
	_ =	sdelay $0x1  }
0x148: {  	v3 =	vmul.f32 v3, v2;
	_ =	sdelay $0x1  }
0x149: {  	[tilespmem:v63+s26+$0x0] =	vst.idx.msk $0xffff, v3  }
0x14a: {  	v3 =	vld.idx.msk [tilespmem:v1+s20+$0x0], $0xffff;
	_ =	sdelay $0x1  }
0x14b: {  	p0 =	sne.s32 s30, $0x40  }
.Ltmp0:
0x14c: {  	_ = 	snop;
	(pc) =	sbr.rel @p0 .LBB2_3-.Ltmp0, $3  }
0x14d: {  	_ = 	snop  }
0x14e: {  	v2 =	vmul.f32 v3, v2;
	_ =	sdelay $0x1  }
0x14f: {  	s30 =	sadd.s32 $0x10, s30;
	s31 =	sadd.s32 $0x10, s31;
	[tilespmem:v1+s26+$0x0] =	vst.idx.msk $0xffff, v2  }
0x150: {  	s29 =	sadd.s32 $0x1, s29  }
0x151: {  	p0 =	sne.s32 s29, $0x7D  }
.Ltmp1:
0x152: {  	_ = 	snop;
	(pc) =	sbr.rel @p0 .LBB2_2-.Ltmp1, $4  }
0x153: {  	[spmem:s4] =	stream.indirect.scatter.add.f32 [tilespmem:s26], [sflag:$0x4], $0x40, s18, s18, $0xb8;
	[tilespmem:$0x17170] =	vst v63  }
0x154: {  	_ =	swait.ge [sflag:s17], $0x1400  }
0x155: {  	[sflag:s17] =	ssyncset.done $0x0  }
0x156: {  	[sflag:s17] =	ssyncadd.s32 $0xFFFFEC00  }
0x157: {  	[bflag:$0x0] =	sbarrier.arrive $0xFFFF  }
0x158: {  	[tilespmem:s16], [sflag:$0x4] =	stream.linear.gather [spmem:s13], $0x9E00, $0x38;
	[tilespmem:$0x17170] =	vst v63  }
0x159: {  	s28 =	sadd.s32 $0x1, s28;
	_ =	swait.ge [sflag:s17], $0x9E00  }
0x15a: {  	p0 =	sne.s32 s28, s15;
	[sflag:s17] =	ssyncset.done $0x0  }
.Ltmp2:
0x15b: {  	[sflag:s17] =	ssyncadd.s32 $0xFFFF6200;
	(pc) =	sbr.rel @p0 .LBB2_1-.Ltmp2, $4  }
0x15c: {  	[hbm4b:s14+s6] =	stream.linear.scatter [tilespmem:s16], [sflag:$0x4], $0x9E00, $0x38;
	[tilespmem:$0x17170] =	vst v63  }
0x15d: {  	_ =	swait.ge [sflag:s17], $0x9E00  }
0x15e: {  	[sflag:s17] =	ssyncset.done $0x0  }
0x15f: {  	[sflag:s17] =	ssyncadd.s32 $0xFFFF6200  }
0x160: {  	_ =	sfence.sel $0x180000  }
0x161: {  	[bflag:$0x0] =	sbarrier.arrive $0xFFFF  }
0x162: {  	_ =	strace $0x9000004A  }
0x163: {  	s0 =	stileid.u32;
	[bflag:$0x2] =	sbarrier.arrive $0xFFFF  }
0x164: {  	p0 =	sne.s32 s0, $0x0;
	s0 =	rddreg [dreg:$0x6]  }
0x165: {  	s0 =	sadd.s32 @!p0 $0x100000, s0  }
0x166: {  	[sflag:s0] =	ssyncadd.tile.s32 @!p0 $0x1;
	_ =	shalt  }
.Lfunc_end2:
_tile_overlayer_lowered:
.L_overlay_start_2:
0x167: {  	(tag) =	ssettag $0x2  }
0x168: {  	s0 =	rddreg [dreg:$0x0];
	s2 =	stileid.u32  }
0x169: {  	s1 =	rddreg [dreg:$0x1];
	p0 =	sne.s32 s2, $0x0  }
0x16a: {  	s3 =	rddreg [dreg:$0x2];
	[bflag:$0x3] =	sbarrier.arrive $0xFFFF;
	s2 =	simm.s32 @!p0 $0x1C04  }
0x16b: {  	[timem:s3], [sflag:s2] =	dma.local @!p0 [hbm:s0], s1  }
0x16c: {  	s0 =	simm.s32 @!p0 $0x4  }
0x16d: {  	_ =	swait.ge @!p0 [sflag:s0], s1  }
0x16e: {  	s1 =	ssub.s32 @!p0 $0x0, s1;
	[sflag:s0] =	ssyncset.done @!p0 $0x0  }
0x16f: {  	[sflag:s0] =	ssyncadd.s32 @!p0 s1  }
0x170: {  	[bflag:$0x3] =	sbarrier.arrive $0xFFFF  }
0x171: {  	_ =	shalt  }

</sc_bundles>
